<compile_context>
chip_gen: v7x
topology: tpu7x:2x2x1
jax: 0.10.2.dev20260603
libtpu: 0.0.44.dev20260713+nightly
codegen_flags: <defaults>
</compile_context>

<pallas_src>
import jax
import jax.numpy as jnp
from jax import lax
from jax.experimental import pallas as pl
from jax.experimental.pallas import tpu as pltpu
from jax.experimental.pallas import tpu_sc as plsc

B = 16384
K = 20
AGE_NUM = 8
GENDER_NUM = 3
OCC_NUM = 22
KIND_NUM = 19

_NB = 4096
_SQ = 64


_NC, _NS = 1, 16
_NW = _NC * _NS
_CH = B // _NW
_CR = _CH // 128


def _sc_body(ut_hbm, it_hbm, uid_hbm, iid_hbm, out_hbm,
             uidx_v, iidx_v, urow_v, irow_v, sum_v, sem):
    wid = lax.axis_index("s") * _NC + lax.axis_index("c")
    base = wid * _CH
    pltpu.sync_copy(uid_hbm.at[pl.ds(base, _CH)], uidx_v)
    pltpu.sync_copy(iid_hbm.at[pl.ds(base, _CH)], iidx_v)
    cps = []
    for j in range(_CR):
        ji = pl.ds(j * 128, 128)
        cps.append(pltpu.async_copy(ut_hbm.at[uidx_v.at[ji]], urow_v.at[j], sem))
        cps.append(pltpu.async_copy(it_hbm.at[iidx_v.at[ji]], irow_v.at[j], sem))
    for cp in cps:
        cp.wait()
    for j in range(_CR):
        for i in range(8):
            s = pl.ds(i * 16, 16)
            sum_v[pl.ds(j * 128 + i * 16, 16)] = urow_v[j, s] + irow_v[j, s]
    pltpu.sync_copy(sum_v, out_hbm.at[pl.ds(base, _CH)])


def _sc_ui_sum(user_table, item_table, uid, iid):
    mesh = plsc.VectorSubcoreMesh(core_axis_name="c", subcore_axis_name="s",
                                  num_cores=_NC)
    k = pl.kernel(
        _sc_body,
        out_type=jax.ShapeDtypeStruct((B,), jnp.float32),
        mesh=mesh,
        scratch_types=[
            pltpu.VMEM((_CH,), jnp.int32),
            pltpu.VMEM((_CH,), jnp.int32),
            pltpu.VMEM((_CR, 128), jnp.float32),
            pltpu.VMEM((_CR, 128), jnp.float32),
            pltpu.VMEM((_CH,), jnp.float32),
            pltpu.SemaphoreType.DMA,
        ],
    )
    return k(user_table, item_table, uid, iid)



def _tca_body(age_ref, gen_ref, occ_ref, kind_ref,
              aget_ref, gent_ref, occt_ref, kindt_ref, ps_ref):
    ps = jnp.zeros((128, 128), jnp.float32)
    age = age_ref[...]
    for t in range(AGE_NUM):
        ps += jnp.where(age == t, aget_ref[t, 0], 0.0)
    gen = gen_ref[...]
    for t in range(GENDER_NUM):
        ps += jnp.where(gen == t, gent_ref[t, 0], 0.0)
    occ = occ_ref[...]
    for t in range(OCC_NUM):
        ps += jnp.where(occ == t, occt_ref[t, 0], 0.0)
    for kk in range(K):
        kv = kind_ref[kk]
        for t in range(1, KIND_NUM):
            ps += jnp.where(kv == t, kindt_ref[t, 0], 0.0)
    ps_ref[...] = ps


def _tca(age2, gen2, occ2, kindT, aget, gent, occt, kindt):
    return pl.pallas_call(
        _tca_body,
        in_specs=[
            pl.BlockSpec(memory_space=pltpu.VMEM),
            pl.BlockSpec(memory_space=pltpu.VMEM),
            pl.BlockSpec(memory_space=pltpu.VMEM),
            pl.BlockSpec(memory_space=pltpu.VMEM),
            pl.BlockSpec(memory_space=pltpu.SMEM),
            pl.BlockSpec(memory_space=pltpu.SMEM),
            pl.BlockSpec(memory_space=pltpu.SMEM),
            pl.BlockSpec(memory_space=pltpu.SMEM),
        ],
        out_specs=pl.BlockSpec(memory_space=pltpu.VMEM),
        out_shape=jax.ShapeDtypeStruct((128, 128), jnp.float32),
    )(age2, gen2, occ2, kindT, aget, gent, occt, kindt)



def _tcb_body(ui_ref, ps_ref, lab_ref, loss_ref, auc_ref, bid_ref):
    s = ui_ref[...] + ps_ref[...]
    lab = lab_ref[...].astype(jnp.float32)
    p = 1.0 / (1.0 + jnp.exp(-s))
    lossmat = -(lab * jnp.log(p + 1e-6) + (1.0 - lab) * jnp.log(1.0 - p + 1e-6))
    loss_ref[0, 0] = jnp.sum(lossmat) * (1.0 / B)

    smin = jnp.min(s)
    smax = jnp.max(s)
    u = (s - smin) / (smax - smin + 1e-30)
    bid_ref[...] = jnp.clip(jnp.floor(u * _NB).astype(jnp.int32), 0, _NB - 1)

    ioh = lax.broadcasted_iota(jnp.int32, (_SQ, 128), 0)

    _U = 8

    def p1(r8, carry):
        accs = list(carry)
        for u8 in range(_U):
            brow = bid_ref[pl.ds(r8 * _U + u8, 1), :]
            labr = lab_ref[pl.ds(r8 * _U + u8, 1), :].astype(jnp.float32)
            ohh = (ioh == (brow >> 6)).astype(jnp.float32)
            ohl = (ioh == (brow & 63)).astype(jnp.float32)
            hw = jnp.concatenate([ohh, ohh * labr], axis=0)
            accs[u8 % 2] = accs[u8 % 2] + lax.dot_general(
                hw, ohl, (((1,), (1,)), ((), ())),
                preferred_element_type=jnp.float32)
        return tuple(accs)

    z = jnp.zeros((2 * _SQ, _SQ), jnp.float32)
    a0, a1 = lax.fori_loop(0, 128 // _U, p1, (z, z))
    hwm = a0 + a1
    h = hwm[:_SQ, :]
    w = hwm[_SQ:, :]

    io0 = lax.broadcasted_iota(jnp.int32, (_SQ, _SQ), 0)
    io1 = lax.broadcasted_iota(jnp.int32, (_SQ, _SQ), 1)
    lstrict = (io1 < io0).astype(jnp.float32)
    ustrict = (io0 < io1).astype(jnp.float32)
    rowsum = jnp.dot(h, jnp.ones((_SQ, 1), jnp.float32),
                     preferred_element_type=jnp.float32)
    term1 = jnp.dot(lstrict, rowsum, preferred_element_type=jnp.float32)
    term2 = jnp.dot(h, ustrict, preferred_element_type=jnp.float32)
    v = term1 + term2 + 0.5 * h

    npos = jnp.sum(lab)
    ranksum = jnp.sum(v * w) + 0.5 * npos
    nneg = B - npos
    auc_ref[0, 0] = (ranksum - npos * (npos + 1.0) / 2.0) / (npos * nneg + 1e-12)


def _tcb(ui2, ps, lab2):
    return pl.pallas_call(
        _tcb_body,
        in_specs=[
            pl.BlockSpec(memory_space=pltpu.VMEM),
            pl.BlockSpec(memory_space=pltpu.VMEM),
            pl.BlockSpec(memory_space=pltpu.VMEM),
        ],
        out_specs=[
            pl.BlockSpec(memory_space=pltpu.SMEM),
            pl.BlockSpec(memory_space=pltpu.SMEM),
        ],
        out_shape=[
            jax.ShapeDtypeStruct((1, 1), jnp.float32),
            jax.ShapeDtypeStruct((1, 1), jnp.float32),
        ],
        scratch_shapes=[pltpu.VMEM((128, 128), jnp.int32)],
    )(ui2, ps, lab2)



def kernel(userid, itemid, user_age, gender, user_occupation, item_kind, label,
           user_table, item_table, age_table, gender_table, occ_table, kind_table):
    ui = _sc_ui_sum(user_table.reshape(-1), item_table.reshape(-1),
                    userid.reshape(-1), itemid.reshape(-1))

    age2 = user_age.reshape(128, 128)
    gen2 = gender.reshape(128, 128)
    occ2 = user_occupation.reshape(128, 128)
    kindT = item_kind.T.reshape(K, 128, 128)
    lab2 = label.reshape(128, 128)

    ps = _tca(age2, gen2, occ2, kindT,
              age_table, gender_table, occ_table, kind_table)

    loss, auc = _tcb(ui.reshape(128, 128), ps, lab2)

    return (loss.reshape(()), auc.reshape(()))

# --- scband reference (transcript-rebuilt; emitter-appended) ---
"""Pipeline reference for scband-lrsort-model-29102698397924 (READ-ONLY COPY).

The authoritative reference and input builder live on the scoring server;
editing this copy changes nothing except your own understanding.
"""

import jax, jax.numpy as jnp
import numpy as np

USER_NUM = 1000000
ITEM_NUM = 100000
GENDER_NUM = 3
AGE_NUM = 8
OCC_NUM = 22
KIND_NUM = 19
B = 16384
K = 20


def setup_inputs(seed: int = 0) -> dict:
    key = jax.random.key(seed)
    ks = jax.random.split(key, 16)
    inp = {}
    inp['userid'] = jax.random.randint(ks[0], (B, 1), 0, USER_NUM, dtype=jnp.int32)
    inp['itemid'] = jax.random.randint(ks[1], (B, 1), 0, ITEM_NUM, dtype=jnp.int32)
    inp['user_age'] = jax.random.randint(ks[2], (B, 1), 0, AGE_NUM, dtype=jnp.int32)
    inp['gender'] = jax.random.randint(ks[3], (B, 1), 0, GENDER_NUM, dtype=jnp.int32)
    inp['user_occupation'] = jax.random.randint(ks[4], (B, 1), 0, OCC_NUM, dtype=jnp.int32)
    inp['item_kind'] = jax.random.randint(ks[5], (B, K), 0, KIND_NUM, dtype=jnp.int32)
    inp['label'] = jax.random.randint(ks[6], (B, 1, 1), 0, 2, dtype=jnp.int32)
    inp['user_table'] = 0.01 * jax.random.normal(ks[7], (USER_NUM, 1), dtype=jnp.float32)
    inp['item_table'] = 0.01 * jax.random.normal(ks[8], (ITEM_NUM, 1), dtype=jnp.float32)
    inp['age_table'] = 0.01 * jax.random.normal(ks[9], (AGE_NUM, 1), dtype=jnp.float32)
    inp['gender_table'] = 0.01 * jax.random.normal(ks[10], (GENDER_NUM, 1), dtype=jnp.float32)
    inp['occ_table'] = 0.01 * jax.random.normal(ks[11], (OCC_NUM, 1), dtype=jnp.float32)
    inp['kind_table'] = 0.01 * jax.random.normal(ks[12], (KIND_NUM, 1), dtype=jnp.float32)
    return inp


def _roc_auc(scores, labels):
    n = scores.shape[0]
    order = jnp.argsort(scores)
    ranks = jnp.zeros((n,), dtype=jnp.float32).at[order].set(jnp.arange(1, n + 1, dtype=jnp.float32))
    n_pos = jnp.sum(labels)
    n_neg = n - n_pos
    auc = (jnp.sum(ranks * labels) - n_pos * (n_pos + 1.0) / 2.0) / (n_pos * n_neg + 1e-12)
    return auc


def _train_step(userid, itemid, user_age, gender, user_occupation, item_kind,
                user_table, item_table, age_table, gender_table, occ_table, kind_table):
    user_weight = jnp.take(user_table, userid, axis=0)          # [B,1,1]
    item_weight = jnp.take(item_table, itemid, axis=0)          # [B,1,1]
    age_weight = jnp.take(age_table, user_age, axis=0)          # [B,1,1]
    gender_weight = jnp.take(gender_table, gender, axis=0)      # [B,1,1]
    occ_weight = jnp.take(occ_table, user_occupation, axis=0)   # [B,1,1]
    kind_weight = jnp.take(kind_table, item_kind, axis=0)       # [B,K,1]
    mask = (item_kind != 0)[..., None]
    kind_weight = jnp.where(mask, kind_weight, 0.0)             # kind_weight[item_kind==0] = 0
    kind_weight = jnp.sum(kind_weight, axis=1).reshape(-1, 1, 1)
    return user_weight + item_weight + age_weight + occ_weight + kind_weight + gender_weight


def reference(userid, itemid, user_age, gender, user_occupation, item_kind, label,
              user_table, item_table, age_table, gender_table, occ_table, kind_table):
    logit_raw = _train_step(userid, itemid, user_age, gender, user_occupation, item_kind,
                            user_table, item_table, age_table, gender_table, occ_table, kind_table)
    logit = jax.nn.sigmoid(logit_raw)
    labelf = label.astype(jnp.float32)
    loss = (-(labelf * jnp.log(logit + 1e-06) + (1.0 - labelf) * jnp.log(1.0 - logit + 1e-06))).sum() / label.shape[0]
    auc = _roc_auc(logit.reshape(-1), labelf.reshape(-1))
    return (loss, auc)

if __name__ == "__main__":
    import jax
    _d = setup_inputs()
    print(jax.jit(kernel)(*tuple(_d.values())))

</pallas_src>

<mosaic_0001>
#map = affine_map<(d0, d1) -> (0)>
module attributes {stable_mosaic.version = 14 : i64} {
  func.func @_sc_body(%arg0: i32, %arg1: i32, %arg2: memref<1000000xf32, #tpu.memory_space<hbm>>, %arg3: memref<100000xf32, #tpu.memory_space<hbm>>, %arg4: memref<16384xi32, #tpu.memory_space<hbm>>, %arg5: memref<16384xi32, #tpu.memory_space<hbm>>, %arg6: memref<16384xf32, #tpu.memory_space<hbm>>, %arg7: memref<1024xi32, #tpu.memory_space<vmem>>, %arg8: memref<1024xi32, #tpu.memory_space<vmem>>, %arg9: memref<8x128xf32, #tpu.memory_space<vmem>>, %arg10: memref<8x128xf32, #tpu.memory_space<vmem>>, %arg11: memref<1024xf32, #tpu.memory_space<vmem>>, %arg12: memref<!tpu.dma_semaphore, #tpu.memory_space<semaphore_mem>>) attributes {dimension_semantics = [#tpu.dimension_semantics<core_parallel>, #tpu.dimension_semantics<subcore_parallel>], iteration_bounds = array<i64: 1, 16>, scalar_prefetch = 0 : i64, scratch_operands = 6 : i64, tpu.core_type = #tpu.core_type<sc_vector_subcore>, window_params = [{transform_indices = #map}, {transform_indices = #map}, {transform_indices = #map}, {transform_indices = #map}, {transform_indices = #map}]} {
    %mul3A = arith.constant 1 : i32
    %mul3A_0 = arith.muli %arg1, %mul3A : i32
    %add3A = arith.addi %mul3A_0, %arg0 : i32
    %mul3A_1 = arith.constant 1024 : i32
    %mul3A_2 = arith.muli %add3A, %mul3A_1 : i32
    "tpu.region"() ({
      %run_scoped3A = tpu.sem_alloc : memref<!tpu.dma_semaphore, #tpu.memory_space<semaphore_mem>>
      %dma_start3A_1215 = tpu.memref_slice %arg4[%mul3A_2] : memref<16384xi32, #tpu.memory_space<hbm>> -> memref<1024xi32, #tpu.memory_space<hbm>>
      %dma_start3A_1216 = tpu.memref_slice %arg4[%mul3A_2] : memref<16384xi32, #tpu.memory_space<hbm>> -> memref<1024xi32, #tpu.memory_space<hbm>>
      tpu.enqueue_dma source(%dma_start3A_1216 : memref<1024xi32, #tpu.memory_space<hbm>>) target(%arg7 : memref<1024xi32, #tpu.memory_space<vmem>>) target_semaphore(%run_scoped3A : memref<!tpu.dma_semaphore, #tpu.memory_space<semaphore_mem>>)
      %dma_wait3A_1217 = tpu.memref_slice %arg4[%mul3A_2] : memref<16384xi32, #tpu.memory_space<hbm>> -> memref<1024xi32, #tpu.memory_space<hbm>>
      %dma_wait3A_1218 = tpu.memref_slice %arg4[%mul3A_2] : memref<16384xi32, #tpu.memory_space<hbm>> -> memref<1024xi32, #tpu.memory_space<hbm>>
      tpu.wait_dma2 semaphore(%run_scoped3A : memref<!tpu.dma_semaphore, #tpu.memory_space<semaphore_mem>>) src(%dma_wait3A_1218 : memref<1024xi32, #tpu.memory_space<hbm>>) dst(%arg7 : memref<1024xi32, #tpu.memory_space<vmem>>)
      tpu.yield
    }) : () -> ()
    "tpu.region"() ({
      %run_scoped3A = tpu.sem_alloc : memref<!tpu.dma_semaphore, #tpu.memory_space<semaphore_mem>>
      %dma_start3A_1215 = tpu.memref_slice %arg5[%mul3A_2] : memref<16384xi32, #tpu.memory_space<hbm>> -> memref<1024xi32, #tpu.memory_space<hbm>>
      %dma_start3A_1216 = tpu.memref_slice %arg5[%mul3A_2] : memref<16384xi32, #tpu.memory_space<hbm>> -> memref<1024xi32, #tpu.memory_space<hbm>>
      tpu.enqueue_dma source(%dma_start3A_1216 : memref<1024xi32, #tpu.memory_space<hbm>>) target(%arg8 : memref<1024xi32, #tpu.memory_space<vmem>>) target_semaphore(%run_scoped3A : memref<!tpu.dma_semaphore, #tpu.memory_space<semaphore_mem>>)
      %dma_wait3A_1217 = tpu.memref_slice %arg5[%mul3A_2] : memref<16384xi32, #tpu.memory_space<hbm>> -> memref<1024xi32, #tpu.memory_space<hbm>>
      %dma_wait3A_1218 = tpu.memref_slice %arg5[%mul3A_2] : memref<16384xi32, #tpu.memory_space<hbm>> -> memref<1024xi32, #tpu.memory_space<hbm>>
      tpu.wait_dma2 semaphore(%run_scoped3A : memref<!tpu.dma_semaphore, #tpu.memory_space<semaphore_mem>>) src(%dma_wait3A_1218 : memref<1024xi32, #tpu.memory_space<hbm>>) dst(%arg8 : memref<1024xi32, #tpu.memory_space<vmem>>)
      tpu.yield
    }) : () -> ()
    %dma_start3A = arith.constant 0 : i32
    %dma_start3A_3 = arith.constant 0 : i32
    %dma_start3A_4 = tpu.memref_slice %arg9[%dma_start3A, %dma_start3A_3] : memref<8x128xf32, #tpu.memory_space<vmem>> -> memref<1x128xf32, #tpu.memory_space<vmem>>
    %dma_start3A_5 = tpu.memref_squeeze %dma_start3A_4 : memref<1x128xf32, #tpu.memory_space<vmem>> -> memref<128xf32, #tpu.memory_space<vmem>>
    %dma_start3A_6 = arith.constant 0 : i32
    %dma_start3A_7 = tpu.memref_slice %arg7[%dma_start3A_6] : memref<1024xi32, #tpu.memory_space<vmem>> -> memref<128xi32, #tpu.memory_space<vmem>>
    %dma_start3A_8 = arith.constant 0 : i32
    %dma_start3A_9 = tpu.memref_slice %arg2[%dma_start3A_8] : memref<1000000xf32, #tpu.memory_space<hbm>> -> memref<1000000xf32, #tpu.memory_space<hbm>>
    tpu.enqueue_indirect_dma source(%dma_start3A_9 : memref<1000000xf32, #tpu.memory_space<hbm>>) target(%dma_start3A_5 : memref<128xf32, #tpu.memory_space<vmem>>) offsets(%dma_start3A_7 : memref<128xi32, #tpu.memory_space<vmem>>) semaphore(%arg12 : memref<!tpu.dma_semaphore, #tpu.memory_space<semaphore_mem>>)
    %dma_start3A_10 = arith.constant 0 : i32
    %dma_start3A_11 = arith.constant 0 : i32
    %dma_start3A_12 = tpu.memref_slice %arg10[%dma_start3A_10, %dma_start3A_11] : memref<8x128xf32, #tpu.memory_space<vmem>> -> memref<1x128xf32, #tpu.memory_space<vmem>>
    %dma_start3A_13 = tpu.memref_squeeze %dma_start3A_12 : memref<1x128xf32, #tpu.memory_space<vmem>> -> memref<128xf32, #tpu.memory_space<vmem>>
    %dma_start3A_14 = arith.constant 0 : i32
    %dma_start3A_15 = tpu.memref_slice %arg8[%dma_start3A_14] : memref<1024xi32, #tpu.memory_space<vmem>> -> memref<128xi32, #tpu.memory_space<vmem>>
    %dma_start3A_16 = arith.constant 0 : i32
    %dma_start3A_17 = tpu.memref_slice %arg3[%dma_start3A_16] : memref<100000xf32, #tpu.memory_space<hbm>> -> memref<100000xf32, #tpu.memory_space<hbm>>
    tpu.enqueue_indirect_dma source(%dma_start3A_17 : memref<100000xf32, #tpu.memory_space<hbm>>) target(%dma_start3A_13 : memref<128xf32, #tpu.memory_space<vmem>>) offsets(%dma_start3A_15 : memref<128xi32, #tpu.memory_space<vmem>>) semaphore(%arg12 : memref<!tpu.dma_semaphore, #tpu.memory_space<semaphore_mem>>)
    %dma_start3A_18 = arith.constant 1 : i32
    %dma_start3A_19 = arith.constant 0 : i32
    %dma_start3A_20 = tpu.memref_slice %arg9[%dma_start3A_18, %dma_start3A_19] : memref<8x128xf32, #tpu.memory_space<vmem>> -> memref<1x128xf32, #tpu.memory_space<vmem>>
    %dma_start3A_21 = tpu.memref_squeeze %dma_start3A_20 : memref<1x128xf32, #tpu.memory_space<vmem>> -> memref<128xf32, #tpu.memory_space<vmem>>
    %dma_start3A_22 = arith.constant 128 : i32
    %dma_start3A_23 = tpu.memref_slice %arg7[%dma_start3A_22] : memref<1024xi32, #tpu.memory_space<vmem>> -> memref<128xi32, #tpu.memory_space<vmem>>
    %dma_start3A_24 = arith.constant 0 : i32
    %dma_start3A_25 = tpu.memref_slice %arg2[%dma_start3A_24] : memref<1000000xf32, #tpu.memory_space<hbm>> -> memref<1000000xf32, #tpu.memory_space<hbm>>
    tpu.enqueue_indirect_dma source(%dma_start3A_25 : memref<1000000xf32, #tpu.memory_space<hbm>>) target(%dma_start3A_21 : memref<128xf32, #tpu.memory_space<vmem>>) offsets(%dma_start3A_23 : memref<128xi32, #tpu.memory_space<vmem>>) semaphore(%arg12 : memref<!tpu.dma_semaphore, #tpu.memory_space<semaphore_mem>>)
    %dma_start3A_26 = arith.constant 1 : i32
    %dma_start3A_27 = arith.constant 0 : i32
    %dma_start3A_28 = tpu.memref_slice %arg10[%dma_start3A_26, %dma_start3A_27] : memref<8x128xf32, #tpu.memory_space<vmem>> -> memref<1x128xf32, #tpu.memory_space<vmem>>
    %dma_start3A_29 = tpu.memref_squeeze %dma_start3A_28 : memref<1x128xf32, #tpu.memory_space<vmem>> -> memref<128xf32, #tpu.memory_space<vmem>>
    %dma_start3A_30 = arith.constant 128 : i32
    %dma_start3A_31 = tpu.memref_slice %arg8[%dma_start3A_30] : memref<1024xi32, #tpu.memory_space<vmem>> -> memref<128xi32, #tpu.memory_space<vmem>>
    %dma_start3A_32 = arith.constant 0 : i32
    %dma_start3A_33 = tpu.memref_slice %arg3[%dma_start3A_32] : memref<100000xf32, #tpu.memory_space<hbm>> -> memref<100000xf32, #tpu.memory_space<hbm>>
    tpu.enqueue_indirect_dma source(%dma_start3A_33 : memref<100000xf32, #tpu.memory_space<hbm>>) target(%dma_start3A_29 : memref<128xf32, #tpu.memory_space<vmem>>) offsets(%dma_start3A_31 : memref<128xi32, #tpu.memory_space<vmem>>) semaphore(%arg12 : memref<!tpu.dma_semaphore, #tpu.memory_space<semaphore_mem>>)
    %dma_start3A_34 = arith.constant 2 : i32
    %dma_start3A_35 = arith.constant 0 : i32
    %dma_start3A_36 = tpu.memref_slice %arg9[%dma_start3A_34, %dma_start3A_35] : memref<8x128xf32, #tpu.memory_space<vmem>> -> memref<1x128xf32, #tpu.memory_space<vmem>>
    %dma_start3A_37 = tpu.memref_squeeze %dma_start3A_36 : memref<1x128xf32, #tpu.memory_space<vmem>> -> memref<128xf32, #tpu.memory_space<vmem>>
    %dma_start3A_38 = arith.constant 256 : i32
    %dma_start3A_39 = tpu.memref_slice %arg7[%dma_start3A_38] : memref<1024xi32, #tpu.memory_space<vmem>> -> memref<128xi32, #tpu.memory_space<vmem>>
    %dma_start3A_40 = arith.constant 0 : i32
    %dma_start3A_41 = tpu.memref_slice %arg2[%dma_start3A_40] : memref<1000000xf32, #tpu.memory_space<hbm>> -> memref<1000000xf32, #tpu.memory_space<hbm>>
    tpu.enqueue_indirect_dma source(%dma_start3A_41 : memref<1000000xf32, #tpu.memory_space<hbm>>) target(%dma_start3A_37 : memref<128xf32, #tpu.memory_space<vmem>>) offsets(%dma_start3A_39 : memref<128xi32, #tpu.memory_space<vmem>>) semaphore(%arg12 : memref<!tpu.dma_semaphore, #tpu.memory_space<semaphore_mem>>)
    %dma_start3A_42 = arith.constant 2 : i32
    %dma_start3A_43 = arith.constant 0 : i32
    %dma_start3A_44 = tpu.memref_slice %arg10[%dma_start3A_42, %dma_start3A_43] : memref<8x128xf32, #tpu.memory_space<vmem>> -> memref<1x128xf32, #tpu.memory_space<vmem>>
    %dma_start3A_45 = tpu.memref_squeeze %dma_start3A_44 : memref<1x128xf32, #tpu.memory_space<vmem>> -> memref<128xf32, #tpu.memory_space<vmem>>
    %dma_start3A_46 = arith.constant 256 : i32
    %dma_start3A_47 = tpu.memref_slice %arg8[%dma_start3A_46] : memref<1024xi32, #tpu.memory_space<vmem>> -> memref<128xi32, #tpu.memory_space<vmem>>
    %dma_start3A_48 = arith.constant 0 : i32
    %dma_start3A_49 = tpu.memref_slice %arg3[%dma_start3A_48] : memref<100000xf32, #tpu.memory_space<hbm>> -> memref<100000xf32, #tpu.memory_space<hbm>>
    tpu.enqueue_indirect_dma source(%dma_start3A_49 : memref<100000xf32, #tpu.memory_space<hbm>>) target(%dma_start3A_45 : memref<128xf32, #tpu.memory_space<vmem>>) offsets(%dma_start3A_47 : memref<128xi32, #tpu.memory_space<vmem>>) semaphore(%arg12 : memref<!tpu.dma_semaphore, #tpu.memory_space<semaphore_mem>>)
    %dma_start3A_50 = arith.constant 3 : i32
    %dma_start3A_51 = arith.constant 0 : i32
    %dma_start3A_52 = tpu.memref_slice %arg9[%dma_start3A_50, %dma_start3A_51] : memref<8x128xf32, #tpu.memory_space<vmem>> -> memref<1x128xf32, #tpu.memory_space<vmem>>
    %dma_start3A_53 = tpu.memref_squeeze %dma_start3A_52 : memref<1x128xf32, #tpu.memory_space<vmem>> -> memref<128xf32, #tpu.memory_space<vmem>>
    %dma_start3A_54 = arith.constant 384 : i32
    %dma_start3A_55 = tpu.memref_slice %arg7[%dma_start3A_54] : memref<1024xi32, #tpu.memory_space<vmem>> -> memref<128xi32, #tpu.memory_space<vmem>>
    %dma_start3A_56 = arith.constant 0 : i32
    %dma_start3A_57 = tpu.memref_slice %arg2[%dma_start3A_56] : memref<1000000xf32, #tpu.memory_space<hbm>> -> memref<1000000xf32, #tpu.memory_space<hbm>>
    tpu.enqueue_indirect_dma source(%dma_start3A_57 : memref<1000000xf32, #tpu.memory_space<hbm>>) target(%dma_start3A_53 : memref<128xf32, #tpu.memory_space<vmem>>) offsets(%dma_start3A_55 : memref<128xi32, #tpu.memory_space<vmem>>) semaphore(%arg12 : memref<!tpu.dma_semaphore, #tpu.memory_space<semaphore_mem>>)
    %dma_start3A_58 = arith.constant 3 : i32
    %dma_start3A_59 = arith.constant 0 : i32
    %dma_start3A_60 = tpu.memref_slice %arg10[%dma_start3A_58, %dma_start3A_59] : memref<8x128xf32, #tpu.memory_space<vmem>> -> memref<1x128xf32, #tpu.memory_space<vmem>>
    %dma_start3A_61 = tpu.memref_squeeze %dma_start3A_60 : memref<1x128xf32, #tpu.memory_space<vmem>> -> memref<128xf32, #tpu.memory_space<vmem>>
    %dma_start3A_62 = arith.constant 384 : i32
    %dma_start3A_63 = tpu.memref_slice %arg8[%dma_start3A_62] : memref<1024xi32, #tpu.memory_space<vmem>> -> memref<128xi32, #tpu.memory_space<vmem>>
    %dma_start3A_64 = arith.constant 0 : i32
    %dma_start3A_65 = tpu.memref_slice %arg3[%dma_start3A_64] : memref<100000xf32, #tpu.memory_space<hbm>> -> memref<100000xf32, #tpu.memory_space<hbm>>
    tpu.enqueue_indirect_dma source(%dma_start3A_65 : memref<100000xf32, #tpu.memory_space<hbm>>) target(%dma_start3A_61 : memref<128xf32, #tpu.memory_space<vmem>>) offsets(%dma_start3A_63 : memref<128xi32, #tpu.memory_space<vmem>>) semaphore(%arg12 : memref<!tpu.dma_semaphore, #tpu.memory_space<semaphore_mem>>)
    %dma_start3A_66 = arith.constant 4 : i32
    %dma_start3A_67 = arith.constant 0 : i32
    %dma_start3A_68 = tpu.memref_slice %arg9[%dma_start3A_66, %dma_start3A_67] : memref<8x128xf32, #tpu.memory_space<vmem>> -> memref<1x128xf32, #tpu.memory_space<vmem>>
    %dma_start3A_69 = tpu.memref_squeeze %dma_start3A_68 : memref<1x128xf32, #tpu.memory_space<vmem>> -> memref<128xf32, #tpu.memory_space<vmem>>
    %dma_start3A_70 = arith.constant 512 : i32
    %dma_start3A_71 = tpu.memref_slice %arg7[%dma_start3A_70] : memref<1024xi32, #tpu.memory_space<vmem>> -> memref<128xi32, #tpu.memory_space<vmem>>
    %dma_start3A_72 = arith.constant 0 : i32
    %dma_start3A_73 = tpu.memref_slice %arg2[%dma_start3A_72] : memref<1000000xf32, #tpu.memory_space<hbm>> -> memref<1000000xf32, #tpu.memory_space<hbm>>
    tpu.enqueue_indirect_dma source(%dma_start3A_73 : memref<1000000xf32, #tpu.memory_space<hbm>>) target(%dma_start3A_69 : memref<128xf32, #tpu.memory_space<vmem>>) offsets(%dma_start3A_71 : memref<128xi32, #tpu.memory_space<vmem>>) semaphore(%arg12 : memref<!tpu.dma_semaphore, #tpu.memory_space<semaphore_mem>>)
    %dma_start3A_74 = arith.constant 4 : i32
    %dma_start3A_75 = arith.constant 0 : i32
    %dma_start3A_76 = tpu.memref_slice %arg10[%dma_start3A_74, %dma_start3A_75] : memref<8x128xf32, #tpu.memory_space<vmem>> -> memref<1x128xf32, #tpu.memory_space<vmem>>
    %dma_start3A_77 = tpu.memref_squeeze %dma_start3A_76 : memref<1x128xf32, #tpu.memory_space<vmem>> -> memref<128xf32, #tpu.memory_space<vmem>>
    %dma_start3A_78 = arith.constant 512 : i32
    %dma_start3A_79 = tpu.memref_slice %arg8[%dma_start3A_78] : memref<1024xi32, #tpu.memory_space<vmem>> -> memref<128xi32, #tpu.memory_space<vmem>>
    %dma_start3A_80 = arith.constant 0 : i32
    %dma_start3A_81 = tpu.memref_slice %arg3[%dma_start3A_80] : memref<100000xf32, #tpu.memory_space<hbm>> -> memref<100000xf32, #tpu.memory_space<hbm>>
    tpu.enqueue_indirect_dma source(%dma_start3A_81 : memref<100000xf32, #tpu.memory_space<hbm>>) target(%dma_start3A_77 : memref<128xf32, #tpu.memory_space<vmem>>) offsets(%dma_start3A_79 : memref<128xi32, #tpu.memory_space<vmem>>) semaphore(%arg12 : memref<!tpu.dma_semaphore, #tpu.memory_space<semaphore_mem>>)
    %dma_start3A_82 = arith.constant 5 : i32
    %dma_start3A_83 = arith.constant 0 : i32
    %dma_start3A_84 = tpu.memref_slice %arg9[%dma_start3A_82, %dma_start3A_83] : memref<8x128xf32, #tpu.memory_space<vmem>> -> memref<1x128xf32, #tpu.memory_space<vmem>>
    %dma_start3A_85 = tpu.memref_squeeze %dma_start3A_84 : memref<1x128xf32, #tpu.memory_space<vmem>> -> memref<128xf32, #tpu.memory_space<vmem>>
    %dma_start3A_86 = arith.constant 640 : i32
    %dma_start3A_87 = tpu.memref_slice %arg7[%dma_start3A_86] : memref<1024xi32, #tpu.memory_space<vmem>> -> memref<128xi32, #tpu.memory_space<vmem>>
    %dma_start3A_88 = arith.constant 0 : i32
    %dma_start3A_89 = tpu.memref_slice %arg2[%dma_start3A_88] : memref<1000000xf32, #tpu.memory_space<hbm>> -> memref<1000000xf32, #tpu.memory_space<hbm>>
    tpu.enqueue_indirect_dma source(%dma_start3A_89 : memref<1000000xf32, #tpu.memory_space<hbm>>) target(%dma_start3A_85 : memref<128xf32, #tpu.memory_space<vmem>>) offsets(%dma_start3A_87 : memref<128xi32, #tpu.memory_space<vmem>>) semaphore(%arg12 : memref<!tpu.dma_semaphore, #tpu.memory_space<semaphore_mem>>)
    %dma_start3A_90 = arith.constant 5 : i32
    %dma_start3A_91 = arith.constant 0 : i32
    %dma_start3A_92 = tpu.memref_slice %arg10[%dma_start3A_90, %dma_start3A_91] : memref<8x128xf32, #tpu.memory_space<vmem>> -> memref<1x128xf32, #tpu.memory_space<vmem>>
    %dma_start3A_93 = tpu.memref_squeeze %dma_start3A_92 : memref<1x128xf32, #tpu.memory_space<vmem>> -> memref<128xf32, #tpu.memory_space<vmem>>
    %dma_start3A_94 = arith.constant 640 : i32
    %dma_start3A_95 = tpu.memref_slice %arg8[%dma_start3A_94] : memref<1024xi32, #tpu.memory_space<vmem>> -> memref<128xi32, #tpu.memory_space<vmem>>
    %dma_start3A_96 = arith.constant 0 : i32
    %dma_start3A_97 = tpu.memref_slice %arg3[%dma_start3A_96] : memref<100000xf32, #tpu.memory_space<hbm>> -> memref<100000xf32, #tpu.memory_space<hbm>>
    tpu.enqueue_indirect_dma source(%dma_start3A_97 : memref<100000xf32, #tpu.memory_space<hbm>>) target(%dma_start3A_93 : memref<128xf32, #tpu.memory_space<vmem>>) offsets(%dma_start3A_95 : memref<128xi32, #tpu.memory_space<vmem>>) semaphore(%arg12 : memref<!tpu.dma_semaphore, #tpu.memory_space<semaphore_mem>>)
    %dma_start3A_98 = arith.constant 6 : i32
    %dma_start3A_99 = arith.constant 0 : i32
    %dma_start3A_100 = tpu.memref_slice %arg9[%dma_start3A_98, %dma_start3A_99] : memref<8x128xf32, #tpu.memory_space<vmem>> -> memref<1x128xf32, #tpu.memory_space<vmem>>
    %dma_start3A_101 = tpu.memref_squeeze %dma_start3A_100 : memref<1x128xf32, #tpu.memory_space<vmem>> -> memref<128xf32, #tpu.memory_space<vmem>>
    %dma_start3A_102 = arith.constant 768 : i32
    %dma_start3A_103 = tpu.memref_slice %arg7[%dma_start3A_102] : memref<1024xi32, #tpu.memory_space<vmem>> -> memref<128xi32, #tpu.memory_space<vmem>>
    %dma_start3A_104 = arith.constant 0 : i32
    %dma_start3A_105 = tpu.memref_slice %arg2[%dma_start3A_104] : memref<1000000xf32, #tpu.memory_space<hbm>> -> memref<1000000xf32, #tpu.memory_space<hbm>>
    tpu.enqueue_indirect_dma source(%dma_start3A_105 : memref<1000000xf32, #tpu.memory_space<hbm>>) target(%dma_start3A_101 : memref<128xf32, #tpu.memory_space<vmem>>) offsets(%dma_start3A_103 : memref<128xi32, #tpu.memory_space<vmem>>) semaphore(%arg12 : memref<!tpu.dma_semaphore, #tpu.memory_space<semaphore_mem>>)
    %dma_start3A_106 = arith.constant 6 : i32
    %dma_start3A_107 = arith.constant 0 : i32
    %dma_start3A_108 = tpu.memref_slice %arg10[%dma_start3A_106, %dma_start3A_107] : memref<8x128xf32, #tpu.memory_space<vmem>> -> memref<1x128xf32, #tpu.memory_space<vmem>>
    %dma_start3A_109 = tpu.memref_squeeze %dma_start3A_108 : memref<1x128xf32, #tpu.memory_space<vmem>> -> memref<128xf32, #tpu.memory_space<vmem>>
    %dma_start3A_110 = arith.constant 768 : i32
    %dma_start3A_111 = tpu.memref_slice %arg8[%dma_start3A_110] : memref<1024xi32, #tpu.memory_space<vmem>> -> memref<128xi32, #tpu.memory_space<vmem>>
    %dma_start3A_112 = arith.constant 0 : i32
    %dma_start3A_113 = tpu.memref_slice %arg3[%dma_start3A_112] : memref<100000xf32, #tpu.memory_space<hbm>> -> memref<100000xf32, #tpu.memory_space<hbm>>
    tpu.enqueue_indirect_dma source(%dma_start3A_113 : memref<100000xf32, #tpu.memory_space<hbm>>) target(%dma_start3A_109 : memref<128xf32, #tpu.memory_space<vmem>>) offsets(%dma_start3A_111 : memref<128xi32, #tpu.memory_space<vmem>>) semaphore(%arg12 : memref<!tpu.dma_semaphore, #tpu.memory_space<semaphore_mem>>)
    %dma_start3A_114 = arith.constant 7 : i32
    %dma_start3A_115 = arith.constant 0 : i32
    %dma_start3A_116 = tpu.memref_slice %arg9[%dma_start3A_114, %dma_start3A_115] : memref<8x128xf32, #tpu.memory_space<vmem>> -> memref<1x128xf32, #tpu.memory_space<vmem>>
    %dma_start3A_117 = tpu.memref_squeeze %dma_start3A_116 : memref<1x128xf32, #tpu.memory_space<vmem>> -> memref<128xf32, #tpu.memory_space<vmem>>
    %dma_start3A_118 = arith.constant 896 : i32
    %dma_start3A_119 = tpu.memref_slice %arg7[%dma_start3A_118] : memref<1024xi32, #tpu.memory_space<vmem>> -> memref<128xi32, #tpu.memory_space<vmem>>
    %dma_start3A_120 = arith.constant 0 : i32
    %dma_start3A_121 = tpu.memref_slice %arg2[%dma_start3A_120] : memref<1000000xf32, #tpu.memory_space<hbm>> -> memref<1000000xf32, #tpu.memory_space<hbm>>
    tpu.enqueue_indirect_dma source(%dma_start3A_121 : memref<1000000xf32, #tpu.memory_space<hbm>>) target(%dma_start3A_117 : memref<128xf32, #tpu.memory_space<vmem>>) offsets(%dma_start3A_119 : memref<128xi32, #tpu.memory_space<vmem>>) semaphore(%arg12 : memref<!tpu.dma_semaphore, #tpu.memory_space<semaphore_mem>>)
    %dma_start3A_122 = arith.constant 7 : i32
    %dma_start3A_123 = arith.constant 0 : i32
    %dma_start3A_124 = tpu.memref_slice %arg10[%dma_start3A_122, %dma_start3A_123] : memref<8x128xf32, #tpu.memory_space<vmem>> -> memref<1x128xf32, #tpu.memory_space<vmem>>
    %dma_start3A_125 = tpu.memref_squeeze %dma_start3A_124 : memref<1x128xf32, #tpu.memory_space<vmem>> -> memref<128xf32, #tpu.memory_space<vmem>>
    %dma_start3A_126 = arith.constant 896 : i32
    %dma_start3A_127 = tpu.memref_slice %arg8[%dma_start3A_126] : memref<1024xi32, #tpu.memory_space<vmem>> -> memref<128xi32, #tpu.memory_space<vmem>>
    %dma_start3A_128 = arith.constant 0 : i32
    %dma_start3A_129 = tpu.memref_slice %arg3[%dma_start3A_128] : memref<100000xf32, #tpu.memory_space<hbm>> -> memref<100000xf32, #tpu.memory_space<hbm>>
    tpu.enqueue_indirect_dma source(%dma_start3A_129 : memref<100000xf32, #tpu.memory_space<hbm>>) target(%dma_start3A_125 : memref<128xf32, #tpu.memory_space<vmem>>) offsets(%dma_start3A_127 : memref<128xi32, #tpu.memory_space<vmem>>) semaphore(%arg12 : memref<!tpu.dma_semaphore, #tpu.memory_space<semaphore_mem>>)
    %dma_wait3A = arith.constant 0 : i32
    %dma_wait3A_130 = arith.constant 0 : i32
    %dma_wait3A_131 = tpu.memref_slice %arg9[%dma_wait3A, %dma_wait3A_130] : memref<8x128xf32, #tpu.memory_space<vmem>> -> memref<1x128xf32, #tpu.memory_space<vmem>>
    %dma_wait3A_132 = tpu.memref_squeeze %dma_wait3A_131 : memref<1x128xf32, #tpu.memory_space<vmem>> -> memref<128xf32, #tpu.memory_space<vmem>>
    %dma_wait3A_133 = arith.constant 0 : i32
    %dma_wait3A_134 = tpu.memref_slice %arg7[%dma_wait3A_133] : memref<1024xi32, #tpu.memory_space<vmem>> -> memref<128xi32, #tpu.memory_space<vmem>>
    %dma_wait3A_135 = arith.constant 0 : i32
    %dma_wait3A_136 = tpu.memref_slice %arg2[%dma_wait3A_135] : memref<1000000xf32, #tpu.memory_space<hbm>> -> memref<1000000xf32, #tpu.memory_space<hbm>>
    tpu.wait_indirect_dma semaphore(%arg12 : memref<!tpu.dma_semaphore, #tpu.memory_space<semaphore_mem>>) src(%dma_wait3A_136 : memref<1000000xf32, #tpu.memory_space<hbm>>) dst(%dma_wait3A_132 : memref<128xf32, #tpu.memory_space<vmem>>)
    %dma_wait3A_137 = arith.constant 0 : i32
    %dma_wait3A_138 = arith.constant 0 : i32
    %dma_wait3A_139 = tpu.memref_slice %arg10[%dma_wait3A_137, %dma_wait3A_138] : memref<8x128xf32, #tpu.memory_space<vmem>> -> memref<1x128xf32, #tpu.memory_space<vmem>>
    %dma_wait3A_140 = tpu.memref_squeeze %dma_wait3A_139 : memref<1x128xf32, #tpu.memory_space<vmem>> -> memref<128xf32, #tpu.memory_space<vmem>>
    %dma_wait3A_141 = arith.constant 0 : i32
    %dma_wait3A_142 = tpu.memref_slice %arg8[%dma_wait3A_141] : memref<1024xi32, #tpu.memory_space<vmem>> -> memref<128xi32, #tpu.memory_space<vmem>>
    %dma_wait3A_143 = arith.constant 0 : i32
    %dma_wait3A_144 = tpu.memref_slice %arg3[%dma_wait3A_143] : memref<100000xf32, #tpu.memory_space<hbm>> -> memref<100000xf32, #tpu.memory_space<hbm>>
    tpu.wait_indirect_dma semaphore(%arg12 : memref<!tpu.dma_semaphore, #tpu.memory_space<semaphore_mem>>) src(%dma_wait3A_144 : memref<100000xf32, #tpu.memory_space<hbm>>) dst(%dma_wait3A_140 : memref<128xf32, #tpu.memory_space<vmem>>)
    %dma_wait3A_145 = arith.constant 1 : i32
    %dma_wait3A_146 = arith.constant 0 : i32
    %dma_wait3A_147 = tpu.memref_slice %arg9[%dma_wait3A_145, %dma_wait3A_146] : memref<8x128xf32, #tpu.memory_space<vmem>> -> memref<1x128xf32, #tpu.memory_space<vmem>>
    %dma_wait3A_148 = tpu.memref_squeeze %dma_wait3A_147 : memref<1x128xf32, #tpu.memory_space<vmem>> -> memref<128xf32, #tpu.memory_space<vmem>>
    %dma_wait3A_149 = arith.constant 128 : i32
    %dma_wait3A_150 = tpu.memref_slice %arg7[%dma_wait3A_149] : memref<1024xi32, #tpu.memory_space<vmem>> -> memref<128xi32, #tpu.memory_space<vmem>>
    %dma_wait3A_151 = arith.constant 0 : i32
    %dma_wait3A_152 = tpu.memref_slice %arg2[%dma_wait3A_151] : memref<1000000xf32, #tpu.memory_space<hbm>> -> memref<1000000xf32, #tpu.memory_space<hbm>>
    tpu.wait_indirect_dma semaphore(%arg12 : memref<!tpu.dma_semaphore, #tpu.memory_space<semaphore_mem>>) src(%dma_wait3A_152 : memref<1000000xf32, #tpu.memory_space<hbm>>) dst(%dma_wait3A_148 : memref<128xf32, #tpu.memory_space<vmem>>)
    %dma_wait3A_153 = arith.constant 1 : i32
    %dma_wait3A_154 = arith.constant 0 : i32
    %dma_wait3A_155 = tpu.memref_slice %arg10[%dma_wait3A_153, %dma_wait3A_154] : memref<8x128xf32, #tpu.memory_space<vmem>> -> memref<1x128xf32, #tpu.memory_space<vmem>>
    %dma_wait3A_156 = tpu.memref_squeeze %dma_wait3A_155 : memref<1x128xf32, #tpu.memory_space<vmem>> -> memref<128xf32, #tpu.memory_space<vmem>>
    %dma_wait3A_157 = arith.constant 128 : i32
    %dma_wait3A_158 = tpu.memref_slice %arg8[%dma_wait3A_157] : memref<1024xi32, #tpu.memory_space<vmem>> -> memref<128xi32, #tpu.memory_space<vmem>>
    %dma_wait3A_159 = arith.constant 0 : i32
    %dma_wait3A_160 = tpu.memref_slice %arg3[%dma_wait3A_159] : memref<100000xf32, #tpu.memory_space<hbm>> -> memref<100000xf32, #tpu.memory_space<hbm>>
    tpu.wait_indirect_dma semaphore(%arg12 : memref<!tpu.dma_semaphore, #tpu.memory_space<semaphore_mem>>) src(%dma_wait3A_160 : memref<100000xf32, #tpu.memory_space<hbm>>) dst(%dma_wait3A_156 : memref<128xf32, #tpu.memory_space<vmem>>)
    %dma_wait3A_161 = arith.constant 2 : i32
    %dma_wait3A_162 = arith.constant 0 : i32
    %dma_wait3A_163 = tpu.memref_slice %arg9[%dma_wait3A_161, %dma_wait3A_162] : memref<8x128xf32, #tpu.memory_space<vmem>> -> memref<1x128xf32, #tpu.memory_space<vmem>>
    %dma_wait3A_164 = tpu.memref_squeeze %dma_wait3A_163 : memref<1x128xf32, #tpu.memory_space<vmem>> -> memref<128xf32, #tpu.memory_space<vmem>>
    %dma_wait3A_165 = arith.constant 256 : i32
    %dma_wait3A_166 = tpu.memref_slice %arg7[%dma_wait3A_165] : memref<1024xi32, #tpu.memory_space<vmem>> -> memref<128xi32, #tpu.memory_space<vmem>>
    %dma_wait3A_167 = arith.constant 0 : i32
    %dma_wait3A_168 = tpu.memref_slice %arg2[%dma_wait3A_167] : memref<1000000xf32, #tpu.memory_space<hbm>> -> memref<1000000xf32, #tpu.memory_space<hbm>>
    tpu.wait_indirect_dma semaphore(%arg12 : memref<!tpu.dma_semaphore, #tpu.memory_space<semaphore_mem>>) src(%dma_wait3A_168 : memref<1000000xf32, #tpu.memory_space<hbm>>) dst(%dma_wait3A_164 : memref<128xf32, #tpu.memory_space<vmem>>)
    %dma_wait3A_169 = arith.constant 2 : i32
    %dma_wait3A_170 = arith.constant 0 : i32
    %dma_wait3A_171 = tpu.memref_slice %arg10[%dma_wait3A_169, %dma_wait3A_170] : memref<8x128xf32, #tpu.memory_space<vmem>> -> memref<1x128xf32, #tpu.memory_space<vmem>>
    %dma_wait3A_172 = tpu.memref_squeeze %dma_wait3A_171 : memref<1x128xf32, #tpu.memory_space<vmem>> -> memref<128xf32, #tpu.memory_space<vmem>>
    %dma_wait3A_173 = arith.constant 256 : i32
    %dma_wait3A_174 = tpu.memref_slice %arg8[%dma_wait3A_173] : memref<1024xi32, #tpu.memory_space<vmem>> -> memref<128xi32, #tpu.memory_space<vmem>>
    %dma_wait3A_175 = arith.constant 0 : i32
    %dma_wait3A_176 = tpu.memref_slice %arg3[%dma_wait3A_175] : memref<100000xf32, #tpu.memory_space<hbm>> -> memref<100000xf32, #tpu.memory_space<hbm>>
    tpu.wait_indirect_dma semaphore(%arg12 : memref<!tpu.dma_semaphore, #tpu.memory_space<semaphore_mem>>) src(%dma_wait3A_176 : memref<100000xf32, #tpu.memory_space<hbm>>) dst(%dma_wait3A_172 : memref<128xf32, #tpu.memory_space<vmem>>)
    %dma_wait3A_177 = arith.constant 3 : i32
    %dma_wait3A_178 = arith.constant 0 : i32
    %dma_wait3A_179 = tpu.memref_slice %arg9[%dma_wait3A_177, %dma_wait3A_178] : memref<8x128xf32, #tpu.memory_space<vmem>> -> memref<1x128xf32, #tpu.memory_space<vmem>>
    %dma_wait3A_180 = tpu.memref_squeeze %dma_wait3A_179 : memref<1x128xf32, #tpu.memory_space<vmem>> -> memref<128xf32, #tpu.memory_space<vmem>>
    %dma_wait3A_181 = arith.constant 384 : i32
    %dma_wait3A_182 = tpu.memref_slice %arg7[%dma_wait3A_181] : memref<1024xi32, #tpu.memory_space<vmem>> -> memref<128xi32, #tpu.memory_space<vmem>>
    %dma_wait3A_183 = arith.constant 0 : i32
    %dma_wait3A_184 = tpu.memref_slice %arg2[%dma_wait3A_183] : memref<1000000xf32, #tpu.memory_space<hbm>> -> memref<1000000xf32, #tpu.memory_space<hbm>>
    tpu.wait_indirect_dma semaphore(%arg12 : memref<!tpu.dma_semaphore, #tpu.memory_space<semaphore_mem>>) src(%dma_wait3A_184 : memref<1000000xf32, #tpu.memory_space<hbm>>) dst(%dma_wait3A_180 : memref<128xf32, #tpu.memory_space<vmem>>)
    %dma_wait3A_185 = arith.constant 3 : i32
    %dma_wait3A_186 = arith.constant 0 : i32
    %dma_wait3A_187 = tpu.memref_slice %arg10[%dma_wait3A_185, %dma_wait3A_186] : memref<8x128xf32, #tpu.memory_space<vmem>> -> memref<1x128xf32, #tpu.memory_space<vmem>>
    %dma_wait3A_188 = tpu.memref_squeeze %dma_wait3A_187 : memref<1x128xf32, #tpu.memory_space<vmem>> -> memref<128xf32, #tpu.memory_space<vmem>>
    %dma_wait3A_189 = arith.constant 384 : i32
    %dma_wait3A_190 = tpu.memref_slice %arg8[%dma_wait3A_189] : memref<1024xi32, #tpu.memory_space<vmem>> -> memref<128xi32, #tpu.memory_space<vmem>>
    %dma_wait3A_191 = arith.constant 0 : i32
    %dma_wait3A_192 = tpu.memref_slice %arg3[%dma_wait3A_191] : memref<100000xf32, #tpu.memory_space<hbm>> -> memref<100000xf32, #tpu.memory_space<hbm>>
    tpu.wait_indirect_dma semaphore(%arg12 : memref<!tpu.dma_semaphore, #tpu.memory_space<semaphore_mem>>) src(%dma_wait3A_192 : memref<100000xf32, #tpu.memory_space<hbm>>) dst(%dma_wait3A_188 : memref<128xf32, #tpu.memory_space<vmem>>)
    %dma_wait3A_193 = arith.constant 4 : i32
    %dma_wait3A_194 = arith.constant 0 : i32
    %dma_wait3A_195 = tpu.memref_slice %arg9[%dma_wait3A_193, %dma_wait3A_194] : memref<8x128xf32, #tpu.memory_space<vmem>> -> memref<1x128xf32, #tpu.memory_space<vmem>>
    %dma_wait3A_196 = tpu.memref_squeeze %dma_wait3A_195 : memref<1x128xf32, #tpu.memory_space<vmem>> -> memref<128xf32, #tpu.memory_space<vmem>>
    %dma_wait3A_197 = arith.constant 512 : i32
    %dma_wait3A_198 = tpu.memref_slice %arg7[%dma_wait3A_197] : memref<1024xi32, #tpu.memory_space<vmem>> -> memref<128xi32, #tpu.memory_space<vmem>>
    %dma_wait3A_199 = arith.constant 0 : i32
    %dma_wait3A_200 = tpu.memref_slice %arg2[%dma_wait3A_199] : memref<1000000xf32, #tpu.memory_space<hbm>> -> memref<1000000xf32, #tpu.memory_space<hbm>>
    tpu.wait_indirect_dma semaphore(%arg12 : memref<!tpu.dma_semaphore, #tpu.memory_space<semaphore_mem>>) src(%dma_wait3A_200 : memref<1000000xf32, #tpu.memory_space<hbm>>) dst(%dma_wait3A_196 : memref<128xf32, #tpu.memory_space<vmem>>)
    %dma_wait3A_201 = arith.constant 4 : i32
    %dma_wait3A_202 = arith.constant 0 : i32
    %dma_wait3A_203 = tpu.memref_slice %arg10[%dma_wait3A_201, %dma_wait3A_202] : memref<8x128xf32, #tpu.memory_space<vmem>> -> memref<1x128xf32, #tpu.memory_space<vmem>>
    %dma_wait3A_204 = tpu.memref_squeeze %dma_wait3A_203 : memref<1x128xf32, #tpu.memory_space<vmem>> -> memref<128xf32, #tpu.memory_space<vmem>>
    %dma_wait3A_205 = arith.constant 512 : i32
    %dma_wait3A_206 = tpu.memref_slice %arg8[%dma_wait3A_205] : memref<1024xi32, #tpu.memory_space<vmem>> -> memref<128xi32, #tpu.memory_space<vmem>>
    %dma_wait3A_207 = arith.constant 0 : i32
    %dma_wait3A_208 = tpu.memref_slice %arg3[%dma_wait3A_207] : memref<100000xf32, #tpu.memory_space<hbm>> -> memref<100000xf32, #tpu.memory_space<hbm>>
    tpu.wait_indirect_dma semaphore(%arg12 : memref<!tpu.dma_semaphore, #tpu.memory_space<semaphore_mem>>) src(%dma_wait3A_208 : memref<100000xf32, #tpu.memory_space<hbm>>) dst(%dma_wait3A_204 : memref<128xf32, #tpu.memory_space<vmem>>)
    %dma_wait3A_209 = arith.constant 5 : i32
    %dma_wait3A_210 = arith.constant 0 : i32
    %dma_wait3A_211 = tpu.memref_slice %arg9[%dma_wait3A_209, %dma_wait3A_210] : memref<8x128xf32, #tpu.memory_space<vmem>> -> memref<1x128xf32, #tpu.memory_space<vmem>>
    %dma_wait3A_212 = tpu.memref_squeeze %dma_wait3A_211 : memref<1x128xf32, #tpu.memory_space<vmem>> -> memref<128xf32, #tpu.memory_space<vmem>>
    %dma_wait3A_213 = arith.constant 640 : i32
    %dma_wait3A_214 = tpu.memref_slice %arg7[%dma_wait3A_213] : memref<1024xi32, #tpu.memory_space<vmem>> -> memref<128xi32, #tpu.memory_space<vmem>>
    %dma_wait3A_215 = arith.constant 0 : i32
    %dma_wait3A_216 = tpu.memref_slice %arg2[%dma_wait3A_215] : memref<1000000xf32, #tpu.memory_space<hbm>> -> memref<1000000xf32, #tpu.memory_space<hbm>>
    tpu.wait_indirect_dma semaphore(%arg12 : memref<!tpu.dma_semaphore, #tpu.memory_space<semaphore_mem>>) src(%dma_wait3A_216 : memref<1000000xf32, #tpu.memory_space<hbm>>) dst(%dma_wait3A_212 : memref<128xf32, #tpu.memory_space<vmem>>)
    %dma_wait3A_217 = arith.constant 5 : i32
    %dma_wait3A_218 = arith.constant 0 : i32
    %dma_wait3A_219 = tpu.memref_slice %arg10[%dma_wait3A_217, %dma_wait3A_218] : memref<8x128xf32, #tpu.memory_space<vmem>> -> memref<1x128xf32, #tpu.memory_space<vmem>>
    %dma_wait3A_220 = tpu.memref_squeeze %dma_wait3A_219 : memref<1x128xf32, #tpu.memory_space<vmem>> -> memref<128xf32, #tpu.memory_space<vmem>>
    %dma_wait3A_221 = arith.constant 640 : i32
    %dma_wait3A_222 = tpu.memref_slice %arg8[%dma_wait3A_221] : memref<1024xi32, #tpu.memory_space<vmem>> -> memref<128xi32, #tpu.memory_space<vmem>>
    %dma_wait3A_223 = arith.constant 0 : i32
    %dma_wait3A_224 = tpu.memref_slice %arg3[%dma_wait3A_223] : memref<100000xf32, #tpu.memory_space<hbm>> -> memref<100000xf32, #tpu.memory_space<hbm>>
    tpu.wait_indirect_dma semaphore(%arg12 : memref<!tpu.dma_semaphore, #tpu.memory_space<semaphore_mem>>) src(%dma_wait3A_224 : memref<100000xf32, #tpu.memory_space<hbm>>) dst(%dma_wait3A_220 : memref<128xf32, #tpu.memory_space<vmem>>)
    %dma_wait3A_225 = arith.constant 6 : i32
    %dma_wait3A_226 = arith.constant 0 : i32
    %dma_wait3A_227 = tpu.memref_slice %arg9[%dma_wait3A_225, %dma_wait3A_226] : memref<8x128xf32, #tpu.memory_space<vmem>> -> memref<1x128xf32, #tpu.memory_space<vmem>>
    %dma_wait3A_228 = tpu.memref_squeeze %dma_wait3A_227 : memref<1x128xf32, #tpu.memory_space<vmem>> -> memref<128xf32, #tpu.memory_space<vmem>>
    %dma_wait3A_229 = arith.constant 768 : i32
    %dma_wait3A_230 = tpu.memref_slice %arg7[%dma_wait3A_229] : memref<1024xi32, #tpu.memory_space<vmem>> -> memref<128xi32, #tpu.memory_space<vmem>>
    %dma_wait3A_231 = arith.constant 0 : i32
    %dma_wait3A_232 = tpu.memref_slice %arg2[%dma_wait3A_231] : memref<1000000xf32, #tpu.memory_space<hbm>> -> memref<1000000xf32, #tpu.memory_space<hbm>>
    tpu.wait_indirect_dma semaphore(%arg12 : memref<!tpu.dma_semaphore, #tpu.memory_space<semaphore_mem>>) src(%dma_wait3A_232 : memref<1000000xf32, #tpu.memory_space<hbm>>) dst(%dma_wait3A_228 : memref<128xf32, #tpu.memory_space<vmem>>)
    %dma_wait3A_233 = arith.constant 6 : i32
    %dma_wait3A_234 = arith.constant 0 : i32
    %dma_wait3A_235 = tpu.memref_slice %arg10[%dma_wait3A_233, %dma_wait3A_234] : memref<8x128xf32, #tpu.memory_space<vmem>> -> memref<1x128xf32, #tpu.memory_space<vmem>>
    %dma_wait3A_236 = tpu.memref_squeeze %dma_wait3A_235 : memref<1x128xf32, #tpu.memory_space<vmem>> -> memref<128xf32, #tpu.memory_space<vmem>>
    %dma_wait3A_237 = arith.constant 768 : i32
    %dma_wait3A_238 = tpu.memref_slice %arg8[%dma_wait3A_237] : memref<1024xi32, #tpu.memory_space<vmem>> -> memref<128xi32, #tpu.memory_space<vmem>>
    %dma_wait3A_239 = arith.constant 0 : i32
    %dma_wait3A_240 = tpu.memref_slice %arg3[%dma_wait3A_239] : memref<100000xf32, #tpu.memory_space<hbm>> -> memref<100000xf32, #tpu.memory_space<hbm>>
    tpu.wait_indirect_dma semaphore(%arg12 : memref<!tpu.dma_semaphore, #tpu.memory_space<semaphore_mem>>) src(%dma_wait3A_240 : memref<100000xf32, #tpu.memory_space<hbm>>) dst(%dma_wait3A_236 : memref<128xf32, #tpu.memory_space<vmem>>)
    %dma_wait3A_241 = arith.constant 7 : i32
    %dma_wait3A_242 = arith.constant 0 : i32
    %dma_wait3A_243 = tpu.memref_slice %arg9[%dma_wait3A_241, %dma_wait3A_242] : memref<8x128xf32, #tpu.memory_space<vmem>> -> memref<1x128xf32, #tpu.memory_space<vmem>>
    %dma_wait3A_244 = tpu.memref_squeeze %dma_wait3A_243 : memref<1x128xf32, #tpu.memory_space<vmem>> -> memref<128xf32, #tpu.memory_space<vmem>>
    %dma_wait3A_245 = arith.constant 896 : i32
    %dma_wait3A_246 = tpu.memref_slice %arg7[%dma_wait3A_245] : memref<1024xi32, #tpu.memory_space<vmem>> -> memref<128xi32, #tpu.memory_space<vmem>>
    %dma_wait3A_247 = arith.constant 0 : i32
    %dma_wait3A_248 = tpu.memref_slice %arg2[%dma_wait3A_247] : memref<1000000xf32, #tpu.memory_space<hbm>> -> memref<1000000xf32, #tpu.memory_space<hbm>>
    tpu.wait_indirect_dma semaphore(%arg12 : memref<!tpu.dma_semaphore, #tpu.memory_space<semaphore_mem>>) src(%dma_wait3A_248 : memref<1000000xf32, #tpu.memory_space<hbm>>) dst(%dma_wait3A_244 : memref<128xf32, #tpu.memory_space<vmem>>)
    %dma_wait3A_249 = arith.constant 7 : i32
    %dma_wait3A_250 = arith.constant 0 : i32
    %dma_wait3A_251 = tpu.memref_slice %arg10[%dma_wait3A_249, %dma_wait3A_250] : memref<8x128xf32, #tpu.memory_space<vmem>> -> memref<1x128xf32, #tpu.memory_space<vmem>>
    %dma_wait3A_252 = tpu.memref_squeeze %dma_wait3A_251 : memref<1x128xf32, #tpu.memory_space<vmem>> -> memref<128xf32, #tpu.memory_space<vmem>>
    %dma_wait3A_253 = arith.constant 896 : i32
    %dma_wait3A_254 = tpu.memref_slice %arg8[%dma_wait3A_253] : memref<1024xi32, #tpu.memory_space<vmem>> -> memref<128xi32, #tpu.memory_space<vmem>>
    %dma_wait3A_255 = arith.constant 0 : i32
    %dma_wait3A_256 = tpu.memref_slice %arg3[%dma_wait3A_255] : memref<100000xf32, #tpu.memory_space<hbm>> -> memref<100000xf32, #tpu.memory_space<hbm>>
    tpu.wait_indirect_dma semaphore(%arg12 : memref<!tpu.dma_semaphore, #tpu.memory_space<semaphore_mem>>) src(%dma_wait3A_256 : memref<100000xf32, #tpu.memory_space<hbm>>) dst(%dma_wait3A_252 : memref<128xf32, #tpu.memory_space<vmem>>)
    %get3A = arith.constant 0 : i32
    %get3A_257 = arith.index_cast %get3A : i32 to index
    %get3A_258 = arith.constant 0 : index
    %get3A_259 = tpu.vector_load %arg9[%get3A_257, %get3A_258] {strides = array<i32>} : memref<8x128xf32, #tpu.memory_space<vmem>>, vector<1x16xf32>,
    %get3A_260 = vector.shape_cast %get3A_259 : vector<1x16xf32> to vector<16xf32>
    %get3A_261 = arith.constant 0 : i32
    %get3A_262 = arith.index_cast %get3A_261 : i32 to index
    %get3A_263 = arith.constant 0 : index
    %get3A_264 = tpu.vector_load %arg10[%get3A_262, %get3A_263] {strides = array<i32>} : memref<8x128xf32, #tpu.memory_space<vmem>>, vector<1x16xf32>,
    %get3A_265 = vector.shape_cast %get3A_264 : vector<1x16xf32> to vector<16xf32>
    %add3A_266 = arith.addf %get3A_260, %get3A_265 : vector<16xf32>
    %swap3A = arith.constant 0 : index
    %swap3A_267 = tpu.vector_load %arg11[%swap3A] {strides = array<i32>} : memref<1024xf32, #tpu.memory_space<vmem>>, vector<16xf32>,
    %swap3A_268 = vector.shape_cast %swap3A_267 : vector<16xf32> to vector<16xf32>
    %swap3A_269 = vector.shape_cast %add3A_266 : vector<16xf32> to vector<16xf32>
    tpu.vector_store %arg11[%swap3A], %swap3A_269 {strides = array<i32>} : memref<1024xf32, #tpu.memory_space<vmem>>, vector<16xf32>,
    %get3A_270 = arith.constant 0 : i32
    %get3A_271 = arith.index_cast %get3A_270 : i32 to index
    %get3A_272 = arith.constant 16 : index
    %get3A_273 = tpu.vector_load %arg9[%get3A_271, %get3A_272] {strides = array<i32>} : memref<8x128xf32, #tpu.memory_space<vmem>>, vector<1x16xf32>,
    %get3A_274 = vector.shape_cast %get3A_273 : vector<1x16xf32> to vector<16xf32>
    %get3A_275 = arith.constant 0 : i32
    %get3A_276 = arith.index_cast %get3A_275 : i32 to index
    %get3A_277 = arith.constant 16 : index
    %get3A_278 = tpu.vector_load %arg10[%get3A_276, %get3A_277] {strides = array<i32>} : memref<8x128xf32, #tpu.memory_space<vmem>>, vector<1x16xf32>,
    %get3A_279 = vector.shape_cast %get3A_278 : vector<1x16xf32> to vector<16xf32>
    %add3A_280 = arith.addf %get3A_274, %get3A_279 : vector<16xf32>
    %swap3A_281 = arith.constant 16 : index
    %swap3A_282 = tpu.vector_load %arg11[%swap3A_281] {strides = array<i32>} : memref<1024xf32, #tpu.memory_space<vmem>>, vector<16xf32>,
    %swap3A_283 = vector.shape_cast %swap3A_282 : vector<16xf32> to vector<16xf32>
    %swap3A_284 = vector.shape_cast %add3A_280 : vector<16xf32> to vector<16xf32>
    tpu.vector_store %arg11[%swap3A_281], %swap3A_284 {strides = array<i32>} : memref<1024xf32, #tpu.memory_space<vmem>>, vector<16xf32>,
    %get3A_285 = arith.constant 0 : i32
    %get3A_286 = arith.index_cast %get3A_285 : i32 to index
    %get3A_287 = arith.constant 32 : index
    %get3A_288 = tpu.vector_load %arg9[%get3A_286, %get3A_287] {strides = array<i32>} : memref<8x128xf32, #tpu.memory_space<vmem>>, vector<1x16xf32>,
    %get3A_289 = vector.shape_cast %get3A_288 : vector<1x16xf32> to vector<16xf32>
    %get3A_290 = arith.constant 0 : i32
    %get3A_291 = arith.index_cast %get3A_290 : i32 to index
    %get3A_292 = arith.constant 32 : index
    %get3A_293 = tpu.vector_load %arg10[%get3A_291, %get3A_292] {strides = array<i32>} : memref<8x128xf32, #tpu.memory_space<vmem>>, vector<1x16xf32>,
    %get3A_294 = vector.shape_cast %get3A_293 : vector<1x16xf32> to vector<16xf32>
    %add3A_295 = arith.addf %get3A_289, %get3A_294 : vector<16xf32>
    %swap3A_296 = arith.constant 32 : index
    %swap3A_297 = tpu.vector_load %arg11[%swap3A_296] {strides = array<i32>} : memref<1024xf32, #tpu.memory_space<vmem>>, vector<16xf32>,
    %swap3A_298 = vector.shape_cast %swap3A_297 : vector<16xf32> to vector<16xf32>
    %swap3A_299 = vector.shape_cast %add3A_295 : vector<16xf32> to vector<16xf32>
    tpu.vector_store %arg11[%swap3A_296], %swap3A_299 {strides = array<i32>} : memref<1024xf32, #tpu.memory_space<vmem>>, vector<16xf32>,
    %get3A_300 = arith.constant 0 : i32
    %get3A_301 = arith.index_cast %get3A_300 : i32 to index
    %get3A_302 = arith.constant 48 : index
    %get3A_303 = tpu.vector_load %arg9[%get3A_301, %get3A_302] {strides = array<i32>} : memref<8x128xf32, #tpu.memory_space<vmem>>, vector<1x16xf32>,
    %get3A_304 = vector.shape_cast %get3A_303 : vector<1x16xf32> to vector<16xf32>
    %get3A_305 = arith.constant 0 : i32
    %get3A_306 = arith.index_cast %get3A_305 : i32 to index
    %get3A_307 = arith.constant 48 : index
    %get3A_308 = tpu.vector_load %arg10[%get3A_306, %get3A_307] {strides = array<i32>} : memref<8x128xf32, #tpu.memory_space<vmem>>, vector<1x16xf32>,
    %get3A_309 = vector.shape_cast %get3A_308 : vector<1x16xf32> to vector<16xf32>
    %add3A_310 = arith.addf %get3A_304, %get3A_309 : vector<16xf32>
    %swap3A_311 = arith.constant 48 : index
    %swap3A_312 = tpu.vector_load %arg11[%swap3A_311] {strides = array<i32>} : memref<1024xf32, #tpu.memory_space<vmem>>, vector<16xf32>,
    %swap3A_313 = vector.shape_cast %swap3A_312 : vector<16xf32> to vector<16xf32>
    %swap3A_314 = vector.shape_cast %add3A_310 : vector<16xf32> to vector<16xf32>
    tpu.vector_store %arg11[%swap3A_311], %swap3A_314 {strides = array<i32>} : memref<1024xf32, #tpu.memory_space<vmem>>, vector<16xf32>,
    %get3A_315 = arith.constant 0 : i32
    %get3A_316 = arith.index_cast %get3A_315 : i32 to index
    %get3A_317 = arith.constant 64 : index
    %get3A_318 = tpu.vector_load %arg9[%get3A_316, %get3A_317] {strides = array<i32>} : memref<8x128xf32, #tpu.memory_space<vmem>>, vector<1x16xf32>,
    %get3A_319 = vector.shape_cast %get3A_318 : vector<1x16xf32> to vector<16xf32>
    %get3A_320 = arith.constant 0 : i32
    %get3A_321 = arith.index_cast %get3A_320 : i32 to index
    %get3A_322 = arith.constant 64 : index
    %get3A_323 = tpu.vector_load %arg10[%get3A_321, %get3A_322] {strides = array<i32>} : memref<8x128xf32, #tpu.memory_space<vmem>>, vector<1x16xf32>,
    %get3A_324 = vector.shape_cast %get3A_323 : vector<1x16xf32> to vector<16xf32>
    %add3A_325 = arith.addf %get3A_319, %get3A_324 : vector<16xf32>
    %swap3A_326 = arith.constant 64 : index
    %swap3A_327 = tpu.vector_load %arg11[%swap3A_326] {strides = array<i32>} : memref<1024xf32, #tpu.memory_space<vmem>>, vector<16xf32>,
    %swap3A_328 = vector.shape_cast %swap3A_327 : vector<16xf32> to vector<16xf32>
    %swap3A_329 = vector.shape_cast %add3A_325 : vector<16xf32> to vector<16xf32>
    tpu.vector_store %arg11[%swap3A_326], %swap3A_329 {strides = array<i32>} : memref<1024xf32, #tpu.memory_space<vmem>>, vector<16xf32>,
    %get3A_330 = arith.constant 0 : i32
    %get3A_331 = arith.index_cast %get3A_330 : i32 to index
    %get3A_332 = arith.constant 80 : index
    %get3A_333 = tpu.vector_load %arg9[%get3A_331, %get3A_332] {strides = array<i32>} : memref<8x128xf32, #tpu.memory_space<vmem>>, vector<1x16xf32>,
    %get3A_334 = vector.shape_cast %get3A_333 : vector<1x16xf32> to vector<16xf32>
    %get3A_335 = arith.constant 0 : i32
    %get3A_336 = arith.index_cast %get3A_335 : i32 to index
    %get3A_337 = arith.constant 80 : index
    %get3A_338 = tpu.vector_load %arg10[%get3A_336, %get3A_337] {strides = array<i32>} : memref<8x128xf32, #tpu.memory_space<vmem>>, vector<1x16xf32>,
    %get3A_339 = vector.shape_cast %get3A_338 : vector<1x16xf32> to vector<16xf32>
    %add3A_340 = arith.addf %get3A_334, %get3A_339 : vector<16xf32>
    %swap3A_341 = arith.constant 80 : index
    %swap3A_342 = tpu.vector_load %arg11[%swap3A_341] {strides = array<i32>} : memref<1024xf32, #tpu.memory_space<vmem>>, vector<16xf32>,
    %swap3A_343 = vector.shape_cast %swap3A_342 : vector<16xf32> to vector<16xf32>
    %swap3A_344 = vector.shape_cast %add3A_340 : vector<16xf32> to vector<16xf32>
    tpu.vector_store %arg11[%swap3A_341], %swap3A_344 {strides = array<i32>} : memref<1024xf32, #tpu.memory_space<vmem>>, vector<16xf32>,
    %get3A_345 = arith.constant 0 : i32
    %get3A_346 = arith.index_cast %get3A_345 : i32 to index
    %get3A_347 = arith.constant 96 : index
    %get3A_348 = tpu.vector_load %arg9[%get3A_346, %get3A_347] {strides = array<i32>} : memref<8x128xf32, #tpu.memory_space<vmem>>, vector<1x16xf32>,
    %get3A_349 = vector.shape_cast %get3A_348 : vector<1x16xf32> to vector<16xf32>
    %get3A_350 = arith.constant 0 : i32
    %get3A_351 = arith.index_cast %get3A_350 : i32 to index
    %get3A_352 = arith.constant 96 : index
    %get3A_353 = tpu.vector_load %arg10[%get3A_351, %get3A_352] {strides = array<i32>} : memref<8x128xf32, #tpu.memory_space<vmem>>, vector<1x16xf32>,
    %get3A_354 = vector.shape_cast %get3A_353 : vector<1x16xf32> to vector<16xf32>
    %add3A_355 = arith.addf %get3A_349, %get3A_354 : vector<16xf32>
    %swap3A_356 = arith.constant 96 : index
    %swap3A_357 = tpu.vector_load %arg11[%swap3A_356] {strides = array<i32>} : memref<1024xf32, #tpu.memory_space<vmem>>, vector<16xf32>,
    %swap3A_358 = vector.shape_cast %swap3A_357 : vector<16xf32> to vector<16xf32>
    %swap3A_359 = vector.shape_cast %add3A_355 : vector<16xf32> to vector<16xf32>
    tpu.vector_store %arg11[%swap3A_356], %swap3A_359 {strides = array<i32>} : memref<1024xf32, #tpu.memory_space<vmem>>, vector<16xf32>,
    %get3A_360 = arith.constant 0 : i32
    %get3A_361 = arith.index_cast %get3A_360 : i32 to index
    %get3A_362 = arith.constant 112 : index
    %get3A_363 = tpu.vector_load %arg9[%get3A_361, %get3A_362] {strides = array<i32>} : memref<8x128xf32, #tpu.memory_space<vmem>>, vector<1x16xf32>,
    %get3A_364 = vector.shape_cast %get3A_363 : vector<1x16xf32> to vector<16xf32>
    %get3A_365 = arith.constant 0 : i32
    %get3A_366 = arith.index_cast %get3A_365 : i32 to index
    %get3A_367 = arith.constant 112 : index
    %get3A_368 = tpu.vector_load %arg10[%get3A_366, %get3A_367] {strides = array<i32>} : memref<8x128xf32, #tpu.memory_space<vmem>>, vector<1x16xf32>,
    %get3A_369 = vector.shape_cast %get3A_368 : vector<1x16xf32> to vector<16xf32>
    %add3A_370 = arith.addf %get3A_364, %get3A_369 : vector<16xf32>
    %swap3A_371 = arith.constant 112 : index
    %swap3A_372 = tpu.vector_load %arg11[%swap3A_371] {strides = array<i32>} : memref<1024xf32, #tpu.memory_space<vmem>>, vector<16xf32>,
    %swap3A_373 = vector.shape_cast %swap3A_372 : vector<16xf32> to vector<16xf32>
    %swap3A_374 = vector.shape_cast %add3A_370 : vector<16xf32> to vector<16xf32>
    tpu.vector_store %arg11[%swap3A_371], %swap3A_374 {strides = array<i32>} : memref<1024xf32, #tpu.memory_space<vmem>>, vector<16xf32>,
    %get3A_375 = arith.constant 1 : i32
    %get3A_376 = arith.index_cast %get3A_375 : i32 to index
    %get3A_377 = arith.constant 0 : index
    %get3A_378 = tpu.vector_load %arg9[%get3A_376, %get3A_377] {strides = array<i32>} : memref<8x128xf32, #tpu.memory_space<vmem>>, vector<1x16xf32>,
    %get3A_379 = vector.shape_cast %get3A_378 : vector<1x16xf32> to vector<16xf32>
    %get3A_380 = arith.constant 1 : i32
    %get3A_381 = arith.index_cast %get3A_380 : i32 to index
    %get3A_382 = arith.constant 0 : index
    %get3A_383 = tpu.vector_load %arg10[%get3A_381, %get3A_382] {strides = array<i32>} : memref<8x128xf32, #tpu.memory_space<vmem>>, vector<1x16xf32>,
    %get3A_384 = vector.shape_cast %get3A_383 : vector<1x16xf32> to vector<16xf32>
    %add3A_385 = arith.addf %get3A_379, %get3A_384 : vector<16xf32>
    %swap3A_386 = arith.constant 128 : index
    %swap3A_387 = tpu.vector_load %arg11[%swap3A_386] {strides = array<i32>} : memref<1024xf32, #tpu.memory_space<vmem>>, vector<16xf32>,
    %swap3A_388 = vector.shape_cast %swap3A_387 : vector<16xf32> to vector<16xf32>
    %swap3A_389 = vector.shape_cast %add3A_385 : vector<16xf32> to vector<16xf32>
    tpu.vector_store %arg11[%swap3A_386], %swap3A_389 {strides = array<i32>} : memref<1024xf32, #tpu.memory_space<vmem>>, vector<16xf32>,
    %get3A_390 = arith.constant 1 : i32
    %get3A_391 = arith.index_cast %get3A_390 : i32 to index
    %get3A_392 = arith.constant 16 : index
    %get3A_393 = tpu.vector_load %arg9[%get3A_391, %get3A_392] {strides = array<i32>} : memref<8x128xf32, #tpu.memory_space<vmem>>, vector<1x16xf32>,
    %get3A_394 = vector.shape_cast %get3A_393 : vector<1x16xf32> to vector<16xf32>
    %get3A_395 = arith.constant 1 : i32
    %get3A_396 = arith.index_cast %get3A_395 : i32 to index
    %get3A_397 = arith.constant 16 : index
    %get3A_398 = tpu.vector_load %arg10[%get3A_396, %get3A_397] {strides = array<i32>} : memref<8x128xf32, #tpu.memory_space<vmem>>, vector<1x16xf32>,
    %get3A_399 = vector.shape_cast %get3A_398 : vector<1x16xf32> to vector<16xf32>
    %add3A_400 = arith.addf %get3A_394, %get3A_399 : vector<16xf32>
    %swap3A_401 = arith.constant 144 : index
    %swap3A_402 = tpu.vector_load %arg11[%swap3A_401] {strides = array<i32>} : memref<1024xf32, #tpu.memory_space<vmem>>, vector<16xf32>,
    %swap3A_403 = vector.shape_cast %swap3A_402 : vector<16xf32> to vector<16xf32>
    %swap3A_404 = vector.shape_cast %add3A_400 : vector<16xf32> to vector<16xf32>
    tpu.vector_store %arg11[%swap3A_401], %swap3A_404 {strides = array<i32>} : memref<1024xf32, #tpu.memory_space<vmem>>, vector<16xf32>,
    %get3A_405 = arith.constant 1 : i32
    %get3A_406 = arith.index_cast %get3A_405 : i32 to index
    %get3A_407 = arith.constant 32 : index
    %get3A_408 = tpu.vector_load %arg9[%get3A_406, %get3A_407] {strides = array<i32>} : memref<8x128xf32, #tpu.memory_space<vmem>>, vector<1x16xf32>,
    %get3A_409 = vector.shape_cast %get3A_408 : vector<1x16xf32> to vector<16xf32>
    %get3A_410 = arith.constant 1 : i32
    %get3A_411 = arith.index_cast %get3A_410 : i32 to index
    %get3A_412 = arith.constant 32 : index
    %get3A_413 = tpu.vector_load %arg10[%get3A_411, %get3A_412] {strides = array<i32>} : memref<8x128xf32, #tpu.memory_space<vmem>>, vector<1x16xf32>,
    %get3A_414 = vector.shape_cast %get3A_413 : vector<1x16xf32> to vector<16xf32>
    %add3A_415 = arith.addf %get3A_409, %get3A_414 : vector<16xf32>
    %swap3A_416 = arith.constant 160 : index
    %swap3A_417 = tpu.vector_load %arg11[%swap3A_416] {strides = array<i32>} : memref<1024xf32, #tpu.memory_space<vmem>>, vector<16xf32>,
    %swap3A_418 = vector.shape_cast %swap3A_417 : vector<16xf32> to vector<16xf32>
    %swap3A_419 = vector.shape_cast %add3A_415 : vector<16xf32> to vector<16xf32>
    tpu.vector_store %arg11[%swap3A_416], %swap3A_419 {strides = array<i32>} : memref<1024xf32, #tpu.memory_space<vmem>>, vector<16xf32>,
    %get3A_420 = arith.constant 1 : i32
    %get3A_421 = arith.index_cast %get3A_420 : i32 to index
    %get3A_422 = arith.constant 48 : index
    %get3A_423 = tpu.vector_load %arg9[%get3A_421, %get3A_422] {strides = array<i32>} : memref<8x128xf32, #tpu.memory_space<vmem>>, vector<1x16xf32>,
    %get3A_424 = vector.shape_cast %get3A_423 : vector<1x16xf32> to vector<16xf32>
    %get3A_425 = arith.constant 1 : i32
    %get3A_426 = arith.index_cast %get3A_425 : i32 to index
    %get3A_427 = arith.constant 48 : index
    %get3A_428 = tpu.vector_load %arg10[%get3A_426, %get3A_427] {strides = array<i32>} : memref<8x128xf32, #tpu.memory_space<vmem>>, vector<1x16xf32>,
    %get3A_429 = vector.shape_cast %get3A_428 : vector<1x16xf32> to vector<16xf32>
    %add3A_430 = arith.addf %get3A_424, %get3A_429 : vector<16xf32>
    %swap3A_431 = arith.constant 176 : index
    %swap3A_432 = tpu.vector_load %arg11[%swap3A_431] {strides = array<i32>} : memref<1024xf32, #tpu.memory_space<vmem>>, vector<16xf32>,
    %swap3A_433 = vector.shape_cast %swap3A_432 : vector<16xf32> to vector<16xf32>
    %swap3A_434 = vector.shape_cast %add3A_430 : vector<16xf32> to vector<16xf32>
    tpu.vector_store %arg11[%swap3A_431], %swap3A_434 {strides = array<i32>} : memref<1024xf32, #tpu.memory_space<vmem>>, vector<16xf32>,
    %get3A_435 = arith.constant 1 : i32
    %get3A_436 = arith.index_cast %get3A_435 : i32 to index
    %get3A_437 = arith.constant 64 : index
    %get3A_438 = tpu.vector_load %arg9[%get3A_436, %get3A_437] {strides = array<i32>} : memref<8x128xf32, #tpu.memory_space<vmem>>, vector<1x16xf32>,
    %get3A_439 = vector.shape_cast %get3A_438 : vector<1x16xf32> to vector<16xf32>
    %get3A_440 = arith.constant 1 : i32
    %get3A_441 = arith.index_cast %get3A_440 : i32 to index
    %get3A_442 = arith.constant 64 : index
    %get3A_443 = tpu.vector_load %arg10[%get3A_441, %get3A_442] {strides = array<i32>} : memref<8x128xf32, #tpu.memory_space<vmem>>, vector<1x16xf32>,
    %get3A_444 = vector.shape_cast %get3A_443 : vector<1x16xf32> to vector<16xf32>
    %add3A_445 = arith.addf %get3A_439, %get3A_444 : vector<16xf32>
    %swap3A_446 = arith.constant 192 : index
    %swap3A_447 = tpu.vector_load %arg11[%swap3A_446] {strides = array<i32>} : memref<1024xf32, #tpu.memory_space<vmem>>, vector<16xf32>,
    %swap3A_448 = vector.shape_cast %swap3A_447 : vector<16xf32> to vector<16xf32>
    %swap3A_449 = vector.shape_cast %add3A_445 : vector<16xf32> to vector<16xf32>
    tpu.vector_store %arg11[%swap3A_446], %swap3A_449 {strides = array<i32>} : memref<1024xf32, #tpu.memory_space<vmem>>, vector<16xf32>,
    %get3A_450 = arith.constant 1 : i32
    %get3A_451 = arith.index_cast %get3A_450 : i32 to index
    %get3A_452 = arith.constant 80 : index
    %get3A_453 = tpu.vector_load %arg9[%get3A_451, %get3A_452] {strides = array<i32>} : memref<8x128xf32, #tpu.memory_space<vmem>>, vector<1x16xf32>,
    %get3A_454 = vector.shape_cast %get3A_453 : vector<1x16xf32> to vector<16xf32>
    %get3A_455 = arith.constant 1 : i32
    %get3A_456 = arith.index_cast %get3A_455 : i32 to index
    %get3A_457 = arith.constant 80 : index
    %get3A_458 = tpu.vector_load %arg10[%get3A_456, %get3A_457] {strides = array<i32>} : memref<8x128xf32, #tpu.memory_space<vmem>>, vector<1x16xf32>,
    %get3A_459 = vector.shape_cast %get3A_458 : vector<1x16xf32> to vector<16xf32>
    %add3A_460 = arith.addf %get3A_454, %get3A_459 : vector<16xf32>
    %swap3A_461 = arith.constant 208 : index
    %swap3A_462 = tpu.vector_load %arg11[%swap3A_461] {strides = array<i32>} : memref<1024xf32, #tpu.memory_space<vmem>>, vector<16xf32>,
    %swap3A_463 = vector.shape_cast %swap3A_462 : vector<16xf32> to vector<16xf32>
    %swap3A_464 = vector.shape_cast %add3A_460 : vector<16xf32> to vector<16xf32>
    tpu.vector_store %arg11[%swap3A_461], %swap3A_464 {strides = array<i32>} : memref<1024xf32, #tpu.memory_space<vmem>>, vector<16xf32>,
    %get3A_465 = arith.constant 1 : i32
    %get3A_466 = arith.index_cast %get3A_465 : i32 to index
    %get3A_467 = arith.constant 96 : index
    %get3A_468 = tpu.vector_load %arg9[%get3A_466, %get3A_467] {strides = array<i32>} : memref<8x128xf32, #tpu.memory_space<vmem>>, vector<1x16xf32>,
    %get3A_469 = vector.shape_cast %get3A_468 : vector<1x16xf32> to vector<16xf32>
    %get3A_470 = arith.constant 1 : i32
    %get3A_471 = arith.index_cast %get3A_470 : i32 to index
    %get3A_472 = arith.constant 96 : index
    %get3A_473 = tpu.vector_load %arg10[%get3A_471, %get3A_472] {strides = array<i32>} : memref<8x128xf32, #tpu.memory_space<vmem>>, vector<1x16xf32>,
    %get3A_474 = vector.shape_cast %get3A_473 : vector<1x16xf32> to vector<16xf32>
    %add3A_475 = arith.addf %get3A_469, %get3A_474 : vector<16xf32>
    %swap3A_476 = arith.constant 224 : index
    %swap3A_477 = tpu.vector_load %arg11[%swap3A_476] {strides = array<i32>} : memref<1024xf32, #tpu.memory_space<vmem>>, vector<16xf32>,
    %swap3A_478 = vector.shape_cast %swap3A_477 : vector<16xf32> to vector<16xf32>
    %swap3A_479 = vector.shape_cast %add3A_475 : vector<16xf32> to vector<16xf32>
    tpu.vector_store %arg11[%swap3A_476], %swap3A_479 {strides = array<i32>} : memref<1024xf32, #tpu.memory_space<vmem>>, vector<16xf32>,
    %get3A_480 = arith.constant 1 : i32
    %get3A_481 = arith.index_cast %get3A_480 : i32 to index
    %get3A_482 = arith.constant 112 : index
    %get3A_483 = tpu.vector_load %arg9[%get3A_481, %get3A_482] {strides = array<i32>} : memref<8x128xf32, #tpu.memory_space<vmem>>, vector<1x16xf32>,
    %get3A_484 = vector.shape_cast %get3A_483 : vector<1x16xf32> to vector<16xf32>
    %get3A_485 = arith.constant 1 : i32
    %get3A_486 = arith.index_cast %get3A_485 : i32 to index
    %get3A_487 = arith.constant 112 : index
    %get3A_488 = tpu.vector_load %arg10[%get3A_486, %get3A_487] {strides = array<i32>} : memref<8x128xf32, #tpu.memory_space<vmem>>, vector<1x16xf32>,
    %get3A_489 = vector.shape_cast %get3A_488 : vector<1x16xf32> to vector<16xf32>
    %add3A_490 = arith.addf %get3A_484, %get3A_489 : vector<16xf32>
    %swap3A_491 = arith.constant 240 : index
    %swap3A_492 = tpu.vector_load %arg11[%swap3A_491] {strides = array<i32>} : memref<1024xf32, #tpu.memory_space<vmem>>, vector<16xf32>,
    %swap3A_493 = vector.shape_cast %swap3A_492 : vector<16xf32> to vector<16xf32>
    %swap3A_494 = vector.shape_cast %add3A_490 : vector<16xf32> to vector<16xf32>
    tpu.vector_store %arg11[%swap3A_491], %swap3A_494 {strides = array<i32>} : memref<1024xf32, #tpu.memory_space<vmem>>, vector<16xf32>,
    %get3A_495 = arith.constant 2 : i32
    %get3A_496 = arith.index_cast %get3A_495 : i32 to index
    %get3A_497 = arith.constant 0 : index
    %get3A_498 = tpu.vector_load %arg9[%get3A_496, %get3A_497] {strides = array<i32>} : memref<8x128xf32, #tpu.memory_space<vmem>>, vector<1x16xf32>,
    %get3A_499 = vector.shape_cast %get3A_498 : vector<1x16xf32> to vector<16xf32>
    %get3A_500 = arith.constant 2 : i32
    %get3A_501 = arith.index_cast %get3A_500 : i32 to index
    %get3A_502 = arith.constant 0 : index
    %get3A_503 = tpu.vector_load %arg10[%get3A_501, %get3A_502] {strides = array<i32>} : memref<8x128xf32, #tpu.memory_space<vmem>>, vector<1x16xf32>,
    %get3A_504 = vector.shape_cast %get3A_503 : vector<1x16xf32> to vector<16xf32>
    %add3A_505 = arith.addf %get3A_499, %get3A_504 : vector<16xf32>
    %swap3A_506 = arith.constant 256 : index
    %swap3A_507 = tpu.vector_load %arg11[%swap3A_506] {strides = array<i32>} : memref<1024xf32, #tpu.memory_space<vmem>>, vector<16xf32>,
    %swap3A_508 = vector.shape_cast %swap3A_507 : vector<16xf32> to vector<16xf32>
    %swap3A_509 = vector.shape_cast %add3A_505 : vector<16xf32> to vector<16xf32>
    tpu.vector_store %arg11[%swap3A_506], %swap3A_509 {strides = array<i32>} : memref<1024xf32, #tpu.memory_space<vmem>>, vector<16xf32>,
    %get3A_510 = arith.constant 2 : i32
    %get3A_511 = arith.index_cast %get3A_510 : i32 to index
    %get3A_512 = arith.constant 16 : index
    %get3A_513 = tpu.vector_load %arg9[%get3A_511, %get3A_512] {strides = array<i32>} : memref<8x128xf32, #tpu.memory_space<vmem>>, vector<1x16xf32>,
    %get3A_514 = vector.shape_cast %get3A_513 : vector<1x16xf32> to vector<16xf32>
    %get3A_515 = arith.constant 2 : i32
    %get3A_516 = arith.index_cast %get3A_515 : i32 to index
    %get3A_517 = arith.constant 16 : index
    %get3A_518 = tpu.vector_load %arg10[%get3A_516, %get3A_517] {strides = array<i32>} : memref<8x128xf32, #tpu.memory_space<vmem>>, vector<1x16xf32>,
    %get3A_519 = vector.shape_cast %get3A_518 : vector<1x16xf32> to vector<16xf32>
    %add3A_520 = arith.addf %get3A_514, %get3A_519 : vector<16xf32>
    %swap3A_521 = arith.constant 272 : index
    %swap3A_522 = tpu.vector_load %arg11[%swap3A_521] {strides = array<i32>} : memref<1024xf32, #tpu.memory_space<vmem>>, vector<16xf32>,
    %swap3A_523 = vector.shape_cast %swap3A_522 : vector<16xf32> to vector<16xf32>
    %swap3A_524 = vector.shape_cast %add3A_520 : vector<16xf32> to vector<16xf32>
    tpu.vector_store %arg11[%swap3A_521], %swap3A_524 {strides = array<i32>} : memref<1024xf32, #tpu.memory_space<vmem>>, vector<16xf32>,
    %get3A_525 = arith.constant 2 : i32
    %get3A_526 = arith.index_cast %get3A_525 : i32 to index
    %get3A_527 = arith.constant 32 : index
    %get3A_528 = tpu.vector_load %arg9[%get3A_526, %get3A_527] {strides = array<i32>} : memref<8x128xf32, #tpu.memory_space<vmem>>, vector<1x16xf32>,
    %get3A_529 = vector.shape_cast %get3A_528 : vector<1x16xf32> to vector<16xf32>
    %get3A_530 = arith.constant 2 : i32
    %get3A_531 = arith.index_cast %get3A_530 : i32 to index
    %get3A_532 = arith.constant 32 : index
    %get3A_533 = tpu.vector_load %arg10[%get3A_531, %get3A_532] {strides = array<i32>} : memref<8x128xf32, #tpu.memory_space<vmem>>, vector<1x16xf32>,
    %get3A_534 = vector.shape_cast %get3A_533 : vector<1x16xf32> to vector<16xf32>
    %add3A_535 = arith.addf %get3A_529, %get3A_534 : vector<16xf32>
    %swap3A_536 = arith.constant 288 : index
    %swap3A_537 = tpu.vector_load %arg11[%swap3A_536] {strides = array<i32>} : memref<1024xf32, #tpu.memory_space<vmem>>, vector<16xf32>,
    %swap3A_538 = vector.shape_cast %swap3A_537 : vector<16xf32> to vector<16xf32>
    %swap3A_539 = vector.shape_cast %add3A_535 : vector<16xf32> to vector<16xf32>
    tpu.vector_store %arg11[%swap3A_536], %swap3A_539 {strides = array<i32>} : memref<1024xf32, #tpu.memory_space<vmem>>, vector<16xf32>,
    %get3A_540 = arith.constant 2 : i32
    %get3A_541 = arith.index_cast %get3A_540 : i32 to index
    %get3A_542 = arith.constant 48 : index
    %get3A_543 = tpu.vector_load %arg9[%get3A_541, %get3A_542] {strides = array<i32>} : memref<8x128xf32, #tpu.memory_space<vmem>>, vector<1x16xf32>,
    %get3A_544 = vector.shape_cast %get3A_543 : vector<1x16xf32> to vector<16xf32>
    %get3A_545 = arith.constant 2 : i32
    %get3A_546 = arith.index_cast %get3A_545 : i32 to index
    %get3A_547 = arith.constant 48 : index
    %get3A_548 = tpu.vector_load %arg10[%get3A_546, %get3A_547] {strides = array<i32>} : memref<8x128xf32, #tpu.memory_space<vmem>>, vector<1x16xf32>,
    %get3A_549 = vector.shape_cast %get3A_548 : vector<1x16xf32> to vector<16xf32>
    %add3A_550 = arith.addf %get3A_544, %get3A_549 : vector<16xf32>
    %swap3A_551 = arith.constant 304 : index
    %swap3A_552 = tpu.vector_load %arg11[%swap3A_551] {strides = array<i32>} : memref<1024xf32, #tpu.memory_space<vmem>>, vector<16xf32>,
    %swap3A_553 = vector.shape_cast %swap3A_552 : vector<16xf32> to vector<16xf32>
    %swap3A_554 = vector.shape_cast %add3A_550 : vector<16xf32> to vector<16xf32>
    tpu.vector_store %arg11[%swap3A_551], %swap3A_554 {strides = array<i32>} : memref<1024xf32, #tpu.memory_space<vmem>>, vector<16xf32>,
    %get3A_555 = arith.constant 2 : i32
    %get3A_556 = arith.index_cast %get3A_555 : i32 to index
    %get3A_557 = arith.constant 64 : index
    %get3A_558 = tpu.vector_load %arg9[%get3A_556, %get3A_557] {strides = array<i32>} : memref<8x128xf32, #tpu.memory_space<vmem>>, vector<1x16xf32>,
    %get3A_559 = vector.shape_cast %get3A_558 : vector<1x16xf32> to vector<16xf32>
    %get3A_560 = arith.constant 2 : i32
    %get3A_561 = arith.index_cast %get3A_560 : i32 to index
    %get3A_562 = arith.constant 64 : index
    %get3A_563 = tpu.vector_load %arg10[%get3A_561, %get3A_562] {strides = array<i32>} : memref<8x128xf32, #tpu.memory_space<vmem>>, vector<1x16xf32>,
    %get3A_564 = vector.shape_cast %get3A_563 : vector<1x16xf32> to vector<16xf32>
    %add3A_565 = arith.addf %get3A_559, %get3A_564 : vector<16xf32>
    %swap3A_566 = arith.constant 320 : index
    %swap3A_567 = tpu.vector_load %arg11[%swap3A_566] {strides = array<i32>} : memref<1024xf32, #tpu.memory_space<vmem>>, vector<16xf32>,
    %swap3A_568 = vector.shape_cast %swap3A_567 : vector<16xf32> to vector<16xf32>
    %swap3A_569 = vector.shape_cast %add3A_565 : vector<16xf32> to vector<16xf32>
    tpu.vector_store %arg11[%swap3A_566], %swap3A_569 {strides = array<i32>} : memref<1024xf32, #tpu.memory_space<vmem>>, vector<16xf32>,
    %get3A_570 = arith.constant 2 : i32
    %get3A_571 = arith.index_cast %get3A_570 : i32 to index
    %get3A_572 = arith.constant 80 : index
    %get3A_573 = tpu.vector_load %arg9[%get3A_571, %get3A_572] {strides = array<i32>} : memref<8x128xf32, #tpu.memory_space<vmem>>, vector<1x16xf32>,
    %get3A_574 = vector.shape_cast %get3A_573 : vector<1x16xf32> to vector<16xf32>
    %get3A_575 = arith.constant 2 : i32
    %get3A_576 = arith.index_cast %get3A_575 : i32 to index
    %get3A_577 = arith.constant 80 : index
    %get3A_578 = tpu.vector_load %arg10[%get3A_576, %get3A_577] {strides = array<i32>} : memref<8x128xf32, #tpu.memory_space<vmem>>, vector<1x16xf32>,
    %get3A_579 = vector.shape_cast %get3A_578 : vector<1x16xf32> to vector<16xf32>
    %add3A_580 = arith.addf %get3A_574, %get3A_579 : vector<16xf32>
    %swap3A_581 = arith.constant 336 : index
    %swap3A_582 = tpu.vector_load %arg11[%swap3A_581] {strides = array<i32>} : memref<1024xf32, #tpu.memory_space<vmem>>, vector<16xf32>,
    %swap3A_583 = vector.shape_cast %swap3A_582 : vector<16xf32> to vector<16xf32>
    %swap3A_584 = vector.shape_cast %add3A_580 : vector<16xf32> to vector<16xf32>
    tpu.vector_store %arg11[%swap3A_581], %swap3A_584 {strides = array<i32>} : memref<1024xf32, #tpu.memory_space<vmem>>, vector<16xf32>,
    %get3A_585 = arith.constant 2 : i32
    %get3A_586 = arith.index_cast %get3A_585 : i32 to index
    %get3A_587 = arith.constant 96 : index
    %get3A_588 = tpu.vector_load %arg9[%get3A_586, %get3A_587] {strides = array<i32>} : memref<8x128xf32, #tpu.memory_space<vmem>>, vector<1x16xf32>,
    %get3A_589 = vector.shape_cast %get3A_588 : vector<1x16xf32> to vector<16xf32>
    %get3A_590 = arith.constant 2 : i32
    %get3A_591 = arith.index_cast %get3A_590 : i32 to index
    %get3A_592 = arith.constant 96 : index
    %get3A_593 = tpu.vector_load %arg10[%get3A_591, %get3A_592] {strides = array<i32>} : memref<8x128xf32, #tpu.memory_space<vmem>>, vector<1x16xf32>,
    %get3A_594 = vector.shape_cast %get3A_593 : vector<1x16xf32> to vector<16xf32>
    %add3A_595 = arith.addf %get3A_589, %get3A_594 : vector<16xf32>
    %swap3A_596 = arith.constant 352 : index
    %swap3A_597 = tpu.vector_load %arg11[%swap3A_596] {strides = array<i32>} : memref<1024xf32, #tpu.memory_space<vmem>>, vector<16xf32>,
    %swap3A_598 = vector.shape_cast %swap3A_597 : vector<16xf32> to vector<16xf32>
    %swap3A_599 = vector.shape_cast %add3A_595 : vector<16xf32> to vector<16xf32>
    tpu.vector_store %arg11[%swap3A_596], %swap3A_599 {strides = array<i32>} : memref<1024xf32, #tpu.memory_space<vmem>>, vector<16xf32>,
    %get3A_600 = arith.constant 2 : i32
    %get3A_601 = arith.index_cast %get3A_600 : i32 to index
    %get3A_602 = arith.constant 112 : index
    %get3A_603 = tpu.vector_load %arg9[%get3A_601, %get3A_602] {strides = array<i32>} : memref<8x128xf32, #tpu.memory_space<vmem>>, vector<1x16xf32>,
    %get3A_604 = vector.shape_cast %get3A_603 : vector<1x16xf32> to vector<16xf32>
    %get3A_605 = arith.constant 2 : i32
    %get3A_606 = arith.index_cast %get3A_605 : i32 to index
    %get3A_607 = arith.constant 112 : index
    %get3A_608 = tpu.vector_load %arg10[%get3A_606, %get3A_607] {strides = array<i32>} : memref<8x128xf32, #tpu.memory_space<vmem>>, vector<1x16xf32>,
    %get3A_609 = vector.shape_cast %get3A_608 : vector<1x16xf32> to vector<16xf32>
    %add3A_610 = arith.addf %get3A_604, %get3A_609 : vector<16xf32>
    %swap3A_611 = arith.constant 368 : index
    %swap3A_612 = tpu.vector_load %arg11[%swap3A_611] {strides = array<i32>} : memref<1024xf32, #tpu.memory_space<vmem>>, vector<16xf32>,
    %swap3A_613 = vector.shape_cast %swap3A_612 : vector<16xf32> to vector<16xf32>
    %swap3A_614 = vector.shape_cast %add3A_610 : vector<16xf32> to vector<16xf32>
    tpu.vector_store %arg11[%swap3A_611], %swap3A_614 {strides = array<i32>} : memref<1024xf32, #tpu.memory_space<vmem>>, vector<16xf32>,
    %get3A_615 = arith.constant 3 : i32
    %get3A_616 = arith.index_cast %get3A_615 : i32 to index
    %get3A_617 = arith.constant 0 : index
    %get3A_618 = tpu.vector_load %arg9[%get3A_616, %get3A_617] {strides = array<i32>} : memref<8x128xf32, #tpu.memory_space<vmem>>, vector<1x16xf32>,
    %get3A_619 = vector.shape_cast %get3A_618 : vector<1x16xf32> to vector<16xf32>
    %get3A_620 = arith.constant 3 : i32
    %get3A_621 = arith.index_cast %get3A_620 : i32 to index
    %get3A_622 = arith.constant 0 : index
    %get3A_623 = tpu.vector_load %arg10[%get3A_621, %get3A_622] {strides = array<i32>} : memref<8x128xf32, #tpu.memory_space<vmem>>, vector<1x16xf32>,
    %get3A_624 = vector.shape_cast %get3A_623 : vector<1x16xf32> to vector<16xf32>
    %add3A_625 = arith.addf %get3A_619, %get3A_624 : vector<16xf32>
    %swap3A_626 = arith.constant 384 : index
    %swap3A_627 = tpu.vector_load %arg11[%swap3A_626] {strides = array<i32>} : memref<1024xf32, #tpu.memory_space<vmem>>, vector<16xf32>,
    %swap3A_628 = vector.shape_cast %swap3A_627 : vector<16xf32> to vector<16xf32>
    %swap3A_629 = vector.shape_cast %add3A_625 : vector<16xf32> to vector<16xf32>
    tpu.vector_store %arg11[%swap3A_626], %swap3A_629 {strides = array<i32>} : memref<1024xf32, #tpu.memory_space<vmem>>, vector<16xf32>,
    %get3A_630 = arith.constant 3 : i32
    %get3A_631 = arith.index_cast %get3A_630 : i32 to index
    %get3A_632 = arith.constant 16 : index
    %get3A_633 = tpu.vector_load %arg9[%get3A_631, %get3A_632] {strides = array<i32>} : memref<8x128xf32, #tpu.memory_space<vmem>>, vector<1x16xf32>,
    %get3A_634 = vector.shape_cast %get3A_633 : vector<1x16xf32> to vector<16xf32>
    %get3A_635 = arith.constant 3 : i32
    %get3A_636 = arith.index_cast %get3A_635 : i32 to index
    %get3A_637 = arith.constant 16 : index
    %get3A_638 = tpu.vector_load %arg10[%get3A_636, %get3A_637] {strides = array<i32>} : memref<8x128xf32, #tpu.memory_space<vmem>>, vector<1x16xf32>,
    %get3A_639 = vector.shape_cast %get3A_638 : vector<1x16xf32> to vector<16xf32>
    %add3A_640 = arith.addf %get3A_634, %get3A_639 : vector<16xf32>
    %swap3A_641 = arith.constant 400 : index
    %swap3A_642 = tpu.vector_load %arg11[%swap3A_641] {strides = array<i32>} : memref<1024xf32, #tpu.memory_space<vmem>>, vector<16xf32>,
    %swap3A_643 = vector.shape_cast %swap3A_642 : vector<16xf32> to vector<16xf32>
    %swap3A_644 = vector.shape_cast %add3A_640 : vector<16xf32> to vector<16xf32>
    tpu.vector_store %arg11[%swap3A_641], %swap3A_644 {strides = array<i32>} : memref<1024xf32, #tpu.memory_space<vmem>>, vector<16xf32>,
    %get3A_645 = arith.constant 3 : i32
    %get3A_646 = arith.index_cast %get3A_645 : i32 to index
    %get3A_647 = arith.constant 32 : index
    %get3A_648 = tpu.vector_load %arg9[%get3A_646, %get3A_647] {strides = array<i32>} : memref<8x128xf32, #tpu.memory_space<vmem>>, vector<1x16xf32>,
    %get3A_649 = vector.shape_cast %get3A_648 : vector<1x16xf32> to vector<16xf32>
    %get3A_650 = arith.constant 3 : i32
    %get3A_651 = arith.index_cast %get3A_650 : i32 to index
    %get3A_652 = arith.constant 32 : index
    %get3A_653 = tpu.vector_load %arg10[%get3A_651, %get3A_652] {strides = array<i32>} : memref<8x128xf32, #tpu.memory_space<vmem>>, vector<1x16xf32>,
    %get3A_654 = vector.shape_cast %get3A_653 : vector<1x16xf32> to vector<16xf32>
    %add3A_655 = arith.addf %get3A_649, %get3A_654 : vector<16xf32>
    %swap3A_656 = arith.constant 416 : index
    %swap3A_657 = tpu.vector_load %arg11[%swap3A_656] {strides = array<i32>} : memref<1024xf32, #tpu.memory_space<vmem>>, vector<16xf32>,
    %swap3A_658 = vector.shape_cast %swap3A_657 : vector<16xf32> to vector<16xf32>
    %swap3A_659 = vector.shape_cast %add3A_655 : vector<16xf32> to vector<16xf32>
    tpu.vector_store %arg11[%swap3A_656], %swap3A_659 {strides = array<i32>} : memref<1024xf32, #tpu.memory_space<vmem>>, vector<16xf32>,
    %get3A_660 = arith.constant 3 : i32
    %get3A_661 = arith.index_cast %get3A_660 : i32 to index
    %get3A_662 = arith.constant 48 : index
    %get3A_663 = tpu.vector_load %arg9[%get3A_661, %get3A_662] {strides = array<i32>} : memref<8x128xf32, #tpu.memory_space<vmem>>, vector<1x16xf32>,
    %get3A_664 = vector.shape_cast %get3A_663 : vector<1x16xf32> to vector<16xf32>
    %get3A_665 = arith.constant 3 : i32
    %get3A_666 = arith.index_cast %get3A_665 : i32 to index
    %get3A_667 = arith.constant 48 : index
    %get3A_668 = tpu.vector_load %arg10[%get3A_666, %get3A_667] {strides = array<i32>} : memref<8x128xf32, #tpu.memory_space<vmem>>, vector<1x16xf32>,
    %get3A_669 = vector.shape_cast %get3A_668 : vector<1x16xf32> to vector<16xf32>
    %add3A_670 = arith.addf %get3A_664, %get3A_669 : vector<16xf32>
    %swap3A_671 = arith.constant 432 : index
    %swap3A_672 = tpu.vector_load %arg11[%swap3A_671] {strides = array<i32>} : memref<1024xf32, #tpu.memory_space<vmem>>, vector<16xf32>,
    %swap3A_673 = vector.shape_cast %swap3A_672 : vector<16xf32> to vector<16xf32>
    %swap3A_674 = vector.shape_cast %add3A_670 : vector<16xf32> to vector<16xf32>
    tpu.vector_store %arg11[%swap3A_671], %swap3A_674 {strides = array<i32>} : memref<1024xf32, #tpu.memory_space<vmem>>, vector<16xf32>,
    %get3A_675 = arith.constant 3 : i32
    %get3A_676 = arith.index_cast %get3A_675 : i32 to index
    %get3A_677 = arith.constant 64 : index
    %get3A_678 = tpu.vector_load %arg9[%get3A_676, %get3A_677] {strides = array<i32>} : memref<8x128xf32, #tpu.memory_space<vmem>>, vector<1x16xf32>,
    %get3A_679 = vector.shape_cast %get3A_678 : vector<1x16xf32> to vector<16xf32>
    %get3A_680 = arith.constant 3 : i32
    %get3A_681 = arith.index_cast %get3A_680 : i32 to index
    %get3A_682 = arith.constant 64 : index
    %get3A_683 = tpu.vector_load %arg10[%get3A_681, %get3A_682] {strides = array<i32>} : memref<8x128xf32, #tpu.memory_space<vmem>>, vector<1x16xf32>,
    %get3A_684 = vector.shape_cast %get3A_683 : vector<1x16xf32> to vector<16xf32>
    %add3A_685 = arith.addf %get3A_679, %get3A_684 : vector<16xf32>
    %swap3A_686 = arith.constant 448 : index
    %swap3A_687 = tpu.vector_load %arg11[%swap3A_686] {strides = array<i32>} : memref<1024xf32, #tpu.memory_space<vmem>>, vector<16xf32>,
    %swap3A_688 = vector.shape_cast %swap3A_687 : vector<16xf32> to vector<16xf32>
    %swap3A_689 = vector.shape_cast %add3A_685 : vector<16xf32> to vector<16xf32>
    tpu.vector_store %arg11[%swap3A_686], %swap3A_689 {strides = array<i32>} : memref<1024xf32, #tpu.memory_space<vmem>>, vector<16xf32>,
    %get3A_690 = arith.constant 3 : i32
    %get3A_691 = arith.index_cast %get3A_690 : i32 to index
    %get3A_692 = arith.constant 80 : index
    %get3A_693 = tpu.vector_load %arg9[%get3A_691, %get3A_692] {strides = array<i32>} : memref<8x128xf32, #tpu.memory_space<vmem>>, vector<1x16xf32>,
    %get3A_694 = vector.shape_cast %get3A_693 : vector<1x16xf32> to vector<16xf32>
    %get3A_695 = arith.constant 3 : i32
    %get3A_696 = arith.index_cast %get3A_695 : i32 to index
    %get3A_697 = arith.constant 80 : index
    %get3A_698 = tpu.vector_load %arg10[%get3A_696, %get3A_697] {strides = array<i32>} : memref<8x128xf32, #tpu.memory_space<vmem>>, vector<1x16xf32>,
    %get3A_699 = vector.shape_cast %get3A_698 : vector<1x16xf32> to vector<16xf32>
    %add3A_700 = arith.addf %get3A_694, %get3A_699 : vector<16xf32>
    %swap3A_701 = arith.constant 464 : index
    %swap3A_702 = tpu.vector_load %arg11[%swap3A_701] {strides = array<i32>} : memref<1024xf32, #tpu.memory_space<vmem>>, vector<16xf32>,
    %swap3A_703 = vector.shape_cast %swap3A_702 : vector<16xf32> to vector<16xf32>
    %swap3A_704 = vector.shape_cast %add3A_700 : vector<16xf32> to vector<16xf32>
    tpu.vector_store %arg11[%swap3A_701], %swap3A_704 {strides = array<i32>} : memref<1024xf32, #tpu.memory_space<vmem>>, vector<16xf32>,
    %get3A_705 = arith.constant 3 : i32
    %get3A_706 = arith.index_cast %get3A_705 : i32 to index
    %get3A_707 = arith.constant 96 : index
    %get3A_708 = tpu.vector_load %arg9[%get3A_706, %get3A_707] {strides = array<i32>} : memref<8x128xf32, #tpu.memory_space<vmem>>, vector<1x16xf32>,
    %get3A_709 = vector.shape_cast %get3A_708 : vector<1x16xf32> to vector<16xf32>
    %get3A_710 = arith.constant 3 : i32
    %get3A_711 = arith.index_cast %get3A_710 : i32 to index
    %get3A_712 = arith.constant 96 : index
    %get3A_713 = tpu.vector_load %arg10[%get3A_711, %get3A_712] {strides = array<i32>} : memref<8x128xf32, #tpu.memory_space<vmem>>, vector<1x16xf32>,
    %get3A_714 = vector.shape_cast %get3A_713 : vector<1x16xf32> to vector<16xf32>
    %add3A_715 = arith.addf %get3A_709, %get3A_714 : vector<16xf32>
    %swap3A_716 = arith.constant 480 : index
    %swap3A_717 = tpu.vector_load %arg11[%swap3A_716] {strides = array<i32>} : memref<1024xf32, #tpu.memory_space<vmem>>, vector<16xf32>,
    %swap3A_718 = vector.shape_cast %swap3A_717 : vector<16xf32> to vector<16xf32>
    %swap3A_719 = vector.shape_cast %add3A_715 : vector<16xf32> to vector<16xf32>
    tpu.vector_store %arg11[%swap3A_716], %swap3A_719 {strides = array<i32>} : memref<1024xf32, #tpu.memory_space<vmem>>, vector<16xf32>,
    %get3A_720 = arith.constant 3 : i32
    %get3A_721 = arith.index_cast %get3A_720 : i32 to index
    %get3A_722 = arith.constant 112 : index
    %get3A_723 = tpu.vector_load %arg9[%get3A_721, %get3A_722] {strides = array<i32>} : memref<8x128xf32, #tpu.memory_space<vmem>>, vector<1x16xf32>,
    %get3A_724 = vector.shape_cast %get3A_723 : vector<1x16xf32> to vector<16xf32>
    %get3A_725 = arith.constant 3 : i32
    %get3A_726 = arith.index_cast %get3A_725 : i32 to index
    %get3A_727 = arith.constant 112 : index
    %get3A_728 = tpu.vector_load %arg10[%get3A_726, %get3A_727] {strides = array<i32>} : memref<8x128xf32, #tpu.memory_space<vmem>>, vector<1x16xf32>,
    %get3A_729 = vector.shape_cast %get3A_728 : vector<1x16xf32> to vector<16xf32>
    %add3A_730 = arith.addf %get3A_724, %get3A_729 : vector<16xf32>
    %swap3A_731 = arith.constant 496 : index
    %swap3A_732 = tpu.vector_load %arg11[%swap3A_731] {strides = array<i32>} : memref<1024xf32, #tpu.memory_space<vmem>>, vector<16xf32>,
    %swap3A_733 = vector.shape_cast %swap3A_732 : vector<16xf32> to vector<16xf32>
    %swap3A_734 = vector.shape_cast %add3A_730 : vector<16xf32> to vector<16xf32>
    tpu.vector_store %arg11[%swap3A_731], %swap3A_734 {strides = array<i32>} : memref<1024xf32, #tpu.memory_space<vmem>>, vector<16xf32>,
    %get3A_735 = arith.constant 4 : i32
    %get3A_736 = arith.index_cast %get3A_735 : i32 to index
    %get3A_737 = arith.constant 0 : index
    %get3A_738 = tpu.vector_load %arg9[%get3A_736, %get3A_737] {strides = array<i32>} : memref<8x128xf32, #tpu.memory_space<vmem>>, vector<1x16xf32>,
    %get3A_739 = vector.shape_cast %get3A_738 : vector<1x16xf32> to vector<16xf32>
    %get3A_740 = arith.constant 4 : i32
    %get3A_741 = arith.index_cast %get3A_740 : i32 to index
    %get3A_742 = arith.constant 0 : index
    %get3A_743 = tpu.vector_load %arg10[%get3A_741, %get3A_742] {strides = array<i32>} : memref<8x128xf32, #tpu.memory_space<vmem>>, vector<1x16xf32>,
    %get3A_744 = vector.shape_cast %get3A_743 : vector<1x16xf32> to vector<16xf32>
    %add3A_745 = arith.addf %get3A_739, %get3A_744 : vector<16xf32>
    %swap3A_746 = arith.constant 512 : index
    %swap3A_747 = tpu.vector_load %arg11[%swap3A_746] {strides = array<i32>} : memref<1024xf32, #tpu.memory_space<vmem>>, vector<16xf32>,
    %swap3A_748 = vector.shape_cast %swap3A_747 : vector<16xf32> to vector<16xf32>
    %swap3A_749 = vector.shape_cast %add3A_745 : vector<16xf32> to vector<16xf32>
    tpu.vector_store %arg11[%swap3A_746], %swap3A_749 {strides = array<i32>} : memref<1024xf32, #tpu.memory_space<vmem>>, vector<16xf32>,
    %get3A_750 = arith.constant 4 : i32
    %get3A_751 = arith.index_cast %get3A_750 : i32 to index
    %get3A_752 = arith.constant 16 : index
    %get3A_753 = tpu.vector_load %arg9[%get3A_751, %get3A_752] {strides = array<i32>} : memref<8x128xf32, #tpu.memory_space<vmem>>, vector<1x16xf32>,
    %get3A_754 = vector.shape_cast %get3A_753 : vector<1x16xf32> to vector<16xf32>
    %get3A_755 = arith.constant 4 : i32
    %get3A_756 = arith.index_cast %get3A_755 : i32 to index
    %get3A_757 = arith.constant 16 : index
    %get3A_758 = tpu.vector_load %arg10[%get3A_756, %get3A_757] {strides = array<i32>} : memref<8x128xf32, #tpu.memory_space<vmem>>, vector<1x16xf32>,
    %get3A_759 = vector.shape_cast %get3A_758 : vector<1x16xf32> to vector<16xf32>
    %add3A_760 = arith.addf %get3A_754, %get3A_759 : vector<16xf32>
    %swap3A_761 = arith.constant 528 : index
    %swap3A_762 = tpu.vector_load %arg11[%swap3A_761] {strides = array<i32>} : memref<1024xf32, #tpu.memory_space<vmem>>, vector<16xf32>,
    %swap3A_763 = vector.shape_cast %swap3A_762 : vector<16xf32> to vector<16xf32>
    %swap3A_764 = vector.shape_cast %add3A_760 : vector<16xf32> to vector<16xf32>
    tpu.vector_store %arg11[%swap3A_761], %swap3A_764 {strides = array<i32>} : memref<1024xf32, #tpu.memory_space<vmem>>, vector<16xf32>,
    %get3A_765 = arith.constant 4 : i32
    %get3A_766 = arith.index_cast %get3A_765 : i32 to index
    %get3A_767 = arith.constant 32 : index
    %get3A_768 = tpu.vector_load %arg9[%get3A_766, %get3A_767] {strides = array<i32>} : memref<8x128xf32, #tpu.memory_space<vmem>>, vector<1x16xf32>,
    %get3A_769 = vector.shape_cast %get3A_768 : vector<1x16xf32> to vector<16xf32>
    %get3A_770 = arith.constant 4 : i32
    %get3A_771 = arith.index_cast %get3A_770 : i32 to index
    %get3A_772 = arith.constant 32 : index
    %get3A_773 = tpu.vector_load %arg10[%get3A_771, %get3A_772] {strides = array<i32>} : memref<8x128xf32, #tpu.memory_space<vmem>>, vector<1x16xf32>,
    %get3A_774 = vector.shape_cast %get3A_773 : vector<1x16xf32> to vector<16xf32>
    %add3A_775 = arith.addf %get3A_769, %get3A_774 : vector<16xf32>
    %swap3A_776 = arith.constant 544 : index
    %swap3A_777 = tpu.vector_load %arg11[%swap3A_776] {strides = array<i32>} : memref<1024xf32, #tpu.memory_space<vmem>>, vector<16xf32>,
    %swap3A_778 = vector.shape_cast %swap3A_777 : vector<16xf32> to vector<16xf32>
    %swap3A_779 = vector.shape_cast %add3A_775 : vector<16xf32> to vector<16xf32>
    tpu.vector_store %arg11[%swap3A_776], %swap3A_779 {strides = array<i32>} : memref<1024xf32, #tpu.memory_space<vmem>>, vector<16xf32>,
    %get3A_780 = arith.constant 4 : i32
    %get3A_781 = arith.index_cast %get3A_780 : i32 to index
    %get3A_782 = arith.constant 48 : index
    %get3A_783 = tpu.vector_load %arg9[%get3A_781, %get3A_782] {strides = array<i32>} : memref<8x128xf32, #tpu.memory_space<vmem>>, vector<1x16xf32>,
    %get3A_784 = vector.shape_cast %get3A_783 : vector<1x16xf32> to vector<16xf32>
    %get3A_785 = arith.constant 4 : i32
    %get3A_786 = arith.index_cast %get3A_785 : i32 to index
    %get3A_787 = arith.constant 48 : index
    %get3A_788 = tpu.vector_load %arg10[%get3A_786, %get3A_787] {strides = array<i32>} : memref<8x128xf32, #tpu.memory_space<vmem>>, vector<1x16xf32>,
    %get3A_789 = vector.shape_cast %get3A_788 : vector<1x16xf32> to vector<16xf32>
    %add3A_790 = arith.addf %get3A_784, %get3A_789 : vector<16xf32>
    %swap3A_791 = arith.constant 560 : index
    %swap3A_792 = tpu.vector_load %arg11[%swap3A_791] {strides = array<i32>} : memref<1024xf32, #tpu.memory_space<vmem>>, vector<16xf32>,
    %swap3A_793 = vector.shape_cast %swap3A_792 : vector<16xf32> to vector<16xf32>
    %swap3A_794 = vector.shape_cast %add3A_790 : vector<16xf32> to vector<16xf32>
    tpu.vector_store %arg11[%swap3A_791], %swap3A_794 {strides = array<i32>} : memref<1024xf32, #tpu.memory_space<vmem>>, vector<16xf32>,
    %get3A_795 = arith.constant 4 : i32
    %get3A_796 = arith.index_cast %get3A_795 : i32 to index
    %get3A_797 = arith.constant 64 : index
    %get3A_798 = tpu.vector_load %arg9[%get3A_796, %get3A_797] {strides = array<i32>} : memref<8x128xf32, #tpu.memory_space<vmem>>, vector<1x16xf32>,
    %get3A_799 = vector.shape_cast %get3A_798 : vector<1x16xf32> to vector<16xf32>
    %get3A_800 = arith.constant 4 : i32
    %get3A_801 = arith.index_cast %get3A_800 : i32 to index
    %get3A_802 = arith.constant 64 : index
    %get3A_803 = tpu.vector_load %arg10[%get3A_801, %get3A_802] {strides = array<i32>} : memref<8x128xf32, #tpu.memory_space<vmem>>, vector<1x16xf32>,
    %get3A_804 = vector.shape_cast %get3A_803 : vector<1x16xf32> to vector<16xf32>
    %add3A_805 = arith.addf %get3A_799, %get3A_804 : vector<16xf32>
    %swap3A_806 = arith.constant 576 : index
    %swap3A_807 = tpu.vector_load %arg11[%swap3A_806] {strides = array<i32>} : memref<1024xf32, #tpu.memory_space<vmem>>, vector<16xf32>,
    %swap3A_808 = vector.shape_cast %swap3A_807 : vector<16xf32> to vector<16xf32>
    %swap3A_809 = vector.shape_cast %add3A_805 : vector<16xf32> to vector<16xf32>
    tpu.vector_store %arg11[%swap3A_806], %swap3A_809 {strides = array<i32>} : memref<1024xf32, #tpu.memory_space<vmem>>, vector<16xf32>,
    %get3A_810 = arith.constant 4 : i32
    %get3A_811 = arith.index_cast %get3A_810 : i32 to index
    %get3A_812 = arith.constant 80 : index
    %get3A_813 = tpu.vector_load %arg9[%get3A_811, %get3A_812] {strides = array<i32>} : memref<8x128xf32, #tpu.memory_space<vmem>>, vector<1x16xf32>,
    %get3A_814 = vector.shape_cast %get3A_813 : vector<1x16xf32> to vector<16xf32>
    %get3A_815 = arith.constant 4 : i32
    %get3A_816 = arith.index_cast %get3A_815 : i32 to index
    %get3A_817 = arith.constant 80 : index
    %get3A_818 = tpu.vector_load %arg10[%get3A_816, %get3A_817] {strides = array<i32>} : memref<8x128xf32, #tpu.memory_space<vmem>>, vector<1x16xf32>,
    %get3A_819 = vector.shape_cast %get3A_818 : vector<1x16xf32> to vector<16xf32>
    %add3A_820 = arith.addf %get3A_814, %get3A_819 : vector<16xf32>
    %swap3A_821 = arith.constant 592 : index
    %swap3A_822 = tpu.vector_load %arg11[%swap3A_821] {strides = array<i32>} : memref<1024xf32, #tpu.memory_space<vmem>>, vector<16xf32>,
    %swap3A_823 = vector.shape_cast %swap3A_822 : vector<16xf32> to vector<16xf32>
    %swap3A_824 = vector.shape_cast %add3A_820 : vector<16xf32> to vector<16xf32>
    tpu.vector_store %arg11[%swap3A_821], %swap3A_824 {strides = array<i32>} : memref<1024xf32, #tpu.memory_space<vmem>>, vector<16xf32>,
    %get3A_825 = arith.constant 4 : i32
    %get3A_826 = arith.index_cast %get3A_825 : i32 to index
    %get3A_827 = arith.constant 96 : index
    %get3A_828 = tpu.vector_load %arg9[%get3A_826, %get3A_827] {strides = array<i32>} : memref<8x128xf32, #tpu.memory_space<vmem>>, vector<1x16xf32>,
    %get3A_829 = vector.shape_cast %get3A_828 : vector<1x16xf32> to vector<16xf32>
    %get3A_830 = arith.constant 4 : i32
    %get3A_831 = arith.index_cast %get3A_830 : i32 to index
    %get3A_832 = arith.constant 96 : index
    %get3A_833 = tpu.vector_load %arg10[%get3A_831, %get3A_832] {strides = array<i32>} : memref<8x128xf32, #tpu.memory_space<vmem>>, vector<1x16xf32>,
    %get3A_834 = vector.shape_cast %get3A_833 : vector<1x16xf32> to vector<16xf32>
    %add3A_835 = arith.addf %get3A_829, %get3A_834 : vector<16xf32>
    %swap3A_836 = arith.constant 608 : index
    %swap3A_837 = tpu.vector_load %arg11[%swap3A_836] {strides = array<i32>} : memref<1024xf32, #tpu.memory_space<vmem>>, vector<16xf32>,
    %swap3A_838 = vector.shape_cast %swap3A_837 : vector<16xf32> to vector<16xf32>
    %swap3A_839 = vector.shape_cast %add3A_835 : vector<16xf32> to vector<16xf32>
    tpu.vector_store %arg11[%swap3A_836], %swap3A_839 {strides = array<i32>} : memref<1024xf32, #tpu.memory_space<vmem>>, vector<16xf32>,
    %get3A_840 = arith.constant 4 : i32
    %get3A_841 = arith.index_cast %get3A_840 : i32 to index
    %get3A_842 = arith.constant 112 : index
    %get3A_843 = tpu.vector_load %arg9[%get3A_841, %get3A_842] {strides = array<i32>} : memref<8x128xf32, #tpu.memory_space<vmem>>, vector<1x16xf32>,
    %get3A_844 = vector.shape_cast %get3A_843 : vector<1x16xf32> to vector<16xf32>
    %get3A_845 = arith.constant 4 : i32
    %get3A_846 = arith.index_cast %get3A_845 : i32 to index
    %get3A_847 = arith.constant 112 : index
    %get3A_848 = tpu.vector_load %arg10[%get3A_846, %get3A_847] {strides = array<i32>} : memref<8x128xf32, #tpu.memory_space<vmem>>, vector<1x16xf32>,
    %get3A_849 = vector.shape_cast %get3A_848 : vector<1x16xf32> to vector<16xf32>
    %add3A_850 = arith.addf %get3A_844, %get3A_849 : vector<16xf32>
    %swap3A_851 = arith.constant 624 : index
    %swap3A_852 = tpu.vector_load %arg11[%swap3A_851] {strides = array<i32>} : memref<1024xf32, #tpu.memory_space<vmem>>, vector<16xf32>,
    %swap3A_853 = vector.shape_cast %swap3A_852 : vector<16xf32> to vector<16xf32>
    %swap3A_854 = vector.shape_cast %add3A_850 : vector<16xf32> to vector<16xf32>
    tpu.vector_store %arg11[%swap3A_851], %swap3A_854 {strides = array<i32>} : memref<1024xf32, #tpu.memory_space<vmem>>, vector<16xf32>,
    %get3A_855 = arith.constant 5 : i32
    %get3A_856 = arith.index_cast %get3A_855 : i32 to index
    %get3A_857 = arith.constant 0 : index
    %get3A_858 = tpu.vector_load %arg9[%get3A_856, %get3A_857] {strides = array<i32>} : memref<8x128xf32, #tpu.memory_space<vmem>>, vector<1x16xf32>,
    %get3A_859 = vector.shape_cast %get3A_858 : vector<1x16xf32> to vector<16xf32>
    %get3A_860 = arith.constant 5 : i32
    %get3A_861 = arith.index_cast %get3A_860 : i32 to index
    %get3A_862 = arith.constant 0 : index
    %get3A_863 = tpu.vector_load %arg10[%get3A_861, %get3A_862] {strides = array<i32>} : memref<8x128xf32, #tpu.memory_space<vmem>>, vector<1x16xf32>,
    %get3A_864 = vector.shape_cast %get3A_863 : vector<1x16xf32> to vector<16xf32>
    %add3A_865 = arith.addf %get3A_859, %get3A_864 : vector<16xf32>
    %swap3A_866 = arith.constant 640 : index
    %swap3A_867 = tpu.vector_load %arg11[%swap3A_866] {strides = array<i32>} : memref<1024xf32, #tpu.memory_space<vmem>>, vector<16xf32>,
    %swap3A_868 = vector.shape_cast %swap3A_867 : vector<16xf32> to vector<16xf32>
    %swap3A_869 = vector.shape_cast %add3A_865 : vector<16xf32> to vector<16xf32>
    tpu.vector_store %arg11[%swap3A_866], %swap3A_869 {strides = array<i32>} : memref<1024xf32, #tpu.memory_space<vmem>>, vector<16xf32>,
    %get3A_870 = arith.constant 5 : i32
    %get3A_871 = arith.index_cast %get3A_870 : i32 to index
    %get3A_872 = arith.constant 16 : index
    %get3A_873 = tpu.vector_load %arg9[%get3A_871, %get3A_872] {strides = array<i32>} : memref<8x128xf32, #tpu.memory_space<vmem>>, vector<1x16xf32>,
    %get3A_874 = vector.shape_cast %get3A_873 : vector<1x16xf32> to vector<16xf32>
    %get3A_875 = arith.constant 5 : i32
    %get3A_876 = arith.index_cast %get3A_875 : i32 to index
    %get3A_877 = arith.constant 16 : index
    %get3A_878 = tpu.vector_load %arg10[%get3A_876, %get3A_877] {strides = array<i32>} : memref<8x128xf32, #tpu.memory_space<vmem>>, vector<1x16xf32>,
    %get3A_879 = vector.shape_cast %get3A_878 : vector<1x16xf32> to vector<16xf32>
    %add3A_880 = arith.addf %get3A_874, %get3A_879 : vector<16xf32>
    %swap3A_881 = arith.constant 656 : index
    %swap3A_882 = tpu.vector_load %arg11[%swap3A_881] {strides = array<i32>} : memref<1024xf32, #tpu.memory_space<vmem>>, vector<16xf32>,
    %swap3A_883 = vector.shape_cast %swap3A_882 : vector<16xf32> to vector<16xf32>
    %swap3A_884 = vector.shape_cast %add3A_880 : vector<16xf32> to vector<16xf32>
    tpu.vector_store %arg11[%swap3A_881], %swap3A_884 {strides = array<i32>} : memref<1024xf32, #tpu.memory_space<vmem>>, vector<16xf32>,
    %get3A_885 = arith.constant 5 : i32
    %get3A_886 = arith.index_cast %get3A_885 : i32 to index
    %get3A_887 = arith.constant 32 : index
    %get3A_888 = tpu.vector_load %arg9[%get3A_886, %get3A_887] {strides = array<i32>} : memref<8x128xf32, #tpu.memory_space<vmem>>, vector<1x16xf32>,
    %get3A_889 = vector.shape_cast %get3A_888 : vector<1x16xf32> to vector<16xf32>
    %get3A_890 = arith.constant 5 : i32
    %get3A_891 = arith.index_cast %get3A_890 : i32 to index
    %get3A_892 = arith.constant 32 : index
    %get3A_893 = tpu.vector_load %arg10[%get3A_891, %get3A_892] {strides = array<i32>} : memref<8x128xf32, #tpu.memory_space<vmem>>, vector<1x16xf32>,
    %get3A_894 = vector.shape_cast %get3A_893 : vector<1x16xf32> to vector<16xf32>
    %add3A_895 = arith.addf %get3A_889, %get3A_894 : vector<16xf32>
    %swap3A_896 = arith.constant 672 : index
    %swap3A_897 = tpu.vector_load %arg11[%swap3A_896] {strides = array<i32>} : memref<1024xf32, #tpu.memory_space<vmem>>, vector<16xf32>,
    %swap3A_898 = vector.shape_cast %swap3A_897 : vector<16xf32> to vector<16xf32>
    %swap3A_899 = vector.shape_cast %add3A_895 : vector<16xf32> to vector<16xf32>
    tpu.vector_store %arg11[%swap3A_896], %swap3A_899 {strides = array<i32>} : memref<1024xf32, #tpu.memory_space<vmem>>, vector<16xf32>,
    %get3A_900 = arith.constant 5 : i32
    %get3A_901 = arith.index_cast %get3A_900 : i32 to index
    %get3A_902 = arith.constant 48 : index
    %get3A_903 = tpu.vector_load %arg9[%get3A_901, %get3A_902] {strides = array<i32>} : memref<8x128xf32, #tpu.memory_space<vmem>>, vector<1x16xf32>,
    %get3A_904 = vector.shape_cast %get3A_903 : vector<1x16xf32> to vector<16xf32>
    %get3A_905 = arith.constant 5 : i32
    %get3A_906 = arith.index_cast %get3A_905 : i32 to index
    %get3A_907 = arith.constant 48 : index
    %get3A_908 = tpu.vector_load %arg10[%get3A_906, %get3A_907] {strides = array<i32>} : memref<8x128xf32, #tpu.memory_space<vmem>>, vector<1x16xf32>,
    %get3A_909 = vector.shape_cast %get3A_908 : vector<1x16xf32> to vector<16xf32>
    %add3A_910 = arith.addf %get3A_904, %get3A_909 : vector<16xf32>
    %swap3A_911 = arith.constant 688 : index
    %swap3A_912 = tpu.vector_load %arg11[%swap3A_911] {strides = array<i32>} : memref<1024xf32, #tpu.memory_space<vmem>>, vector<16xf32>,
    %swap3A_913 = vector.shape_cast %swap3A_912 : vector<16xf32> to vector<16xf32>
    %swap3A_914 = vector.shape_cast %add3A_910 : vector<16xf32> to vector<16xf32>
    tpu.vector_store %arg11[%swap3A_911], %swap3A_914 {strides = array<i32>} : memref<1024xf32, #tpu.memory_space<vmem>>, vector<16xf32>,
    %get3A_915 = arith.constant 5 : i32
    %get3A_916 = arith.index_cast %get3A_915 : i32 to index
    %get3A_917 = arith.constant 64 : index
    %get3A_918 = tpu.vector_load %arg9[%get3A_916, %get3A_917] {strides = array<i32>} : memref<8x128xf32, #tpu.memory_space<vmem>>, vector<1x16xf32>,
    %get3A_919 = vector.shape_cast %get3A_918 : vector<1x16xf32> to vector<16xf32>
    %get3A_920 = arith.constant 5 : i32
    %get3A_921 = arith.index_cast %get3A_920 : i32 to index
    %get3A_922 = arith.constant 64 : index
    %get3A_923 = tpu.vector_load %arg10[%get3A_921, %get3A_922] {strides = array<i32>} : memref<8x128xf32, #tpu.memory_space<vmem>>, vector<1x16xf32>,
    %get3A_924 = vector.shape_cast %get3A_923 : vector<1x16xf32> to vector<16xf32>
    %add3A_925 = arith.addf %get3A_919, %get3A_924 : vector<16xf32>
    %swap3A_926 = arith.constant 704 : index
    %swap3A_927 = tpu.vector_load %arg11[%swap3A_926] {strides = array<i32>} : memref<1024xf32, #tpu.memory_space<vmem>>, vector<16xf32>,
    %swap3A_928 = vector.shape_cast %swap3A_927 : vector<16xf32> to vector<16xf32>
    %swap3A_929 = vector.shape_cast %add3A_925 : vector<16xf32> to vector<16xf32>
    tpu.vector_store %arg11[%swap3A_926], %swap3A_929 {strides = array<i32>} : memref<1024xf32, #tpu.memory_space<vmem>>, vector<16xf32>,
    %get3A_930 = arith.constant 5 : i32
    %get3A_931 = arith.index_cast %get3A_930 : i32 to index
    %get3A_932 = arith.constant 80 : index
    %get3A_933 = tpu.vector_load %arg9[%get3A_931, %get3A_932] {strides = array<i32>} : memref<8x128xf32, #tpu.memory_space<vmem>>, vector<1x16xf32>,
    %get3A_934 = vector.shape_cast %get3A_933 : vector<1x16xf32> to vector<16xf32>
    %get3A_935 = arith.constant 5 : i32
    %get3A_936 = arith.index_cast %get3A_935 : i32 to index
    %get3A_937 = arith.constant 80 : index
    %get3A_938 = tpu.vector_load %arg10[%get3A_936, %get3A_937] {strides = array<i32>} : memref<8x128xf32, #tpu.memory_space<vmem>>, vector<1x16xf32>,
    %get3A_939 = vector.shape_cast %get3A_938 : vector<1x16xf32> to vector<16xf32>
    %add3A_940 = arith.addf %get3A_934, %get3A_939 : vector<16xf32>
    %swap3A_941 = arith.constant 720 : index
    %swap3A_942 = tpu.vector_load %arg11[%swap3A_941] {strides = array<i32>} : memref<1024xf32, #tpu.memory_space<vmem>>, vector<16xf32>,
    %swap3A_943 = vector.shape_cast %swap3A_942 : vector<16xf32> to vector<16xf32>
    %swap3A_944 = vector.shape_cast %add3A_940 : vector<16xf32> to vector<16xf32>
    tpu.vector_store %arg11[%swap3A_941], %swap3A_944 {strides = array<i32>} : memref<1024xf32, #tpu.memory_space<vmem>>, vector<16xf32>,
    %get3A_945 = arith.constant 5 : i32
    %get3A_946 = arith.index_cast %get3A_945 : i32 to index
    %get3A_947 = arith.constant 96 : index
    %get3A_948 = tpu.vector_load %arg9[%get3A_946, %get3A_947] {strides = array<i32>} : memref<8x128xf32, #tpu.memory_space<vmem>>, vector<1x16xf32>,
    %get3A_949 = vector.shape_cast %get3A_948 : vector<1x16xf32> to vector<16xf32>
    %get3A_950 = arith.constant 5 : i32
    %get3A_951 = arith.index_cast %get3A_950 : i32 to index
    %get3A_952 = arith.constant 96 : index
    %get3A_953 = tpu.vector_load %arg10[%get3A_951, %get3A_952] {strides = array<i32>} : memref<8x128xf32, #tpu.memory_space<vmem>>, vector<1x16xf32>,
    %get3A_954 = vector.shape_cast %get3A_953 : vector<1x16xf32> to vector<16xf32>
    %add3A_955 = arith.addf %get3A_949, %get3A_954 : vector<16xf32>
    %swap3A_956 = arith.constant 736 : index
    %swap3A_957 = tpu.vector_load %arg11[%swap3A_956] {strides = array<i32>} : memref<1024xf32, #tpu.memory_space<vmem>>, vector<16xf32>,
    %swap3A_958 = vector.shape_cast %swap3A_957 : vector<16xf32> to vector<16xf32>
    %swap3A_959 = vector.shape_cast %add3A_955 : vector<16xf32> to vector<16xf32>
    tpu.vector_store %arg11[%swap3A_956], %swap3A_959 {strides = array<i32>} : memref<1024xf32, #tpu.memory_space<vmem>>, vector<16xf32>,
    %get3A_960 = arith.constant 5 : i32
    %get3A_961 = arith.index_cast %get3A_960 : i32 to index
    %get3A_962 = arith.constant 112 : index
    %get3A_963 = tpu.vector_load %arg9[%get3A_961, %get3A_962] {strides = array<i32>} : memref<8x128xf32, #tpu.memory_space<vmem>>, vector<1x16xf32>,
    %get3A_964 = vector.shape_cast %get3A_963 : vector<1x16xf32> to vector<16xf32>
    %get3A_965 = arith.constant 5 : i32
    %get3A_966 = arith.index_cast %get3A_965 : i32 to index
    %get3A_967 = arith.constant 112 : index
    %get3A_968 = tpu.vector_load %arg10[%get3A_966, %get3A_967] {strides = array<i32>} : memref<8x128xf32, #tpu.memory_space<vmem>>, vector<1x16xf32>,
    %get3A_969 = vector.shape_cast %get3A_968 : vector<1x16xf32> to vector<16xf32>
    %add3A_970 = arith.addf %get3A_964, %get3A_969 : vector<16xf32>
    %swap3A_971 = arith.constant 752 : index
    %swap3A_972 = tpu.vector_load %arg11[%swap3A_971] {strides = array<i32>} : memref<1024xf32, #tpu.memory_space<vmem>>, vector<16xf32>,
    %swap3A_973 = vector.shape_cast %swap3A_972 : vector<16xf32> to vector<16xf32>
    %swap3A_974 = vector.shape_cast %add3A_970 : vector<16xf32> to vector<16xf32>
    tpu.vector_store %arg11[%swap3A_971], %swap3A_974 {strides = array<i32>} : memref<1024xf32, #tpu.memory_space<vmem>>, vector<16xf32>,
    %get3A_975 = arith.constant 6 : i32
    %get3A_976 = arith.index_cast %get3A_975 : i32 to index
    %get3A_977 = arith.constant 0 : index
    %get3A_978 = tpu.vector_load %arg9[%get3A_976, %get3A_977] {strides = array<i32>} : memref<8x128xf32, #tpu.memory_space<vmem>>, vector<1x16xf32>,
    %get3A_979 = vector.shape_cast %get3A_978 : vector<1x16xf32> to vector<16xf32>
    %get3A_980 = arith.constant 6 : i32
    %get3A_981 = arith.index_cast %get3A_980 : i32 to index
    %get3A_982 = arith.constant 0 : index
    %get3A_983 = tpu.vector_load %arg10[%get3A_981, %get3A_982] {strides = array<i32>} : memref<8x128xf32, #tpu.memory_space<vmem>>, vector<1x16xf32>,
    %get3A_984 = vector.shape_cast %get3A_983 : vector<1x16xf32> to vector<16xf32>
    %add3A_985 = arith.addf %get3A_979, %get3A_984 : vector<16xf32>
    %swap3A_986 = arith.constant 768 : index
    %swap3A_987 = tpu.vector_load %arg11[%swap3A_986] {strides = array<i32>} : memref<1024xf32, #tpu.memory_space<vmem>>, vector<16xf32>,
    %swap3A_988 = vector.shape_cast %swap3A_987 : vector<16xf32> to vector<16xf32>
    %swap3A_989 = vector.shape_cast %add3A_985 : vector<16xf32> to vector<16xf32>
    tpu.vector_store %arg11[%swap3A_986], %swap3A_989 {strides = array<i32>} : memref<1024xf32, #tpu.memory_space<vmem>>, vector<16xf32>,
    %get3A_990 = arith.constant 6 : i32
    %get3A_991 = arith.index_cast %get3A_990 : i32 to index
    %get3A_992 = arith.constant 16 : index
    %get3A_993 = tpu.vector_load %arg9[%get3A_991, %get3A_992] {strides = array<i32>} : memref<8x128xf32, #tpu.memory_space<vmem>>, vector<1x16xf32>,
    %get3A_994 = vector.shape_cast %get3A_993 : vector<1x16xf32> to vector<16xf32>
    %get3A_995 = arith.constant 6 : i32
    %get3A_996 = arith.index_cast %get3A_995 : i32 to index
    %get3A_997 = arith.constant 16 : index
    %get3A_998 = tpu.vector_load %arg10[%get3A_996, %get3A_997] {strides = array<i32>} : memref<8x128xf32, #tpu.memory_space<vmem>>, vector<1x16xf32>,
    %get3A_999 = vector.shape_cast %get3A_998 : vector<1x16xf32> to vector<16xf32>
    %add3A_1000 = arith.addf %get3A_994, %get3A_999 : vector<16xf32>
    %swap3A_1001 = arith.constant 784 : index
    %swap3A_1002 = tpu.vector_load %arg11[%swap3A_1001] {strides = array<i32>} : memref<1024xf32, #tpu.memory_space<vmem>>, vector<16xf32>,
    %swap3A_1003 = vector.shape_cast %swap3A_1002 : vector<16xf32> to vector<16xf32>
    %swap3A_1004 = vector.shape_cast %add3A_1000 : vector<16xf32> to vector<16xf32>
    tpu.vector_store %arg11[%swap3A_1001], %swap3A_1004 {strides = array<i32>} : memref<1024xf32, #tpu.memory_space<vmem>>, vector<16xf32>,
    %get3A_1005 = arith.constant 6 : i32
    %get3A_1006 = arith.index_cast %get3A_1005 : i32 to index
    %get3A_1007 = arith.constant 32 : index
    %get3A_1008 = tpu.vector_load %arg9[%get3A_1006, %get3A_1007] {strides = array<i32>} : memref<8x128xf32, #tpu.memory_space<vmem>>, vector<1x16xf32>,
    %get3A_1009 = vector.shape_cast %get3A_1008 : vector<1x16xf32> to vector<16xf32>
    %get3A_1010 = arith.constant 6 : i32
    %get3A_1011 = arith.index_cast %get3A_1010 : i32 to index
    %get3A_1012 = arith.constant 32 : index
    %get3A_1013 = tpu.vector_load %arg10[%get3A_1011, %get3A_1012] {strides = array<i32>} : memref<8x128xf32, #tpu.memory_space<vmem>>, vector<1x16xf32>,
    %get3A_1014 = vector.shape_cast %get3A_1013 : vector<1x16xf32> to vector<16xf32>
    %add3A_1015 = arith.addf %get3A_1009, %get3A_1014 : vector<16xf32>
    %swap3A_1016 = arith.constant 800 : index
    %swap3A_1017 = tpu.vector_load %arg11[%swap3A_1016] {strides = array<i32>} : memref<1024xf32, #tpu.memory_space<vmem>>, vector<16xf32>,
    %swap3A_1018 = vector.shape_cast %swap3A_1017 : vector<16xf32> to vector<16xf32>
    %swap3A_1019 = vector.shape_cast %add3A_1015 : vector<16xf32> to vector<16xf32>
    tpu.vector_store %arg11[%swap3A_1016], %swap3A_1019 {strides = array<i32>} : memref<1024xf32, #tpu.memory_space<vmem>>, vector<16xf32>,
    %get3A_1020 = arith.constant 6 : i32
    %get3A_1021 = arith.index_cast %get3A_1020 : i32 to index
    %get3A_1022 = arith.constant 48 : index
    %get3A_1023 = tpu.vector_load %arg9[%get3A_1021, %get3A_1022] {strides = array<i32>} : memref<8x128xf32, #tpu.memory_space<vmem>>, vector<1x16xf32>,
    %get3A_1024 = vector.shape_cast %get3A_1023 : vector<1x16xf32> to vector<16xf32>
    %get3A_1025 = arith.constant 6 : i32
    %get3A_1026 = arith.index_cast %get3A_1025 : i32 to index
    %get3A_1027 = arith.constant 48 : index
    %get3A_1028 = tpu.vector_load %arg10[%get3A_1026, %get3A_1027] {strides = array<i32>} : memref<8x128xf32, #tpu.memory_space<vmem>>, vector<1x16xf32>,
    %get3A_1029 = vector.shape_cast %get3A_1028 : vector<1x16xf32> to vector<16xf32>
    %add3A_1030 = arith.addf %get3A_1024, %get3A_1029 : vector<16xf32>
    %swap3A_1031 = arith.constant 816 : index
    %swap3A_1032 = tpu.vector_load %arg11[%swap3A_1031] {strides = array<i32>} : memref<1024xf32, #tpu.memory_space<vmem>>, vector<16xf32>,
    %swap3A_1033 = vector.shape_cast %swap3A_1032 : vector<16xf32> to vector<16xf32>
    %swap3A_1034 = vector.shape_cast %add3A_1030 : vector<16xf32> to vector<16xf32>
    tpu.vector_store %arg11[%swap3A_1031], %swap3A_1034 {strides = array<i32>} : memref<1024xf32, #tpu.memory_space<vmem>>, vector<16xf32>,
    %get3A_1035 = arith.constant 6 : i32
    %get3A_1036 = arith.index_cast %get3A_1035 : i32 to index
    %get3A_1037 = arith.constant 64 : index
    %get3A_1038 = tpu.vector_load %arg9[%get3A_1036, %get3A_1037] {strides = array<i32>} : memref<8x128xf32, #tpu.memory_space<vmem>>, vector<1x16xf32>,
    %get3A_1039 = vector.shape_cast %get3A_1038 : vector<1x16xf32> to vector<16xf32>
    %get3A_1040 = arith.constant 6 : i32
    %get3A_1041 = arith.index_cast %get3A_1040 : i32 to index
    %get3A_1042 = arith.constant 64 : index
    %get3A_1043 = tpu.vector_load %arg10[%get3A_1041, %get3A_1042] {strides = array<i32>} : memref<8x128xf32, #tpu.memory_space<vmem>>, vector<1x16xf32>,
    %get3A_1044 = vector.shape_cast %get3A_1043 : vector<1x16xf32> to vector<16xf32>
    %add3A_1045 = arith.addf %get3A_1039, %get3A_1044 : vector<16xf32>
    %swap3A_1046 = arith.constant 832 : index
    %swap3A_1047 = tpu.vector_load %arg11[%swap3A_1046] {strides = array<i32>} : memref<1024xf32, #tpu.memory_space<vmem>>, vector<16xf32>,
    %swap3A_1048 = vector.shape_cast %swap3A_1047 : vector<16xf32> to vector<16xf32>
    %swap3A_1049 = vector.shape_cast %add3A_1045 : vector<16xf32> to vector<16xf32>
    tpu.vector_store %arg11[%swap3A_1046], %swap3A_1049 {strides = array<i32>} : memref<1024xf32, #tpu.memory_space<vmem>>, vector<16xf32>,
    %get3A_1050 = arith.constant 6 : i32
    %get3A_1051 = arith.index_cast %get3A_1050 : i32 to index
    %get3A_1052 = arith.constant 80 : index
    %get3A_1053 = tpu.vector_load %arg9[%get3A_1051, %get3A_1052] {strides = array<i32>} : memref<8x128xf32, #tpu.memory_space<vmem>>, vector<1x16xf32>,
    %get3A_1054 = vector.shape_cast %get3A_1053 : vector<1x16xf32> to vector<16xf32>
    %get3A_1055 = arith.constant 6 : i32
    %get3A_1056 = arith.index_cast %get3A_1055 : i32 to index
    %get3A_1057 = arith.constant 80 : index
    %get3A_1058 = tpu.vector_load %arg10[%get3A_1056, %get3A_1057] {strides = array<i32>} : memref<8x128xf32, #tpu.memory_space<vmem>>, vector<1x16xf32>,
    %get3A_1059 = vector.shape_cast %get3A_1058 : vector<1x16xf32> to vector<16xf32>
    %add3A_1060 = arith.addf %get3A_1054, %get3A_1059 : vector<16xf32>
    %swap3A_1061 = arith.constant 848 : index
    %swap3A_1062 = tpu.vector_load %arg11[%swap3A_1061] {strides = array<i32>} : memref<1024xf32, #tpu.memory_space<vmem>>, vector<16xf32>,
    %swap3A_1063 = vector.shape_cast %swap3A_1062 : vector<16xf32> to vector<16xf32>
    %swap3A_1064 = vector.shape_cast %add3A_1060 : vector<16xf32> to vector<16xf32>
    tpu.vector_store %arg11[%swap3A_1061], %swap3A_1064 {strides = array<i32>} : memref<1024xf32, #tpu.memory_space<vmem>>, vector<16xf32>,
    %get3A_1065 = arith.constant 6 : i32
    %get3A_1066 = arith.index_cast %get3A_1065 : i32 to index
    %get3A_1067 = arith.constant 96 : index
    %get3A_1068 = tpu.vector_load %arg9[%get3A_1066, %get3A_1067] {strides = array<i32>} : memref<8x128xf32, #tpu.memory_space<vmem>>, vector<1x16xf32>,
    %get3A_1069 = vector.shape_cast %get3A_1068 : vector<1x16xf32> to vector<16xf32>
    %get3A_1070 = arith.constant 6 : i32
    %get3A_1071 = arith.index_cast %get3A_1070 : i32 to index
    %get3A_1072 = arith.constant 96 : index
    %get3A_1073 = tpu.vector_load %arg10[%get3A_1071, %get3A_1072] {strides = array<i32>} : memref<8x128xf32, #tpu.memory_space<vmem>>, vector<1x16xf32>,
    %get3A_1074 = vector.shape_cast %get3A_1073 : vector<1x16xf32> to vector<16xf32>
    %add3A_1075 = arith.addf %get3A_1069, %get3A_1074 : vector<16xf32>
    %swap3A_1076 = arith.constant 864 : index
    %swap3A_1077 = tpu.vector_load %arg11[%swap3A_1076] {strides = array<i32>} : memref<1024xf32, #tpu.memory_space<vmem>>, vector<16xf32>,
    %swap3A_1078 = vector.shape_cast %swap3A_1077 : vector<16xf32> to vector<16xf32>
    %swap3A_1079 = vector.shape_cast %add3A_1075 : vector<16xf32> to vector<16xf32>
    tpu.vector_store %arg11[%swap3A_1076], %swap3A_1079 {strides = array<i32>} : memref<1024xf32, #tpu.memory_space<vmem>>, vector<16xf32>,
    %get3A_1080 = arith.constant 6 : i32
    %get3A_1081 = arith.index_cast %get3A_1080 : i32 to index
    %get3A_1082 = arith.constant 112 : index
    %get3A_1083 = tpu.vector_load %arg9[%get3A_1081, %get3A_1082] {strides = array<i32>} : memref<8x128xf32, #tpu.memory_space<vmem>>, vector<1x16xf32>,
    %get3A_1084 = vector.shape_cast %get3A_1083 : vector<1x16xf32> to vector<16xf32>
    %get3A_1085 = arith.constant 6 : i32
    %get3A_1086 = arith.index_cast %get3A_1085 : i32 to index
    %get3A_1087 = arith.constant 112 : index
    %get3A_1088 = tpu.vector_load %arg10[%get3A_1086, %get3A_1087] {strides = array<i32>} : memref<8x128xf32, #tpu.memory_space<vmem>>, vector<1x16xf32>,
    %get3A_1089 = vector.shape_cast %get3A_1088 : vector<1x16xf32> to vector<16xf32>
    %add3A_1090 = arith.addf %get3A_1084, %get3A_1089 : vector<16xf32>
    %swap3A_1091 = arith.constant 880 : index
    %swap3A_1092 = tpu.vector_load %arg11[%swap3A_1091] {strides = array<i32>} : memref<1024xf32, #tpu.memory_space<vmem>>, vector<16xf32>,
    %swap3A_1093 = vector.shape_cast %swap3A_1092 : vector<16xf32> to vector<16xf32>
    %swap3A_1094 = vector.shape_cast %add3A_1090 : vector<16xf32> to vector<16xf32>
    tpu.vector_store %arg11[%swap3A_1091], %swap3A_1094 {strides = array<i32>} : memref<1024xf32, #tpu.memory_space<vmem>>, vector<16xf32>,
    %get3A_1095 = arith.constant 7 : i32
    %get3A_1096 = arith.index_cast %get3A_1095 : i32 to index
    %get3A_1097 = arith.constant 0 : index
    %get3A_1098 = tpu.vector_load %arg9[%get3A_1096, %get3A_1097] {strides = array<i32>} : memref<8x128xf32, #tpu.memory_space<vmem>>, vector<1x16xf32>,
    %get3A_1099 = vector.shape_cast %get3A_1098 : vector<1x16xf32> to vector<16xf32>
    %get3A_1100 = arith.constant 7 : i32
    %get3A_1101 = arith.index_cast %get3A_1100 : i32 to index
    %get3A_1102 = arith.constant 0 : index
    %get3A_1103 = tpu.vector_load %arg10[%get3A_1101, %get3A_1102] {strides = array<i32>} : memref<8x128xf32, #tpu.memory_space<vmem>>, vector<1x16xf32>,
    %get3A_1104 = vector.shape_cast %get3A_1103 : vector<1x16xf32> to vector<16xf32>
    %add3A_1105 = arith.addf %get3A_1099, %get3A_1104 : vector<16xf32>
    %swap3A_1106 = arith.constant 896 : index
    %swap3A_1107 = tpu.vector_load %arg11[%swap3A_1106] {strides = array<i32>} : memref<1024xf32, #tpu.memory_space<vmem>>, vector<16xf32>,
    %swap3A_1108 = vector.shape_cast %swap3A_1107 : vector<16xf32> to vector<16xf32>
    %swap3A_1109 = vector.shape_cast %add3A_1105 : vector<16xf32> to vector<16xf32>
    tpu.vector_store %arg11[%swap3A_1106], %swap3A_1109 {strides = array<i32>} : memref<1024xf32, #tpu.memory_space<vmem>>, vector<16xf32>,
    %get3A_1110 = arith.constant 7 : i32
    %get3A_1111 = arith.index_cast %get3A_1110 : i32 to index
    %get3A_1112 = arith.constant 16 : index
    %get3A_1113 = tpu.vector_load %arg9[%get3A_1111, %get3A_1112] {strides = array<i32>} : memref<8x128xf32, #tpu.memory_space<vmem>>, vector<1x16xf32>,
    %get3A_1114 = vector.shape_cast %get3A_1113 : vector<1x16xf32> to vector<16xf32>
    %get3A_1115 = arith.constant 7 : i32
    %get3A_1116 = arith.index_cast %get3A_1115 : i32 to index
    %get3A_1117 = arith.constant 16 : index
    %get3A_1118 = tpu.vector_load %arg10[%get3A_1116, %get3A_1117] {strides = array<i32>} : memref<8x128xf32, #tpu.memory_space<vmem>>, vector<1x16xf32>,
    %get3A_1119 = vector.shape_cast %get3A_1118 : vector<1x16xf32> to vector<16xf32>
    %add3A_1120 = arith.addf %get3A_1114, %get3A_1119 : vector<16xf32>
    %swap3A_1121 = arith.constant 912 : index
    %swap3A_1122 = tpu.vector_load %arg11[%swap3A_1121] {strides = array<i32>} : memref<1024xf32, #tpu.memory_space<vmem>>, vector<16xf32>,
    %swap3A_1123 = vector.shape_cast %swap3A_1122 : vector<16xf32> to vector<16xf32>
    %swap3A_1124 = vector.shape_cast %add3A_1120 : vector<16xf32> to vector<16xf32>
    tpu.vector_store %arg11[%swap3A_1121], %swap3A_1124 {strides = array<i32>} : memref<1024xf32, #tpu.memory_space<vmem>>, vector<16xf32>,
    %get3A_1125 = arith.constant 7 : i32
    %get3A_1126 = arith.index_cast %get3A_1125 : i32 to index
    %get3A_1127 = arith.constant 32 : index
    %get3A_1128 = tpu.vector_load %arg9[%get3A_1126, %get3A_1127] {strides = array<i32>} : memref<8x128xf32, #tpu.memory_space<vmem>>, vector<1x16xf32>,
    %get3A_1129 = vector.shape_cast %get3A_1128 : vector<1x16xf32> to vector<16xf32>
    %get3A_1130 = arith.constant 7 : i32
    %get3A_1131 = arith.index_cast %get3A_1130 : i32 to index
    %get3A_1132 = arith.constant 32 : index
    %get3A_1133 = tpu.vector_load %arg10[%get3A_1131, %get3A_1132] {strides = array<i32>} : memref<8x128xf32, #tpu.memory_space<vmem>>, vector<1x16xf32>,
    %get3A_1134 = vector.shape_cast %get3A_1133 : vector<1x16xf32> to vector<16xf32>
    %add3A_1135 = arith.addf %get3A_1129, %get3A_1134 : vector<16xf32>
    %swap3A_1136 = arith.constant 928 : index
    %swap3A_1137 = tpu.vector_load %arg11[%swap3A_1136] {strides = array<i32>} : memref<1024xf32, #tpu.memory_space<vmem>>, vector<16xf32>,
    %swap3A_1138 = vector.shape_cast %swap3A_1137 : vector<16xf32> to vector<16xf32>
    %swap3A_1139 = vector.shape_cast %add3A_1135 : vector<16xf32> to vector<16xf32>
    tpu.vector_store %arg11[%swap3A_1136], %swap3A_1139 {strides = array<i32>} : memref<1024xf32, #tpu.memory_space<vmem>>, vector<16xf32>,
    %get3A_1140 = arith.constant 7 : i32
    %get3A_1141 = arith.index_cast %get3A_1140 : i32 to index
    %get3A_1142 = arith.constant 48 : index
    %get3A_1143 = tpu.vector_load %arg9[%get3A_1141, %get3A_1142] {strides = array<i32>} : memref<8x128xf32, #tpu.memory_space<vmem>>, vector<1x16xf32>,
    %get3A_1144 = vector.shape_cast %get3A_1143 : vector<1x16xf32> to vector<16xf32>
    %get3A_1145 = arith.constant 7 : i32
    %get3A_1146 = arith.index_cast %get3A_1145 : i32 to index
    %get3A_1147 = arith.constant 48 : index
    %get3A_1148 = tpu.vector_load %arg10[%get3A_1146, %get3A_1147] {strides = array<i32>} : memref<8x128xf32, #tpu.memory_space<vmem>>, vector<1x16xf32>,
    %get3A_1149 = vector.shape_cast %get3A_1148 : vector<1x16xf32> to vector<16xf32>
    %add3A_1150 = arith.addf %get3A_1144, %get3A_1149 : vector<16xf32>
    %swap3A_1151 = arith.constant 944 : index
    %swap3A_1152 = tpu.vector_load %arg11[%swap3A_1151] {strides = array<i32>} : memref<1024xf32, #tpu.memory_space<vmem>>, vector<16xf32>,
    %swap3A_1153 = vector.shape_cast %swap3A_1152 : vector<16xf32> to vector<16xf32>
    %swap3A_1154 = vector.shape_cast %add3A_1150 : vector<16xf32> to vector<16xf32>
    tpu.vector_store %arg11[%swap3A_1151], %swap3A_1154 {strides = array<i32>} : memref<1024xf32, #tpu.memory_space<vmem>>, vector<16xf32>,
    %get3A_1155 = arith.constant 7 : i32
    %get3A_1156 = arith.index_cast %get3A_1155 : i32 to index
    %get3A_1157 = arith.constant 64 : index
    %get3A_1158 = tpu.vector_load %arg9[%get3A_1156, %get3A_1157] {strides = array<i32>} : memref<8x128xf32, #tpu.memory_space<vmem>>, vector<1x16xf32>,
    %get3A_1159 = vector.shape_cast %get3A_1158 : vector<1x16xf32> to vector<16xf32>
    %get3A_1160 = arith.constant 7 : i32
    %get3A_1161 = arith.index_cast %get3A_1160 : i32 to index
    %get3A_1162 = arith.constant 64 : index
    %get3A_1163 = tpu.vector_load %arg10[%get3A_1161, %get3A_1162] {strides = array<i32>} : memref<8x128xf32, #tpu.memory_space<vmem>>, vector<1x16xf32>,
    %get3A_1164 = vector.shape_cast %get3A_1163 : vector<1x16xf32> to vector<16xf32>
    %add3A_1165 = arith.addf %get3A_1159, %get3A_1164 : vector<16xf32>
    %swap3A_1166 = arith.constant 960 : index
    %swap3A_1167 = tpu.vector_load %arg11[%swap3A_1166] {strides = array<i32>} : memref<1024xf32, #tpu.memory_space<vmem>>, vector<16xf32>,
    %swap3A_1168 = vector.shape_cast %swap3A_1167 : vector<16xf32> to vector<16xf32>
    %swap3A_1169 = vector.shape_cast %add3A_1165 : vector<16xf32> to vector<16xf32>
    tpu.vector_store %arg11[%swap3A_1166], %swap3A_1169 {strides = array<i32>} : memref<1024xf32, #tpu.memory_space<vmem>>, vector<16xf32>,
    %get3A_1170 = arith.constant 7 : i32
    %get3A_1171 = arith.index_cast %get3A_1170 : i32 to index
    %get3A_1172 = arith.constant 80 : index
    %get3A_1173 = tpu.vector_load %arg9[%get3A_1171, %get3A_1172] {strides = array<i32>} : memref<8x128xf32, #tpu.memory_space<vmem>>, vector<1x16xf32>,
    %get3A_1174 = vector.shape_cast %get3A_1173 : vector<1x16xf32> to vector<16xf32>
    %get3A_1175 = arith.constant 7 : i32
    %get3A_1176 = arith.index_cast %get3A_1175 : i32 to index
    %get3A_1177 = arith.constant 80 : index
    %get3A_1178 = tpu.vector_load %arg10[%get3A_1176, %get3A_1177] {strides = array<i32>} : memref<8x128xf32, #tpu.memory_space<vmem>>, vector<1x16xf32>,
    %get3A_1179 = vector.shape_cast %get3A_1178 : vector<1x16xf32> to vector<16xf32>
    %add3A_1180 = arith.addf %get3A_1174, %get3A_1179 : vector<16xf32>
    %swap3A_1181 = arith.constant 976 : index
    %swap3A_1182 = tpu.vector_load %arg11[%swap3A_1181] {strides = array<i32>} : memref<1024xf32, #tpu.memory_space<vmem>>, vector<16xf32>,
    %swap3A_1183 = vector.shape_cast %swap3A_1182 : vector<16xf32> to vector<16xf32>
    %swap3A_1184 = vector.shape_cast %add3A_1180 : vector<16xf32> to vector<16xf32>
    tpu.vector_store %arg11[%swap3A_1181], %swap3A_1184 {strides = array<i32>} : memref<1024xf32, #tpu.memory_space<vmem>>, vector<16xf32>,
    %get3A_1185 = arith.constant 7 : i32
    %get3A_1186 = arith.index_cast %get3A_1185 : i32 to index
    %get3A_1187 = arith.constant 96 : index
    %get3A_1188 = tpu.vector_load %arg9[%get3A_1186, %get3A_1187] {strides = array<i32>} : memref<8x128xf32, #tpu.memory_space<vmem>>, vector<1x16xf32>,
    %get3A_1189 = vector.shape_cast %get3A_1188 : vector<1x16xf32> to vector<16xf32>
    %get3A_1190 = arith.constant 7 : i32
    %get3A_1191 = arith.index_cast %get3A_1190 : i32 to index
    %get3A_1192 = arith.constant 96 : index
    %get3A_1193 = tpu.vector_load %arg10[%get3A_1191, %get3A_1192] {strides = array<i32>} : memref<8x128xf32, #tpu.memory_space<vmem>>, vector<1x16xf32>,
    %get3A_1194 = vector.shape_cast %get3A_1193 : vector<1x16xf32> to vector<16xf32>
    %add3A_1195 = arith.addf %get3A_1189, %get3A_1194 : vector<16xf32>
    %swap3A_1196 = arith.constant 992 : index
    %swap3A_1197 = tpu.vector_load %arg11[%swap3A_1196] {strides = array<i32>} : memref<1024xf32, #tpu.memory_space<vmem>>, vector<16xf32>,
    %swap3A_1198 = vector.shape_cast %swap3A_1197 : vector<16xf32> to vector<16xf32>
    %swap3A_1199 = vector.shape_cast %add3A_1195 : vector<16xf32> to vector<16xf32>
    tpu.vector_store %arg11[%swap3A_1196], %swap3A_1199 {strides = array<i32>} : memref<1024xf32, #tpu.memory_space<vmem>>, vector<16xf32>,
    %get3A_1200 = arith.constant 7 : i32
    %get3A_1201 = arith.index_cast %get3A_1200 : i32 to index
    %get3A_1202 = arith.constant 112 : index
    %get3A_1203 = tpu.vector_load %arg9[%get3A_1201, %get3A_1202] {strides = array<i32>} : memref<8x128xf32, #tpu.memory_space<vmem>>, vector<1x16xf32>,
    %get3A_1204 = vector.shape_cast %get3A_1203 : vector<1x16xf32> to vector<16xf32>
    %get3A_1205 = arith.constant 7 : i32
    %get3A_1206 = arith.index_cast %get3A_1205 : i32 to index
    %get3A_1207 = arith.constant 112 : index
    %get3A_1208 = tpu.vector_load %arg10[%get3A_1206, %get3A_1207] {strides = array<i32>} : memref<8x128xf32, #tpu.memory_space<vmem>>, vector<1x16xf32>,
    %get3A_1209 = vector.shape_cast %get3A_1208 : vector<1x16xf32> to vector<16xf32>
    %add3A_1210 = arith.addf %get3A_1204, %get3A_1209 : vector<16xf32>
    %swap3A_1211 = arith.constant 1008 : index
    %swap3A_1212 = tpu.vector_load %arg11[%swap3A_1211] {strides = array<i32>} : memref<1024xf32, #tpu.memory_space<vmem>>, vector<16xf32>,
    %swap3A_1213 = vector.shape_cast %swap3A_1212 : vector<16xf32> to vector<16xf32>
    %swap3A_1214 = vector.shape_cast %add3A_1210 : vector<16xf32> to vector<16xf32>
    tpu.vector_store %arg11[%swap3A_1211], %swap3A_1214 {strides = array<i32>} : memref<1024xf32, #tpu.memory_space<vmem>>, vector<16xf32>,
    "tpu.region"() ({
      %run_scoped3A = tpu.sem_alloc : memref<!tpu.dma_semaphore, #tpu.memory_space<semaphore_mem>>
      %dma_start3A_1215 = tpu.memref_slice %arg6[%mul3A_2] : memref<16384xf32, #tpu.memory_space<hbm>> -> memref<1024xf32, #tpu.memory_space<hbm>>
      %dma_start3A_1216 = tpu.memref_slice %arg6[%mul3A_2] : memref<16384xf32, #tpu.memory_space<hbm>> -> memref<1024xf32, #tpu.memory_space<hbm>>
      tpu.enqueue_dma source(%arg11 : memref<1024xf32, #tpu.memory_space<vmem>>) target(%dma_start3A_1216 : memref<1024xf32, #tpu.memory_space<hbm>>) target_semaphore(%run_scoped3A : memref<!tpu.dma_semaphore, #tpu.memory_space<semaphore_mem>>)
      %dma_wait3A_1217 = tpu.memref_slice %arg6[%mul3A_2] : memref<16384xf32, #tpu.memory_space<hbm>> -> memref<1024xf32, #tpu.memory_space<hbm>>
      %dma_wait3A_1218 = tpu.memref_slice %arg6[%mul3A_2] : memref<16384xf32, #tpu.memory_space<hbm>> -> memref<1024xf32, #tpu.memory_space<hbm>>
      tpu.wait_dma2 semaphore(%run_scoped3A : memref<!tpu.dma_semaphore, #tpu.memory_space<semaphore_mem>>) src(%arg11 : memref<1024xf32, #tpu.memory_space<vmem>>) dst(%dma_wait3A_1218 : memref<1024xf32, #tpu.memory_space<hbm>>)
      tpu.yield
    }) : () -> ()
    return
  }
}

module attributes {stable_mosaic.version = 14 : i64} {
  func.func @_tcb_body(%arg0: memref<128x128xf32, #tpu.memory_space<vmem>>, %arg1: memref<128x128xf32, #tpu.memory_space<vmem>>, %arg2: memref<128x128xi32, #tpu.memory_space<vmem>>, %arg3: memref<1x1xf32, #tpu.memory_space<smem>>, %arg4: memref<1x1xf32, #tpu.memory_space<smem>>, %arg5: memref<128x128xi32, #tpu.memory_space<vmem>>) attributes {dimension_semantics = [], scalar_prefetch = 0 : i64, scratch_operands = 1 : i64, tpu.core_type = #tpu.core_type<tc>} {
    %get3A = arith.constant 0 : index
    %get3A_0 = arith.constant 0 : index
    %get3A_1 = vector.load %arg0[%get3A, %get3A_0] : memref<128x128xf32, #tpu.memory_space<vmem>>, vector<128x128xf32>
    %get3A_2 = arith.constant 0 : index
    %get3A_3 = arith.constant 0 : index
    %get3A_4 = vector.load %arg1[%get3A_2, %get3A_3] : memref<128x128xf32, #tpu.memory_space<vmem>>, vector<128x128xf32>
    %add3A = arith.addf %get3A_1, %get3A_4 : vector<128x128xf32>
    %get3A_5 = arith.constant 0 : index
    %get3A_6 = arith.constant 0 : index
    %get3A_7 = vector.load %arg2[%get3A_5, %get3A_6] : memref<128x128xi32, #tpu.memory_space<vmem>>, vector<128x128xi32>
    %convert_element_type3A = arith.sitofp %get3A_7 : vector<128x128xi32> to vector<128x128xf32>
    %neg3A = arith.constant 0.000000e+00 : f32
    %neg3A_8 = vector.broadcast %neg3A : f32 to vector<128x128xf32>
    %neg3A_9 = arith.subf %neg3A_8, %add3A : vector<128x128xf32>
    %exp3A = math.exp %neg3A_9 : vector<128x128xf32>
    %add3A_10 = arith.constant 1.000000e+00 : f32
    %add3A_11 = vector.broadcast %add3A_10 : f32 to vector<128x128xf32>
    %add3A_12 = arith.addf %add3A_11, %exp3A : vector<128x128xf32>
    %div3A = arith.constant 1.000000e+00 : f32
    %div3A_13 = vector.broadcast %div3A : f32 to vector<128x128xf32>
    %div3A_14 = arith.divf %div3A_13, %add3A_12 : vector<128x128xf32>
    %add3A_15 = arith.constant 9.99999997E-7 : f32
    %add3A_16 = vector.broadcast %add3A_15 : f32 to vector<128x128xf32>
    %add3A_17 = arith.addf %div3A_14, %add3A_16 : vector<128x128xf32>
    %log3A = math.log %add3A_17 : vector<128x128xf32>
    %mul3A = arith.mulf %convert_element_type3A, %log3A : vector<128x128xf32>
    %sub3A = arith.constant 1.000000e+00 : f32
    %sub3A_18 = vector.broadcast %sub3A : f32 to vector<128x128xf32>
    %sub3A_19 = arith.subf %sub3A_18, %convert_element_type3A : vector<128x128xf32>
    %sub3A_20 = arith.constant 1.000000e+00 : f32
    %sub3A_21 = vector.broadcast %sub3A_20 : f32 to vector<128x128xf32>
    %sub3A_22 = arith.subf %sub3A_21, %div3A_14 : vector<128x128xf32>
    %add3A_23 = arith.constant 9.99999997E-7 : f32
    %add3A_24 = vector.broadcast %add3A_23 : f32 to vector<128x128xf32>
    %add3A_25 = arith.addf %sub3A_22, %add3A_24 : vector<128x128xf32>
    %log3A_26 = math.log %add3A_25 : vector<128x128xf32>
    %mul3A_27 = arith.mulf %sub3A_19, %log3A_26 : vector<128x128xf32>
    %add3A_28 = arith.addf %mul3A, %mul3A_27 : vector<128x128xf32>
    %neg3A_29 = arith.constant 0.000000e+00 : f32
    %neg3A_30 = vector.broadcast %neg3A_29 : f32 to vector<128x128xf32>
    %neg3A_31 = arith.subf %neg3A_30, %add3A_28 : vector<128x128xf32>
    %reduce_sum3A = vector.shape_cast %neg3A_31 : vector<128x128xf32> to vector<1x128x128xf32>
    %reduce_sum3A_32 = arith.constant dense<0.000000e+00> : vector<1xf32>
    %reduce_sum3A_33 = vector.multi_reduction <add>, %reduce_sum3A, %reduce_sum3A_32 [1, 2] : vector<1x128x128xf32> to vector<1xf32>
    %reduce_sum3A_34 = vector.shape_cast %reduce_sum3A_33 : vector<1xf32> to vector<1x1x1xf32>
    %reduce_sum3A_35 = vector.extract %reduce_sum3A_34[0, 0, 0] : f32 from vector<1x1x1xf32>
    %mul3A_36 = arith.constant 6.10351563E-5 : f32
    %mul3A_37 = arith.mulf %reduce_sum3A_35, %mul3A_36 : f32
    %swap3A = arith.constant 0 : index
    %swap3A_38 = arith.constant 0 : index
    %swap3A_39 = memref.load %arg3[%swap3A, %swap3A_38] : memref<1x1xf32, #tpu.memory_space<smem>>
    memref.store %mul3A_37, %arg3[%swap3A, %swap3A_38] : memref<1x1xf32, #tpu.memory_space<smem>>
    %reduce_min3A = vector.shape_cast %add3A : vector<128x128xf32> to vector<1x128x128xf32>
    %reduce_min3A_40 = arith.constant dense<0x7F800000> : vector<1xf32>
    %reduce_min3A_41 = vector.multi_reduction <minimumf>, %reduce_min3A, %reduce_min3A_40 [1, 2] : vector<1x128x128xf32> to vector<1xf32>
    %reduce_min3A_42 = vector.shape_cast %reduce_min3A_41 : vector<1xf32> to vector<1x1x1xf32>
    %reduce_min3A_43 = vector.extract %reduce_min3A_42[0, 0, 0] : f32 from vector<1x1x1xf32>
    %reduce_max3A = vector.shape_cast %add3A : vector<128x128xf32> to vector<1x128x128xf32>
    %reduce_max3A_44 = arith.constant dense<0xFF800000> : vector<1xf32>
    %reduce_max3A_45 = vector.multi_reduction <maximumf>, %reduce_max3A, %reduce_max3A_44 [1, 2] : vector<1x128x128xf32> to vector<1xf32>
    %reduce_max3A_46 = vector.shape_cast %reduce_max3A_45 : vector<1xf32> to vector<1x1x1xf32>
    %reduce_max3A_47 = vector.extract %reduce_max3A_46[0, 0, 0] : f32 from vector<1x1x1xf32>
    %sub3A_48 = vector.broadcast %reduce_min3A_43 : f32 to vector<128x128xf32>
    %sub3A_49 = arith.subf %add3A, %sub3A_48 : vector<128x128xf32>
    %sub3A_50 = arith.subf %reduce_max3A_47, %reduce_min3A_43 : f32
    %add3A_51 = arith.constant 1.000000e-30 : f32
    %add3A_52 = arith.addf %sub3A_50, %add3A_51 : f32
    %div3A_53 = vector.broadcast %add3A_52 : f32 to vector<128x128xf32>
    %div3A_54 = arith.divf %sub3A_49, %div3A_53 : vector<128x128xf32>
    %mul3A_55 = arith.constant 4.096000e+03 : f32
    %mul3A_56 = vector.broadcast %mul3A_55 : f32 to vector<128x128xf32>
    %mul3A_57 = arith.mulf %div3A_54, %mul3A_56 : vector<128x128xf32>
    %floor3A = math.floor %mul3A_57 : vector<128x128xf32>
    %convert_element_type3A_58 = arith.fptosi %floor3A : vector<128x128xf32> to vector<128x128xi32>
    %jit3A = arith.constant 0 : i32
    %jit3A_59 = arith.constant 4095 : i32
    %max3A = vector.broadcast %jit3A : i32 to vector<128x128xi32>
    %max3A_60 = arith.maxsi %max3A, %convert_element_type3A_58 : vector<128x128xi32>
    %min3A = vector.broadcast %jit3A_59 : i32 to vector<128x128xi32>
    %min3A_61 = arith.minsi %min3A, %max3A_60 : vector<128x128xi32>
    %swap3A_62 = arith.constant 0 : index
    %swap3A_63 = arith.constant 0 : index
    %swap3A_64 = vector.load %arg5[%swap3A_62, %swap3A_63] : memref<128x128xi32, #tpu.memory_space<vmem>>, vector<128x128xi32>
    tpu.vector_store %arg5[%swap3A_62, %swap3A_63], %min3A_61 {strides = array<i32>} : memref<128x128xi32, #tpu.memory_space<vmem>>, vector<128x128xi32>,
    %iota3A = tpu.iota {dimensions = array<i32: 0>} : vector<64x128xi32>
    %broadcast_in_dim3A = arith.constant 0.000000e+00 : f32
    %broadcast_in_dim3A_65 = vector.broadcast %broadcast_in_dim3A : f32 to vector<128x64xf32>
    %scan3A = arith.constant 0 : i32
    %scan3A_66 = arith.constant 16 : i32
    %scan3A_67 = arith.addi %scan3A, %scan3A_66 : i32
    %scan3A_68 = arith.constant 1 : i32
    %scan3A_69:2 = scf.for %scan3A_122 = %scan3A to %scan3A_67 step %scan3A_68 iter_args(%scan3A_123 = %broadcast_in_dim3A_65, %scan3A_124 = %broadcast_in_dim3A_65) -> (vector<128x64xf32>, vector<128x64xf32>)  : i32 {
      %mul3A_125 = arith.constant 8 : i32
      %mul3A_126 = arith.muli %scan3A_122, %mul3A_125 : i32
      %add3A_127 = arith.constant 0 : i32
      %add3A_128 = arith.addi %mul3A_126, %add3A_127 : i32
      %get3A_129 = arith.index_cast %add3A_128 : i32 to index
      %get3A_130 = arith.constant 0 : index
      %get3A_131 = vector.load %arg5[%get3A_129, %get3A_130] : memref<128x128xi32, #tpu.memory_space<vmem>>, vector<1x128xi32>
      %mul3A_132 = arith.constant 8 : i32
      %mul3A_133 = arith.muli %scan3A_122, %mul3A_132 : i32
      %add3A_134 = arith.constant 0 : i32
      %add3A_135 = arith.addi %mul3A_133, %add3A_134 : i32
      %get3A_136 = arith.index_cast %add3A_135 : i32 to index
      %get3A_137 = arith.constant 0 : index
      %get3A_138 = vector.load %arg2[%get3A_136, %get3A_137] : memref<128x128xi32, #tpu.memory_space<vmem>>, vector<1x128xi32>
      %convert_element_type3A_139 = arith.sitofp %get3A_138 : vector<1x128xi32> to vector<1x128xf32>
      %shift_right_arithmetic3A = arith.constant 6 : i32
      %shift_right_arithmetic3A_140 = vector.broadcast %shift_right_arithmetic3A : i32 to vector<1x128xi32>
      %shift_right_arithmetic3A_141 = arith.shrsi %get3A_131, %shift_right_arithmetic3A_140 : vector<1x128xi32>
      %eq3A = vector.broadcast %shift_right_arithmetic3A_141 : vector<1x128xi32> to vector<64x128xi32>
      %eq3A_142 = arith.cmpi eq, %iota3A, %eq3A : vector<64x128xi32>
      %convert_element_type3A_143 = arith.extui %eq3A_142 : vector<64x128xi1> to vector<64x128xi32>
      %convert_element_type3A_144 = arith.sitofp %convert_element_type3A_143 : vector<64x128xi32> to vector<64x128xf32>
      %and3A = arith.constant 63 : i32
      %and3A_145 = vector.broadcast %and3A : i32 to vector<1x128xi32>
      %and3A_146 = arith.andi %get3A_131, %and3A_145 : vector<1x128xi32>
      %eq3A_147 = vector.broadcast %and3A_146 : vector<1x128xi32> to vector<64x128xi32>
      %eq3A_148 = arith.cmpi eq, %iota3A, %eq3A_147 : vector<64x128xi32>
      %convert_element_type3A_149 = arith.extui %eq3A_148 : vector<64x128xi1> to vector<64x128xi32>
      %convert_element_type3A_150 = arith.sitofp %convert_element_type3A_149 : vector<64x128xi32> to vector<64x128xf32>
      %mul3A_151 = vector.broadcast %convert_element_type3A_139 : vector<1x128xf32> to vector<64x128xf32>
      %mul3A_152 = arith.mulf %convert_element_type3A_144, %mul3A_151 : vector<64x128xf32>
      %concatenate3A = tpu.concatenate %convert_element_type3A_144, %mul3A_152 in 0 : vector<64x128xf32>, vector<64x128xf32> -> vector<128x128xf32>
      %dot_general3A_153 = arith.constant dense<0.000000e+00> : vector<128x64xf32>
      %dot_general3A_154 = tpu.matmul %concatenate3A, %convert_element_type3A_150, %dot_general3A_153 {dimension_numbers = #tpu.dot_dimension_numbers<[1], [1], [0], [0], [0, 0, 1, 0], [], []>, transpose_lhs_hint = false} : vector<128x128xf32>, vector<64x128xf32>, vector<128x64xf32> -> vector<128x64xf32>
      %add3A_155 = arith.addf %scan3A_123, %dot_general3A_154 : vector<128x64xf32>
      %mul3A_156 = arith.constant 8 : i32
      %mul3A_157 = arith.muli %scan3A_122, %mul3A_156 : i32
      %add3A_158 = arith.constant 1 : i32
      %add3A_159 = arith.addi %mul3A_157, %add3A_158 : i32
      %get3A_160 = arith.index_cast %add3A_159 : i32 to index
      %get3A_161 = arith.constant 0 : index
      %get3A_162 = vector.load %arg5[%get3A_160, %get3A_161] : memref<128x128xi32, #tpu.memory_space<vmem>>, vector<1x128xi32>
      %mul3A_163 = arith.constant 8 : i32
      %mul3A_164 = arith.muli %scan3A_122, %mul3A_163 : i32
      %add3A_165 = arith.constant 1 : i32
      %add3A_166 = arith.addi %mul3A_164, %add3A_165 : i32
      %get3A_167 = arith.index_cast %add3A_166 : i32 to index
      %get3A_168 = arith.constant 0 : index
      %get3A_169 = vector.load %arg2[%get3A_167, %get3A_168] : memref<128x128xi32, #tpu.memory_space<vmem>>, vector<1x128xi32>
      %convert_element_type3A_170 = arith.sitofp %get3A_169 : vector<1x128xi32> to vector<1x128xf32>
      %shift_right_arithmetic3A_171 = arith.constant 6 : i32
      %shift_right_arithmetic3A_172 = vector.broadcast %shift_right_arithmetic3A_171 : i32 to vector<1x128xi32>
      %shift_right_arithmetic3A_173 = arith.shrsi %get3A_162, %shift_right_arithmetic3A_172 : vector<1x128xi32>
      %eq3A_174 = vector.broadcast %shift_right_arithmetic3A_173 : vector<1x128xi32> to vector<64x128xi32>
      %eq3A_175 = arith.cmpi eq, %iota3A, %eq3A_174 : vector<64x128xi32>
      %convert_element_type3A_176 = arith.extui %eq3A_175 : vector<64x128xi1> to vector<64x128xi32>
      %convert_element_type3A_177 = arith.sitofp %convert_element_type3A_176 : vector<64x128xi32> to vector<64x128xf32>
      %and3A_178 = arith.constant 63 : i32
      %and3A_179 = vector.broadcast %and3A_178 : i32 to vector<1x128xi32>
      %and3A_180 = arith.andi %get3A_162, %and3A_179 : vector<1x128xi32>
      %eq3A_181 = vector.broadcast %and3A_180 : vector<1x128xi32> to vector<64x128xi32>
      %eq3A_182 = arith.cmpi eq, %iota3A, %eq3A_181 : vector<64x128xi32>
      %convert_element_type3A_183 = arith.extui %eq3A_182 : vector<64x128xi1> to vector<64x128xi32>
      %convert_element_type3A_184 = arith.sitofp %convert_element_type3A_183 : vector<64x128xi32> to vector<64x128xf32>
      %mul3A_185 = vector.broadcast %convert_element_type3A_170 : vector<1x128xf32> to vector<64x128xf32>
      %mul3A_186 = arith.mulf %convert_element_type3A_177, %mul3A_185 : vector<64x128xf32>
      %concatenate3A_187 = tpu.concatenate %convert_element_type3A_177, %mul3A_186 in 0 : vector<64x128xf32>, vector<64x128xf32> -> vector<128x128xf32>
      %dot_general3A_188 = arith.constant dense<0.000000e+00> : vector<128x64xf32>
      %dot_general3A_189 = tpu.matmul %concatenate3A_187, %convert_element_type3A_184, %dot_general3A_188 {dimension_numbers = #tpu.dot_dimension_numbers<[1], [1], [0], [0], [0, 0, 1, 0], [], []>, transpose_lhs_hint = false} : vector<128x128xf32>, vector<64x128xf32>, vector<128x64xf32> -> vector<128x64xf32>
      %add3A_190 = arith.addf %scan3A_124, %dot_general3A_189 : vector<128x64xf32>
      %mul3A_191 = arith.constant 8 : i32
      %mul3A_192 = arith.muli %scan3A_122, %mul3A_191 : i32
      %add3A_193 = arith.constant 2 : i32
      %add3A_194 = arith.addi %mul3A_192, %add3A_193 : i32
      %get3A_195 = arith.index_cast %add3A_194 : i32 to index
      %get3A_196 = arith.constant 0 : index
      %get3A_197 = vector.load %arg5[%get3A_195, %get3A_196] : memref<128x128xi32, #tpu.memory_space<vmem>>, vector<1x128xi32>
      %mul3A_198 = arith.constant 8 : i32
      %mul3A_199 = arith.muli %scan3A_122, %mul3A_198 : i32
      %add3A_200 = arith.constant 2 : i32
      %add3A_201 = arith.addi %mul3A_199, %add3A_200 : i32
      %get3A_202 = arith.index_cast %add3A_201 : i32 to index
      %get3A_203 = arith.constant 0 : index
      %get3A_204 = vector.load %arg2[%get3A_202, %get3A_203] : memref<128x128xi32, #tpu.memory_space<vmem>>, vector<1x128xi32>
      %convert_element_type3A_205 = arith.sitofp %get3A_204 : vector<1x128xi32> to vector<1x128xf32>
      %shift_right_arithmetic3A_206 = arith.constant 6 : i32
      %shift_right_arithmetic3A_207 = vector.broadcast %shift_right_arithmetic3A_206 : i32 to vector<1x128xi32>
      %shift_right_arithmetic3A_208 = arith.shrsi %get3A_197, %shift_right_arithmetic3A_207 : vector<1x128xi32>
      %eq3A_209 = vector.broadcast %shift_right_arithmetic3A_208 : vector<1x128xi32> to vector<64x128xi32>
      %eq3A_210 = arith.cmpi eq, %iota3A, %eq3A_209 : vector<64x128xi32>
      %convert_element_type3A_211 = arith.extui %eq3A_210 : vector<64x128xi1> to vector<64x128xi32>
      %convert_element_type3A_212 = arith.sitofp %convert_element_type3A_211 : vector<64x128xi32> to vector<64x128xf32>
      %and3A_213 = arith.constant 63 : i32
      %and3A_214 = vector.broadcast %and3A_213 : i32 to vector<1x128xi32>
      %and3A_215 = arith.andi %get3A_197, %and3A_214 : vector<1x128xi32>
      %eq3A_216 = vector.broadcast %and3A_215 : vector<1x128xi32> to vector<64x128xi32>
      %eq3A_217 = arith.cmpi eq, %iota3A, %eq3A_216 : vector<64x128xi32>
      %convert_element_type3A_218 = arith.extui %eq3A_217 : vector<64x128xi1> to vector<64x128xi32>
      %convert_element_type3A_219 = arith.sitofp %convert_element_type3A_218 : vector<64x128xi32> to vector<64x128xf32>
      %mul3A_220 = vector.broadcast %convert_element_type3A_205 : vector<1x128xf32> to vector<64x128xf32>
      %mul3A_221 = arith.mulf %convert_element_type3A_212, %mul3A_220 : vector<64x128xf32>
      %concatenate3A_222 = tpu.concatenate %convert_element_type3A_212, %mul3A_221 in 0 : vector<64x128xf32>, vector<64x128xf32> -> vector<128x128xf32>
      %dot_general3A_223 = arith.constant dense<0.000000e+00> : vector<128x64xf32>
      %dot_general3A_224 = tpu.matmul %concatenate3A_222, %convert_element_type3A_219, %dot_general3A_223 {dimension_numbers = #tpu.dot_dimension_numbers<[1], [1], [0], [0], [0, 0, 1, 0], [], []>, transpose_lhs_hint = false} : vector<128x128xf32>, vector<64x128xf32>, vector<128x64xf32> -> vector<128x64xf32>
      %add3A_225 = arith.addf %add3A_155, %dot_general3A_224 : vector<128x64xf32>
      %mul3A_226 = arith.constant 8 : i32
      %mul3A_227 = arith.muli %scan3A_122, %mul3A_226 : i32
      %add3A_228 = arith.constant 3 : i32
      %add3A_229 = arith.addi %mul3A_227, %add3A_228 : i32
      %get3A_230 = arith.index_cast %add3A_229 : i32 to index
      %get3A_231 = arith.constant 0 : index
      %get3A_232 = vector.load %arg5[%get3A_230, %get3A_231] : memref<128x128xi32, #tpu.memory_space<vmem>>, vector<1x128xi32>
      %mul3A_233 = arith.constant 8 : i32
      %mul3A_234 = arith.muli %scan3A_122, %mul3A_233 : i32
      %add3A_235 = arith.constant 3 : i32
      %add3A_236 = arith.addi %mul3A_234, %add3A_235 : i32
      %get3A_237 = arith.index_cast %add3A_236 : i32 to index
      %get3A_238 = arith.constant 0 : index
      %get3A_239 = vector.load %arg2[%get3A_237, %get3A_238] : memref<128x128xi32, #tpu.memory_space<vmem>>, vector<1x128xi32>
      %convert_element_type3A_240 = arith.sitofp %get3A_239 : vector<1x128xi32> to vector<1x128xf32>
      %shift_right_arithmetic3A_241 = arith.constant 6 : i32
      %shift_right_arithmetic3A_242 = vector.broadcast %shift_right_arithmetic3A_241 : i32 to vector<1x128xi32>
      %shift_right_arithmetic3A_243 = arith.shrsi %get3A_232, %shift_right_arithmetic3A_242 : vector<1x128xi32>
      %eq3A_244 = vector.broadcast %shift_right_arithmetic3A_243 : vector<1x128xi32> to vector<64x128xi32>
      %eq3A_245 = arith.cmpi eq, %iota3A, %eq3A_244 : vector<64x128xi32>
      %convert_element_type3A_246 = arith.extui %eq3A_245 : vector<64x128xi1> to vector<64x128xi32>
      %convert_element_type3A_247 = arith.sitofp %convert_element_type3A_246 : vector<64x128xi32> to vector<64x128xf32>
      %and3A_248 = arith.constant 63 : i32
      %and3A_249 = vector.broadcast %and3A_248 : i32 to vector<1x128xi32>
      %and3A_250 = arith.andi %get3A_232, %and3A_249 : vector<1x128xi32>
      %eq3A_251 = vector.broadcast %and3A_250 : vector<1x128xi32> to vector<64x128xi32>
      %eq3A_252 = arith.cmpi eq, %iota3A, %eq3A_251 : vector<64x128xi32>
      %convert_element_type3A_253 = arith.extui %eq3A_252 : vector<64x128xi1> to vector<64x128xi32>
      %convert_element_type3A_254 = arith.sitofp %convert_element_type3A_253 : vector<64x128xi32> to vector<64x128xf32>
      %mul3A_255 = vector.broadcast %convert_element_type3A_240 : vector<1x128xf32> to vector<64x128xf32>
      %mul3A_256 = arith.mulf %convert_element_type3A_247, %mul3A_255 : vector<64x128xf32>
      %concatenate3A_257 = tpu.concatenate %convert_element_type3A_247, %mul3A_256 in 0 : vector<64x128xf32>, vector<64x128xf32> -> vector<128x128xf32>
      %dot_general3A_258 = arith.constant dense<0.000000e+00> : vector<128x64xf32>
      %dot_general3A_259 = tpu.matmul %concatenate3A_257, %convert_element_type3A_254, %dot_general3A_258 {dimension_numbers = #tpu.dot_dimension_numbers<[1], [1], [0], [0], [0, 0, 1, 0], [], []>, transpose_lhs_hint = false} : vector<128x128xf32>, vector<64x128xf32>, vector<128x64xf32> -> vector<128x64xf32>
      %add3A_260 = arith.addf %add3A_190, %dot_general3A_259 : vector<128x64xf32>
      %mul3A_261 = arith.constant 8 : i32
      %mul3A_262 = arith.muli %scan3A_122, %mul3A_261 : i32
      %add3A_263 = arith.constant 4 : i32
      %add3A_264 = arith.addi %mul3A_262, %add3A_263 : i32
      %get3A_265 = arith.index_cast %add3A_264 : i32 to index
      %get3A_266 = arith.constant 0 : index
      %get3A_267 = vector.load %arg5[%get3A_265, %get3A_266] : memref<128x128xi32, #tpu.memory_space<vmem>>, vector<1x128xi32>
      %mul3A_268 = arith.constant 8 : i32
      %mul3A_269 = arith.muli %scan3A_122, %mul3A_268 : i32
      %add3A_270 = arith.constant 4 : i32
      %add3A_271 = arith.addi %mul3A_269, %add3A_270 : i32
      %get3A_272 = arith.index_cast %add3A_271 : i32 to index
      %get3A_273 = arith.constant 0 : index
      %get3A_274 = vector.load %arg2[%get3A_272, %get3A_273] : memref<128x128xi32, #tpu.memory_space<vmem>>, vector<1x128xi32>
      %convert_element_type3A_275 = arith.sitofp %get3A_274 : vector<1x128xi32> to vector<1x128xf32>
      %shift_right_arithmetic3A_276 = arith.constant 6 : i32
      %shift_right_arithmetic3A_277 = vector.broadcast %shift_right_arithmetic3A_276 : i32 to vector<1x128xi32>
      %shift_right_arithmetic3A_278 = arith.shrsi %get3A_267, %shift_right_arithmetic3A_277 : vector<1x128xi32>
      %eq3A_279 = vector.broadcast %shift_right_arithmetic3A_278 : vector<1x128xi32> to vector<64x128xi32>
      %eq3A_280 = arith.cmpi eq, %iota3A, %eq3A_279 : vector<64x128xi32>
      %convert_element_type3A_281 = arith.extui %eq3A_280 : vector<64x128xi1> to vector<64x128xi32>
      %convert_element_type3A_282 = arith.sitofp %convert_element_type3A_281 : vector<64x128xi32> to vector<64x128xf32>
      %and3A_283 = arith.constant 63 : i32
      %and3A_284 = vector.broadcast %and3A_283 : i32 to vector<1x128xi32>
      %and3A_285 = arith.andi %get3A_267, %and3A_284 : vector<1x128xi32>
      %eq3A_286 = vector.broadcast %and3A_285 : vector<1x128xi32> to vector<64x128xi32>
      %eq3A_287 = arith.cmpi eq, %iota3A, %eq3A_286 : vector<64x128xi32>
      %convert_element_type3A_288 = arith.extui %eq3A_287 : vector<64x128xi1> to vector<64x128xi32>
      %convert_element_type3A_289 = arith.sitofp %convert_element_type3A_288 : vector<64x128xi32> to vector<64x128xf32>
      %mul3A_290 = vector.broadcast %convert_element_type3A_275 : vector<1x128xf32> to vector<64x128xf32>
      %mul3A_291 = arith.mulf %convert_element_type3A_282, %mul3A_290 : vector<64x128xf32>
      %concatenate3A_292 = tpu.concatenate %convert_element_type3A_282, %mul3A_291 in 0 : vector<64x128xf32>, vector<64x128xf32> -> vector<128x128xf32>
      %dot_general3A_293 = arith.constant dense<0.000000e+00> : vector<128x64xf32>
      %dot_general3A_294 = tpu.matmul %concatenate3A_292, %convert_element_type3A_289, %dot_general3A_293 {dimension_numbers = #tpu.dot_dimension_numbers<[1], [1], [0], [0], [0, 0, 1, 0], [], []>, transpose_lhs_hint = false} : vector<128x128xf32>, vector<64x128xf32>, vector<128x64xf32> -> vector<128x64xf32>
      %add3A_295 = arith.addf %add3A_225, %dot_general3A_294 : vector<128x64xf32>
      %mul3A_296 = arith.constant 8 : i32
      %mul3A_297 = arith.muli %scan3A_122, %mul3A_296 : i32
      %add3A_298 = arith.constant 5 : i32
      %add3A_299 = arith.addi %mul3A_297, %add3A_298 : i32
      %get3A_300 = arith.index_cast %add3A_299 : i32 to index
      %get3A_301 = arith.constant 0 : index
      %get3A_302 = vector.load %arg5[%get3A_300, %get3A_301] : memref<128x128xi32, #tpu.memory_space<vmem>>, vector<1x128xi32>
      %mul3A_303 = arith.constant 8 : i32
      %mul3A_304 = arith.muli %scan3A_122, %mul3A_303 : i32
      %add3A_305 = arith.constant 5 : i32
      %add3A_306 = arith.addi %mul3A_304, %add3A_305 : i32
      %get3A_307 = arith.index_cast %add3A_306 : i32 to index
      %get3A_308 = arith.constant 0 : index
      %get3A_309 = vector.load %arg2[%get3A_307, %get3A_308] : memref<128x128xi32, #tpu.memory_space<vmem>>, vector<1x128xi32>
      %convert_element_type3A_310 = arith.sitofp %get3A_309 : vector<1x128xi32> to vector<1x128xf32>
      %shift_right_arithmetic3A_311 = arith.constant 6 : i32
      %shift_right_arithmetic3A_312 = vector.broadcast %shift_right_arithmetic3A_311 : i32 to vector<1x128xi32>
      %shift_right_arithmetic3A_313 = arith.shrsi %get3A_302, %shift_right_arithmetic3A_312 : vector<1x128xi32>
      %eq3A_314 = vector.broadcast %shift_right_arithmetic3A_313 : vector<1x128xi32> to vector<64x128xi32>
      %eq3A_315 = arith.cmpi eq, %iota3A, %eq3A_314 : vector<64x128xi32>
      %convert_element_type3A_316 = arith.extui %eq3A_315 : vector<64x128xi1> to vector<64x128xi32>
      %convert_element_type3A_317 = arith.sitofp %convert_element_type3A_316 : vector<64x128xi32> to vector<64x128xf32>
      %and3A_318 = arith.constant 63 : i32
      %and3A_319 = vector.broadcast %and3A_318 : i32 to vector<1x128xi32>
      %and3A_320 = arith.andi %get3A_302, %and3A_319 : vector<1x128xi32>
      %eq3A_321 = vector.broadcast %and3A_320 : vector<1x128xi32> to vector<64x128xi32>
      %eq3A_322 = arith.cmpi eq, %iota3A, %eq3A_321 : vector<64x128xi32>
      %convert_element_type3A_323 = arith.extui %eq3A_322 : vector<64x128xi1> to vector<64x128xi32>
      %convert_element_type3A_324 = arith.sitofp %convert_element_type3A_323 : vector<64x128xi32> to vector<64x128xf32>
      %mul3A_325 = vector.broadcast %convert_element_type3A_310 : vector<1x128xf32> to vector<64x128xf32>
      %mul3A_326 = arith.mulf %convert_element_type3A_317, %mul3A_325 : vector<64x128xf32>
      %concatenate3A_327 = tpu.concatenate %convert_element_type3A_317, %mul3A_326 in 0 : vector<64x128xf32>, vector<64x128xf32> -> vector<128x128xf32>
      %dot_general3A_328 = arith.constant dense<0.000000e+00> : vector<128x64xf32>
      %dot_general3A_329 = tpu.matmul %concatenate3A_327, %convert_element_type3A_324, %dot_general3A_328 {dimension_numbers = #tpu.dot_dimension_numbers<[1], [1], [0], [0], [0, 0, 1, 0], [], []>, transpose_lhs_hint = false} : vector<128x128xf32>, vector<64x128xf32>, vector<128x64xf32> -> vector<128x64xf32>
      %add3A_330 = arith.addf %add3A_260, %dot_general3A_329 : vector<128x64xf32>
      %mul3A_331 = arith.constant 8 : i32
      %mul3A_332 = arith.muli %scan3A_122, %mul3A_331 : i32
      %add3A_333 = arith.constant 6 : i32
      %add3A_334 = arith.addi %mul3A_332, %add3A_333 : i32
      %get3A_335 = arith.index_cast %add3A_334 : i32 to index
      %get3A_336 = arith.constant 0 : index
      %get3A_337 = vector.load %arg5[%get3A_335, %get3A_336] : memref<128x128xi32, #tpu.memory_space<vmem>>, vector<1x128xi32>
      %mul3A_338 = arith.constant 8 : i32
      %mul3A_339 = arith.muli %scan3A_122, %mul3A_338 : i32
      %add3A_340 = arith.constant 6 : i32
      %add3A_341 = arith.addi %mul3A_339, %add3A_340 : i32
      %get3A_342 = arith.index_cast %add3A_341 : i32 to index
      %get3A_343 = arith.constant 0 : index
      %get3A_344 = vector.load %arg2[%get3A_342, %get3A_343] : memref<128x128xi32, #tpu.memory_space<vmem>>, vector<1x128xi32>
      %convert_element_type3A_345 = arith.sitofp %get3A_344 : vector<1x128xi32> to vector<1x128xf32>
      %shift_right_arithmetic3A_346 = arith.constant 6 : i32
      %shift_right_arithmetic3A_347 = vector.broadcast %shift_right_arithmetic3A_346 : i32 to vector<1x128xi32>
      %shift_right_arithmetic3A_348 = arith.shrsi %get3A_337, %shift_right_arithmetic3A_347 : vector<1x128xi32>
      %eq3A_349 = vector.broadcast %shift_right_arithmetic3A_348 : vector<1x128xi32> to vector<64x128xi32>
      %eq3A_350 = arith.cmpi eq, %iota3A, %eq3A_349 : vector<64x128xi32>
      %convert_element_type3A_351 = arith.extui %eq3A_350 : vector<64x128xi1> to vector<64x128xi32>
      %convert_element_type3A_352 = arith.sitofp %convert_element_type3A_351 : vector<64x128xi32> to vector<64x128xf32>
      %and3A_353 = arith.constant 63 : i32
      %and3A_354 = vector.broadcast %and3A_353 : i32 to vector<1x128xi32>
      %and3A_355 = arith.andi %get3A_337, %and3A_354 : vector<1x128xi32>
      %eq3A_356 = vector.broadcast %and3A_355 : vector<1x128xi32> to vector<64x128xi32>
      %eq3A_357 = arith.cmpi eq, %iota3A, %eq3A_356 : vector<64x128xi32>
      %convert_element_type3A_358 = arith.extui %eq3A_357 : vector<64x128xi1> to vector<64x128xi32>
      %convert_element_type3A_359 = arith.sitofp %convert_element_type3A_358 : vector<64x128xi32> to vector<64x128xf32>
      %mul3A_360 = vector.broadcast %convert_element_type3A_345 : vector<1x128xf32> to vector<64x128xf32>
      %mul3A_361 = arith.mulf %convert_element_type3A_352, %mul3A_360 : vector<64x128xf32>
      %concatenate3A_362 = tpu.concatenate %convert_element_type3A_352, %mul3A_361 in 0 : vector<64x128xf32>, vector<64x128xf32> -> vector<128x128xf32>
      %dot_general3A_363 = arith.constant dense<0.000000e+00> : vector<128x64xf32>
      %dot_general3A_364 = tpu.matmul %concatenate3A_362, %convert_element_type3A_359, %dot_general3A_363 {dimension_numbers = #tpu.dot_dimension_numbers<[1], [1], [0], [0], [0, 0, 1, 0], [], []>, transpose_lhs_hint = false} : vector<128x128xf32>, vector<64x128xf32>, vector<128x64xf32> -> vector<128x64xf32>
      %add3A_365 = arith.addf %add3A_295, %dot_general3A_364 : vector<128x64xf32>
      %mul3A_366 = arith.constant 8 : i32
      %mul3A_367 = arith.muli %scan3A_122, %mul3A_366 : i32
      %add3A_368 = arith.constant 7 : i32
      %add3A_369 = arith.addi %mul3A_367, %add3A_368 : i32
      %get3A_370 = arith.index_cast %add3A_369 : i32 to index
      %get3A_371 = arith.constant 0 : index
      %get3A_372 = vector.load %arg5[%get3A_370, %get3A_371] : memref<128x128xi32, #tpu.memory_space<vmem>>, vector<1x128xi32>
      %mul3A_373 = arith.constant 8 : i32
      %mul3A_374 = arith.muli %scan3A_122, %mul3A_373 : i32
      %add3A_375 = arith.constant 7 : i32
      %add3A_376 = arith.addi %mul3A_374, %add3A_375 : i32
      %get3A_377 = arith.index_cast %add3A_376 : i32 to index
      %get3A_378 = arith.constant 0 : index
      %get3A_379 = vector.load %arg2[%get3A_377, %get3A_378] : memref<128x128xi32, #tpu.memory_space<vmem>>, vector<1x128xi32>
      %convert_element_type3A_380 = arith.sitofp %get3A_379 : vector<1x128xi32> to vector<1x128xf32>
      %shift_right_arithmetic3A_381 = arith.constant 6 : i32
      %shift_right_arithmetic3A_382 = vector.broadcast %shift_right_arithmetic3A_381 : i32 to vector<1x128xi32>
      %shift_right_arithmetic3A_383 = arith.shrsi %get3A_372, %shift_right_arithmetic3A_382 : vector<1x128xi32>
      %eq3A_384 = vector.broadcast %shift_right_arithmetic3A_383 : vector<1x128xi32> to vector<64x128xi32>
      %eq3A_385 = arith.cmpi eq, %iota3A, %eq3A_384 : vector<64x128xi32>
      %convert_element_type3A_386 = arith.extui %eq3A_385 : vector<64x128xi1> to vector<64x128xi32>
      %convert_element_type3A_387 = arith.sitofp %convert_element_type3A_386 : vector<64x128xi32> to vector<64x128xf32>
      %and3A_388 = arith.constant 63 : i32
      %and3A_389 = vector.broadcast %and3A_388 : i32 to vector<1x128xi32>
      %and3A_390 = arith.andi %get3A_372, %and3A_389 : vector<1x128xi32>
      %eq3A_391 = vector.broadcast %and3A_390 : vector<1x128xi32> to vector<64x128xi32>
      %eq3A_392 = arith.cmpi eq, %iota3A, %eq3A_391 : vector<64x128xi32>
      %convert_element_type3A_393 = arith.extui %eq3A_392 : vector<64x128xi1> to vector<64x128xi32>
      %convert_element_type3A_394 = arith.sitofp %convert_element_type3A_393 : vector<64x128xi32> to vector<64x128xf32>
      %mul3A_395 = vector.broadcast %convert_element_type3A_380 : vector<1x128xf32> to vector<64x128xf32>
      %mul3A_396 = arith.mulf %convert_element_type3A_387, %mul3A_395 : vector<64x128xf32>
      %concatenate3A_397 = tpu.concatenate %convert_element_type3A_387, %mul3A_396 in 0 : vector<64x128xf32>, vector<64x128xf32> -> vector<128x128xf32>
      %dot_general3A_398 = arith.constant dense<0.000000e+00> : vector<128x64xf32>
      %dot_general3A_399 = tpu.matmul %concatenate3A_397, %convert_element_type3A_394, %dot_general3A_398 {dimension_numbers = #tpu.dot_dimension_numbers<[1], [1], [0], [0], [0, 0, 1, 0], [], []>, transpose_lhs_hint = false} : vector<128x128xf32>, vector<64x128xf32>, vector<128x64xf32> -> vector<128x64xf32>
      %add3A_400 = arith.addf %add3A_330, %dot_general3A_399 : vector<128x64xf32>
      scf.yield %add3A_365, %add3A_400 : vector<128x64xf32>, vector<128x64xf32>
    }
    %scan3A_70 = arith.constant 16 : i32
    %add3A_71 = arith.addf %scan3A_69#0, %scan3A_69#1 : vector<128x64xf32>
    %slice3A = vector.extract_strided_slice %add3A_71 {offsets = [0, 0], sizes = [64, 64], strides = [1, 1]} : vector<128x64xf32> to vector<64x64xf32>
    %slice3A_72 = vector.extract_strided_slice %add3A_71 {offsets = [64, 0], sizes = [64, 64], strides = [1, 1]} : vector<128x64xf32> to vector<64x64xf32>
    %iota3A_73 = tpu.iota {dimensions = array<i32: 0>} : vector<64x64xi32>
    %iota3A_74 = tpu.iota {dimensions = array<i32: 1>} : vector<64x64xi32>
    %lt3A = arith.cmpi slt, %iota3A_74, %iota3A_73 : vector<64x64xi32>
    %convert_element_type3A_75 = arith.extui %lt3A : vector<64x64xi1> to vector<64x64xi32>
    %convert_element_type3A_76 = arith.sitofp %convert_element_type3A_75 : vector<64x64xi32> to vector<64x64xf32>
    %lt3A_77 = arith.cmpi slt, %iota3A_73, %iota3A_74 : vector<64x64xi32>
    %convert_element_type3A_78 = arith.extui %lt3A_77 : vector<64x64xi1> to vector<64x64xi32>
    %convert_element_type3A_79 = arith.sitofp %convert_element_type3A_78 : vector<64x64xi32> to vector<64x64xf32>
    %broadcast_in_dim3A_80 = arith.constant 1.000000e+00 : f32
    %broadcast_in_dim3A_81 = vector.broadcast %broadcast_in_dim3A_80 : f32 to vector<64x1xf32>
    %dot_general3A = arith.constant dense<0.000000e+00> : vector<64x1xf32>
    %dot_general3A_82 = tpu.matmul %slice3A, %broadcast_in_dim3A_81, %dot_general3A {dimension_numbers = #tpu.dot_dimension_numbers<[1], [0], [0], [1], [0, 0, 1, 1], [], []>, transpose_lhs_hint = false} : vector<64x64xf32>, vector<64x1xf32>, vector<64x1xf32> -> vector<64x1xf32>
    %dot_general3A_83 = arith.constant dense<0.000000e+00> : vector<64x1xf32>
    %dot_general3A_84 = tpu.matmul %convert_element_type3A_76, %dot_general3A_82, %dot_general3A_83 {dimension_numbers = #tpu.dot_dimension_numbers<[1], [0], [0], [1], [0, 0, 1, 1], [], []>, transpose_lhs_hint = false} : vector<64x64xf32>, vector<64x1xf32>, vector<64x1xf32> -> vector<64x1xf32>
    %dot_general3A_85 = arith.constant dense<0.000000e+00> : vector<64x64xf32>
    %dot_general3A_86 = tpu.matmul %slice3A, %convert_element_type3A_79, %dot_general3A_85 {dimension_numbers = #tpu.dot_dimension_numbers<[1], [0], [0], [1], [0, 0, 1, 1], [], []>, transpose_lhs_hint = false} : vector<64x64xf32>, vector<64x64xf32>, vector<64x64xf32> -> vector<64x64xf32>
    %add3A_87 = vector.broadcast %dot_general3A_84 : vector<64x1xf32> to vector<64x64xf32>
    %add3A_88 = arith.addf %add3A_87, %dot_general3A_86 : vector<64x64xf32>
    %mul3A_89 = arith.constant 5.000000e-01 : f32
    %mul3A_90 = vector.broadcast %mul3A_89 : f32 to vector<64x64xf32>
    %mul3A_91 = arith.mulf %mul3A_90, %slice3A : vector<64x64xf32>
    %add3A_92 = arith.addf %add3A_88, %mul3A_91 : vector<64x64xf32>
    %reduce_sum3A_93 = vector.shape_cast %convert_element_type3A : vector<128x128xf32> to vector<1x128x128xf32>
    %reduce_sum3A_94 = arith.constant dense<0.000000e+00> : vector<1xf32>
    %reduce_sum3A_95 = vector.multi_reduction <add>, %reduce_sum3A_93, %reduce_sum3A_94 [1, 2] : vector<1x128x128xf32> to vector<1xf32>
    %reduce_sum3A_96 = vector.shape_cast %reduce_sum3A_95 : vector<1xf32> to vector<1x1x1xf32>
    %reduce_sum3A_97 = vector.extract %reduce_sum3A_96[0, 0, 0] : f32 from vector<1x1x1xf32>
    %mul3A_98 = arith.mulf %add3A_92, %slice3A_72 : vector<64x64xf32>
    %reduce_sum3A_99 = vector.shape_cast %mul3A_98 : vector<64x64xf32> to vector<1x64x64xf32>
    %reduce_sum3A_100 = arith.constant dense<0.000000e+00> : vector<1xf32>
    %reduce_sum3A_101 = vector.multi_reduction <add>, %reduce_sum3A_99, %reduce_sum3A_100 [1, 2] : vector<1x64x64xf32> to vector<1xf32>
    %reduce_sum3A_102 = vector.shape_cast %reduce_sum3A_101 : vector<1xf32> to vector<1x1x1xf32>
    %reduce_sum3A_103 = vector.extract %reduce_sum3A_102[0, 0, 0] : f32 from vector<1x1x1xf32>
    %mul3A_104 = arith.constant 5.000000e-01 : f32
    %mul3A_105 = arith.mulf %mul3A_104, %reduce_sum3A_97 : f32
    %add3A_106 = arith.addf %reduce_sum3A_103, %mul3A_105 : f32
    %sub3A_107 = arith.constant 1.638400e+04 : f32
    %sub3A_108 = arith.subf %sub3A_107, %reduce_sum3A_97 : f32
    %add3A_109 = arith.constant 1.000000e+00 : f32
    %add3A_110 = arith.addf %reduce_sum3A_97, %add3A_109 : f32
    %mul3A_111 = arith.mulf %reduce_sum3A_97, %add3A_110 : f32
    %div3A_112 = arith.constant 2.000000e+00 : f32
    %div3A_113 = arith.divf %mul3A_111, %div3A_112 : f32
    %sub3A_114 = arith.subf %add3A_106, %div3A_113 : f32
    %mul3A_115 = arith.mulf %reduce_sum3A_97, %sub3A_108 : f32
    %add3A_116 = arith.constant 9.99999996E-13 : f32
    %add3A_117 = arith.addf %mul3A_115, %add3A_116 : f32
    %div3A_118 = arith.divf %sub3A_114, %add3A_117 : f32
    %swap3A_119 = arith.constant 0 : index
    %swap3A_120 = arith.constant 0 : index
    %swap3A_121 = memref.load %arg4[%swap3A_119, %swap3A_120] : memref<1x1xf32, #tpu.memory_space<smem>>
    memref.store %div3A_118, %arg4[%swap3A_119, %swap3A_120] : memref<1x1xf32, #tpu.memory_space<smem>>
    return
  }
}

module attributes {stable_mosaic.version = 14 : i64} {
  func.func @_tca_body(%arg0: memref<128x128xi32, #tpu.memory_space<vmem>>, %arg1: memref<128x128xi32, #tpu.memory_space<vmem>>, %arg2: memref<128x128xi32, #tpu.memory_space<vmem>>, %arg3: memref<20x128x128xi32, #tpu.memory_space<vmem>>, %arg4: memref<8x1xf32, #tpu.memory_space<smem>>, %arg5: memref<3x1xf32, #tpu.memory_space<smem>>, %arg6: memref<22x1xf32, #tpu.memory_space<smem>>, %arg7: memref<19x1xf32, #tpu.memory_space<smem>>, %arg8: memref<128x128xf32, #tpu.memory_space<vmem>>) attributes {dimension_semantics = [], scalar_prefetch = 0 : i64, scratch_operands = 0 : i64, tpu.core_type = #tpu.core_type<tc>} {
    %broadcast_in_dim3A = arith.constant 0.000000e+00 : f32
    %broadcast_in_dim3A_0 = vector.broadcast %broadcast_in_dim3A : f32 to vector<128x128xf32>
    %get3A = arith.constant 0 : index
    %get3A_1 = arith.constant 0 : index
    %get3A_2 = vector.load %arg0[%get3A, %get3A_1] : memref<128x128xi32, #tpu.memory_space<vmem>>, vector<128x128xi32>
    %eq3A = arith.constant 0 : i32
    %eq3A_3 = vector.broadcast %eq3A : i32 to vector<128x128xi32>
    %eq3A_4 = arith.cmpi eq, %get3A_2, %eq3A_3 : vector<128x128xi32>
    %get3A_5 = arith.constant 0 : index
    %get3A_6 = arith.constant 0 : index
    %get3A_7 = memref.load %arg4[%get3A_5, %get3A_6] : memref<8x1xf32, #tpu.memory_space<smem>>
    %jit3A = arith.constant 0.000000e+00 : f32
    %broadcast_in_dim3A_8 = vector.broadcast %get3A_7 : f32 to vector<128x128xf32>
    %broadcast_in_dim3A_9 = vector.broadcast %jit3A : f32 to vector<128x128xf32>
    %select_n3A = arith.select %eq3A_4, %broadcast_in_dim3A_8, %broadcast_in_dim3A_9 : vector<128x128xi1>, vector<128x128xf32>
    %add3A = arith.addf %broadcast_in_dim3A_0, %select_n3A : vector<128x128xf32>
    %eq3A_10 = arith.constant 1 : i32
    %eq3A_11 = vector.broadcast %eq3A_10 : i32 to vector<128x128xi32>
    %eq3A_12 = arith.cmpi eq, %get3A_2, %eq3A_11 : vector<128x128xi32>
    %get3A_13 = arith.constant 1 : index
    %get3A_14 = arith.constant 0 : index
    %get3A_15 = memref.load %arg4[%get3A_13, %get3A_14] : memref<8x1xf32, #tpu.memory_space<smem>>
    %jit3A_16 = arith.constant 0.000000e+00 : f32
    %broadcast_in_dim3A_17 = vector.broadcast %get3A_15 : f32 to vector<128x128xf32>
    %broadcast_in_dim3A_18 = vector.broadcast %jit3A_16 : f32 to vector<128x128xf32>
    %select_n3A_19 = arith.select %eq3A_12, %broadcast_in_dim3A_17, %broadcast_in_dim3A_18 : vector<128x128xi1>, vector<128x128xf32>
    %add3A_20 = arith.addf %add3A, %select_n3A_19 : vector<128x128xf32>
    %eq3A_21 = arith.constant 2 : i32
    %eq3A_22 = vector.broadcast %eq3A_21 : i32 to vector<128x128xi32>
    %eq3A_23 = arith.cmpi eq, %get3A_2, %eq3A_22 : vector<128x128xi32>
    %get3A_24 = arith.constant 2 : index
    %get3A_25 = arith.constant 0 : index
    %get3A_26 = memref.load %arg4[%get3A_24, %get3A_25] : memref<8x1xf32, #tpu.memory_space<smem>>
    %jit3A_27 = arith.constant 0.000000e+00 : f32
    %broadcast_in_dim3A_28 = vector.broadcast %get3A_26 : f32 to vector<128x128xf32>
    %broadcast_in_dim3A_29 = vector.broadcast %jit3A_27 : f32 to vector<128x128xf32>
    %select_n3A_30 = arith.select %eq3A_23, %broadcast_in_dim3A_28, %broadcast_in_dim3A_29 : vector<128x128xi1>, vector<128x128xf32>
    %add3A_31 = arith.addf %add3A_20, %select_n3A_30 : vector<128x128xf32>
    %eq3A_32 = arith.constant 3 : i32
    %eq3A_33 = vector.broadcast %eq3A_32 : i32 to vector<128x128xi32>
    %eq3A_34 = arith.cmpi eq, %get3A_2, %eq3A_33 : vector<128x128xi32>
    %get3A_35 = arith.constant 3 : index
    %get3A_36 = arith.constant 0 : index
    %get3A_37 = memref.load %arg4[%get3A_35, %get3A_36] : memref<8x1xf32, #tpu.memory_space<smem>>
    %jit3A_38 = arith.constant 0.000000e+00 : f32
    %broadcast_in_dim3A_39 = vector.broadcast %get3A_37 : f32 to vector<128x128xf32>
    %broadcast_in_dim3A_40 = vector.broadcast %jit3A_38 : f32 to vector<128x128xf32>
    %select_n3A_41 = arith.select %eq3A_34, %broadcast_in_dim3A_39, %broadcast_in_dim3A_40 : vector<128x128xi1>, vector<128x128xf32>
    %add3A_42 = arith.addf %add3A_31, %select_n3A_41 : vector<128x128xf32>
    %eq3A_43 = arith.constant 4 : i32
    %eq3A_44 = vector.broadcast %eq3A_43 : i32 to vector<128x128xi32>
    %eq3A_45 = arith.cmpi eq, %get3A_2, %eq3A_44 : vector<128x128xi32>
    %get3A_46 = arith.constant 4 : index
    %get3A_47 = arith.constant 0 : index
    %get3A_48 = memref.load %arg4[%get3A_46, %get3A_47] : memref<8x1xf32, #tpu.memory_space<smem>>
    %jit3A_49 = arith.constant 0.000000e+00 : f32
    %broadcast_in_dim3A_50 = vector.broadcast %get3A_48 : f32 to vector<128x128xf32>
    %broadcast_in_dim3A_51 = vector.broadcast %jit3A_49 : f32 to vector<128x128xf32>
    %select_n3A_52 = arith.select %eq3A_45, %broadcast_in_dim3A_50, %broadcast_in_dim3A_51 : vector<128x128xi1>, vector<128x128xf32>
    %add3A_53 = arith.addf %add3A_42, %select_n3A_52 : vector<128x128xf32>
    %eq3A_54 = arith.constant 5 : i32
    %eq3A_55 = vector.broadcast %eq3A_54 : i32 to vector<128x128xi32>
    %eq3A_56 = arith.cmpi eq, %get3A_2, %eq3A_55 : vector<128x128xi32>
    %get3A_57 = arith.constant 5 : index
    %get3A_58 = arith.constant 0 : index
    %get3A_59 = memref.load %arg4[%get3A_57, %get3A_58] : memref<8x1xf32, #tpu.memory_space<smem>>
    %jit3A_60 = arith.constant 0.000000e+00 : f32
    %broadcast_in_dim3A_61 = vector.broadcast %get3A_59 : f32 to vector<128x128xf32>
    %broadcast_in_dim3A_62 = vector.broadcast %jit3A_60 : f32 to vector<128x128xf32>
    %select_n3A_63 = arith.select %eq3A_56, %broadcast_in_dim3A_61, %broadcast_in_dim3A_62 : vector<128x128xi1>, vector<128x128xf32>
    %add3A_64 = arith.addf %add3A_53, %select_n3A_63 : vector<128x128xf32>
    %eq3A_65 = arith.constant 6 : i32
    %eq3A_66 = vector.broadcast %eq3A_65 : i32 to vector<128x128xi32>
    %eq3A_67 = arith.cmpi eq, %get3A_2, %eq3A_66 : vector<128x128xi32>
    %get3A_68 = arith.constant 6 : index
    %get3A_69 = arith.constant 0 : index
    %get3A_70 = memref.load %arg4[%get3A_68, %get3A_69] : memref<8x1xf32, #tpu.memory_space<smem>>
    %jit3A_71 = arith.constant 0.000000e+00 : f32
    %broadcast_in_dim3A_72 = vector.broadcast %get3A_70 : f32 to vector<128x128xf32>
    %broadcast_in_dim3A_73 = vector.broadcast %jit3A_71 : f32 to vector<128x128xf32>
    %select_n3A_74 = arith.select %eq3A_67, %broadcast_in_dim3A_72, %broadcast_in_dim3A_73 : vector<128x128xi1>, vector<128x128xf32>
    %add3A_75 = arith.addf %add3A_64, %select_n3A_74 : vector<128x128xf32>
    %eq3A_76 = arith.constant 7 : i32
    %eq3A_77 = vector.broadcast %eq3A_76 : i32 to vector<128x128xi32>
    %eq3A_78 = arith.cmpi eq, %get3A_2, %eq3A_77 : vector<128x128xi32>
    %get3A_79 = arith.constant 7 : index
    %get3A_80 = arith.constant 0 : index
    %get3A_81 = memref.load %arg4[%get3A_79, %get3A_80] : memref<8x1xf32, #tpu.memory_space<smem>>
    %jit3A_82 = arith.constant 0.000000e+00 : f32
    %broadcast_in_dim3A_83 = vector.broadcast %get3A_81 : f32 to vector<128x128xf32>
    %broadcast_in_dim3A_84 = vector.broadcast %jit3A_82 : f32 to vector<128x128xf32>
    %select_n3A_85 = arith.select %eq3A_78, %broadcast_in_dim3A_83, %broadcast_in_dim3A_84 : vector<128x128xi1>, vector<128x128xf32>
    %add3A_86 = arith.addf %add3A_75, %select_n3A_85 : vector<128x128xf32>
    %get3A_87 = arith.constant 0 : index
    %get3A_88 = arith.constant 0 : index
    %get3A_89 = vector.load %arg1[%get3A_87, %get3A_88] : memref<128x128xi32, #tpu.memory_space<vmem>>, vector<128x128xi32>
    %eq3A_90 = arith.constant 0 : i32
    %eq3A_91 = vector.broadcast %eq3A_90 : i32 to vector<128x128xi32>
    %eq3A_92 = arith.cmpi eq, %get3A_89, %eq3A_91 : vector<128x128xi32>
    %get3A_93 = arith.constant 0 : index
    %get3A_94 = arith.constant 0 : index
    %get3A_95 = memref.load %arg5[%get3A_93, %get3A_94] : memref<3x1xf32, #tpu.memory_space<smem>>
    %jit3A_96 = arith.constant 0.000000e+00 : f32
    %broadcast_in_dim3A_97 = vector.broadcast %get3A_95 : f32 to vector<128x128xf32>
    %broadcast_in_dim3A_98 = vector.broadcast %jit3A_96 : f32 to vector<128x128xf32>
    %select_n3A_99 = arith.select %eq3A_92, %broadcast_in_dim3A_97, %broadcast_in_dim3A_98 : vector<128x128xi1>, vector<128x128xf32>
    %add3A_100 = arith.addf %add3A_86, %select_n3A_99 : vector<128x128xf32>
    %eq3A_101 = arith.constant 1 : i32
    %eq3A_102 = vector.broadcast %eq3A_101 : i32 to vector<128x128xi32>
    %eq3A_103 = arith.cmpi eq, %get3A_89, %eq3A_102 : vector<128x128xi32>
    %get3A_104 = arith.constant 1 : index
    %get3A_105 = arith.constant 0 : index
    %get3A_106 = memref.load %arg5[%get3A_104, %get3A_105] : memref<3x1xf32, #tpu.memory_space<smem>>
    %jit3A_107 = arith.constant 0.000000e+00 : f32
    %broadcast_in_dim3A_108 = vector.broadcast %get3A_106 : f32 to vector<128x128xf32>
    %broadcast_in_dim3A_109 = vector.broadcast %jit3A_107 : f32 to vector<128x128xf32>
    %select_n3A_110 = arith.select %eq3A_103, %broadcast_in_dim3A_108, %broadcast_in_dim3A_109 : vector<128x128xi1>, vector<128x128xf32>
    %add3A_111 = arith.addf %add3A_100, %select_n3A_110 : vector<128x128xf32>
    %eq3A_112 = arith.constant 2 : i32
    %eq3A_113 = vector.broadcast %eq3A_112 : i32 to vector<128x128xi32>
    %eq3A_114 = arith.cmpi eq, %get3A_89, %eq3A_113 : vector<128x128xi32>
    %get3A_115 = arith.constant 2 : index
    %get3A_116 = arith.constant 0 : index
    %get3A_117 = memref.load %arg5[%get3A_115, %get3A_116] : memref<3x1xf32, #tpu.memory_space<smem>>
    %jit3A_118 = arith.constant 0.000000e+00 : f32
    %broadcast_in_dim3A_119 = vector.broadcast %get3A_117 : f32 to vector<128x128xf32>
    %broadcast_in_dim3A_120 = vector.broadcast %jit3A_118 : f32 to vector<128x128xf32>
    %select_n3A_121 = arith.select %eq3A_114, %broadcast_in_dim3A_119, %broadcast_in_dim3A_120 : vector<128x128xi1>, vector<128x128xf32>
    %add3A_122 = arith.addf %add3A_111, %select_n3A_121 : vector<128x128xf32>
    %get3A_123 = arith.constant 0 : index
    %get3A_124 = arith.constant 0 : index
    %get3A_125 = vector.load %arg2[%get3A_123, %get3A_124] : memref<128x128xi32, #tpu.memory_space<vmem>>, vector<128x128xi32>
    %eq3A_126 = arith.constant 0 : i32
    %eq3A_127 = vector.broadcast %eq3A_126 : i32 to vector<128x128xi32>
    %eq3A_128 = arith.cmpi eq, %get3A_125, %eq3A_127 : vector<128x128xi32>
    %get3A_129 = arith.constant 0 : index
    %get3A_130 = arith.constant 0 : index
    %get3A_131 = memref.load %arg6[%get3A_129, %get3A_130] : memref<22x1xf32, #tpu.memory_space<smem>>
    %jit3A_132 = arith.constant 0.000000e+00 : f32
    %broadcast_in_dim3A_133 = vector.broadcast %get3A_131 : f32 to vector<128x128xf32>
    %broadcast_in_dim3A_134 = vector.broadcast %jit3A_132 : f32 to vector<128x128xf32>
    %select_n3A_135 = arith.select %eq3A_128, %broadcast_in_dim3A_133, %broadcast_in_dim3A_134 : vector<128x128xi1>, vector<128x128xf32>
    %add3A_136 = arith.addf %add3A_122, %select_n3A_135 : vector<128x128xf32>
    %eq3A_137 = arith.constant 1 : i32
    %eq3A_138 = vector.broadcast %eq3A_137 : i32 to vector<128x128xi32>
    %eq3A_139 = arith.cmpi eq, %get3A_125, %eq3A_138 : vector<128x128xi32>
    %get3A_140 = arith.constant 1 : index
    %get3A_141 = arith.constant 0 : index
    %get3A_142 = memref.load %arg6[%get3A_140, %get3A_141] : memref<22x1xf32, #tpu.memory_space<smem>>
    %jit3A_143 = arith.constant 0.000000e+00 : f32
    %broadcast_in_dim3A_144 = vector.broadcast %get3A_142 : f32 to vector<128x128xf32>
    %broadcast_in_dim3A_145 = vector.broadcast %jit3A_143 : f32 to vector<128x128xf32>
    %select_n3A_146 = arith.select %eq3A_139, %broadcast_in_dim3A_144, %broadcast_in_dim3A_145 : vector<128x128xi1>, vector<128x128xf32>
    %add3A_147 = arith.addf %add3A_136, %select_n3A_146 : vector<128x128xf32>
    %eq3A_148 = arith.constant 2 : i32
    %eq3A_149 = vector.broadcast %eq3A_148 : i32 to vector<128x128xi32>
    %eq3A_150 = arith.cmpi eq, %get3A_125, %eq3A_149 : vector<128x128xi32>
    %get3A_151 = arith.constant 2 : index
    %get3A_152 = arith.constant 0 : index
    %get3A_153 = memref.load %arg6[%get3A_151, %get3A_152] : memref<22x1xf32, #tpu.memory_space<smem>>
    %jit3A_154 = arith.constant 0.000000e+00 : f32
    %broadcast_in_dim3A_155 = vector.broadcast %get3A_153 : f32 to vector<128x128xf32>
    %broadcast_in_dim3A_156 = vector.broadcast %jit3A_154 : f32 to vector<128x128xf32>
    %select_n3A_157 = arith.select %eq3A_150, %broadcast_in_dim3A_155, %broadcast_in_dim3A_156 : vector<128x128xi1>, vector<128x128xf32>
    %add3A_158 = arith.addf %add3A_147, %select_n3A_157 : vector<128x128xf32>
    %eq3A_159 = arith.constant 3 : i32
    %eq3A_160 = vector.broadcast %eq3A_159 : i32 to vector<128x128xi32>
    %eq3A_161 = arith.cmpi eq, %get3A_125, %eq3A_160 : vector<128x128xi32>
    %get3A_162 = arith.constant 3 : index
    %get3A_163 = arith.constant 0 : index
    %get3A_164 = memref.load %arg6[%get3A_162, %get3A_163] : memref<22x1xf32, #tpu.memory_space<smem>>
    %jit3A_165 = arith.constant 0.000000e+00 : f32
    %broadcast_in_dim3A_166 = vector.broadcast %get3A_164 : f32 to vector<128x128xf32>
    %broadcast_in_dim3A_167 = vector.broadcast %jit3A_165 : f32 to vector<128x128xf32>
    %select_n3A_168 = arith.select %eq3A_161, %broadcast_in_dim3A_166, %broadcast_in_dim3A_167 : vector<128x128xi1>, vector<128x128xf32>
    %add3A_169 = arith.addf %add3A_158, %select_n3A_168 : vector<128x128xf32>
    %eq3A_170 = arith.constant 4 : i32
    %eq3A_171 = vector.broadcast %eq3A_170 : i32 to vector<128x128xi32>
    %eq3A_172 = arith.cmpi eq, %get3A_125, %eq3A_171 : vector<128x128xi32>
    %get3A_173 = arith.constant 4 : index
    %get3A_174 = arith.constant 0 : index
    %get3A_175 = memref.load %arg6[%get3A_173, %get3A_174] : memref<22x1xf32, #tpu.memory_space<smem>>
    %jit3A_176 = arith.constant 0.000000e+00 : f32
    %broadcast_in_dim3A_177 = vector.broadcast %get3A_175 : f32 to vector<128x128xf32>
    %broadcast_in_dim3A_178 = vector.broadcast %jit3A_176 : f32 to vector<128x128xf32>
    %select_n3A_179 = arith.select %eq3A_172, %broadcast_in_dim3A_177, %broadcast_in_dim3A_178 : vector<128x128xi1>, vector<128x128xf32>
    %add3A_180 = arith.addf %add3A_169, %select_n3A_179 : vector<128x128xf32>
    %eq3A_181 = arith.constant 5 : i32
    %eq3A_182 = vector.broadcast %eq3A_181 : i32 to vector<128x128xi32>
    %eq3A_183 = arith.cmpi eq, %get3A_125, %eq3A_182 : vector<128x128xi32>
    %get3A_184 = arith.constant 5 : index
    %get3A_185 = arith.constant 0 : index
    %get3A_186 = memref.load %arg6[%get3A_184, %get3A_185] : memref<22x1xf32, #tpu.memory_space<smem>>
    %jit3A_187 = arith.constant 0.000000e+00 : f32
    %broadcast_in_dim3A_188 = vector.broadcast %get3A_186 : f32 to vector<128x128xf32>
    %broadcast_in_dim3A_189 = vector.broadcast %jit3A_187 : f32 to vector<128x128xf32>
    %select_n3A_190 = arith.select %eq3A_183, %broadcast_in_dim3A_188, %broadcast_in_dim3A_189 : vector<128x128xi1>, vector<128x128xf32>
    %add3A_191 = arith.addf %add3A_180, %select_n3A_190 : vector<128x128xf32>
    %eq3A_192 = arith.constant 6 : i32
    %eq3A_193 = vector.broadcast %eq3A_192 : i32 to vector<128x128xi32>
    %eq3A_194 = arith.cmpi eq, %get3A_125, %eq3A_193 : vector<128x128xi32>
    %get3A_195 = arith.constant 6 : index
    %get3A_196 = arith.constant 0 : index
    %get3A_197 = memref.load %arg6[%get3A_195, %get3A_196] : memref<22x1xf32, #tpu.memory_space<smem>>
    %jit3A_198 = arith.constant 0.000000e+00 : f32
    %broadcast_in_dim3A_199 = vector.broadcast %get3A_197 : f32 to vector<128x128xf32>
    %broadcast_in_dim3A_200 = vector.broadcast %jit3A_198 : f32 to vector<128x128xf32>
    %select_n3A_201 = arith.select %eq3A_194, %broadcast_in_dim3A_199, %broadcast_in_dim3A_200 : vector<128x128xi1>, vector<128x128xf32>
    %add3A_202 = arith.addf %add3A_191, %select_n3A_201 : vector<128x128xf32>
    %eq3A_203 = arith.constant 7 : i32
    %eq3A_204 = vector.broadcast %eq3A_203 : i32 to vector<128x128xi32>
    %eq3A_205 = arith.cmpi eq, %get3A_125, %eq3A_204 : vector<128x128xi32>
    %get3A_206 = arith.constant 7 : index
    %get3A_207 = arith.constant 0 : index
    %get3A_208 = memref.load %arg6[%get3A_206, %get3A_207] : memref<22x1xf32, #tpu.memory_space<smem>>
    %jit3A_209 = arith.constant 0.000000e+00 : f32
    %broadcast_in_dim3A_210 = vector.broadcast %get3A_208 : f32 to vector<128x128xf32>
    %broadcast_in_dim3A_211 = vector.broadcast %jit3A_209 : f32 to vector<128x128xf32>
    %select_n3A_212 = arith.select %eq3A_205, %broadcast_in_dim3A_210, %broadcast_in_dim3A_211 : vector<128x128xi1>, vector<128x128xf32>
    %add3A_213 = arith.addf %add3A_202, %select_n3A_212 : vector<128x128xf32>
    %eq3A_214 = arith.constant 8 : i32
    %eq3A_215 = vector.broadcast %eq3A_214 : i32 to vector<128x128xi32>
    %eq3A_216 = arith.cmpi eq, %get3A_125, %eq3A_215 : vector<128x128xi32>
    %get3A_217 = arith.constant 8 : index
    %get3A_218 = arith.constant 0 : index
    %get3A_219 = memref.load %arg6[%get3A_217, %get3A_218] : memref<22x1xf32, #tpu.memory_space<smem>>
    %jit3A_220 = arith.constant 0.000000e+00 : f32
    %broadcast_in_dim3A_221 = vector.broadcast %get3A_219 : f32 to vector<128x128xf32>
    %broadcast_in_dim3A_222 = vector.broadcast %jit3A_220 : f32 to vector<128x128xf32>
    %select_n3A_223 = arith.select %eq3A_216, %broadcast_in_dim3A_221, %broadcast_in_dim3A_222 : vector<128x128xi1>, vector<128x128xf32>
    %add3A_224 = arith.addf %add3A_213, %select_n3A_223 : vector<128x128xf32>
    %eq3A_225 = arith.constant 9 : i32
    %eq3A_226 = vector.broadcast %eq3A_225 : i32 to vector<128x128xi32>
    %eq3A_227 = arith.cmpi eq, %get3A_125, %eq3A_226 : vector<128x128xi32>
    %get3A_228 = arith.constant 9 : index
    %get3A_229 = arith.constant 0 : index
    %get3A_230 = memref.load %arg6[%get3A_228, %get3A_229] : memref<22x1xf32, #tpu.memory_space<smem>>
    %jit3A_231 = arith.constant 0.000000e+00 : f32
    %broadcast_in_dim3A_232 = vector.broadcast %get3A_230 : f32 to vector<128x128xf32>
    %broadcast_in_dim3A_233 = vector.broadcast %jit3A_231 : f32 to vector<128x128xf32>
    %select_n3A_234 = arith.select %eq3A_227, %broadcast_in_dim3A_232, %broadcast_in_dim3A_233 : vector<128x128xi1>, vector<128x128xf32>
    %add3A_235 = arith.addf %add3A_224, %select_n3A_234 : vector<128x128xf32>
    %eq3A_236 = arith.constant 10 : i32
    %eq3A_237 = vector.broadcast %eq3A_236 : i32 to vector<128x128xi32>
    %eq3A_238 = arith.cmpi eq, %get3A_125, %eq3A_237 : vector<128x128xi32>
    %get3A_239 = arith.constant 10 : index
    %get3A_240 = arith.constant 0 : index
    %get3A_241 = memref.load %arg6[%get3A_239, %get3A_240] : memref<22x1xf32, #tpu.memory_space<smem>>
    %jit3A_242 = arith.constant 0.000000e+00 : f32
    %broadcast_in_dim3A_243 = vector.broadcast %get3A_241 : f32 to vector<128x128xf32>
    %broadcast_in_dim3A_244 = vector.broadcast %jit3A_242 : f32 to vector<128x128xf32>
    %select_n3A_245 = arith.select %eq3A_238, %broadcast_in_dim3A_243, %broadcast_in_dim3A_244 : vector<128x128xi1>, vector<128x128xf32>
    %add3A_246 = arith.addf %add3A_235, %select_n3A_245 : vector<128x128xf32>
    %eq3A_247 = arith.constant 11 : i32
    %eq3A_248 = vector.broadcast %eq3A_247 : i32 to vector<128x128xi32>
    %eq3A_249 = arith.cmpi eq, %get3A_125, %eq3A_248 : vector<128x128xi32>
    %get3A_250 = arith.constant 11 : index
    %get3A_251 = arith.constant 0 : index
    %get3A_252 = memref.load %arg6[%get3A_250, %get3A_251] : memref<22x1xf32, #tpu.memory_space<smem>>
    %jit3A_253 = arith.constant 0.000000e+00 : f32
    %broadcast_in_dim3A_254 = vector.broadcast %get3A_252 : f32 to vector<128x128xf32>
    %broadcast_in_dim3A_255 = vector.broadcast %jit3A_253 : f32 to vector<128x128xf32>
    %select_n3A_256 = arith.select %eq3A_249, %broadcast_in_dim3A_254, %broadcast_in_dim3A_255 : vector<128x128xi1>, vector<128x128xf32>
    %add3A_257 = arith.addf %add3A_246, %select_n3A_256 : vector<128x128xf32>
    %eq3A_258 = arith.constant 12 : i32
    %eq3A_259 = vector.broadcast %eq3A_258 : i32 to vector<128x128xi32>
    %eq3A_260 = arith.cmpi eq, %get3A_125, %eq3A_259 : vector<128x128xi32>
    %get3A_261 = arith.constant 12 : index
    %get3A_262 = arith.constant 0 : index
    %get3A_263 = memref.load %arg6[%get3A_261, %get3A_262] : memref<22x1xf32, #tpu.memory_space<smem>>
    %jit3A_264 = arith.constant 0.000000e+00 : f32
    %broadcast_in_dim3A_265 = vector.broadcast %get3A_263 : f32 to vector<128x128xf32>
    %broadcast_in_dim3A_266 = vector.broadcast %jit3A_264 : f32 to vector<128x128xf32>
    %select_n3A_267 = arith.select %eq3A_260, %broadcast_in_dim3A_265, %broadcast_in_dim3A_266 : vector<128x128xi1>, vector<128x128xf32>
    %add3A_268 = arith.addf %add3A_257, %select_n3A_267 : vector<128x128xf32>
    %eq3A_269 = arith.constant 13 : i32
    %eq3A_270 = vector.broadcast %eq3A_269 : i32 to vector<128x128xi32>
    %eq3A_271 = arith.cmpi eq, %get3A_125, %eq3A_270 : vector<128x128xi32>
    %get3A_272 = arith.constant 13 : index
    %get3A_273 = arith.constant 0 : index
    %get3A_274 = memref.load %arg6[%get3A_272, %get3A_273] : memref<22x1xf32, #tpu.memory_space<smem>>
    %jit3A_275 = arith.constant 0.000000e+00 : f32
    %broadcast_in_dim3A_276 = vector.broadcast %get3A_274 : f32 to vector<128x128xf32>
    %broadcast_in_dim3A_277 = vector.broadcast %jit3A_275 : f32 to vector<128x128xf32>
    %select_n3A_278 = arith.select %eq3A_271, %broadcast_in_dim3A_276, %broadcast_in_dim3A_277 : vector<128x128xi1>, vector<128x128xf32>
    %add3A_279 = arith.addf %add3A_268, %select_n3A_278 : vector<128x128xf32>
    %eq3A_280 = arith.constant 14 : i32
    %eq3A_281 = vector.broadcast %eq3A_280 : i32 to vector<128x128xi32>
    %eq3A_282 = arith.cmpi eq, %get3A_125, %eq3A_281 : vector<128x128xi32>
    %get3A_283 = arith.constant 14 : index
    %get3A_284 = arith.constant 0 : index
    %get3A_285 = memref.load %arg6[%get3A_283, %get3A_284] : memref<22x1xf32, #tpu.memory_space<smem>>
    %jit3A_286 = arith.constant 0.000000e+00 : f32
    %broadcast_in_dim3A_287 = vector.broadcast %get3A_285 : f32 to vector<128x128xf32>
    %broadcast_in_dim3A_288 = vector.broadcast %jit3A_286 : f32 to vector<128x128xf32>
    %select_n3A_289 = arith.select %eq3A_282, %broadcast_in_dim3A_287, %broadcast_in_dim3A_288 : vector<128x128xi1>, vector<128x128xf32>
    %add3A_290 = arith.addf %add3A_279, %select_n3A_289 : vector<128x128xf32>
    %eq3A_291 = arith.constant 15 : i32
    %eq3A_292 = vector.broadcast %eq3A_291 : i32 to vector<128x128xi32>
    %eq3A_293 = arith.cmpi eq, %get3A_125, %eq3A_292 : vector<128x128xi32>
    %get3A_294 = arith.constant 15 : index
    %get3A_295 = arith.constant 0 : index
    %get3A_296 = memref.load %arg6[%get3A_294, %get3A_295] : memref<22x1xf32, #tpu.memory_space<smem>>
    %jit3A_297 = arith.constant 0.000000e+00 : f32
    %broadcast_in_dim3A_298 = vector.broadcast %get3A_296 : f32 to vector<128x128xf32>
    %broadcast_in_dim3A_299 = vector.broadcast %jit3A_297 : f32 to vector<128x128xf32>
    %select_n3A_300 = arith.select %eq3A_293, %broadcast_in_dim3A_298, %broadcast_in_dim3A_299 : vector<128x128xi1>, vector<128x128xf32>
    %add3A_301 = arith.addf %add3A_290, %select_n3A_300 : vector<128x128xf32>
    %eq3A_302 = arith.constant 16 : i32
    %eq3A_303 = vector.broadcast %eq3A_302 : i32 to vector<128x128xi32>
    %eq3A_304 = arith.cmpi eq, %get3A_125, %eq3A_303 : vector<128x128xi32>
    %get3A_305 = arith.constant 16 : index
    %get3A_306 = arith.constant 0 : index
    %get3A_307 = memref.load %arg6[%get3A_305, %get3A_306] : memref<22x1xf32, #tpu.memory_space<smem>>
    %jit3A_308 = arith.constant 0.000000e+00 : f32
    %broadcast_in_dim3A_309 = vector.broadcast %get3A_307 : f32 to vector<128x128xf32>
    %broadcast_in_dim3A_310 = vector.broadcast %jit3A_308 : f32 to vector<128x128xf32>
    %select_n3A_311 = arith.select %eq3A_304, %broadcast_in_dim3A_309, %broadcast_in_dim3A_310 : vector<128x128xi1>, vector<128x128xf32>
    %add3A_312 = arith.addf %add3A_301, %select_n3A_311 : vector<128x128xf32>
    %eq3A_313 = arith.constant 17 : i32
    %eq3A_314 = vector.broadcast %eq3A_313 : i32 to vector<128x128xi32>
    %eq3A_315 = arith.cmpi eq, %get3A_125, %eq3A_314 : vector<128x128xi32>
    %get3A_316 = arith.constant 17 : index
    %get3A_317 = arith.constant 0 : index
    %get3A_318 = memref.load %arg6[%get3A_316, %get3A_317] : memref<22x1xf32, #tpu.memory_space<smem>>
    %jit3A_319 = arith.constant 0.000000e+00 : f32
    %broadcast_in_dim3A_320 = vector.broadcast %get3A_318 : f32 to vector<128x128xf32>
    %broadcast_in_dim3A_321 = vector.broadcast %jit3A_319 : f32 to vector<128x128xf32>
    %select_n3A_322 = arith.select %eq3A_315, %broadcast_in_dim3A_320, %broadcast_in_dim3A_321 : vector<128x128xi1>, vector<128x128xf32>
    %add3A_323 = arith.addf %add3A_312, %select_n3A_322 : vector<128x128xf32>
    %eq3A_324 = arith.constant 18 : i32
    %eq3A_325 = vector.broadcast %eq3A_324 : i32 to vector<128x128xi32>
    %eq3A_326 = arith.cmpi eq, %get3A_125, %eq3A_325 : vector<128x128xi32>
    %get3A_327 = arith.constant 18 : index
    %get3A_328 = arith.constant 0 : index
    %get3A_329 = memref.load %arg6[%get3A_327, %get3A_328] : memref<22x1xf32, #tpu.memory_space<smem>>
    %jit3A_330 = arith.constant 0.000000e+00 : f32
    %broadcast_in_dim3A_331 = vector.broadcast %get3A_329 : f32 to vector<128x128xf32>
    %broadcast_in_dim3A_332 = vector.broadcast %jit3A_330 : f32 to vector<128x128xf32>
    %select_n3A_333 = arith.select %eq3A_326, %broadcast_in_dim3A_331, %broadcast_in_dim3A_332 : vector<128x128xi1>, vector<128x128xf32>
    %add3A_334 = arith.addf %add3A_323, %select_n3A_333 : vector<128x128xf32>
    %eq3A_335 = arith.constant 19 : i32
    %eq3A_336 = vector.broadcast %eq3A_335 : i32 to vector<128x128xi32>
    %eq3A_337 = arith.cmpi eq, %get3A_125, %eq3A_336 : vector<128x128xi32>
    %get3A_338 = arith.constant 19 : index
    %get3A_339 = arith.constant 0 : index
    %get3A_340 = memref.load %arg6[%get3A_338, %get3A_339] : memref<22x1xf32, #tpu.memory_space<smem>>
    %jit3A_341 = arith.constant 0.000000e+00 : f32
    %broadcast_in_dim3A_342 = vector.broadcast %get3A_340 : f32 to vector<128x128xf32>
    %broadcast_in_dim3A_343 = vector.broadcast %jit3A_341 : f32 to vector<128x128xf32>
    %select_n3A_344 = arith.select %eq3A_337, %broadcast_in_dim3A_342, %broadcast_in_dim3A_343 : vector<128x128xi1>, vector<128x128xf32>
    %add3A_345 = arith.addf %add3A_334, %select_n3A_344 : vector<128x128xf32>
    %eq3A_346 = arith.constant 20 : i32
    %eq3A_347 = vector.broadcast %eq3A_346 : i32 to vector<128x128xi32>
    %eq3A_348 = arith.cmpi eq, %get3A_125, %eq3A_347 : vector<128x128xi32>
    %get3A_349 = arith.constant 20 : index
    %get3A_350 = arith.constant 0 : index
    %get3A_351 = memref.load %arg6[%get3A_349, %get3A_350] : memref<22x1xf32, #tpu.memory_space<smem>>
    %jit3A_352 = arith.constant 0.000000e+00 : f32
    %broadcast_in_dim3A_353 = vector.broadcast %get3A_351 : f32 to vector<128x128xf32>
    %broadcast_in_dim3A_354 = vector.broadcast %jit3A_352 : f32 to vector<128x128xf32>
    %select_n3A_355 = arith.select %eq3A_348, %broadcast_in_dim3A_353, %broadcast_in_dim3A_354 : vector<128x128xi1>, vector<128x128xf32>
    %add3A_356 = arith.addf %add3A_345, %select_n3A_355 : vector<128x128xf32>
    %eq3A_357 = arith.constant 21 : i32
    %eq3A_358 = vector.broadcast %eq3A_357 : i32 to vector<128x128xi32>
    %eq3A_359 = arith.cmpi eq, %get3A_125, %eq3A_358 : vector<128x128xi32>
    %get3A_360 = arith.constant 21 : index
    %get3A_361 = arith.constant 0 : index
    %get3A_362 = memref.load %arg6[%get3A_360, %get3A_361] : memref<22x1xf32, #tpu.memory_space<smem>>
    %jit3A_363 = arith.constant 0.000000e+00 : f32
    %broadcast_in_dim3A_364 = vector.broadcast %get3A_362 : f32 to vector<128x128xf32>
    %broadcast_in_dim3A_365 = vector.broadcast %jit3A_363 : f32 to vector<128x128xf32>
    %select_n3A_366 = arith.select %eq3A_359, %broadcast_in_dim3A_364, %broadcast_in_dim3A_365 : vector<128x128xi1>, vector<128x128xf32>
    %add3A_367 = arith.addf %add3A_356, %select_n3A_366 : vector<128x128xf32>
    %get3A_368 = arith.constant 0 : index
    %get3A_369 = arith.constant 0 : index
    %get3A_370 = arith.constant 0 : index
    %get3A_371 = vector.load %arg3[%get3A_368, %get3A_369, %get3A_370] : memref<20x128x128xi32, #tpu.memory_space<vmem>>, vector<1x128x128xi32>
    %get3A_372 = vector.shape_cast %get3A_371 : vector<1x128x128xi32> to vector<128x128xi32>
    %eq3A_373 = arith.constant 1 : i32
    %eq3A_374 = vector.broadcast %eq3A_373 : i32 to vector<128x128xi32>
    %eq3A_375 = arith.cmpi eq, %get3A_372, %eq3A_374 : vector<128x128xi32>
    %get3A_376 = arith.constant 1 : index
    %get3A_377 = arith.constant 0 : index
    %get3A_378 = memref.load %arg7[%get3A_376, %get3A_377] : memref<19x1xf32, #tpu.memory_space<smem>>
    %jit3A_379 = arith.constant 0.000000e+00 : f32
    %broadcast_in_dim3A_380 = vector.broadcast %get3A_378 : f32 to vector<128x128xf32>
    %broadcast_in_dim3A_381 = vector.broadcast %jit3A_379 : f32 to vector<128x128xf32>
    %select_n3A_382 = arith.select %eq3A_375, %broadcast_in_dim3A_380, %broadcast_in_dim3A_381 : vector<128x128xi1>, vector<128x128xf32>
    %add3A_383 = arith.addf %add3A_367, %select_n3A_382 : vector<128x128xf32>
    %eq3A_384 = arith.constant 2 : i32
    %eq3A_385 = vector.broadcast %eq3A_384 : i32 to vector<128x128xi32>
    %eq3A_386 = arith.cmpi eq, %get3A_372, %eq3A_385 : vector<128x128xi32>
    %get3A_387 = arith.constant 2 : index
    %get3A_388 = arith.constant 0 : index
    %get3A_389 = memref.load %arg7[%get3A_387, %get3A_388] : memref<19x1xf32, #tpu.memory_space<smem>>
    %jit3A_390 = arith.constant 0.000000e+00 : f32
    %broadcast_in_dim3A_391 = vector.broadcast %get3A_389 : f32 to vector<128x128xf32>
    %broadcast_in_dim3A_392 = vector.broadcast %jit3A_390 : f32 to vector<128x128xf32>
    %select_n3A_393 = arith.select %eq3A_386, %broadcast_in_dim3A_391, %broadcast_in_dim3A_392 : vector<128x128xi1>, vector<128x128xf32>
    %add3A_394 = arith.addf %add3A_383, %select_n3A_393 : vector<128x128xf32>
    %eq3A_395 = arith.constant 3 : i32
    %eq3A_396 = vector.broadcast %eq3A_395 : i32 to vector<128x128xi32>
    %eq3A_397 = arith.cmpi eq, %get3A_372, %eq3A_396 : vector<128x128xi32>
    %get3A_398 = arith.constant 3 : index
    %get3A_399 = arith.constant 0 : index
    %get3A_400 = memref.load %arg7[%get3A_398, %get3A_399] : memref<19x1xf32, #tpu.memory_space<smem>>
    %jit3A_401 = arith.constant 0.000000e+00 : f32
    %broadcast_in_dim3A_402 = vector.broadcast %get3A_400 : f32 to vector<128x128xf32>
    %broadcast_in_dim3A_403 = vector.broadcast %jit3A_401 : f32 to vector<128x128xf32>
    %select_n3A_404 = arith.select %eq3A_397, %broadcast_in_dim3A_402, %broadcast_in_dim3A_403 : vector<128x128xi1>, vector<128x128xf32>
    %add3A_405 = arith.addf %add3A_394, %select_n3A_404 : vector<128x128xf32>
    %eq3A_406 = arith.constant 4 : i32
    %eq3A_407 = vector.broadcast %eq3A_406 : i32 to vector<128x128xi32>
    %eq3A_408 = arith.cmpi eq, %get3A_372, %eq3A_407 : vector<128x128xi32>
    %get3A_409 = arith.constant 4 : index
    %get3A_410 = arith.constant 0 : index
    %get3A_411 = memref.load %arg7[%get3A_409, %get3A_410] : memref<19x1xf32, #tpu.memory_space<smem>>
    %jit3A_412 = arith.constant 0.000000e+00 : f32
    %broadcast_in_dim3A_413 = vector.broadcast %get3A_411 : f32 to vector<128x128xf32>
    %broadcast_in_dim3A_414 = vector.broadcast %jit3A_412 : f32 to vector<128x128xf32>
    %select_n3A_415 = arith.select %eq3A_408, %broadcast_in_dim3A_413, %broadcast_in_dim3A_414 : vector<128x128xi1>, vector<128x128xf32>
    %add3A_416 = arith.addf %add3A_405, %select_n3A_415 : vector<128x128xf32>
    %eq3A_417 = arith.constant 5 : i32
    %eq3A_418 = vector.broadcast %eq3A_417 : i32 to vector<128x128xi32>
    %eq3A_419 = arith.cmpi eq, %get3A_372, %eq3A_418 : vector<128x128xi32>
    %get3A_420 = arith.constant 5 : index
    %get3A_421 = arith.constant 0 : index
    %get3A_422 = memref.load %arg7[%get3A_420, %get3A_421] : memref<19x1xf32, #tpu.memory_space<smem>>
    %jit3A_423 = arith.constant 0.000000e+00 : f32
    %broadcast_in_dim3A_424 = vector.broadcast %get3A_422 : f32 to vector<128x128xf32>
    %broadcast_in_dim3A_425 = vector.broadcast %jit3A_423 : f32 to vector<128x128xf32>
    %select_n3A_426 = arith.select %eq3A_419, %broadcast_in_dim3A_424, %broadcast_in_dim3A_425 : vector<128x128xi1>, vector<128x128xf32>
    %add3A_427 = arith.addf %add3A_416, %select_n3A_426 : vector<128x128xf32>
    %eq3A_428 = arith.constant 6 : i32
    %eq3A_429 = vector.broadcast %eq3A_428 : i32 to vector<128x128xi32>
    %eq3A_430 = arith.cmpi eq, %get3A_372, %eq3A_429 : vector<128x128xi32>
    %get3A_431 = arith.constant 6 : index
    %get3A_432 = arith.constant 0 : index
    %get3A_433 = memref.load %arg7[%get3A_431, %get3A_432] : memref<19x1xf32, #tpu.memory_space<smem>>
    %jit3A_434 = arith.constant 0.000000e+00 : f32
    %broadcast_in_dim3A_435 = vector.broadcast %get3A_433 : f32 to vector<128x128xf32>
    %broadcast_in_dim3A_436 = vector.broadcast %jit3A_434 : f32 to vector<128x128xf32>
    %select_n3A_437 = arith.select %eq3A_430, %broadcast_in_dim3A_435, %broadcast_in_dim3A_436 : vector<128x128xi1>, vector<128x128xf32>
    %add3A_438 = arith.addf %add3A_427, %select_n3A_437 : vector<128x128xf32>
    %eq3A_439 = arith.constant 7 : i32
    %eq3A_440 = vector.broadcast %eq3A_439 : i32 to vector<128x128xi32>
    %eq3A_441 = arith.cmpi eq, %get3A_372, %eq3A_440 : vector<128x128xi32>
    %get3A_442 = arith.constant 7 : index
    %get3A_443 = arith.constant 0 : index
    %get3A_444 = memref.load %arg7[%get3A_442, %get3A_443] : memref<19x1xf32, #tpu.memory_space<smem>>
    %jit3A_445 = arith.constant 0.000000e+00 : f32
    %broadcast_in_dim3A_446 = vector.broadcast %get3A_444 : f32 to vector<128x128xf32>
    %broadcast_in_dim3A_447 = vector.broadcast %jit3A_445 : f32 to vector<128x128xf32>
    %select_n3A_448 = arith.select %eq3A_441, %broadcast_in_dim3A_446, %broadcast_in_dim3A_447 : vector<128x128xi1>, vector<128x128xf32>
    %add3A_449 = arith.addf %add3A_438, %select_n3A_448 : vector<128x128xf32>
    %eq3A_450 = arith.constant 8 : i32
    %eq3A_451 = vector.broadcast %eq3A_450 : i32 to vector<128x128xi32>
    %eq3A_452 = arith.cmpi eq, %get3A_372, %eq3A_451 : vector<128x128xi32>
    %get3A_453 = arith.constant 8 : index
    %get3A_454 = arith.constant 0 : index
    %get3A_455 = memref.load %arg7[%get3A_453, %get3A_454] : memref<19x1xf32, #tpu.memory_space<smem>>
    %jit3A_456 = arith.constant 0.000000e+00 : f32
    %broadcast_in_dim3A_457 = vector.broadcast %get3A_455 : f32 to vector<128x128xf32>
    %broadcast_in_dim3A_458 = vector.broadcast %jit3A_456 : f32 to vector<128x128xf32>
    %select_n3A_459 = arith.select %eq3A_452, %broadcast_in_dim3A_457, %broadcast_in_dim3A_458 : vector<128x128xi1>, vector<128x128xf32>
    %add3A_460 = arith.addf %add3A_449, %select_n3A_459 : vector<128x128xf32>
    %eq3A_461 = arith.constant 9 : i32
    %eq3A_462 = vector.broadcast %eq3A_461 : i32 to vector<128x128xi32>
    %eq3A_463 = arith.cmpi eq, %get3A_372, %eq3A_462 : vector<128x128xi32>
    %get3A_464 = arith.constant 9 : index
    %get3A_465 = arith.constant 0 : index
    %get3A_466 = memref.load %arg7[%get3A_464, %get3A_465] : memref<19x1xf32, #tpu.memory_space<smem>>
    %jit3A_467 = arith.constant 0.000000e+00 : f32
    %broadcast_in_dim3A_468 = vector.broadcast %get3A_466 : f32 to vector<128x128xf32>
    %broadcast_in_dim3A_469 = vector.broadcast %jit3A_467 : f32 to vector<128x128xf32>
    %select_n3A_470 = arith.select %eq3A_463, %broadcast_in_dim3A_468, %broadcast_in_dim3A_469 : vector<128x128xi1>, vector<128x128xf32>
    %add3A_471 = arith.addf %add3A_460, %select_n3A_470 : vector<128x128xf32>
    %eq3A_472 = arith.constant 10 : i32
    %eq3A_473 = vector.broadcast %eq3A_472 : i32 to vector<128x128xi32>
    %eq3A_474 = arith.cmpi eq, %get3A_372, %eq3A_473 : vector<128x128xi32>
    %get3A_475 = arith.constant 10 : index
    %get3A_476 = arith.constant 0 : index
    %get3A_477 = memref.load %arg7[%get3A_475, %get3A_476] : memref<19x1xf32, #tpu.memory_space<smem>>
    %jit3A_478 = arith.constant 0.000000e+00 : f32
    %broadcast_in_dim3A_479 = vector.broadcast %get3A_477 : f32 to vector<128x128xf32>
    %broadcast_in_dim3A_480 = vector.broadcast %jit3A_478 : f32 to vector<128x128xf32>
    %select_n3A_481 = arith.select %eq3A_474, %broadcast_in_dim3A_479, %broadcast_in_dim3A_480 : vector<128x128xi1>, vector<128x128xf32>
    %add3A_482 = arith.addf %add3A_471, %select_n3A_481 : vector<128x128xf32>
    %eq3A_483 = arith.constant 11 : i32
    %eq3A_484 = vector.broadcast %eq3A_483 : i32 to vector<128x128xi32>
    %eq3A_485 = arith.cmpi eq, %get3A_372, %eq3A_484 : vector<128x128xi32>
    %get3A_486 = arith.constant 11 : index
    %get3A_487 = arith.constant 0 : index
    %get3A_488 = memref.load %arg7[%get3A_486, %get3A_487] : memref<19x1xf32, #tpu.memory_space<smem>>
    %jit3A_489 = arith.constant 0.000000e+00 : f32
    %broadcast_in_dim3A_490 = vector.broadcast %get3A_488 : f32 to vector<128x128xf32>
    %broadcast_in_dim3A_491 = vector.broadcast %jit3A_489 : f32 to vector<128x128xf32>
    %select_n3A_492 = arith.select %eq3A_485, %broadcast_in_dim3A_490, %broadcast_in_dim3A_491 : vector<128x128xi1>, vector<128x128xf32>
    %add3A_493 = arith.addf %add3A_482, %select_n3A_492 : vector<128x128xf32>
    %eq3A_494 = arith.constant 12 : i32
    %eq3A_495 = vector.broadcast %eq3A_494 : i32 to vector<128x128xi32>
    %eq3A_496 = arith.cmpi eq, %get3A_372, %eq3A_495 : vector<128x128xi32>
    %get3A_497 = arith.constant 12 : index
    %get3A_498 = arith.constant 0 : index
    %get3A_499 = memref.load %arg7[%get3A_497, %get3A_498] : memref<19x1xf32, #tpu.memory_space<smem>>
    %jit3A_500 = arith.constant 0.000000e+00 : f32
    %broadcast_in_dim3A_501 = vector.broadcast %get3A_499 : f32 to vector<128x128xf32>
    %broadcast_in_dim3A_502 = vector.broadcast %jit3A_500 : f32 to vector<128x128xf32>
    %select_n3A_503 = arith.select %eq3A_496, %broadcast_in_dim3A_501, %broadcast_in_dim3A_502 : vector<128x128xi1>, vector<128x128xf32>
    %add3A_504 = arith.addf %add3A_493, %select_n3A_503 : vector<128x128xf32>
    %eq3A_505 = arith.constant 13 : i32
    %eq3A_506 = vector.broadcast %eq3A_505 : i32 to vector<128x128xi32>
    %eq3A_507 = arith.cmpi eq, %get3A_372, %eq3A_506 : vector<128x128xi32>
    %get3A_508 = arith.constant 13 : index
    %get3A_509 = arith.constant 0 : index
    %get3A_510 = memref.load %arg7[%get3A_508, %get3A_509] : memref<19x1xf32, #tpu.memory_space<smem>>
    %jit3A_511 = arith.constant 0.000000e+00 : f32
    %broadcast_in_dim3A_512 = vector.broadcast %get3A_510 : f32 to vector<128x128xf32>
    %broadcast_in_dim3A_513 = vector.broadcast %jit3A_511 : f32 to vector<128x128xf32>
    %select_n3A_514 = arith.select %eq3A_507, %broadcast_in_dim3A_512, %broadcast_in_dim3A_513 : vector<128x128xi1>, vector<128x128xf32>
    %add3A_515 = arith.addf %add3A_504, %select_n3A_514 : vector<128x128xf32>
    %eq3A_516 = arith.constant 14 : i32
    %eq3A_517 = vector.broadcast %eq3A_516 : i32 to vector<128x128xi32>
    %eq3A_518 = arith.cmpi eq, %get3A_372, %eq3A_517 : vector<128x128xi32>
    %get3A_519 = arith.constant 14 : index
    %get3A_520 = arith.constant 0 : index
    %get3A_521 = memref.load %arg7[%get3A_519, %get3A_520] : memref<19x1xf32, #tpu.memory_space<smem>>
    %jit3A_522 = arith.constant 0.000000e+00 : f32
    %broadcast_in_dim3A_523 = vector.broadcast %get3A_521 : f32 to vector<128x128xf32>
    %broadcast_in_dim3A_524 = vector.broadcast %jit3A_522 : f32 to vector<128x128xf32>
    %select_n3A_525 = arith.select %eq3A_518, %broadcast_in_dim3A_523, %broadcast_in_dim3A_524 : vector<128x128xi1>, vector<128x128xf32>
    %add3A_526 = arith.addf %add3A_515, %select_n3A_525 : vector<128x128xf32>
    %eq3A_527 = arith.constant 15 : i32
    %eq3A_528 = vector.broadcast %eq3A_527 : i32 to vector<128x128xi32>
    %eq3A_529 = arith.cmpi eq, %get3A_372, %eq3A_528 : vector<128x128xi32>
    %get3A_530 = arith.constant 15 : index
    %get3A_531 = arith.constant 0 : index
    %get3A_532 = memref.load %arg7[%get3A_530, %get3A_531] : memref<19x1xf32, #tpu.memory_space<smem>>
    %jit3A_533 = arith.constant 0.000000e+00 : f32
    %broadcast_in_dim3A_534 = vector.broadcast %get3A_532 : f32 to vector<128x128xf32>
    %broadcast_in_dim3A_535 = vector.broadcast %jit3A_533 : f32 to vector<128x128xf32>
    %select_n3A_536 = arith.select %eq3A_529, %broadcast_in_dim3A_534, %broadcast_in_dim3A_535 : vector<128x128xi1>, vector<128x128xf32>
    %add3A_537 = arith.addf %add3A_526, %select_n3A_536 : vector<128x128xf32>
    %eq3A_538 = arith.constant 16 : i32
    %eq3A_539 = vector.broadcast %eq3A_538 : i32 to vector<128x128xi32>
    %eq3A_540 = arith.cmpi eq, %get3A_372, %eq3A_539 : vector<128x128xi32>
    %get3A_541 = arith.constant 16 : index
    %get3A_542 = arith.constant 0 : index
    %get3A_543 = memref.load %arg7[%get3A_541, %get3A_542] : memref<19x1xf32, #tpu.memory_space<smem>>
    %jit3A_544 = arith.constant 0.000000e+00 : f32
    %broadcast_in_dim3A_545 = vector.broadcast %get3A_543 : f32 to vector<128x128xf32>
    %broadcast_in_dim3A_546 = vector.broadcast %jit3A_544 : f32 to vector<128x128xf32>
    %select_n3A_547 = arith.select %eq3A_540, %broadcast_in_dim3A_545, %broadcast_in_dim3A_546 : vector<128x128xi1>, vector<128x128xf32>
    %add3A_548 = arith.addf %add3A_537, %select_n3A_547 : vector<128x128xf32>
    %eq3A_549 = arith.constant 17 : i32
    %eq3A_550 = vector.broadcast %eq3A_549 : i32 to vector<128x128xi32>
    %eq3A_551 = arith.cmpi eq, %get3A_372, %eq3A_550 : vector<128x128xi32>
    %get3A_552 = arith.constant 17 : index
    %get3A_553 = arith.constant 0 : index
    %get3A_554 = memref.load %arg7[%get3A_552, %get3A_553] : memref<19x1xf32, #tpu.memory_space<smem>>
    %jit3A_555 = arith.constant 0.000000e+00 : f32
    %broadcast_in_dim3A_556 = vector.broadcast %get3A_554 : f32 to vector<128x128xf32>
    %broadcast_in_dim3A_557 = vector.broadcast %jit3A_555 : f32 to vector<128x128xf32>
    %select_n3A_558 = arith.select %eq3A_551, %broadcast_in_dim3A_556, %broadcast_in_dim3A_557 : vector<128x128xi1>, vector<128x128xf32>
    %add3A_559 = arith.addf %add3A_548, %select_n3A_558 : vector<128x128xf32>
    %eq3A_560 = arith.constant 18 : i32
    %eq3A_561 = vector.broadcast %eq3A_560 : i32 to vector<128x128xi32>
    %eq3A_562 = arith.cmpi eq, %get3A_372, %eq3A_561 : vector<128x128xi32>
    %get3A_563 = arith.constant 18 : index
    %get3A_564 = arith.constant 0 : index
    %get3A_565 = memref.load %arg7[%get3A_563, %get3A_564] : memref<19x1xf32, #tpu.memory_space<smem>>
    %jit3A_566 = arith.constant 0.000000e+00 : f32
    %broadcast_in_dim3A_567 = vector.broadcast %get3A_565 : f32 to vector<128x128xf32>
    %broadcast_in_dim3A_568 = vector.broadcast %jit3A_566 : f32 to vector<128x128xf32>
    %select_n3A_569 = arith.select %eq3A_562, %broadcast_in_dim3A_567, %broadcast_in_dim3A_568 : vector<128x128xi1>, vector<128x128xf32>
    %add3A_570 = arith.addf %add3A_559, %select_n3A_569 : vector<128x128xf32>
    %get3A_571 = arith.constant 1 : index
    %get3A_572 = arith.constant 0 : index
    %get3A_573 = arith.constant 0 : index
    %get3A_574 = vector.load %arg3[%get3A_571, %get3A_572, %get3A_573] : memref<20x128x128xi32, #tpu.memory_space<vmem>>, vector<1x128x128xi32>
    %get3A_575 = vector.shape_cast %get3A_574 : vector<1x128x128xi32> to vector<128x128xi32>
    %eq3A_576 = arith.constant 1 : i32
    %eq3A_577 = vector.broadcast %eq3A_576 : i32 to vector<128x128xi32>
    %eq3A_578 = arith.cmpi eq, %get3A_575, %eq3A_577 : vector<128x128xi32>
    %get3A_579 = arith.constant 1 : index
    %get3A_580 = arith.constant 0 : index
    %get3A_581 = memref.load %arg7[%get3A_579, %get3A_580] : memref<19x1xf32, #tpu.memory_space<smem>>
    %jit3A_582 = arith.constant 0.000000e+00 : f32
    %broadcast_in_dim3A_583 = vector.broadcast %get3A_581 : f32 to vector<128x128xf32>
    %broadcast_in_dim3A_584 = vector.broadcast %jit3A_582 : f32 to vector<128x128xf32>
    %select_n3A_585 = arith.select %eq3A_578, %broadcast_in_dim3A_583, %broadcast_in_dim3A_584 : vector<128x128xi1>, vector<128x128xf32>
    %add3A_586 = arith.addf %add3A_570, %select_n3A_585 : vector<128x128xf32>
    %eq3A_587 = arith.constant 2 : i32
    %eq3A_588 = vector.broadcast %eq3A_587 : i32 to vector<128x128xi32>
    %eq3A_589 = arith.cmpi eq, %get3A_575, %eq3A_588 : vector<128x128xi32>
    %get3A_590 = arith.constant 2 : index
    %get3A_591 = arith.constant 0 : index
    %get3A_592 = memref.load %arg7[%get3A_590, %get3A_591] : memref<19x1xf32, #tpu.memory_space<smem>>
    %jit3A_593 = arith.constant 0.000000e+00 : f32
    %broadcast_in_dim3A_594 = vector.broadcast %get3A_592 : f32 to vector<128x128xf32>
    %broadcast_in_dim3A_595 = vector.broadcast %jit3A_593 : f32 to vector<128x128xf32>
    %select_n3A_596 = arith.select %eq3A_589, %broadcast_in_dim3A_594, %broadcast_in_dim3A_595 : vector<128x128xi1>, vector<128x128xf32>
    %add3A_597 = arith.addf %add3A_586, %select_n3A_596 : vector<128x128xf32>
    %eq3A_598 = arith.constant 3 : i32
    %eq3A_599 = vector.broadcast %eq3A_598 : i32 to vector<128x128xi32>
    %eq3A_600 = arith.cmpi eq, %get3A_575, %eq3A_599 : vector<128x128xi32>
    %get3A_601 = arith.constant 3 : index
    %get3A_602 = arith.constant 0 : index
    %get3A_603 = memref.load %arg7[%get3A_601, %get3A_602] : memref<19x1xf32, #tpu.memory_space<smem>>
    %jit3A_604 = arith.constant 0.000000e+00 : f32
    %broadcast_in_dim3A_605 = vector.broadcast %get3A_603 : f32 to vector<128x128xf32>
    %broadcast_in_dim3A_606 = vector.broadcast %jit3A_604 : f32 to vector<128x128xf32>
    %select_n3A_607 = arith.select %eq3A_600, %broadcast_in_dim3A_605, %broadcast_in_dim3A_606 : vector<128x128xi1>, vector<128x128xf32>
    %add3A_608 = arith.addf %add3A_597, %select_n3A_607 : vector<128x128xf32>
    %eq3A_609 = arith.constant 4 : i32
    %eq3A_610 = vector.broadcast %eq3A_609 : i32 to vector<128x128xi32>
    %eq3A_611 = arith.cmpi eq, %get3A_575, %eq3A_610 : vector<128x128xi32>
    %get3A_612 = arith.constant 4 : index
    %get3A_613 = arith.constant 0 : index
    %get3A_614 = memref.load %arg7[%get3A_612, %get3A_613] : memref<19x1xf32, #tpu.memory_space<smem>>
    %jit3A_615 = arith.constant 0.000000e+00 : f32
    %broadcast_in_dim3A_616 = vector.broadcast %get3A_614 : f32 to vector<128x128xf32>
    %broadcast_in_dim3A_617 = vector.broadcast %jit3A_615 : f32 to vector<128x128xf32>
    %select_n3A_618 = arith.select %eq3A_611, %broadcast_in_dim3A_616, %broadcast_in_dim3A_617 : vector<128x128xi1>, vector<128x128xf32>
    %add3A_619 = arith.addf %add3A_608, %select_n3A_618 : vector<128x128xf32>
    %eq3A_620 = arith.constant 5 : i32
    %eq3A_621 = vector.broadcast %eq3A_620 : i32 to vector<128x128xi32>
    %eq3A_622 = arith.cmpi eq, %get3A_575, %eq3A_621 : vector<128x128xi32>
    %get3A_623 = arith.constant 5 : index
    %get3A_624 = arith.constant 0 : index
    %get3A_625 = memref.load %arg7[%get3A_623, %get3A_624] : memref<19x1xf32, #tpu.memory_space<smem>>
    %jit3A_626 = arith.constant 0.000000e+00 : f32
    %broadcast_in_dim3A_627 = vector.broadcast %get3A_625 : f32 to vector<128x128xf32>
    %broadcast_in_dim3A_628 = vector.broadcast %jit3A_626 : f32 to vector<128x128xf32>
    %select_n3A_629 = arith.select %eq3A_622, %broadcast_in_dim3A_627, %broadcast_in_dim3A_628 : vector<128x128xi1>, vector<128x128xf32>
    %add3A_630 = arith.addf %add3A_619, %select_n3A_629 : vector<128x128xf32>
    %eq3A_631 = arith.constant 6 : i32
    %eq3A_632 = vector.broadcast %eq3A_631 : i32 to vector<128x128xi32>
    %eq3A_633 = arith.cmpi eq, %get3A_575, %eq3A_632 : vector<128x128xi32>
    %get3A_634 = arith.constant 6 : index
    %get3A_635 = arith.constant 0 : index
    %get3A_636 = memref.load %arg7[%get3A_634, %get3A_635] : memref<19x1xf32, #tpu.memory_space<smem>>
    %jit3A_637 = arith.constant 0.000000e+00 : f32
    %broadcast_in_dim3A_638 = vector.broadcast %get3A_636 : f32 to vector<128x128xf32>
    %broadcast_in_dim3A_639 = vector.broadcast %jit3A_637 : f32 to vector<128x128xf32>
    %select_n3A_640 = arith.select %eq3A_633, %broadcast_in_dim3A_638, %broadcast_in_dim3A_639 : vector<128x128xi1>, vector<128x128xf32>
    %add3A_641 = arith.addf %add3A_630, %select_n3A_640 : vector<128x128xf32>
    %eq3A_642 = arith.constant 7 : i32
    %eq3A_643 = vector.broadcast %eq3A_642 : i32 to vector<128x128xi32>
    %eq3A_644 = arith.cmpi eq, %get3A_575, %eq3A_643 : vector<128x128xi32>
    %get3A_645 = arith.constant 7 : index
    %get3A_646 = arith.constant 0 : index
    %get3A_647 = memref.load %arg7[%get3A_645, %get3A_646] : memref<19x1xf32, #tpu.memory_space<smem>>
    %jit3A_648 = arith.constant 0.000000e+00 : f32
    %broadcast_in_dim3A_649 = vector.broadcast %get3A_647 : f32 to vector<128x128xf32>
    %broadcast_in_dim3A_650 = vector.broadcast %jit3A_648 : f32 to vector<128x128xf32>
    %select_n3A_651 = arith.select %eq3A_644, %broadcast_in_dim3A_649, %broadcast_in_dim3A_650 : vector<128x128xi1>, vector<128x128xf32>
    %add3A_652 = arith.addf %add3A_641, %select_n3A_651 : vector<128x128xf32>
    %eq3A_653 = arith.constant 8 : i32
    %eq3A_654 = vector.broadcast %eq3A_653 : i32 to vector<128x128xi32>
    %eq3A_655 = arith.cmpi eq, %get3A_575, %eq3A_654 : vector<128x128xi32>
    %get3A_656 = arith.constant 8 : index
    %get3A_657 = arith.constant 0 : index
    %get3A_658 = memref.load %arg7[%get3A_656, %get3A_657] : memref<19x1xf32, #tpu.memory_space<smem>>
    %jit3A_659 = arith.constant 0.000000e+00 : f32
    %broadcast_in_dim3A_660 = vector.broadcast %get3A_658 : f32 to vector<128x128xf32>
    %broadcast_in_dim3A_661 = vector.broadcast %jit3A_659 : f32 to vector<128x128xf32>
    %select_n3A_662 = arith.select %eq3A_655, %broadcast_in_dim3A_660, %broadcast_in_dim3A_661 : vector<128x128xi1>, vector<128x128xf32>
    %add3A_663 = arith.addf %add3A_652, %select_n3A_662 : vector<128x128xf32>
    %eq3A_664 = arith.constant 9 : i32
    %eq3A_665 = vector.broadcast %eq3A_664 : i32 to vector<128x128xi32>
    %eq3A_666 = arith.cmpi eq, %get3A_575, %eq3A_665 : vector<128x128xi32>
    %get3A_667 = arith.constant 9 : index
    %get3A_668 = arith.constant 0 : index
    %get3A_669 = memref.load %arg7[%get3A_667, %get3A_668] : memref<19x1xf32, #tpu.memory_space<smem>>
    %jit3A_670 = arith.constant 0.000000e+00 : f32
    %broadcast_in_dim3A_671 = vector.broadcast %get3A_669 : f32 to vector<128x128xf32>
    %broadcast_in_dim3A_672 = vector.broadcast %jit3A_670 : f32 to vector<128x128xf32>
    %select_n3A_673 = arith.select %eq3A_666, %broadcast_in_dim3A_671, %broadcast_in_dim3A_672 : vector<128x128xi1>, vector<128x128xf32>
    %add3A_674 = arith.addf %add3A_663, %select_n3A_673 : vector<128x128xf32>
    %eq3A_675 = arith.constant 10 : i32
    %eq3A_676 = vector.broadcast %eq3A_675 : i32 to vector<128x128xi32>
    %eq3A_677 = arith.cmpi eq, %get3A_575, %eq3A_676 : vector<128x128xi32>
    %get3A_678 = arith.constant 10 : index
    %get3A_679 = arith.constant 0 : index
    %get3A_680 = memref.load %arg7[%get3A_678, %get3A_679] : memref<19x1xf32, #tpu.memory_space<smem>>
    %jit3A_681 = arith.constant 0.000000e+00 : f32
    %broadcast_in_dim3A_682 = vector.broadcast %get3A_680 : f32 to vector<128x128xf32>
    %broadcast_in_dim3A_683 = vector.broadcast %jit3A_681 : f32 to vector<128x128xf32>
    %select_n3A_684 = arith.select %eq3A_677, %broadcast_in_dim3A_682, %broadcast_in_dim3A_683 : vector<128x128xi1>, vector<128x128xf32>
    %add3A_685 = arith.addf %add3A_674, %select_n3A_684 : vector<128x128xf32>
    %eq3A_686 = arith.constant 11 : i32
    %eq3A_687 = vector.broadcast %eq3A_686 : i32 to vector<128x128xi32>
    %eq3A_688 = arith.cmpi eq, %get3A_575, %eq3A_687 : vector<128x128xi32>
    %get3A_689 = arith.constant 11 : index
    %get3A_690 = arith.constant 0 : index
    %get3A_691 = memref.load %arg7[%get3A_689, %get3A_690] : memref<19x1xf32, #tpu.memory_space<smem>>
    %jit3A_692 = arith.constant 0.000000e+00 : f32
    %broadcast_in_dim3A_693 = vector.broadcast %get3A_691 : f32 to vector<128x128xf32>
    %broadcast_in_dim3A_694 = vector.broadcast %jit3A_692 : f32 to vector<128x128xf32>
    %select_n3A_695 = arith.select %eq3A_688, %broadcast_in_dim3A_693, %broadcast_in_dim3A_694 : vector<128x128xi1>, vector<128x128xf32>
    %add3A_696 = arith.addf %add3A_685, %select_n3A_695 : vector<128x128xf32>
    %eq3A_697 = arith.constant 12 : i32
    %eq3A_698 = vector.broadcast %eq3A_697 : i32 to vector<128x128xi32>
    %eq3A_699 = arith.cmpi eq, %get3A_575, %eq3A_698 : vector<128x128xi32>
    %get3A_700 = arith.constant 12 : index
    %get3A_701 = arith.constant 0 : index
    %get3A_702 = memref.load %arg7[%get3A_700, %get3A_701] : memref<19x1xf32, #tpu.memory_space<smem>>
    %jit3A_703 = arith.constant 0.000000e+00 : f32
    %broadcast_in_dim3A_704 = vector.broadcast %get3A_702 : f32 to vector<128x128xf32>
    %broadcast_in_dim3A_705 = vector.broadcast %jit3A_703 : f32 to vector<128x128xf32>
    %select_n3A_706 = arith.select %eq3A_699, %broadcast_in_dim3A_704, %broadcast_in_dim3A_705 : vector<128x128xi1>, vector<128x128xf32>
    %add3A_707 = arith.addf %add3A_696, %select_n3A_706 : vector<128x128xf32>
    %eq3A_708 = arith.constant 13 : i32
    %eq3A_709 = vector.broadcast %eq3A_708 : i32 to vector<128x128xi32>
    %eq3A_710 = arith.cmpi eq, %get3A_575, %eq3A_709 : vector<128x128xi32>
    %get3A_711 = arith.constant 13 : index
    %get3A_712 = arith.constant 0 : index
    %get3A_713 = memref.load %arg7[%get3A_711, %get3A_712] : memref<19x1xf32, #tpu.memory_space<smem>>
    %jit3A_714 = arith.constant 0.000000e+00 : f32
    %broadcast_in_dim3A_715 = vector.broadcast %get3A_713 : f32 to vector<128x128xf32>
    %broadcast_in_dim3A_716 = vector.broadcast %jit3A_714 : f32 to vector<128x128xf32>
    %select_n3A_717 = arith.select %eq3A_710, %broadcast_in_dim3A_715, %broadcast_in_dim3A_716 : vector<128x128xi1>, vector<128x128xf32>
    %add3A_718 = arith.addf %add3A_707, %select_n3A_717 : vector<128x128xf32>
    %eq3A_719 = arith.constant 14 : i32
    %eq3A_720 = vector.broadcast %eq3A_719 : i32 to vector<128x128xi32>
    %eq3A_721 = arith.cmpi eq, %get3A_575, %eq3A_720 : vector<128x128xi32>
    %get3A_722 = arith.constant 14 : index
    %get3A_723 = arith.constant 0 : index
    %get3A_724 = memref.load %arg7[%get3A_722, %get3A_723] : memref<19x1xf32, #tpu.memory_space<smem>>
    %jit3A_725 = arith.constant 0.000000e+00 : f32
    %broadcast_in_dim3A_726 = vector.broadcast %get3A_724 : f32 to vector<128x128xf32>
    %broadcast_in_dim3A_727 = vector.broadcast %jit3A_725 : f32 to vector<128x128xf32>
    %select_n3A_728 = arith.select %eq3A_721, %broadcast_in_dim3A_726, %broadcast_in_dim3A_727 : vector<128x128xi1>, vector<128x128xf32>
    %add3A_729 = arith.addf %add3A_718, %select_n3A_728 : vector<128x128xf32>
    %eq3A_730 = arith.constant 15 : i32
    %eq3A_731 = vector.broadcast %eq3A_730 : i32 to vector<128x128xi32>
    %eq3A_732 = arith.cmpi eq, %get3A_575, %eq3A_731 : vector<128x128xi32>
    %get3A_733 = arith.constant 15 : index
    %get3A_734 = arith.constant 0 : index
    %get3A_735 = memref.load %arg7[%get3A_733, %get3A_734] : memref<19x1xf32, #tpu.memory_space<smem>>
    %jit3A_736 = arith.constant 0.000000e+00 : f32
    %broadcast_in_dim3A_737 = vector.broadcast %get3A_735 : f32 to vector<128x128xf32>
    %broadcast_in_dim3A_738 = vector.broadcast %jit3A_736 : f32 to vector<128x128xf32>
    %select_n3A_739 = arith.select %eq3A_732, %broadcast_in_dim3A_737, %broadcast_in_dim3A_738 : vector<128x128xi1>, vector<128x128xf32>
    %add3A_740 = arith.addf %add3A_729, %select_n3A_739 : vector<128x128xf32>
    %eq3A_741 = arith.constant 16 : i32
    %eq3A_742 = vector.broadcast %eq3A_741 : i32 to vector<128x128xi32>
    %eq3A_743 = arith.cmpi eq, %get3A_575, %eq3A_742 : vector<128x128xi32>
    %get3A_744 = arith.constant 16 : index
    %get3A_745 = arith.constant 0 : index
    %get3A_746 = memref.load %arg7[%get3A_744, %get3A_745] : memref<19x1xf32, #tpu.memory_space<smem>>
    %jit3A_747 = arith.constant 0.000000e+00 : f32
    %broadcast_in_dim3A_748 = vector.broadcast %get3A_746 : f32 to vector<128x128xf32>
    %broadcast_in_dim3A_749 = vector.broadcast %jit3A_747 : f32 to vector<128x128xf32>
    %select_n3A_750 = arith.select %eq3A_743, %broadcast_in_dim3A_748, %broadcast_in_dim3A_749 : vector<128x128xi1>, vector<128x128xf32>
    %add3A_751 = arith.addf %add3A_740, %select_n3A_750 : vector<128x128xf32>
    %eq3A_752 = arith.constant 17 : i32
    %eq3A_753 = vector.broadcast %eq3A_752 : i32 to vector<128x128xi32>
    %eq3A_754 = arith.cmpi eq, %get3A_575, %eq3A_753 : vector<128x128xi32>
    %get3A_755 = arith.constant 17 : index
    %get3A_756 = arith.constant 0 : index
    %get3A_757 = memref.load %arg7[%get3A_755, %get3A_756] : memref<19x1xf32, #tpu.memory_space<smem>>
    %jit3A_758 = arith.constant 0.000000e+00 : f32
    %broadcast_in_dim3A_759 = vector.broadcast %get3A_757 : f32 to vector<128x128xf32>
    %broadcast_in_dim3A_760 = vector.broadcast %jit3A_758 : f32 to vector<128x128xf32>
    %select_n3A_761 = arith.select %eq3A_754, %broadcast_in_dim3A_759, %broadcast_in_dim3A_760 : vector<128x128xi1>, vector<128x128xf32>
    %add3A_762 = arith.addf %add3A_751, %select_n3A_761 : vector<128x128xf32>
    %eq3A_763 = arith.constant 18 : i32
    %eq3A_764 = vector.broadcast %eq3A_763 : i32 to vector<128x128xi32>
    %eq3A_765 = arith.cmpi eq, %get3A_575, %eq3A_764 : vector<128x128xi32>
    %get3A_766 = arith.constant 18 : index
    %get3A_767 = arith.constant 0 : index
    %get3A_768 = memref.load %arg7[%get3A_766, %get3A_767] : memref<19x1xf32, #tpu.memory_space<smem>>
    %jit3A_769 = arith.constant 0.000000e+00 : f32
    %broadcast_in_dim3A_770 = vector.broadcast %get3A_768 : f32 to vector<128x128xf32>
    %broadcast_in_dim3A_771 = vector.broadcast %jit3A_769 : f32 to vector<128x128xf32>
    %select_n3A_772 = arith.select %eq3A_765, %broadcast_in_dim3A_770, %broadcast_in_dim3A_771 : vector<128x128xi1>, vector<128x128xf32>
    %add3A_773 = arith.addf %add3A_762, %select_n3A_772 : vector<128x128xf32>
    %get3A_774 = arith.constant 2 : index
    %get3A_775 = arith.constant 0 : index
    %get3A_776 = arith.constant 0 : index
    %get3A_777 = vector.load %arg3[%get3A_774, %get3A_775, %get3A_776] : memref<20x128x128xi32, #tpu.memory_space<vmem>>, vector<1x128x128xi32>
    %get3A_778 = vector.shape_cast %get3A_777 : vector<1x128x128xi32> to vector<128x128xi32>
    %eq3A_779 = arith.constant 1 : i32
    %eq3A_780 = vector.broadcast %eq3A_779 : i32 to vector<128x128xi32>
    %eq3A_781 = arith.cmpi eq, %get3A_778, %eq3A_780 : vector<128x128xi32>
    %get3A_782 = arith.constant 1 : index
    %get3A_783 = arith.constant 0 : index
    %get3A_784 = memref.load %arg7[%get3A_782, %get3A_783] : memref<19x1xf32, #tpu.memory_space<smem>>
    %jit3A_785 = arith.constant 0.000000e+00 : f32
    %broadcast_in_dim3A_786 = vector.broadcast %get3A_784 : f32 to vector<128x128xf32>
    %broadcast_in_dim3A_787 = vector.broadcast %jit3A_785 : f32 to vector<128x128xf32>
    %select_n3A_788 = arith.select %eq3A_781, %broadcast_in_dim3A_786, %broadcast_in_dim3A_787 : vector<128x128xi1>, vector<128x128xf32>
    %add3A_789 = arith.addf %add3A_773, %select_n3A_788 : vector<128x128xf32>
    %eq3A_790 = arith.constant 2 : i32
    %eq3A_791 = vector.broadcast %eq3A_790 : i32 to vector<128x128xi32>
    %eq3A_792 = arith.cmpi eq, %get3A_778, %eq3A_791 : vector<128x128xi32>
    %get3A_793 = arith.constant 2 : index
    %get3A_794 = arith.constant 0 : index
    %get3A_795 = memref.load %arg7[%get3A_793, %get3A_794] : memref<19x1xf32, #tpu.memory_space<smem>>
    %jit3A_796 = arith.constant 0.000000e+00 : f32
    %broadcast_in_dim3A_797 = vector.broadcast %get3A_795 : f32 to vector<128x128xf32>
    %broadcast_in_dim3A_798 = vector.broadcast %jit3A_796 : f32 to vector<128x128xf32>
    %select_n3A_799 = arith.select %eq3A_792, %broadcast_in_dim3A_797, %broadcast_in_dim3A_798 : vector<128x128xi1>, vector<128x128xf32>
    %add3A_800 = arith.addf %add3A_789, %select_n3A_799 : vector<128x128xf32>
    %eq3A_801 = arith.constant 3 : i32
    %eq3A_802 = vector.broadcast %eq3A_801 : i32 to vector<128x128xi32>
    %eq3A_803 = arith.cmpi eq, %get3A_778, %eq3A_802 : vector<128x128xi32>
    %get3A_804 = arith.constant 3 : index
    %get3A_805 = arith.constant 0 : index
    %get3A_806 = memref.load %arg7[%get3A_804, %get3A_805] : memref<19x1xf32, #tpu.memory_space<smem>>
    %jit3A_807 = arith.constant 0.000000e+00 : f32
    %broadcast_in_dim3A_808 = vector.broadcast %get3A_806 : f32 to vector<128x128xf32>
    %broadcast_in_dim3A_809 = vector.broadcast %jit3A_807 : f32 to vector<128x128xf32>
    %select_n3A_810 = arith.select %eq3A_803, %broadcast_in_dim3A_808, %broadcast_in_dim3A_809 : vector<128x128xi1>, vector<128x128xf32>
    %add3A_811 = arith.addf %add3A_800, %select_n3A_810 : vector<128x128xf32>
    %eq3A_812 = arith.constant 4 : i32
    %eq3A_813 = vector.broadcast %eq3A_812 : i32 to vector<128x128xi32>
    %eq3A_814 = arith.cmpi eq, %get3A_778, %eq3A_813 : vector<128x128xi32>
    %get3A_815 = arith.constant 4 : index
    %get3A_816 = arith.constant 0 : index
    %get3A_817 = memref.load %arg7[%get3A_815, %get3A_816] : memref<19x1xf32, #tpu.memory_space<smem>>
    %jit3A_818 = arith.constant 0.000000e+00 : f32
    %broadcast_in_dim3A_819 = vector.broadcast %get3A_817 : f32 to vector<128x128xf32>
    %broadcast_in_dim3A_820 = vector.broadcast %jit3A_818 : f32 to vector<128x128xf32>
    %select_n3A_821 = arith.select %eq3A_814, %broadcast_in_dim3A_819, %broadcast_in_dim3A_820 : vector<128x128xi1>, vector<128x128xf32>
    %add3A_822 = arith.addf %add3A_811, %select_n3A_821 : vector<128x128xf32>
    %eq3A_823 = arith.constant 5 : i32
    %eq3A_824 = vector.broadcast %eq3A_823 : i32 to vector<128x128xi32>
    %eq3A_825 = arith.cmpi eq, %get3A_778, %eq3A_824 : vector<128x128xi32>
    %get3A_826 = arith.constant 5 : index
    %get3A_827 = arith.constant 0 : index
    %get3A_828 = memref.load %arg7[%get3A_826, %get3A_827] : memref<19x1xf32, #tpu.memory_space<smem>>
    %jit3A_829 = arith.constant 0.000000e+00 : f32
    %broadcast_in_dim3A_830 = vector.broadcast %get3A_828 : f32 to vector<128x128xf32>
    %broadcast_in_dim3A_831 = vector.broadcast %jit3A_829 : f32 to vector<128x128xf32>
    %select_n3A_832 = arith.select %eq3A_825, %broadcast_in_dim3A_830, %broadcast_in_dim3A_831 : vector<128x128xi1>, vector<128x128xf32>
    %add3A_833 = arith.addf %add3A_822, %select_n3A_832 : vector<128x128xf32>
    %eq3A_834 = arith.constant 6 : i32
    %eq3A_835 = vector.broadcast %eq3A_834 : i32 to vector<128x128xi32>
    %eq3A_836 = arith.cmpi eq, %get3A_778, %eq3A_835 : vector<128x128xi32>
    %get3A_837 = arith.constant 6 : index
    %get3A_838 = arith.constant 0 : index
    %get3A_839 = memref.load %arg7[%get3A_837, %get3A_838] : memref<19x1xf32, #tpu.memory_space<smem>>
    %jit3A_840 = arith.constant 0.000000e+00 : f32
    %broadcast_in_dim3A_841 = vector.broadcast %get3A_839 : f32 to vector<128x128xf32>
    %broadcast_in_dim3A_842 = vector.broadcast %jit3A_840 : f32 to vector<128x128xf32>
    %select_n3A_843 = arith.select %eq3A_836, %broadcast_in_dim3A_841, %broadcast_in_dim3A_842 : vector<128x128xi1>, vector<128x128xf32>
    %add3A_844 = arith.addf %add3A_833, %select_n3A_843 : vector<128x128xf32>
    %eq3A_845 = arith.constant 7 : i32
    %eq3A_846 = vector.broadcast %eq3A_845 : i32 to vector<128x128xi32>
    %eq3A_847 = arith.cmpi eq, %get3A_778, %eq3A_846 : vector<128x128xi32>
    %get3A_848 = arith.constant 7 : index
    %get3A_849 = arith.constant 0 : index
    %get3A_850 = memref.load %arg7[%get3A_848, %get3A_849] : memref<19x1xf32, #tpu.memory_space<smem>>
    %jit3A_851 = arith.constant 0.000000e+00 : f32
    %broadcast_in_dim3A_852 = vector.broadcast %get3A_850 : f32 to vector<128x128xf32>
    %broadcast_in_dim3A_853 = vector.broadcast %jit3A_851 : f32 to vector<128x128xf32>
    %select_n3A_854 = arith.select %eq3A_847, %broadcast_in_dim3A_852, %broadcast_in_dim3A_853 : vector<128x128xi1>, vector<128x128xf32>
    %add3A_855 = arith.addf %add3A_844, %select_n3A_854 : vector<128x128xf32>
    %eq3A_856 = arith.constant 8 : i32
    %eq3A_857 = vector.broadcast %eq3A_856 : i32 to vector<128x128xi32>
    %eq3A_858 = arith.cmpi eq, %get3A_778, %eq3A_857 : vector<128x128xi32>
    %get3A_859 = arith.constant 8 : index
    %get3A_860 = arith.constant 0 : index
    %get3A_861 = memref.load %arg7[%get3A_859, %get3A_860] : memref<19x1xf32, #tpu.memory_space<smem>>
    %jit3A_862 = arith.constant 0.000000e+00 : f32
    %broadcast_in_dim3A_863 = vector.broadcast %get3A_861 : f32 to vector<128x128xf32>
    %broadcast_in_dim3A_864 = vector.broadcast %jit3A_862 : f32 to vector<128x128xf32>
    %select_n3A_865 = arith.select %eq3A_858, %broadcast_in_dim3A_863, %broadcast_in_dim3A_864 : vector<128x128xi1>, vector<128x128xf32>
    %add3A_866 = arith.addf %add3A_855, %select_n3A_865 : vector<128x128xf32>
    %eq3A_867 = arith.constant 9 : i32
    %eq3A_868 = vector.broadcast %eq3A_867 : i32 to vector<128x128xi32>
    %eq3A_869 = arith.cmpi eq, %get3A_778, %eq3A_868 : vector<128x128xi32>
    %get3A_870 = arith.constant 9 : index
    %get3A_871 = arith.constant 0 : index
    %get3A_872 = memref.load %arg7[%get3A_870, %get3A_871] : memref<19x1xf32, #tpu.memory_space<smem>>
    %jit3A_873 = arith.constant 0.000000e+00 : f32
    %broadcast_in_dim3A_874 = vector.broadcast %get3A_872 : f32 to vector<128x128xf32>
    %broadcast_in_dim3A_875 = vector.broadcast %jit3A_873 : f32 to vector<128x128xf32>
    %select_n3A_876 = arith.select %eq3A_869, %broadcast_in_dim3A_874, %broadcast_in_dim3A_875 : vector<128x128xi1>, vector<128x128xf32>
    %add3A_877 = arith.addf %add3A_866, %select_n3A_876 : vector<128x128xf32>
    %eq3A_878 = arith.constant 10 : i32
    %eq3A_879 = vector.broadcast %eq3A_878 : i32 to vector<128x128xi32>
    %eq3A_880 = arith.cmpi eq, %get3A_778, %eq3A_879 : vector<128x128xi32>
    %get3A_881 = arith.constant 10 : index
    %get3A_882 = arith.constant 0 : index
    %get3A_883 = memref.load %arg7[%get3A_881, %get3A_882] : memref<19x1xf32, #tpu.memory_space<smem>>
    %jit3A_884 = arith.constant 0.000000e+00 : f32
    %broadcast_in_dim3A_885 = vector.broadcast %get3A_883 : f32 to vector<128x128xf32>
    %broadcast_in_dim3A_886 = vector.broadcast %jit3A_884 : f32 to vector<128x128xf32>
    %select_n3A_887 = arith.select %eq3A_880, %broadcast_in_dim3A_885, %broadcast_in_dim3A_886 : vector<128x128xi1>, vector<128x128xf32>
    %add3A_888 = arith.addf %add3A_877, %select_n3A_887 : vector<128x128xf32>
    %eq3A_889 = arith.constant 11 : i32
    %eq3A_890 = vector.broadcast %eq3A_889 : i32 to vector<128x128xi32>
    %eq3A_891 = arith.cmpi eq, %get3A_778, %eq3A_890 : vector<128x128xi32>
    %get3A_892 = arith.constant 11 : index
    %get3A_893 = arith.constant 0 : index
    %get3A_894 = memref.load %arg7[%get3A_892, %get3A_893] : memref<19x1xf32, #tpu.memory_space<smem>>
    %jit3A_895 = arith.constant 0.000000e+00 : f32
    %broadcast_in_dim3A_896 = vector.broadcast %get3A_894 : f32 to vector<128x128xf32>
    %broadcast_in_dim3A_897 = vector.broadcast %jit3A_895 : f32 to vector<128x128xf32>
    %select_n3A_898 = arith.select %eq3A_891, %broadcast_in_dim3A_896, %broadcast_in_dim3A_897 : vector<128x128xi1>, vector<128x128xf32>
    %add3A_899 = arith.addf %add3A_888, %select_n3A_898 : vector<128x128xf32>
    %eq3A_900 = arith.constant 12 : i32
    %eq3A_901 = vector.broadcast %eq3A_900 : i32 to vector<128x128xi32>
    %eq3A_902 = arith.cmpi eq, %get3A_778, %eq3A_901 : vector<128x128xi32>
    %get3A_903 = arith.constant 12 : index
    %get3A_904 = arith.constant 0 : index
    %get3A_905 = memref.load %arg7[%get3A_903, %get3A_904] : memref<19x1xf32, #tpu.memory_space<smem>>
    %jit3A_906 = arith.constant 0.000000e+00 : f32
    %broadcast_in_dim3A_907 = vector.broadcast %get3A_905 : f32 to vector<128x128xf32>
    %broadcast_in_dim3A_908 = vector.broadcast %jit3A_906 : f32 to vector<128x128xf32>
    %select_n3A_909 = arith.select %eq3A_902, %broadcast_in_dim3A_907, %broadcast_in_dim3A_908 : vector<128x128xi1>, vector<128x128xf32>
    %add3A_910 = arith.addf %add3A_899, %select_n3A_909 : vector<128x128xf32>
    %eq3A_911 = arith.constant 13 : i32
    %eq3A_912 = vector.broadcast %eq3A_911 : i32 to vector<128x128xi32>
    %eq3A_913 = arith.cmpi eq, %get3A_778, %eq3A_912 : vector<128x128xi32>
    %get3A_914 = arith.constant 13 : index
    %get3A_915 = arith.constant 0 : index
    %get3A_916 = memref.load %arg7[%get3A_914, %get3A_915] : memref<19x1xf32, #tpu.memory_space<smem>>
    %jit3A_917 = arith.constant 0.000000e+00 : f32
    %broadcast_in_dim3A_918 = vector.broadcast %get3A_916 : f32 to vector<128x128xf32>
    %broadcast_in_dim3A_919 = vector.broadcast %jit3A_917 : f32 to vector<128x128xf32>
    %select_n3A_920 = arith.select %eq3A_913, %broadcast_in_dim3A_918, %broadcast_in_dim3A_919 : vector<128x128xi1>, vector<128x128xf32>
    %add3A_921 = arith.addf %add3A_910, %select_n3A_920 : vector<128x128xf32>
    %eq3A_922 = arith.constant 14 : i32
    %eq3A_923 = vector.broadcast %eq3A_922 : i32 to vector<128x128xi32>
    %eq3A_924 = arith.cmpi eq, %get3A_778, %eq3A_923 : vector<128x128xi32>
    %get3A_925 = arith.constant 14 : index
    %get3A_926 = arith.constant 0 : index
    %get3A_927 = memref.load %arg7[%get3A_925, %get3A_926] : memref<19x1xf32, #tpu.memory_space<smem>>
    %jit3A_928 = arith.constant 0.000000e+00 : f32
    %broadcast_in_dim3A_929 = vector.broadcast %get3A_927 : f32 to vector<128x128xf32>
    %broadcast_in_dim3A_930 = vector.broadcast %jit3A_928 : f32 to vector<128x128xf32>
    %select_n3A_931 = arith.select %eq3A_924, %broadcast_in_dim3A_929, %broadcast_in_dim3A_930 : vector<128x128xi1>, vector<128x128xf32>
    %add3A_932 = arith.addf %add3A_921, %select_n3A_931 : vector<128x128xf32>
    %eq3A_933 = arith.constant 15 : i32
    %eq3A_934 = vector.broadcast %eq3A_933 : i32 to vector<128x128xi32>
    %eq3A_935 = arith.cmpi eq, %get3A_778, %eq3A_934 : vector<128x128xi32>
    %get3A_936 = arith.constant 15 : index
    %get3A_937 = arith.constant 0 : index
    %get3A_938 = memref.load %arg7[%get3A_936, %get3A_937] : memref<19x1xf32, #tpu.memory_space<smem>>
    %jit3A_939 = arith.constant 0.000000e+00 : f32
    %broadcast_in_dim3A_940 = vector.broadcast %get3A_938 : f32 to vector<128x128xf32>
    %broadcast_in_dim3A_941 = vector.broadcast %jit3A_939 : f32 to vector<128x128xf32>
    %select_n3A_942 = arith.select %eq3A_935, %broadcast_in_dim3A_940, %broadcast_in_dim3A_941 : vector<128x128xi1>, vector<128x128xf32>
    %add3A_943 = arith.addf %add3A_932, %select_n3A_942 : vector<128x128xf32>
    %eq3A_944 = arith.constant 16 : i32
    %eq3A_945 = vector.broadcast %eq3A_944 : i32 to vector<128x128xi32>
    %eq3A_946 = arith.cmpi eq, %get3A_778, %eq3A_945 : vector<128x128xi32>
    %get3A_947 = arith.constant 16 : index
    %get3A_948 = arith.constant 0 : index
    %get3A_949 = memref.load %arg7[%get3A_947, %get3A_948] : memref<19x1xf32, #tpu.memory_space<smem>>
    %jit3A_950 = arith.constant 0.000000e+00 : f32
    %broadcast_in_dim3A_951 = vector.broadcast %get3A_949 : f32 to vector<128x128xf32>
    %broadcast_in_dim3A_952 = vector.broadcast %jit3A_950 : f32 to vector<128x128xf32>
    %select_n3A_953 = arith.select %eq3A_946, %broadcast_in_dim3A_951, %broadcast_in_dim3A_952 : vector<128x128xi1>, vector<128x128xf32>
    %add3A_954 = arith.addf %add3A_943, %select_n3A_953 : vector<128x128xf32>
    %eq3A_955 = arith.constant 17 : i32
    %eq3A_956 = vector.broadcast %eq3A_955 : i32 to vector<128x128xi32>
    %eq3A_957 = arith.cmpi eq, %get3A_778, %eq3A_956 : vector<128x128xi32>
    %get3A_958 = arith.constant 17 : index
    %get3A_959 = arith.constant 0 : index
    %get3A_960 = memref.load %arg7[%get3A_958, %get3A_959] : memref<19x1xf32, #tpu.memory_space<smem>>
    %jit3A_961 = arith.constant 0.000000e+00 : f32
    %broadcast_in_dim3A_962 = vector.broadcast %get3A_960 : f32 to vector<128x128xf32>
    %broadcast_in_dim3A_963 = vector.broadcast %jit3A_961 : f32 to vector<128x128xf32>
    %select_n3A_964 = arith.select %eq3A_957, %broadcast_in_dim3A_962, %broadcast_in_dim3A_963 : vector<128x128xi1>, vector<128x128xf32>
    %add3A_965 = arith.addf %add3A_954, %select_n3A_964 : vector<128x128xf32>
    %eq3A_966 = arith.constant 18 : i32
    %eq3A_967 = vector.broadcast %eq3A_966 : i32 to vector<128x128xi32>
    %eq3A_968 = arith.cmpi eq, %get3A_778, %eq3A_967 : vector<128x128xi32>
    %get3A_969 = arith.constant 18 : index
    %get3A_970 = arith.constant 0 : index
    %get3A_971 = memref.load %arg7[%get3A_969, %get3A_970] : memref<19x1xf32, #tpu.memory_space<smem>>
    %jit3A_972 = arith.constant 0.000000e+00 : f32
    %broadcast_in_dim3A_973 = vector.broadcast %get3A_971 : f32 to vector<128x128xf32>
    %broadcast_in_dim3A_974 = vector.broadcast %jit3A_972 : f32 to vector<128x128xf32>
    %select_n3A_975 = arith.select %eq3A_968, %broadcast_in_dim3A_973, %broadcast_in_dim3A_974 : vector<128x128xi1>, vector<128x128xf32>
    %add3A_976 = arith.addf %add3A_965, %select_n3A_975 : vector<128x128xf32>
    %get3A_977 = arith.constant 3 : index
    %get3A_978 = arith.constant 0 : index
    %get3A_979 = arith.constant 0 : index
    %get3A_980 = vector.load %arg3[%get3A_977, %get3A_978, %get3A_979] : memref<20x128x128xi32, #tpu.memory_space<vmem>>, vector<1x128x128xi32>
    %get3A_981 = vector.shape_cast %get3A_980 : vector<1x128x128xi32> to vector<128x128xi32>
    %eq3A_982 = arith.constant 1 : i32
    %eq3A_983 = vector.broadcast %eq3A_982 : i32 to vector<128x128xi32>
    %eq3A_984 = arith.cmpi eq, %get3A_981, %eq3A_983 : vector<128x128xi32>
    %get3A_985 = arith.constant 1 : index
    %get3A_986 = arith.constant 0 : index
    %get3A_987 = memref.load %arg7[%get3A_985, %get3A_986] : memref<19x1xf32, #tpu.memory_space<smem>>
    %jit3A_988 = arith.constant 0.000000e+00 : f32
    %broadcast_in_dim3A_989 = vector.broadcast %get3A_987 : f32 to vector<128x128xf32>
    %broadcast_in_dim3A_990 = vector.broadcast %jit3A_988 : f32 to vector<128x128xf32>
    %select_n3A_991 = arith.select %eq3A_984, %broadcast_in_dim3A_989, %broadcast_in_dim3A_990 : vector<128x128xi1>, vector<128x128xf32>
    %add3A_992 = arith.addf %add3A_976, %select_n3A_991 : vector<128x128xf32>
    %eq3A_993 = arith.constant 2 : i32
    %eq3A_994 = vector.broadcast %eq3A_993 : i32 to vector<128x128xi32>
    %eq3A_995 = arith.cmpi eq, %get3A_981, %eq3A_994 : vector<128x128xi32>
    %get3A_996 = arith.constant 2 : index
    %get3A_997 = arith.constant 0 : index
    %get3A_998 = memref.load %arg7[%get3A_996, %get3A_997] : memref<19x1xf32, #tpu.memory_space<smem>>
    %jit3A_999 = arith.constant 0.000000e+00 : f32
    %broadcast_in_dim3A_1000 = vector.broadcast %get3A_998 : f32 to vector<128x128xf32>
    %broadcast_in_dim3A_1001 = vector.broadcast %jit3A_999 : f32 to vector<128x128xf32>
    %select_n3A_1002 = arith.select %eq3A_995, %broadcast_in_dim3A_1000, %broadcast_in_dim3A_1001 : vector<128x128xi1>, vector<128x128xf32>
    %add3A_1003 = arith.addf %add3A_992, %select_n3A_1002 : vector<128x128xf32>
    %eq3A_1004 = arith.constant 3 : i32
    %eq3A_1005 = vector.broadcast %eq3A_1004 : i32 to vector<128x128xi32>
    %eq3A_1006 = arith.cmpi eq, %get3A_981, %eq3A_1005 : vector<128x128xi32>
    %get3A_1007 = arith.constant 3 : index
    %get3A_1008 = arith.constant 0 : index
    %get3A_1009 = memref.load %arg7[%get3A_1007, %get3A_1008] : memref<19x1xf32, #tpu.memory_space<smem>>
    %jit3A_1010 = arith.constant 0.000000e+00 : f32
    %broadcast_in_dim3A_1011 = vector.broadcast %get3A_1009 : f32 to vector<128x128xf32>
    %broadcast_in_dim3A_1012 = vector.broadcast %jit3A_1010 : f32 to vector<128x128xf32>
    %select_n3A_1013 = arith.select %eq3A_1006, %broadcast_in_dim3A_1011, %broadcast_in_dim3A_1012 : vector<128x128xi1>, vector<128x128xf32>
    %add3A_1014 = arith.addf %add3A_1003, %select_n3A_1013 : vector<128x128xf32>
    %eq3A_1015 = arith.constant 4 : i32
    %eq3A_1016 = vector.broadcast %eq3A_1015 : i32 to vector<128x128xi32>
    %eq3A_1017 = arith.cmpi eq, %get3A_981, %eq3A_1016 : vector<128x128xi32>
    %get3A_1018 = arith.constant 4 : index
    %get3A_1019 = arith.constant 0 : index
    %get3A_1020 = memref.load %arg7[%get3A_1018, %get3A_1019] : memref<19x1xf32, #tpu.memory_space<smem>>
    %jit3A_1021 = arith.constant 0.000000e+00 : f32
    %broadcast_in_dim3A_1022 = vector.broadcast %get3A_1020 : f32 to vector<128x128xf32>
    %broadcast_in_dim3A_1023 = vector.broadcast %jit3A_1021 : f32 to vector<128x128xf32>
    %select_n3A_1024 = arith.select %eq3A_1017, %broadcast_in_dim3A_1022, %broadcast_in_dim3A_1023 : vector<128x128xi1>, vector<128x128xf32>
    %add3A_1025 = arith.addf %add3A_1014, %select_n3A_1024 : vector<128x128xf32>
    %eq3A_1026 = arith.constant 5 : i32
    %eq3A_1027 = vector.broadcast %eq3A_1026 : i32 to vector<128x128xi32>
    %eq3A_1028 = arith.cmpi eq, %get3A_981, %eq3A_1027 : vector<128x128xi32>
    %get3A_1029 = arith.constant 5 : index
    %get3A_1030 = arith.constant 0 : index
    %get3A_1031 = memref.load %arg7[%get3A_1029, %get3A_1030] : memref<19x1xf32, #tpu.memory_space<smem>>
    %jit3A_1032 = arith.constant 0.000000e+00 : f32
    %broadcast_in_dim3A_1033 = vector.broadcast %get3A_1031 : f32 to vector<128x128xf32>
    %broadcast_in_dim3A_1034 = vector.broadcast %jit3A_1032 : f32 to vector<128x128xf32>
    %select_n3A_1035 = arith.select %eq3A_1028, %broadcast_in_dim3A_1033, %broadcast_in_dim3A_1034 : vector<128x128xi1>, vector<128x128xf32>
    %add3A_1036 = arith.addf %add3A_1025, %select_n3A_1035 : vector<128x128xf32>
    %eq3A_1037 = arith.constant 6 : i32
    %eq3A_1038 = vector.broadcast %eq3A_1037 : i32 to vector<128x128xi32>
    %eq3A_1039 = arith.cmpi eq, %get3A_981, %eq3A_1038 : vector<128x128xi32>
    %get3A_1040 = arith.constant 6 : index
    %get3A_1041 = arith.constant 0 : index
    %get3A_1042 = memref.load %arg7[%get3A_1040, %get3A_1041] : memref<19x1xf32, #tpu.memory_space<smem>>
    %jit3A_1043 = arith.constant 0.000000e+00 : f32
    %broadcast_in_dim3A_1044 = vector.broadcast %get3A_1042 : f32 to vector<128x128xf32>
    %broadcast_in_dim3A_1045 = vector.broadcast %jit3A_1043 : f32 to vector<128x128xf32>
    %select_n3A_1046 = arith.select %eq3A_1039, %broadcast_in_dim3A_1044, %broadcast_in_dim3A_1045 : vector<128x128xi1>, vector<128x128xf32>
    %add3A_1047 = arith.addf %add3A_1036, %select_n3A_1046 : vector<128x128xf32>
    %eq3A_1048 = arith.constant 7 : i32
    %eq3A_1049 = vector.broadcast %eq3A_1048 : i32 to vector<128x128xi32>
    %eq3A_1050 = arith.cmpi eq, %get3A_981, %eq3A_1049 : vector<128x128xi32>
    %get3A_1051 = arith.constant 7 : index
    %get3A_1052 = arith.constant 0 : index
    %get3A_1053 = memref.load %arg7[%get3A_1051, %get3A_1052] : memref<19x1xf32, #tpu.memory_space<smem>>
    %jit3A_1054 = arith.constant 0.000000e+00 : f32
    %broadcast_in_dim3A_1055 = vector.broadcast %get3A_1053 : f32 to vector<128x128xf32>
    %broadcast_in_dim3A_1056 = vector.broadcast %jit3A_1054 : f32 to vector<128x128xf32>
    %select_n3A_1057 = arith.select %eq3A_1050, %broadcast_in_dim3A_1055, %broadcast_in_dim3A_1056 : vector<128x128xi1>, vector<128x128xf32>
    %add3A_1058 = arith.addf %add3A_1047, %select_n3A_1057 : vector<128x128xf32>
    %eq3A_1059 = arith.constant 8 : i32
    %eq3A_1060 = vector.broadcast %eq3A_1059 : i32 to vector<128x128xi32>
    %eq3A_1061 = arith.cmpi eq, %get3A_981, %eq3A_1060 : vector<128x128xi32>
    %get3A_1062 = arith.constant 8 : index
    %get3A_1063 = arith.constant 0 : index
    %get3A_1064 = memref.load %arg7[%get3A_1062, %get3A_1063] : memref<19x1xf32, #tpu.memory_space<smem>>
    %jit3A_1065 = arith.constant 0.000000e+00 : f32
    %broadcast_in_dim3A_1066 = vector.broadcast %get3A_1064 : f32 to vector<128x128xf32>
    %broadcast_in_dim3A_1067 = vector.broadcast %jit3A_1065 : f32 to vector<128x128xf32>
    %select_n3A_1068 = arith.select %eq3A_1061, %broadcast_in_dim3A_1066, %broadcast_in_dim3A_1067 : vector<128x128xi1>, vector<128x128xf32>
    %add3A_1069 = arith.addf %add3A_1058, %select_n3A_1068 : vector<128x128xf32>
    %eq3A_1070 = arith.constant 9 : i32
    %eq3A_1071 = vector.broadcast %eq3A_1070 : i32 to vector<128x128xi32>
    %eq3A_1072 = arith.cmpi eq, %get3A_981, %eq3A_1071 : vector<128x128xi32>
    %get3A_1073 = arith.constant 9 : index
    %get3A_1074 = arith.constant 0 : index
    %get3A_1075 = memref.load %arg7[%get3A_1073, %get3A_1074] : memref<19x1xf32, #tpu.memory_space<smem>>
    %jit3A_1076 = arith.constant 0.000000e+00 : f32
    %broadcast_in_dim3A_1077 = vector.broadcast %get3A_1075 : f32 to vector<128x128xf32>
    %broadcast_in_dim3A_1078 = vector.broadcast %jit3A_1076 : f32 to vector<128x128xf32>
    %select_n3A_1079 = arith.select %eq3A_1072, %broadcast_in_dim3A_1077, %broadcast_in_dim3A_1078 : vector<128x128xi1>, vector<128x128xf32>
    %add3A_1080 = arith.addf %add3A_1069, %select_n3A_1079 : vector<128x128xf32>
    %eq3A_1081 = arith.constant 10 : i32
    %eq3A_1082 = vector.broadcast %eq3A_1081 : i32 to vector<128x128xi32>
    %eq3A_1083 = arith.cmpi eq, %get3A_981, %eq3A_1082 : vector<128x128xi32>
    %get3A_1084 = arith.constant 10 : index
    %get3A_1085 = arith.constant 0 : index
    %get3A_1086 = memref.load %arg7[%get3A_1084, %get3A_1085] : memref<19x1xf32, #tpu.memory_space<smem>>
    %jit3A_1087 = arith.constant 0.000000e+00 : f32
    %broadcast_in_dim3A_1088 = vector.broadcast %get3A_1086 : f32 to vector<128x128xf32>
    %broadcast_in_dim3A_1089 = vector.broadcast %jit3A_1087 : f32 to vector<128x128xf32>
    %select_n3A_1090 = arith.select %eq3A_1083, %broadcast_in_dim3A_1088, %broadcast_in_dim3A_1089 : vector<128x128xi1>, vector<128x128xf32>
    %add3A_1091 = arith.addf %add3A_1080, %select_n3A_1090 : vector<128x128xf32>
    %eq3A_1092 = arith.constant 11 : i32
    %eq3A_1093 = vector.broadcast %eq3A_1092 : i32 to vector<128x128xi32>
    %eq3A_1094 = arith.cmpi eq, %get3A_981, %eq3A_1093 : vector<128x128xi32>
    %get3A_1095 = arith.constant 11 : index
    %get3A_1096 = arith.constant 0 : index
    %get3A_1097 = memref.load %arg7[%get3A_1095, %get3A_1096] : memref<19x1xf32, #tpu.memory_space<smem>>
    %jit3A_1098 = arith.constant 0.000000e+00 : f32
    %broadcast_in_dim3A_1099 = vector.broadcast %get3A_1097 : f32 to vector<128x128xf32>
    %broadcast_in_dim3A_1100 = vector.broadcast %jit3A_1098 : f32 to vector<128x128xf32>
    %select_n3A_1101 = arith.select %eq3A_1094, %broadcast_in_dim3A_1099, %broadcast_in_dim3A_1100 : vector<128x128xi1>, vector<128x128xf32>
    %add3A_1102 = arith.addf %add3A_1091, %select_n3A_1101 : vector<128x128xf32>
    %eq3A_1103 = arith.constant 12 : i32
    %eq3A_1104 = vector.broadcast %eq3A_1103 : i32 to vector<128x128xi32>
    %eq3A_1105 = arith.cmpi eq, %get3A_981, %eq3A_1104 : vector<128x128xi32>
    %get3A_1106 = arith.constant 12 : index
    %get3A_1107 = arith.constant 0 : index
    %get3A_1108 = memref.load %arg7[%get3A_1106, %get3A_1107] : memref<19x1xf32, #tpu.memory_space<smem>>
    %jit3A_1109 = arith.constant 0.000000e+00 : f32
    %broadcast_in_dim3A_1110 = vector.broadcast %get3A_1108 : f32 to vector<128x128xf32>
    %broadcast_in_dim3A_1111 = vector.broadcast %jit3A_1109 : f32 to vector<128x128xf32>
    %select_n3A_1112 = arith.select %eq3A_1105, %broadcast_in_dim3A_1110, %broadcast_in_dim3A_1111 : vector<128x128xi1>, vector<128x128xf32>
    %add3A_1113 = arith.addf %add3A_1102, %select_n3A_1112 : vector<128x128xf32>
    %eq3A_1114 = arith.constant 13 : i32
    %eq3A_1115 = vector.broadcast %eq3A_1114 : i32 to vector<128x128xi32>
    %eq3A_1116 = arith.cmpi eq, %get3A_981, %eq3A_1115 : vector<128x128xi32>
    %get3A_1117 = arith.constant 13 : index
    %get3A_1118 = arith.constant 0 : index
    %get3A_1119 = memref.load %arg7[%get3A_1117, %get3A_1118] : memref<19x1xf32, #tpu.memory_space<smem>>
    %jit3A_1120 = arith.constant 0.000000e+00 : f32
    %broadcast_in_dim3A_1121 = vector.broadcast %get3A_1119 : f32 to vector<128x128xf32>
    %broadcast_in_dim3A_1122 = vector.broadcast %jit3A_1120 : f32 to vector<128x128xf32>
    %select_n3A_1123 = arith.select %eq3A_1116, %broadcast_in_dim3A_1121, %broadcast_in_dim3A_1122 : vector<128x128xi1>, vector<128x128xf32>
    %add3A_1124 = arith.addf %add3A_1113, %select_n3A_1123 : vector<128x128xf32>
    %eq3A_1125 = arith.constant 14 : i32
    %eq3A_1126 = vector.broadcast %eq3A_1125 : i32 to vector<128x128xi32>
    %eq3A_1127 = arith.cmpi eq, %get3A_981, %eq3A_1126 : vector<128x128xi32>
    %get3A_1128 = arith.constant 14 : index
    %get3A_1129 = arith.constant 0 : index
    %get3A_1130 = memref.load %arg7[%get3A_1128, %get3A_1129] : memref<19x1xf32, #tpu.memory_space<smem>>
    %jit3A_1131 = arith.constant 0.000000e+00 : f32
    %broadcast_in_dim3A_1132 = vector.broadcast %get3A_1130 : f32 to vector<128x128xf32>
    %broadcast_in_dim3A_1133 = vector.broadcast %jit3A_1131 : f32 to vector<128x128xf32>
    %select_n3A_1134 = arith.select %eq3A_1127, %broadcast_in_dim3A_1132, %broadcast_in_dim3A_1133 : vector<128x128xi1>, vector<128x128xf32>
    %add3A_1135 = arith.addf %add3A_1124, %select_n3A_1134 : vector<128x128xf32>
    %eq3A_1136 = arith.constant 15 : i32
    %eq3A_1137 = vector.broadcast %eq3A_1136 : i32 to vector<128x128xi32>
    %eq3A_1138 = arith.cmpi eq, %get3A_981, %eq3A_1137 : vector<128x128xi32>
    %get3A_1139 = arith.constant 15 : index
    %get3A_1140 = arith.constant 0 : index
    %get3A_1141 = memref.load %arg7[%get3A_1139, %get3A_1140] : memref<19x1xf32, #tpu.memory_space<smem>>
    %jit3A_1142 = arith.constant 0.000000e+00 : f32
    %broadcast_in_dim3A_1143 = vector.broadcast %get3A_1141 : f32 to vector<128x128xf32>
    %broadcast_in_dim3A_1144 = vector.broadcast %jit3A_1142 : f32 to vector<128x128xf32>
    %select_n3A_1145 = arith.select %eq3A_1138, %broadcast_in_dim3A_1143, %broadcast_in_dim3A_1144 : vector<128x128xi1>, vector<128x128xf32>
    %add3A_1146 = arith.addf %add3A_1135, %select_n3A_1145 : vector<128x128xf32>
    %eq3A_1147 = arith.constant 16 : i32
    %eq3A_1148 = vector.broadcast %eq3A_1147 : i32 to vector<128x128xi32>
    %eq3A_1149 = arith.cmpi eq, %get3A_981, %eq3A_1148 : vector<128x128xi32>
    %get3A_1150 = arith.constant 16 : index
    %get3A_1151 = arith.constant 0 : index
    %get3A_1152 = memref.load %arg7[%get3A_1150, %get3A_1151] : memref<19x1xf32, #tpu.memory_space<smem>>
    %jit3A_1153 = arith.constant 0.000000e+00 : f32
    %broadcast_in_dim3A_1154 = vector.broadcast %get3A_1152 : f32 to vector<128x128xf32>
    %broadcast_in_dim3A_1155 = vector.broadcast %jit3A_1153 : f32 to vector<128x128xf32>
    %select_n3A_1156 = arith.select %eq3A_1149, %broadcast_in_dim3A_1154, %broadcast_in_dim3A_1155 : vector<128x128xi1>, vector<128x128xf32>
    %add3A_1157 = arith.addf %add3A_1146, %select_n3A_1156 : vector<128x128xf32>
    %eq3A_1158 = arith.constant 17 : i32
    %eq3A_1159 = vector.broadcast %eq3A_1158 : i32 to vector<128x128xi32>
    %eq3A_1160 = arith.cmpi eq, %get3A_981, %eq3A_1159 : vector<128x128xi32>
    %get3A_1161 = arith.constant 17 : index
    %get3A_1162 = arith.constant 0 : index
    %get3A_1163 = memref.load %arg7[%get3A_1161, %get3A_1162] : memref<19x1xf32, #tpu.memory_space<smem>>
    %jit3A_1164 = arith.constant 0.000000e+00 : f32
    %broadcast_in_dim3A_1165 = vector.broadcast %get3A_1163 : f32 to vector<128x128xf32>
    %broadcast_in_dim3A_1166 = vector.broadcast %jit3A_1164 : f32 to vector<128x128xf32>
    %select_n3A_1167 = arith.select %eq3A_1160, %broadcast_in_dim3A_1165, %broadcast_in_dim3A_1166 : vector<128x128xi1>, vector<128x128xf32>
    %add3A_1168 = arith.addf %add3A_1157, %select_n3A_1167 : vector<128x128xf32>
    %eq3A_1169 = arith.constant 18 : i32
    %eq3A_1170 = vector.broadcast %eq3A_1169 : i32 to vector<128x128xi32>
    %eq3A_1171 = arith.cmpi eq, %get3A_981, %eq3A_1170 : vector<128x128xi32>
    %get3A_1172 = arith.constant 18 : index
    %get3A_1173 = arith.constant 0 : index
    %get3A_1174 = memref.load %arg7[%get3A_1172, %get3A_1173] : memref<19x1xf32, #tpu.memory_space<smem>>
    %jit3A_1175 = arith.constant 0.000000e+00 : f32
    %broadcast_in_dim3A_1176 = vector.broadcast %get3A_1174 : f32 to vector<128x128xf32>
    %broadcast_in_dim3A_1177 = vector.broadcast %jit3A_1175 : f32 to vector<128x128xf32>
    %select_n3A_1178 = arith.select %eq3A_1171, %broadcast_in_dim3A_1176, %broadcast_in_dim3A_1177 : vector<128x128xi1>, vector<128x128xf32>
    %add3A_1179 = arith.addf %add3A_1168, %select_n3A_1178 : vector<128x128xf32>
    %get3A_1180 = arith.constant 4 : index
    %get3A_1181 = arith.constant 0 : index
    %get3A_1182 = arith.constant 0 : index
    %get3A_1183 = vector.load %arg3[%get3A_1180, %get3A_1181, %get3A_1182] : memref<20x128x128xi32, #tpu.memory_space<vmem>>, vector<1x128x128xi32>
    %get3A_1184 = vector.shape_cast %get3A_1183 : vector<1x128x128xi32> to vector<128x128xi32>
    %eq3A_1185 = arith.constant 1 : i32
    %eq3A_1186 = vector.broadcast %eq3A_1185 : i32 to vector<128x128xi32>
    %eq3A_1187 = arith.cmpi eq, %get3A_1184, %eq3A_1186 : vector<128x128xi32>
    %get3A_1188 = arith.constant 1 : index
    %get3A_1189 = arith.constant 0 : index
    %get3A_1190 = memref.load %arg7[%get3A_1188, %get3A_1189] : memref<19x1xf32, #tpu.memory_space<smem>>
    %jit3A_1191 = arith.constant 0.000000e+00 : f32
    %broadcast_in_dim3A_1192 = vector.broadcast %get3A_1190 : f32 to vector<128x128xf32>
    %broadcast_in_dim3A_1193 = vector.broadcast %jit3A_1191 : f32 to vector<128x128xf32>
    %select_n3A_1194 = arith.select %eq3A_1187, %broadcast_in_dim3A_1192, %broadcast_in_dim3A_1193 : vector<128x128xi1>, vector<128x128xf32>
    %add3A_1195 = arith.addf %add3A_1179, %select_n3A_1194 : vector<128x128xf32>
    %eq3A_1196 = arith.constant 2 : i32
    %eq3A_1197 = vector.broadcast %eq3A_1196 : i32 to vector<128x128xi32>
    %eq3A_1198 = arith.cmpi eq, %get3A_1184, %eq3A_1197 : vector<128x128xi32>
    %get3A_1199 = arith.constant 2 : index
    %get3A_1200 = arith.constant 0 : index
    %get3A_1201 = memref.load %arg7[%get3A_1199, %get3A_1200] : memref<19x1xf32, #tpu.memory_space<smem>>
    %jit3A_1202 = arith.constant 0.000000e+00 : f32
    %broadcast_in_dim3A_1203 = vector.broadcast %get3A_1201 : f32 to vector<128x128xf32>
    %broadcast_in_dim3A_1204 = vector.broadcast %jit3A_1202 : f32 to vector<128x128xf32>
    %select_n3A_1205 = arith.select %eq3A_1198, %broadcast_in_dim3A_1203, %broadcast_in_dim3A_1204 : vector<128x128xi1>, vector<128x128xf32>
    %add3A_1206 = arith.addf %add3A_1195, %select_n3A_1205 : vector<128x128xf32>
    %eq3A_1207 = arith.constant 3 : i32
    %eq3A_1208 = vector.broadcast %eq3A_1207 : i32 to vector<128x128xi32>
    %eq3A_1209 = arith.cmpi eq, %get3A_1184, %eq3A_1208 : vector<128x128xi32>
    %get3A_1210 = arith.constant 3 : index
    %get3A_1211 = arith.constant 0 : index
    %get3A_1212 = memref.load %arg7[%get3A_1210, %get3A_1211] : memref<19x1xf32, #tpu.memory_space<smem>>
    %jit3A_1213 = arith.constant 0.000000e+00 : f32
    %broadcast_in_dim3A_1214 = vector.broadcast %get3A_1212 : f32 to vector<128x128xf32>
    %broadcast_in_dim3A_1215 = vector.broadcast %jit3A_1213 : f32 to vector<128x128xf32>
    %select_n3A_1216 = arith.select %eq3A_1209, %broadcast_in_dim3A_1214, %broadcast_in_dim3A_1215 : vector<128x128xi1>, vector<128x128xf32>
    %add3A_1217 = arith.addf %add3A_1206, %select_n3A_1216 : vector<128x128xf32>
    %eq3A_1218 = arith.constant 4 : i32
    %eq3A_1219 = vector.broadcast %eq3A_1218 : i32 to vector<128x128xi32>
    %eq3A_1220 = arith.cmpi eq, %get3A_1184, %eq3A_1219 : vector<128x128xi32>
    %get3A_1221 = arith.constant 4 : index
    %get3A_1222 = arith.constant 0 : index
    %get3A_1223 = memref.load %arg7[%get3A_1221, %get3A_1222] : memref<19x1xf32, #tpu.memory_space<smem>>
    %jit3A_1224 = arith.constant 0.000000e+00 : f32
    %broadcast_in_dim3A_1225 = vector.broadcast %get3A_1223 : f32 to vector<128x128xf32>
    %broadcast_in_dim3A_1226 = vector.broadcast %jit3A_1224 : f32 to vector<128x128xf32>
    %select_n3A_1227 = arith.select %eq3A_1220, %broadcast_in_dim3A_1225, %broadcast_in_dim3A_1226 : vector<128x128xi1>, vector<128x128xf32>
    %add3A_1228 = arith.addf %add3A_1217, %select_n3A_1227 : vector<128x128xf32>
    %eq3A_1229 = arith.constant 5 : i32
    %eq3A_1230 = vector.broadcast %eq3A_1229 : i32 to vector<128x128xi32>
    %eq3A_1231 = arith.cmpi eq, %get3A_1184, %eq3A_1230 : vector<128x128xi32>
    %get3A_1232 = arith.constant 5 : index
    %get3A_1233 = arith.constant 0 : index
    %get3A_1234 = memref.load %arg7[%get3A_1232, %get3A_1233] : memref<19x1xf32, #tpu.memory_space<smem>>
    %jit3A_1235 = arith.constant 0.000000e+00 : f32
    %broadcast_in_dim3A_1236 = vector.broadcast %get3A_1234 : f32 to vector<128x128xf32>
    %broadcast_in_dim3A_1237 = vector.broadcast %jit3A_1235 : f32 to vector<128x128xf32>
    %select_n3A_1238 = arith.select %eq3A_1231, %broadcast_in_dim3A_1236, %broadcast_in_dim3A_1237 : vector<128x128xi1>, vector<128x128xf32>
    %add3A_1239 = arith.addf %add3A_1228, %select_n3A_1238 : vector<128x128xf32>
    %eq3A_1240 = arith.constant 6 : i32
    %eq3A_1241 = vector.broadcast %eq3A_1240 : i32 to vector<128x128xi32>
    %eq3A_1242 = arith.cmpi eq, %get3A_1184, %eq3A_1241 : vector<128x128xi32>
    %get3A_1243 = arith.constant 6 : index
    %get3A_1244 = arith.constant 0 : index
    %get3A_1245 = memref.load %arg7[%get3A_1243, %get3A_1244] : memref<19x1xf32, #tpu.memory_space<smem>>
    %jit3A_1246 = arith.constant 0.000000e+00 : f32
    %broadcast_in_dim3A_1247 = vector.broadcast %get3A_1245 : f32 to vector<128x128xf32>
    %broadcast_in_dim3A_1248 = vector.broadcast %jit3A_1246 : f32 to vector<128x128xf32>
    %select_n3A_1249 = arith.select %eq3A_1242, %broadcast_in_dim3A_1247, %broadcast_in_dim3A_1248 : vector<128x128xi1>, vector<128x128xf32>
    %add3A_1250 = arith.addf %add3A_1239, %select_n3A_1249 : vector<128x128xf32>
    %eq3A_1251 = arith.constant 7 : i32
    %eq3A_1252 = vector.broadcast %eq3A_1251 : i32 to vector<128x128xi32>
    %eq3A_1253 = arith.cmpi eq, %get3A_1184, %eq3A_1252 : vector<128x128xi32>
    %get3A_1254 = arith.constant 7 : index
    %get3A_1255 = arith.constant 0 : index
    %get3A_1256 = memref.load %arg7[%get3A_1254, %get3A_1255] : memref<19x1xf32, #tpu.memory_space<smem>>
    %jit3A_1257 = arith.constant 0.000000e+00 : f32
    %broadcast_in_dim3A_1258 = vector.broadcast %get3A_1256 : f32 to vector<128x128xf32>
    %broadcast_in_dim3A_1259 = vector.broadcast %jit3A_1257 : f32 to vector<128x128xf32>
    %select_n3A_1260 = arith.select %eq3A_1253, %broadcast_in_dim3A_1258, %broadcast_in_dim3A_1259 : vector<128x128xi1>, vector<128x128xf32>
    %add3A_1261 = arith.addf %add3A_1250, %select_n3A_1260 : vector<128x128xf32>
    %eq3A_1262 = arith.constant 8 : i32
    %eq3A_1263 = vector.broadcast %eq3A_1262 : i32 to vector<128x128xi32>
    %eq3A_1264 = arith.cmpi eq, %get3A_1184, %eq3A_1263 : vector<128x128xi32>
    %get3A_1265 = arith.constant 8 : index
    %get3A_1266 = arith.constant 0 : index
    %get3A_1267 = memref.load %arg7[%get3A_1265, %get3A_1266] : memref<19x1xf32, #tpu.memory_space<smem>>
    %jit3A_1268 = arith.constant 0.000000e+00 : f32
    %broadcast_in_dim3A_1269 = vector.broadcast %get3A_1267 : f32 to vector<128x128xf32>
    %broadcast_in_dim3A_1270 = vector.broadcast %jit3A_1268 : f32 to vector<128x128xf32>
    %select_n3A_1271 = arith.select %eq3A_1264, %broadcast_in_dim3A_1269, %broadcast_in_dim3A_1270 : vector<128x128xi1>, vector<128x128xf32>
    %add3A_1272 = arith.addf %add3A_1261, %select_n3A_1271 : vector<128x128xf32>
    %eq3A_1273 = arith.constant 9 : i32
    %eq3A_1274 = vector.broadcast %eq3A_1273 : i32 to vector<128x128xi32>
    %eq3A_1275 = arith.cmpi eq, %get3A_1184, %eq3A_1274 : vector<128x128xi32>
    %get3A_1276 = arith.constant 9 : index
    %get3A_1277 = arith.constant 0 : index
    %get3A_1278 = memref.load %arg7[%get3A_1276, %get3A_1277] : memref<19x1xf32, #tpu.memory_space<smem>>
    %jit3A_1279 = arith.constant 0.000000e+00 : f32
    %broadcast_in_dim3A_1280 = vector.broadcast %get3A_1278 : f32 to vector<128x128xf32>
    %broadcast_in_dim3A_1281 = vector.broadcast %jit3A_1279 : f32 to vector<128x128xf32>
    %select_n3A_1282 = arith.select %eq3A_1275, %broadcast_in_dim3A_1280, %broadcast_in_dim3A_1281 : vector<128x128xi1>, vector<128x128xf32>
    %add3A_1283 = arith.addf %add3A_1272, %select_n3A_1282 : vector<128x128xf32>
    %eq3A_1284 = arith.constant 10 : i32
    %eq3A_1285 = vector.broadcast %eq3A_1284 : i32 to vector<128x128xi32>
    %eq3A_1286 = arith.cmpi eq, %get3A_1184, %eq3A_1285 : vector<128x128xi32>
    %get3A_1287 = arith.constant 10 : index
    %get3A_1288 = arith.constant 0 : index
    %get3A_1289 = memref.load %arg7[%get3A_1287, %get3A_1288] : memref<19x1xf32, #tpu.memory_space<smem>>
    %jit3A_1290 = arith.constant 0.000000e+00 : f32
    %broadcast_in_dim3A_1291 = vector.broadcast %get3A_1289 : f32 to vector<128x128xf32>
    %broadcast_in_dim3A_1292 = vector.broadcast %jit3A_1290 : f32 to vector<128x128xf32>
    %select_n3A_1293 = arith.select %eq3A_1286, %broadcast_in_dim3A_1291, %broadcast_in_dim3A_1292 : vector<128x128xi1>, vector<128x128xf32>
    %add3A_1294 = arith.addf %add3A_1283, %select_n3A_1293 : vector<128x128xf32>
    %eq3A_1295 = arith.constant 11 : i32
    %eq3A_1296 = vector.broadcast %eq3A_1295 : i32 to vector<128x128xi32>
    %eq3A_1297 = arith.cmpi eq, %get3A_1184, %eq3A_1296 : vector<128x128xi32>
    %get3A_1298 = arith.constant 11 : index
    %get3A_1299 = arith.constant 0 : index
    %get3A_1300 = memref.load %arg7[%get3A_1298, %get3A_1299] : memref<19x1xf32, #tpu.memory_space<smem>>
    %jit3A_1301 = arith.constant 0.000000e+00 : f32
    %broadcast_in_dim3A_1302 = vector.broadcast %get3A_1300 : f32 to vector<128x128xf32>
    %broadcast_in_dim3A_1303 = vector.broadcast %jit3A_1301 : f32 to vector<128x128xf32>
    %select_n3A_1304 = arith.select %eq3A_1297, %broadcast_in_dim3A_1302, %broadcast_in_dim3A_1303 : vector<128x128xi1>, vector<128x128xf32>
    %add3A_1305 = arith.addf %add3A_1294, %select_n3A_1304 : vector<128x128xf32>
    %eq3A_1306 = arith.constant 12 : i32
    %eq3A_1307 = vector.broadcast %eq3A_1306 : i32 to vector<128x128xi32>
    %eq3A_1308 = arith.cmpi eq, %get3A_1184, %eq3A_1307 : vector<128x128xi32>
    %get3A_1309 = arith.constant 12 : index
    %get3A_1310 = arith.constant 0 : index
    %get3A_1311 = memref.load %arg7[%get3A_1309, %get3A_1310] : memref<19x1xf32, #tpu.memory_space<smem>>
    %jit3A_1312 = arith.constant 0.000000e+00 : f32
    %broadcast_in_dim3A_1313 = vector.broadcast %get3A_1311 : f32 to vector<128x128xf32>
    %broadcast_in_dim3A_1314 = vector.broadcast %jit3A_1312 : f32 to vector<128x128xf32>
    %select_n3A_1315 = arith.select %eq3A_1308, %broadcast_in_dim3A_1313, %broadcast_in_dim3A_1314 : vector<128x128xi1>, vector<128x128xf32>
    %add3A_1316 = arith.addf %add3A_1305, %select_n3A_1315 : vector<128x128xf32>
    %eq3A_1317 = arith.constant 13 : i32
    %eq3A_1318 = vector.broadcast %eq3A_1317 : i32 to vector<128x128xi32>
    %eq3A_1319 = arith.cmpi eq, %get3A_1184, %eq3A_1318 : vector<128x128xi32>
    %get3A_1320 = arith.constant 13 : index
    %get3A_1321 = arith.constant 0 : index
    %get3A_1322 = memref.load %arg7[%get3A_1320, %get3A_1321] : memref<19x1xf32, #tpu.memory_space<smem>>
    %jit3A_1323 = arith.constant 0.000000e+00 : f32
    %broadcast_in_dim3A_1324 = vector.broadcast %get3A_1322 : f32 to vector<128x128xf32>
    %broadcast_in_dim3A_1325 = vector.broadcast %jit3A_1323 : f32 to vector<128x128xf32>
    %select_n3A_1326 = arith.select %eq3A_1319, %broadcast_in_dim3A_1324, %broadcast_in_dim3A_1325 : vector<128x128xi1>, vector<128x128xf32>
    %add3A_1327 = arith.addf %add3A_1316, %select_n3A_1326 : vector<128x128xf32>
    %eq3A_1328 = arith.constant 14 : i32
    %eq3A_1329 = vector.broadcast %eq3A_1328 : i32 to vector<128x128xi32>
    %eq3A_1330 = arith.cmpi eq, %get3A_1184, %eq3A_1329 : vector<128x128xi32>
    %get3A_1331 = arith.constant 14 : index
    %get3A_1332 = arith.constant 0 : index
    %get3A_1333 = memref.load %arg7[%get3A_1331, %get3A_1332] : memref<19x1xf32, #tpu.memory_space<smem>>
    %jit3A_1334 = arith.constant 0.000000e+00 : f32
    %broadcast_in_dim3A_1335 = vector.broadcast %get3A_1333 : f32 to vector<128x128xf32>
    %broadcast_in_dim3A_1336 = vector.broadcast %jit3A_1334 : f32 to vector<128x128xf32>
    %select_n3A_1337 = arith.select %eq3A_1330, %broadcast_in_dim3A_1335, %broadcast_in_dim3A_1336 : vector<128x128xi1>, vector<128x128xf32>
    %add3A_1338 = arith.addf %add3A_1327, %select_n3A_1337 : vector<128x128xf32>
    %eq3A_1339 = arith.constant 15 : i32
    %eq3A_1340 = vector.broadcast %eq3A_1339 : i32 to vector<128x128xi32>
    %eq3A_1341 = arith.cmpi eq, %get3A_1184, %eq3A_1340 : vector<128x128xi32>
    %get3A_1342 = arith.constant 15 : index
    %get3A_1343 = arith.constant 0 : index
    %get3A_1344 = memref.load %arg7[%get3A_1342, %get3A_1343] : memref<19x1xf32, #tpu.memory_space<smem>>
    %jit3A_1345 = arith.constant 0.000000e+00 : f32
    %broadcast_in_dim3A_1346 = vector.broadcast %get3A_1344 : f32 to vector<128x128xf32>
    %broadcast_in_dim3A_1347 = vector.broadcast %jit3A_1345 : f32 to vector<128x128xf32>
    %select_n3A_1348 = arith.select %eq3A_1341, %broadcast_in_dim3A_1346, %broadcast_in_dim3A_1347 : vector<128x128xi1>, vector<128x128xf32>
    %add3A_1349 = arith.addf %add3A_1338, %select_n3A_1348 : vector<128x128xf32>
    %eq3A_1350 = arith.constant 16 : i32
    %eq3A_1351 = vector.broadcast %eq3A_1350 : i32 to vector<128x128xi32>
    %eq3A_1352 = arith.cmpi eq, %get3A_1184, %eq3A_1351 : vector<128x128xi32>
    %get3A_1353 = arith.constant 16 : index
    %get3A_1354 = arith.constant 0 : index
    %get3A_1355 = memref.load %arg7[%get3A_1353, %get3A_1354] : memref<19x1xf32, #tpu.memory_space<smem>>
    %jit3A_1356 = arith.constant 0.000000e+00 : f32
    %broadcast_in_dim3A_1357 = vector.broadcast %get3A_1355 : f32 to vector<128x128xf32>
    %broadcast_in_dim3A_1358 = vector.broadcast %jit3A_1356 : f32 to vector<128x128xf32>
    %select_n3A_1359 = arith.select %eq3A_1352, %broadcast_in_dim3A_1357, %broadcast_in_dim3A_1358 : vector<128x128xi1>, vector<128x128xf32>
    %add3A_1360 = arith.addf %add3A_1349, %select_n3A_1359 : vector<128x128xf32>
    %eq3A_1361 = arith.constant 17 : i32
    %eq3A_1362 = vector.broadcast %eq3A_1361 : i32 to vector<128x128xi32>
    %eq3A_1363 = arith.cmpi eq, %get3A_1184, %eq3A_1362 : vector<128x128xi32>
    %get3A_1364 = arith.constant 17 : index
    %get3A_1365 = arith.constant 0 : index
    %get3A_1366 = memref.load %arg7[%get3A_1364, %get3A_1365] : memref<19x1xf32, #tpu.memory_space<smem>>
    %jit3A_1367 = arith.constant 0.000000e+00 : f32
    %broadcast_in_dim3A_1368 = vector.broadcast %get3A_1366 : f32 to vector<128x128xf32>
    %broadcast_in_dim3A_1369 = vector.broadcast %jit3A_1367 : f32 to vector<128x128xf32>
    %select_n3A_1370 = arith.select %eq3A_1363, %broadcast_in_dim3A_1368, %broadcast_in_dim3A_1369 : vector<128x128xi1>, vector<128x128xf32>
    %add3A_1371 = arith.addf %add3A_1360, %select_n3A_1370 : vector<128x128xf32>
    %eq3A_1372 = arith.constant 18 : i32
    %eq3A_1373 = vector.broadcast %eq3A_1372 : i32 to vector<128x128xi32>
    %eq3A_1374 = arith.cmpi eq, %get3A_1184, %eq3A_1373 : vector<128x128xi32>
    %get3A_1375 = arith.constant 18 : index
    %get3A_1376 = arith.constant 0 : index
    %get3A_1377 = memref.load %arg7[%get3A_1375, %get3A_1376] : memref<19x1xf32, #tpu.memory_space<smem>>
    %jit3A_1378 = arith.constant 0.000000e+00 : f32
    %broadcast_in_dim3A_1379 = vector.broadcast %get3A_1377 : f32 to vector<128x128xf32>
    %broadcast_in_dim3A_1380 = vector.broadcast %jit3A_1378 : f32 to vector<128x128xf32>
    %select_n3A_1381 = arith.select %eq3A_1374, %broadcast_in_dim3A_1379, %broadcast_in_dim3A_1380 : vector<128x128xi1>, vector<128x128xf32>
    %add3A_1382 = arith.addf %add3A_1371, %select_n3A_1381 : vector<128x128xf32>
    %get3A_1383 = arith.constant 5 : index
    %get3A_1384 = arith.constant 0 : index
    %get3A_1385 = arith.constant 0 : index
    %get3A_1386 = vector.load %arg3[%get3A_1383, %get3A_1384, %get3A_1385] : memref<20x128x128xi32, #tpu.memory_space<vmem>>, vector<1x128x128xi32>
    %get3A_1387 = vector.shape_cast %get3A_1386 : vector<1x128x128xi32> to vector<128x128xi32>
    %eq3A_1388 = arith.constant 1 : i32
    %eq3A_1389 = vector.broadcast %eq3A_1388 : i32 to vector<128x128xi32>
    %eq3A_1390 = arith.cmpi eq, %get3A_1387, %eq3A_1389 : vector<128x128xi32>
    %get3A_1391 = arith.constant 1 : index
    %get3A_1392 = arith.constant 0 : index
    %get3A_1393 = memref.load %arg7[%get3A_1391, %get3A_1392] : memref<19x1xf32, #tpu.memory_space<smem>>
    %jit3A_1394 = arith.constant 0.000000e+00 : f32
    %broadcast_in_dim3A_1395 = vector.broadcast %get3A_1393 : f32 to vector<128x128xf32>
    %broadcast_in_dim3A_1396 = vector.broadcast %jit3A_1394 : f32 to vector<128x128xf32>
    %select_n3A_1397 = arith.select %eq3A_1390, %broadcast_in_dim3A_1395, %broadcast_in_dim3A_1396 : vector<128x128xi1>, vector<128x128xf32>
    %add3A_1398 = arith.addf %add3A_1382, %select_n3A_1397 : vector<128x128xf32>
    %eq3A_1399 = arith.constant 2 : i32
    %eq3A_1400 = vector.broadcast %eq3A_1399 : i32 to vector<128x128xi32>
    %eq3A_1401 = arith.cmpi eq, %get3A_1387, %eq3A_1400 : vector<128x128xi32>
    %get3A_1402 = arith.constant 2 : index
    %get3A_1403 = arith.constant 0 : index
    %get3A_1404 = memref.load %arg7[%get3A_1402, %get3A_1403] : memref<19x1xf32, #tpu.memory_space<smem>>
    %jit3A_1405 = arith.constant 0.000000e+00 : f32
    %broadcast_in_dim3A_1406 = vector.broadcast %get3A_1404 : f32 to vector<128x128xf32>
    %broadcast_in_dim3A_1407 = vector.broadcast %jit3A_1405 : f32 to vector<128x128xf32>
    %select_n3A_1408 = arith.select %eq3A_1401, %broadcast_in_dim3A_1406, %broadcast_in_dim3A_1407 : vector<128x128xi1>, vector<128x128xf32>
    %add3A_1409 = arith.addf %add3A_1398, %select_n3A_1408 : vector<128x128xf32>
    %eq3A_1410 = arith.constant 3 : i32
    %eq3A_1411 = vector.broadcast %eq3A_1410 : i32 to vector<128x128xi32>
    %eq3A_1412 = arith.cmpi eq, %get3A_1387, %eq3A_1411 : vector<128x128xi32>
    %get3A_1413 = arith.constant 3 : index
    %get3A_1414 = arith.constant 0 : index
    %get3A_1415 = memref.load %arg7[%get3A_1413, %get3A_1414] : memref<19x1xf32, #tpu.memory_space<smem>>
    %jit3A_1416 = arith.constant 0.000000e+00 : f32
    %broadcast_in_dim3A_1417 = vector.broadcast %get3A_1415 : f32 to vector<128x128xf32>
    %broadcast_in_dim3A_1418 = vector.broadcast %jit3A_1416 : f32 to vector<128x128xf32>
    %select_n3A_1419 = arith.select %eq3A_1412, %broadcast_in_dim3A_1417, %broadcast_in_dim3A_1418 : vector<128x128xi1>, vector<128x128xf32>
    %add3A_1420 = arith.addf %add3A_1409, %select_n3A_1419 : vector<128x128xf32>
    %eq3A_1421 = arith.constant 4 : i32
    %eq3A_1422 = vector.broadcast %eq3A_1421 : i32 to vector<128x128xi32>
    %eq3A_1423 = arith.cmpi eq, %get3A_1387, %eq3A_1422 : vector<128x128xi32>
    %get3A_1424 = arith.constant 4 : index
    %get3A_1425 = arith.constant 0 : index
    %get3A_1426 = memref.load %arg7[%get3A_1424, %get3A_1425] : memref<19x1xf32, #tpu.memory_space<smem>>
    %jit3A_1427 = arith.constant 0.000000e+00 : f32
    %broadcast_in_dim3A_1428 = vector.broadcast %get3A_1426 : f32 to vector<128x128xf32>
    %broadcast_in_dim3A_1429 = vector.broadcast %jit3A_1427 : f32 to vector<128x128xf32>
    %select_n3A_1430 = arith.select %eq3A_1423, %broadcast_in_dim3A_1428, %broadcast_in_dim3A_1429 : vector<128x128xi1>, vector<128x128xf32>
    %add3A_1431 = arith.addf %add3A_1420, %select_n3A_1430 : vector<128x128xf32>
    %eq3A_1432 = arith.constant 5 : i32
    %eq3A_1433 = vector.broadcast %eq3A_1432 : i32 to vector<128x128xi32>
    %eq3A_1434 = arith.cmpi eq, %get3A_1387, %eq3A_1433 : vector<128x128xi32>
    %get3A_1435 = arith.constant 5 : index
    %get3A_1436 = arith.constant 0 : index
    %get3A_1437 = memref.load %arg7[%get3A_1435, %get3A_1436] : memref<19x1xf32, #tpu.memory_space<smem>>
    %jit3A_1438 = arith.constant 0.000000e+00 : f32
    %broadcast_in_dim3A_1439 = vector.broadcast %get3A_1437 : f32 to vector<128x128xf32>
    %broadcast_in_dim3A_1440 = vector.broadcast %jit3A_1438 : f32 to vector<128x128xf32>
    %select_n3A_1441 = arith.select %eq3A_1434, %broadcast_in_dim3A_1439, %broadcast_in_dim3A_1440 : vector<128x128xi1>, vector<128x128xf32>
    %add3A_1442 = arith.addf %add3A_1431, %select_n3A_1441 : vector<128x128xf32>
    %eq3A_1443 = arith.constant 6 : i32
    %eq3A_1444 = vector.broadcast %eq3A_1443 : i32 to vector<128x128xi32>
    %eq3A_1445 = arith.cmpi eq, %get3A_1387, %eq3A_1444 : vector<128x128xi32>
    %get3A_1446 = arith.constant 6 : index
    %get3A_1447 = arith.constant 0 : index
    %get3A_1448 = memref.load %arg7[%get3A_1446, %get3A_1447] : memref<19x1xf32, #tpu.memory_space<smem>>
    %jit3A_1449 = arith.constant 0.000000e+00 : f32
    %broadcast_in_dim3A_1450 = vector.broadcast %get3A_1448 : f32 to vector<128x128xf32>
    %broadcast_in_dim3A_1451 = vector.broadcast %jit3A_1449 : f32 to vector<128x128xf32>
    %select_n3A_1452 = arith.select %eq3A_1445, %broadcast_in_dim3A_1450, %broadcast_in_dim3A_1451 : vector<128x128xi1>, vector<128x128xf32>
    %add3A_1453 = arith.addf %add3A_1442, %select_n3A_1452 : vector<128x128xf32>
    %eq3A_1454 = arith.constant 7 : i32
    %eq3A_1455 = vector.broadcast %eq3A_1454 : i32 to vector<128x128xi32>
    %eq3A_1456 = arith.cmpi eq, %get3A_1387, %eq3A_1455 : vector<128x128xi32>
    %get3A_1457 = arith.constant 7 : index
    %get3A_1458 = arith.constant 0 : index
    %get3A_1459 = memref.load %arg7[%get3A_1457, %get3A_1458] : memref<19x1xf32, #tpu.memory_space<smem>>
    %jit3A_1460 = arith.constant 0.000000e+00 : f32
    %broadcast_in_dim3A_1461 = vector.broadcast %get3A_1459 : f32 to vector<128x128xf32>
    %broadcast_in_dim3A_1462 = vector.broadcast %jit3A_1460 : f32 to vector<128x128xf32>
    %select_n3A_1463 = arith.select %eq3A_1456, %broadcast_in_dim3A_1461, %broadcast_in_dim3A_1462 : vector<128x128xi1>, vector<128x128xf32>
    %add3A_1464 = arith.addf %add3A_1453, %select_n3A_1463 : vector<128x128xf32>
    %eq3A_1465 = arith.constant 8 : i32
    %eq3A_1466 = vector.broadcast %eq3A_1465 : i32 to vector<128x128xi32>
    %eq3A_1467 = arith.cmpi eq, %get3A_1387, %eq3A_1466 : vector<128x128xi32>
    %get3A_1468 = arith.constant 8 : index
    %get3A_1469 = arith.constant 0 : index
    %get3A_1470 = memref.load %arg7[%get3A_1468, %get3A_1469] : memref<19x1xf32, #tpu.memory_space<smem>>
    %jit3A_1471 = arith.constant 0.000000e+00 : f32
    %broadcast_in_dim3A_1472 = vector.broadcast %get3A_1470 : f32 to vector<128x128xf32>
    %broadcast_in_dim3A_1473 = vector.broadcast %jit3A_1471 : f32 to vector<128x128xf32>
    %select_n3A_1474 = arith.select %eq3A_1467, %broadcast_in_dim3A_1472, %broadcast_in_dim3A_1473 : vector<128x128xi1>, vector<128x128xf32>
    %add3A_1475 = arith.addf %add3A_1464, %select_n3A_1474 : vector<128x128xf32>
    %eq3A_1476 = arith.constant 9 : i32
    %eq3A_1477 = vector.broadcast %eq3A_1476 : i32 to vector<128x128xi32>
    %eq3A_1478 = arith.cmpi eq, %get3A_1387, %eq3A_1477 : vector<128x128xi32>
    %get3A_1479 = arith.constant 9 : index
    %get3A_1480 = arith.constant 0 : index
    %get3A_1481 = memref.load %arg7[%get3A_1479, %get3A_1480] : memref<19x1xf32, #tpu.memory_space<smem>>
    %jit3A_1482 = arith.constant 0.000000e+00 : f32
    %broadcast_in_dim3A_1483 = vector.broadcast %get3A_1481 : f32 to vector<128x128xf32>
    %broadcast_in_dim3A_1484 = vector.broadcast %jit3A_1482 : f32 to vector<128x128xf32>
    %select_n3A_1485 = arith.select %eq3A_1478, %broadcast_in_dim3A_1483, %broadcast_in_dim3A_1484 : vector<128x128xi1>, vector<128x128xf32>
    %add3A_1486 = arith.addf %add3A_1475, %select_n3A_1485 : vector<128x128xf32>
    %eq3A_1487 = arith.constant 10 : i32
    %eq3A_1488 = vector.broadcast %eq3A_1487 : i32 to vector<128x128xi32>
    %eq3A_1489 = arith.cmpi eq, %get3A_1387, %eq3A_1488 : vector<128x128xi32>
    %get3A_1490 = arith.constant 10 : index
    %get3A_1491 = arith.constant 0 : index
    %get3A_1492 = memref.load %arg7[%get3A_1490, %get3A_1491] : memref<19x1xf32, #tpu.memory_space<smem>>
    %jit3A_1493 = arith.constant 0.000000e+00 : f32
    %broadcast_in_dim3A_1494 = vector.broadcast %get3A_1492 : f32 to vector<128x128xf32>
    %broadcast_in_dim3A_1495 = vector.broadcast %jit3A_1493 : f32 to vector<128x128xf32>
    %select_n3A_1496 = arith.select %eq3A_1489, %broadcast_in_dim3A_1494, %broadcast_in_dim3A_1495 : vector<128x128xi1>, vector<128x128xf32>
    %add3A_1497 = arith.addf %add3A_1486, %select_n3A_1496 : vector<128x128xf32>
    %eq3A_1498 = arith.constant 11 : i32
    %eq3A_1499 = vector.broadcast %eq3A_1498 : i32 to vector<128x128xi32>
    %eq3A_1500 = arith.cmpi eq, %get3A_1387, %eq3A_1499 : vector<128x128xi32>
    %get3A_1501 = arith.constant 11 : index
    %get3A_1502 = arith.constant 0 : index
    %get3A_1503 = memref.load %arg7[%get3A_1501, %get3A_1502] : memref<19x1xf32, #tpu.memory_space<smem>>
    %jit3A_1504 = arith.constant 0.000000e+00 : f32
    %broadcast_in_dim3A_1505 = vector.broadcast %get3A_1503 : f32 to vector<128x128xf32>
    %broadcast_in_dim3A_1506 = vector.broadcast %jit3A_1504 : f32 to vector<128x128xf32>
    %select_n3A_1507 = arith.select %eq3A_1500, %broadcast_in_dim3A_1505, %broadcast_in_dim3A_1506 : vector<128x128xi1>, vector<128x128xf32>
    %add3A_1508 = arith.addf %add3A_1497, %select_n3A_1507 : vector<128x128xf32>
    %eq3A_1509 = arith.constant 12 : i32
    %eq3A_1510 = vector.broadcast %eq3A_1509 : i32 to vector<128x128xi32>
    %eq3A_1511 = arith.cmpi eq, %get3A_1387, %eq3A_1510 : vector<128x128xi32>
    %get3A_1512 = arith.constant 12 : index
    %get3A_1513 = arith.constant 0 : index
    %get3A_1514 = memref.load %arg7[%get3A_1512, %get3A_1513] : memref<19x1xf32, #tpu.memory_space<smem>>
    %jit3A_1515 = arith.constant 0.000000e+00 : f32
    %broadcast_in_dim3A_1516 = vector.broadcast %get3A_1514 : f32 to vector<128x128xf32>
    %broadcast_in_dim3A_1517 = vector.broadcast %jit3A_1515 : f32 to vector<128x128xf32>
    %select_n3A_1518 = arith.select %eq3A_1511, %broadcast_in_dim3A_1516, %broadcast_in_dim3A_1517 : vector<128x128xi1>, vector<128x128xf32>
    %add3A_1519 = arith.addf %add3A_1508, %select_n3A_1518 : vector<128x128xf32>
    %eq3A_1520 = arith.constant 13 : i32
    %eq3A_1521 = vector.broadcast %eq3A_1520 : i32 to vector<128x128xi32>
    %eq3A_1522 = arith.cmpi eq, %get3A_1387, %eq3A_1521 : vector<128x128xi32>
    %get3A_1523 = arith.constant 13 : index
    %get3A_1524 = arith.constant 0 : index
    %get3A_1525 = memref.load %arg7[%get3A_1523, %get3A_1524] : memref<19x1xf32, #tpu.memory_space<smem>>
    %jit3A_1526 = arith.constant 0.000000e+00 : f32
    %broadcast_in_dim3A_1527 = vector.broadcast %get3A_1525 : f32 to vector<128x128xf32>
    %broadcast_in_dim3A_1528 = vector.broadcast %jit3A_1526 : f32 to vector<128x128xf32>
    %select_n3A_1529 = arith.select %eq3A_1522, %broadcast_in_dim3A_1527, %broadcast_in_dim3A_1528 : vector<128x128xi1>, vector<128x128xf32>
    %add3A_1530 = arith.addf %add3A_1519, %select_n3A_1529 : vector<128x128xf32>
    %eq3A_1531 = arith.constant 14 : i32
    %eq3A_1532 = vector.broadcast %eq3A_1531 : i32 to vector<128x128xi32>
    %eq3A_1533 = arith.cmpi eq, %get3A_1387, %eq3A_1532 : vector<128x128xi32>
    %get3A_1534 = arith.constant 14 : index
    %get3A_1535 = arith.constant 0 : index
    %get3A_1536 = memref.load %arg7[%get3A_1534, %get3A_1535] : memref<19x1xf32, #tpu.memory_space<smem>>
    %jit3A_1537 = arith.constant 0.000000e+00 : f32
    %broadcast_in_dim3A_1538 = vector.broadcast %get3A_1536 : f32 to vector<128x128xf32>
    %broadcast_in_dim3A_1539 = vector.broadcast %jit3A_1537 : f32 to vector<128x128xf32>
    %select_n3A_1540 = arith.select %eq3A_1533, %broadcast_in_dim3A_1538, %broadcast_in_dim3A_1539 : vector<128x128xi1>, vector<128x128xf32>
    %add3A_1541 = arith.addf %add3A_1530, %select_n3A_1540 : vector<128x128xf32>
    %eq3A_1542 = arith.constant 15 : i32
    %eq3A_1543 = vector.broadcast %eq3A_1542 : i32 to vector<128x128xi32>
    %eq3A_1544 = arith.cmpi eq, %get3A_1387, %eq3A_1543 : vector<128x128xi32>
    %get3A_1545 = arith.constant 15 : index
    %get3A_1546 = arith.constant 0 : index
    %get3A_1547 = memref.load %arg7[%get3A_1545, %get3A_1546] : memref<19x1xf32, #tpu.memory_space<smem>>
    %jit3A_1548 = arith.constant 0.000000e+00 : f32
    %broadcast_in_dim3A_1549 = vector.broadcast %get3A_1547 : f32 to vector<128x128xf32>
    %broadcast_in_dim3A_1550 = vector.broadcast %jit3A_1548 : f32 to vector<128x128xf32>
    %select_n3A_1551 = arith.select %eq3A_1544, %broadcast_in_dim3A_1549, %broadcast_in_dim3A_1550 : vector<128x128xi1>, vector<128x128xf32>
    %add3A_1552 = arith.addf %add3A_1541, %select_n3A_1551 : vector<128x128xf32>
    %eq3A_1553 = arith.constant 16 : i32
    %eq3A_1554 = vector.broadcast %eq3A_1553 : i32 to vector<128x128xi32>
    %eq3A_1555 = arith.cmpi eq, %get3A_1387, %eq3A_1554 : vector<128x128xi32>
    %get3A_1556 = arith.constant 16 : index
    %get3A_1557 = arith.constant 0 : index
    %get3A_1558 = memref.load %arg7[%get3A_1556, %get3A_1557] : memref<19x1xf32, #tpu.memory_space<smem>>
    %jit3A_1559 = arith.constant 0.000000e+00 : f32
    %broadcast_in_dim3A_1560 = vector.broadcast %get3A_1558 : f32 to vector<128x128xf32>
    %broadcast_in_dim3A_1561 = vector.broadcast %jit3A_1559 : f32 to vector<128x128xf32>
    %select_n3A_1562 = arith.select %eq3A_1555, %broadcast_in_dim3A_1560, %broadcast_in_dim3A_1561 : vector<128x128xi1>, vector<128x128xf32>
    %add3A_1563 = arith.addf %add3A_1552, %select_n3A_1562 : vector<128x128xf32>
    %eq3A_1564 = arith.constant 17 : i32
    %eq3A_1565 = vector.broadcast %eq3A_1564 : i32 to vector<128x128xi32>
    %eq3A_1566 = arith.cmpi eq, %get3A_1387, %eq3A_1565 : vector<128x128xi32>
    %get3A_1567 = arith.constant 17 : index
    %get3A_1568 = arith.constant 0 : index
    %get3A_1569 = memref.load %arg7[%get3A_1567, %get3A_1568] : memref<19x1xf32, #tpu.memory_space<smem>>
    %jit3A_1570 = arith.constant 0.000000e+00 : f32
    %broadcast_in_dim3A_1571 = vector.broadcast %get3A_1569 : f32 to vector<128x128xf32>
    %broadcast_in_dim3A_1572 = vector.broadcast %jit3A_1570 : f32 to vector<128x128xf32>
    %select_n3A_1573 = arith.select %eq3A_1566, %broadcast_in_dim3A_1571, %broadcast_in_dim3A_1572 : vector<128x128xi1>, vector<128x128xf32>
    %add3A_1574 = arith.addf %add3A_1563, %select_n3A_1573 : vector<128x128xf32>
    %eq3A_1575 = arith.constant 18 : i32
    %eq3A_1576 = vector.broadcast %eq3A_1575 : i32 to vector<128x128xi32>
    %eq3A_1577 = arith.cmpi eq, %get3A_1387, %eq3A_1576 : vector<128x128xi32>
    %get3A_1578 = arith.constant 18 : index
    %get3A_1579 = arith.constant 0 : index
    %get3A_1580 = memref.load %arg7[%get3A_1578, %get3A_1579] : memref<19x1xf32, #tpu.memory_space<smem>>
    %jit3A_1581 = arith.constant 0.000000e+00 : f32
    %broadcast_in_dim3A_1582 = vector.broadcast %get3A_1580 : f32 to vector<128x128xf32>
    %broadcast_in_dim3A_1583 = vector.broadcast %jit3A_1581 : f32 to vector<128x128xf32>
    %select_n3A_1584 = arith.select %eq3A_1577, %broadcast_in_dim3A_1582, %broadcast_in_dim3A_1583 : vector<128x128xi1>, vector<128x128xf32>
    %add3A_1585 = arith.addf %add3A_1574, %select_n3A_1584 : vector<128x128xf32>
    %get3A_1586 = arith.constant 6 : index
    %get3A_1587 = arith.constant 0 : index
    %get3A_1588 = arith.constant 0 : index
    %get3A_1589 = vector.load %arg3[%get3A_1586, %get3A_1587, %get3A_1588] : memref<20x128x128xi32, #tpu.memory_space<vmem>>, vector<1x128x128xi32>
    %get3A_1590 = vector.shape_cast %get3A_1589 : vector<1x128x128xi32> to vector<128x128xi32>
    %eq3A_1591 = arith.constant 1 : i32
    %eq3A_1592 = vector.broadcast %eq3A_1591 : i32 to vector<128x128xi32>
    %eq3A_1593 = arith.cmpi eq, %get3A_1590, %eq3A_1592 : vector<128x128xi32>
    %get3A_1594 = arith.constant 1 : index
    %get3A_1595 = arith.constant 0 : index
    %get3A_1596 = memref.load %arg7[%get3A_1594, %get3A_1595] : memref<19x1xf32, #tpu.memory_space<smem>>
    %jit3A_1597 = arith.constant 0.000000e+00 : f32
    %broadcast_in_dim3A_1598 = vector.broadcast %get3A_1596 : f32 to vector<128x128xf32>
    %broadcast_in_dim3A_1599 = vector.broadcast %jit3A_1597 : f32 to vector<128x128xf32>
    %select_n3A_1600 = arith.select %eq3A_1593, %broadcast_in_dim3A_1598, %broadcast_in_dim3A_1599 : vector<128x128xi1>, vector<128x128xf32>
    %add3A_1601 = arith.addf %add3A_1585, %select_n3A_1600 : vector<128x128xf32>
    %eq3A_1602 = arith.constant 2 : i32
    %eq3A_1603 = vector.broadcast %eq3A_1602 : i32 to vector<128x128xi32>
    %eq3A_1604 = arith.cmpi eq, %get3A_1590, %eq3A_1603 : vector<128x128xi32>
    %get3A_1605 = arith.constant 2 : index
    %get3A_1606 = arith.constant 0 : index
    %get3A_1607 = memref.load %arg7[%get3A_1605, %get3A_1606] : memref<19x1xf32, #tpu.memory_space<smem>>
    %jit3A_1608 = arith.constant 0.000000e+00 : f32
    %broadcast_in_dim3A_1609 = vector.broadcast %get3A_1607 : f32 to vector<128x128xf32>
    %broadcast_in_dim3A_1610 = vector.broadcast %jit3A_1608 : f32 to vector<128x128xf32>
    %select_n3A_1611 = arith.select %eq3A_1604, %broadcast_in_dim3A_1609, %broadcast_in_dim3A_1610 : vector<128x128xi1>, vector<128x128xf32>
    %add3A_1612 = arith.addf %add3A_1601, %select_n3A_1611 : vector<128x128xf32>
    %eq3A_1613 = arith.constant 3 : i32
    %eq3A_1614 = vector.broadcast %eq3A_1613 : i32 to vector<128x128xi32>
    %eq3A_1615 = arith.cmpi eq, %get3A_1590, %eq3A_1614 : vector<128x128xi32>
    %get3A_1616 = arith.constant 3 : index
    %get3A_1617 = arith.constant 0 : index
    %get3A_1618 = memref.load %arg7[%get3A_1616, %get3A_1617] : memref<19x1xf32, #tpu.memory_space<smem>>
    %jit3A_1619 = arith.constant 0.000000e+00 : f32
    %broadcast_in_dim3A_1620 = vector.broadcast %get3A_1618 : f32 to vector<128x128xf32>
    %broadcast_in_dim3A_1621 = vector.broadcast %jit3A_1619 : f32 to vector<128x128xf32>
    %select_n3A_1622 = arith.select %eq3A_1615, %broadcast_in_dim3A_1620, %broadcast_in_dim3A_1621 : vector<128x128xi1>, vector<128x128xf32>
    %add3A_1623 = arith.addf %add3A_1612, %select_n3A_1622 : vector<128x128xf32>
    %eq3A_1624 = arith.constant 4 : i32
    %eq3A_1625 = vector.broadcast %eq3A_1624 : i32 to vector<128x128xi32>
    %eq3A_1626 = arith.cmpi eq, %get3A_1590, %eq3A_1625 : vector<128x128xi32>
    %get3A_1627 = arith.constant 4 : index
    %get3A_1628 = arith.constant 0 : index
    %get3A_1629 = memref.load %arg7[%get3A_1627, %get3A_1628] : memref<19x1xf32, #tpu.memory_space<smem>>
    %jit3A_1630 = arith.constant 0.000000e+00 : f32
    %broadcast_in_dim3A_1631 = vector.broadcast %get3A_1629 : f32 to vector<128x128xf32>
    %broadcast_in_dim3A_1632 = vector.broadcast %jit3A_1630 : f32 to vector<128x128xf32>
    %select_n3A_1633 = arith.select %eq3A_1626, %broadcast_in_dim3A_1631, %broadcast_in_dim3A_1632 : vector<128x128xi1>, vector<128x128xf32>
    %add3A_1634 = arith.addf %add3A_1623, %select_n3A_1633 : vector<128x128xf32>
    %eq3A_1635 = arith.constant 5 : i32
    %eq3A_1636 = vector.broadcast %eq3A_1635 : i32 to vector<128x128xi32>
    %eq3A_1637 = arith.cmpi eq, %get3A_1590, %eq3A_1636 : vector<128x128xi32>
    %get3A_1638 = arith.constant 5 : index
    %get3A_1639 = arith.constant 0 : index
    %get3A_1640 = memref.load %arg7[%get3A_1638, %get3A_1639] : memref<19x1xf32, #tpu.memory_space<smem>>
    %jit3A_1641 = arith.constant 0.000000e+00 : f32
    %broadcast_in_dim3A_1642 = vector.broadcast %get3A_1640 : f32 to vector<128x128xf32>
    %broadcast_in_dim3A_1643 = vector.broadcast %jit3A_1641 : f32 to vector<128x128xf32>
    %select_n3A_1644 = arith.select %eq3A_1637, %broadcast_in_dim3A_1642, %broadcast_in_dim3A_1643 : vector<128x128xi1>, vector<128x128xf32>
    %add3A_1645 = arith.addf %add3A_1634, %select_n3A_1644 : vector<128x128xf32>
    %eq3A_1646 = arith.constant 6 : i32
    %eq3A_1647 = vector.broadcast %eq3A_1646 : i32 to vector<128x128xi32>
    %eq3A_1648 = arith.cmpi eq, %get3A_1590, %eq3A_1647 : vector<128x128xi32>
    %get3A_1649 = arith.constant 6 : index
    %get3A_1650 = arith.constant 0 : index
    %get3A_1651 = memref.load %arg7[%get3A_1649, %get3A_1650] : memref<19x1xf32, #tpu.memory_space<smem>>
    %jit3A_1652 = arith.constant 0.000000e+00 : f32
    %broadcast_in_dim3A_1653 = vector.broadcast %get3A_1651 : f32 to vector<128x128xf32>
    %broadcast_in_dim3A_1654 = vector.broadcast %jit3A_1652 : f32 to vector<128x128xf32>
    %select_n3A_1655 = arith.select %eq3A_1648, %broadcast_in_dim3A_1653, %broadcast_in_dim3A_1654 : vector<128x128xi1>, vector<128x128xf32>
    %add3A_1656 = arith.addf %add3A_1645, %select_n3A_1655 : vector<128x128xf32>
    %eq3A_1657 = arith.constant 7 : i32
    %eq3A_1658 = vector.broadcast %eq3A_1657 : i32 to vector<128x128xi32>
    %eq3A_1659 = arith.cmpi eq, %get3A_1590, %eq3A_1658 : vector<128x128xi32>
    %get3A_1660 = arith.constant 7 : index
    %get3A_1661 = arith.constant 0 : index
    %get3A_1662 = memref.load %arg7[%get3A_1660, %get3A_1661] : memref<19x1xf32, #tpu.memory_space<smem>>
    %jit3A_1663 = arith.constant 0.000000e+00 : f32
    %broadcast_in_dim3A_1664 = vector.broadcast %get3A_1662 : f32 to vector<128x128xf32>
    %broadcast_in_dim3A_1665 = vector.broadcast %jit3A_1663 : f32 to vector<128x128xf32>
    %select_n3A_1666 = arith.select %eq3A_1659, %broadcast_in_dim3A_1664, %broadcast_in_dim3A_1665 : vector<128x128xi1>, vector<128x128xf32>
    %add3A_1667 = arith.addf %add3A_1656, %select_n3A_1666 : vector<128x128xf32>
    %eq3A_1668 = arith.constant 8 : i32
    %eq3A_1669 = vector.broadcast %eq3A_1668 : i32 to vector<128x128xi32>
    %eq3A_1670 = arith.cmpi eq, %get3A_1590, %eq3A_1669 : vector<128x128xi32>
    %get3A_1671 = arith.constant 8 : index
    %get3A_1672 = arith.constant 0 : index
    %get3A_1673 = memref.load %arg7[%get3A_1671, %get3A_1672] : memref<19x1xf32, #tpu.memory_space<smem>>
    %jit3A_1674 = arith.constant 0.000000e+00 : f32
    %broadcast_in_dim3A_1675 = vector.broadcast %get3A_1673 : f32 to vector<128x128xf32>
    %broadcast_in_dim3A_1676 = vector.broadcast %jit3A_1674 : f32 to vector<128x128xf32>
    %select_n3A_1677 = arith.select %eq3A_1670, %broadcast_in_dim3A_1675, %broadcast_in_dim3A_1676 : vector<128x128xi1>, vector<128x128xf32>
    %add3A_1678 = arith.addf %add3A_1667, %select_n3A_1677 : vector<128x128xf32>
    %eq3A_1679 = arith.constant 9 : i32
    %eq3A_1680 = vector.broadcast %eq3A_1679 : i32 to vector<128x128xi32>
    %eq3A_1681 = arith.cmpi eq, %get3A_1590, %eq3A_1680 : vector<128x128xi32>
    %get3A_1682 = arith.constant 9 : index
    %get3A_1683 = arith.constant 0 : index
    %get3A_1684 = memref.load %arg7[%get3A_1682, %get3A_1683] : memref<19x1xf32, #tpu.memory_space<smem>>
    %jit3A_1685 = arith.constant 0.000000e+00 : f32
    %broadcast_in_dim3A_1686 = vector.broadcast %get3A_1684 : f32 to vector<128x128xf32>
    %broadcast_in_dim3A_1687 = vector.broadcast %jit3A_1685 : f32 to vector<128x128xf32>
    %select_n3A_1688 = arith.select %eq3A_1681, %broadcast_in_dim3A_1686, %broadcast_in_dim3A_1687 : vector<128x128xi1>, vector<128x128xf32>
    %add3A_1689 = arith.addf %add3A_1678, %select_n3A_1688 : vector<128x128xf32>
    %eq3A_1690 = arith.constant 10 : i32
    %eq3A_1691 = vector.broadcast %eq3A_1690 : i32 to vector<128x128xi32>
    %eq3A_1692 = arith.cmpi eq, %get3A_1590, %eq3A_1691 : vector<128x128xi32>
    %get3A_1693 = arith.constant 10 : index
    %get3A_1694 = arith.constant 0 : index
    %get3A_1695 = memref.load %arg7[%get3A_1693, %get3A_1694] : memref<19x1xf32, #tpu.memory_space<smem>>
    %jit3A_1696 = arith.constant 0.000000e+00 : f32
    %broadcast_in_dim3A_1697 = vector.broadcast %get3A_1695 : f32 to vector<128x128xf32>
    %broadcast_in_dim3A_1698 = vector.broadcast %jit3A_1696 : f32 to vector<128x128xf32>
    %select_n3A_1699 = arith.select %eq3A_1692, %broadcast_in_dim3A_1697, %broadcast_in_dim3A_1698 : vector<128x128xi1>, vector<128x128xf32>
    %add3A_1700 = arith.addf %add3A_1689, %select_n3A_1699 : vector<128x128xf32>
    %eq3A_1701 = arith.constant 11 : i32
    %eq3A_1702 = vector.broadcast %eq3A_1701 : i32 to vector<128x128xi32>
    %eq3A_1703 = arith.cmpi eq, %get3A_1590, %eq3A_1702 : vector<128x128xi32>
    %get3A_1704 = arith.constant 11 : index
    %get3A_1705 = arith.constant 0 : index
    %get3A_1706 = memref.load %arg7[%get3A_1704, %get3A_1705] : memref<19x1xf32, #tpu.memory_space<smem>>
    %jit3A_1707 = arith.constant 0.000000e+00 : f32
    %broadcast_in_dim3A_1708 = vector.broadcast %get3A_1706 : f32 to vector<128x128xf32>
    %broadcast_in_dim3A_1709 = vector.broadcast %jit3A_1707 : f32 to vector<128x128xf32>
    %select_n3A_1710 = arith.select %eq3A_1703, %broadcast_in_dim3A_1708, %broadcast_in_dim3A_1709 : vector<128x128xi1>, vector<128x128xf32>
    %add3A_1711 = arith.addf %add3A_1700, %select_n3A_1710 : vector<128x128xf32>
    %eq3A_1712 = arith.constant 12 : i32
    %eq3A_1713 = vector.broadcast %eq3A_1712 : i32 to vector<128x128xi32>
    %eq3A_1714 = arith.cmpi eq, %get3A_1590, %eq3A_1713 : vector<128x128xi32>
    %get3A_1715 = arith.constant 12 : index
    %get3A_1716 = arith.constant 0 : index
    %get3A_1717 = memref.load %arg7[%get3A_1715, %get3A_1716] : memref<19x1xf32, #tpu.memory_space<smem>>
    %jit3A_1718 = arith.constant 0.000000e+00 : f32
    %broadcast_in_dim3A_1719 = vector.broadcast %get3A_1717 : f32 to vector<128x128xf32>
    %broadcast_in_dim3A_1720 = vector.broadcast %jit3A_1718 : f32 to vector<128x128xf32>
    %select_n3A_1721 = arith.select %eq3A_1714, %broadcast_in_dim3A_1719, %broadcast_in_dim3A_1720 : vector<128x128xi1>, vector<128x128xf32>
    %add3A_1722 = arith.addf %add3A_1711, %select_n3A_1721 : vector<128x128xf32>
    %eq3A_1723 = arith.constant 13 : i32
    %eq3A_1724 = vector.broadcast %eq3A_1723 : i32 to vector<128x128xi32>
    %eq3A_1725 = arith.cmpi eq, %get3A_1590, %eq3A_1724 : vector<128x128xi32>
    %get3A_1726 = arith.constant 13 : index
    %get3A_1727 = arith.constant 0 : index
    %get3A_1728 = memref.load %arg7[%get3A_1726, %get3A_1727] : memref<19x1xf32, #tpu.memory_space<smem>>
    %jit3A_1729 = arith.constant 0.000000e+00 : f32
    %broadcast_in_dim3A_1730 = vector.broadcast %get3A_1728 : f32 to vector<128x128xf32>
    %broadcast_in_dim3A_1731 = vector.broadcast %jit3A_1729 : f32 to vector<128x128xf32>
    %select_n3A_1732 = arith.select %eq3A_1725, %broadcast_in_dim3A_1730, %broadcast_in_dim3A_1731 : vector<128x128xi1>, vector<128x128xf32>
    %add3A_1733 = arith.addf %add3A_1722, %select_n3A_1732 : vector<128x128xf32>
    %eq3A_1734 = arith.constant 14 : i32
    %eq3A_1735 = vector.broadcast %eq3A_1734 : i32 to vector<128x128xi32>
    %eq3A_1736 = arith.cmpi eq, %get3A_1590, %eq3A_1735 : vector<128x128xi32>
    %get3A_1737 = arith.constant 14 : index
    %get3A_1738 = arith.constant 0 : index
    %get3A_1739 = memref.load %arg7[%get3A_1737, %get3A_1738] : memref<19x1xf32, #tpu.memory_space<smem>>
    %jit3A_1740 = arith.constant 0.000000e+00 : f32
    %broadcast_in_dim3A_1741 = vector.broadcast %get3A_1739 : f32 to vector<128x128xf32>
    %broadcast_in_dim3A_1742 = vector.broadcast %jit3A_1740 : f32 to vector<128x128xf32>
    %select_n3A_1743 = arith.select %eq3A_1736, %broadcast_in_dim3A_1741, %broadcast_in_dim3A_1742 : vector<128x128xi1>, vector<128x128xf32>
    %add3A_1744 = arith.addf %add3A_1733, %select_n3A_1743 : vector<128x128xf32>
    %eq3A_1745 = arith.constant 15 : i32
    %eq3A_1746 = vector.broadcast %eq3A_1745 : i32 to vector<128x128xi32>
    %eq3A_1747 = arith.cmpi eq, %get3A_1590, %eq3A_1746 : vector<128x128xi32>
    %get3A_1748 = arith.constant 15 : index
    %get3A_1749 = arith.constant 0 : index
    %get3A_1750 = memref.load %arg7[%get3A_1748, %get3A_1749] : memref<19x1xf32, #tpu.memory_space<smem>>
    %jit3A_1751 = arith.constant 0.000000e+00 : f32
    %broadcast_in_dim3A_1752 = vector.broadcast %get3A_1750 : f32 to vector<128x128xf32>
    %broadcast_in_dim3A_1753 = vector.broadcast %jit3A_1751 : f32 to vector<128x128xf32>
    %select_n3A_1754 = arith.select %eq3A_1747, %broadcast_in_dim3A_1752, %broadcast_in_dim3A_1753 : vector<128x128xi1>, vector<128x128xf32>
    %add3A_1755 = arith.addf %add3A_1744, %select_n3A_1754 : vector<128x128xf32>
    %eq3A_1756 = arith.constant 16 : i32
    %eq3A_1757 = vector.broadcast %eq3A_1756 : i32 to vector<128x128xi32>
    %eq3A_1758 = arith.cmpi eq, %get3A_1590, %eq3A_1757 : vector<128x128xi32>
    %get3A_1759 = arith.constant 16 : index
    %get3A_1760 = arith.constant 0 : index
    %get3A_1761 = memref.load %arg7[%get3A_1759, %get3A_1760] : memref<19x1xf32, #tpu.memory_space<smem>>
    %jit3A_1762 = arith.constant 0.000000e+00 : f32
    %broadcast_in_dim3A_1763 = vector.broadcast %get3A_1761 : f32 to vector<128x128xf32>
    %broadcast_in_dim3A_1764 = vector.broadcast %jit3A_1762 : f32 to vector<128x128xf32>
    %select_n3A_1765 = arith.select %eq3A_1758, %broadcast_in_dim3A_1763, %broadcast_in_dim3A_1764 : vector<128x128xi1>, vector<128x128xf32>
    %add3A_1766 = arith.addf %add3A_1755, %select_n3A_1765 : vector<128x128xf32>
    %eq3A_1767 = arith.constant 17 : i32
    %eq3A_1768 = vector.broadcast %eq3A_1767 : i32 to vector<128x128xi32>
    %eq3A_1769 = arith.cmpi eq, %get3A_1590, %eq3A_1768 : vector<128x128xi32>
    %get3A_1770 = arith.constant 17 : index
    %get3A_1771 = arith.constant 0 : index
    %get3A_1772 = memref.load %arg7[%get3A_1770, %get3A_1771] : memref<19x1xf32, #tpu.memory_space<smem>>
    %jit3A_1773 = arith.constant 0.000000e+00 : f32
    %broadcast_in_dim3A_1774 = vector.broadcast %get3A_1772 : f32 to vector<128x128xf32>
    %broadcast_in_dim3A_1775 = vector.broadcast %jit3A_1773 : f32 to vector<128x128xf32>
    %select_n3A_1776 = arith.select %eq3A_1769, %broadcast_in_dim3A_1774, %broadcast_in_dim3A_1775 : vector<128x128xi1>, vector<128x128xf32>
    %add3A_1777 = arith.addf %add3A_1766, %select_n3A_1776 : vector<128x128xf32>
    %eq3A_1778 = arith.constant 18 : i32
    %eq3A_1779 = vector.broadcast %eq3A_1778 : i32 to vector<128x128xi32>
    %eq3A_1780 = arith.cmpi eq, %get3A_1590, %eq3A_1779 : vector<128x128xi32>
    %get3A_1781 = arith.constant 18 : index
    %get3A_1782 = arith.constant 0 : index
    %get3A_1783 = memref.load %arg7[%get3A_1781, %get3A_1782] : memref<19x1xf32, #tpu.memory_space<smem>>
    %jit3A_1784 = arith.constant 0.000000e+00 : f32
    %broadcast_in_dim3A_1785 = vector.broadcast %get3A_1783 : f32 to vector<128x128xf32>
    %broadcast_in_dim3A_1786 = vector.broadcast %jit3A_1784 : f32 to vector<128x128xf32>
    %select_n3A_1787 = arith.select %eq3A_1780, %broadcast_in_dim3A_1785, %broadcast_in_dim3A_1786 : vector<128x128xi1>, vector<128x128xf32>
    %add3A_1788 = arith.addf %add3A_1777, %select_n3A_1787 : vector<128x128xf32>
    %get3A_1789 = arith.constant 7 : index
    %get3A_1790 = arith.constant 0 : index
    %get3A_1791 = arith.constant 0 : index
    %get3A_1792 = vector.load %arg3[%get3A_1789, %get3A_1790, %get3A_1791] : memref<20x128x128xi32, #tpu.memory_space<vmem>>, vector<1x128x128xi32>
    %get3A_1793 = vector.shape_cast %get3A_1792 : vector<1x128x128xi32> to vector<128x128xi32>
    %eq3A_1794 = arith.constant 1 : i32
    %eq3A_1795 = vector.broadcast %eq3A_1794 : i32 to vector<128x128xi32>
    %eq3A_1796 = arith.cmpi eq, %get3A_1793, %eq3A_1795 : vector<128x128xi32>
    %get3A_1797 = arith.constant 1 : index
    %get3A_1798 = arith.constant 0 : index
    %get3A_1799 = memref.load %arg7[%get3A_1797, %get3A_1798] : memref<19x1xf32, #tpu.memory_space<smem>>
    %jit3A_1800 = arith.constant 0.000000e+00 : f32
    %broadcast_in_dim3A_1801 = vector.broadcast %get3A_1799 : f32 to vector<128x128xf32>
    %broadcast_in_dim3A_1802 = vector.broadcast %jit3A_1800 : f32 to vector<128x128xf32>
    %select_n3A_1803 = arith.select %eq3A_1796, %broadcast_in_dim3A_1801, %broadcast_in_dim3A_1802 : vector<128x128xi1>, vector<128x128xf32>
    %add3A_1804 = arith.addf %add3A_1788, %select_n3A_1803 : vector<128x128xf32>
    %eq3A_1805 = arith.constant 2 : i32
    %eq3A_1806 = vector.broadcast %eq3A_1805 : i32 to vector<128x128xi32>
    %eq3A_1807 = arith.cmpi eq, %get3A_1793, %eq3A_1806 : vector<128x128xi32>
    %get3A_1808 = arith.constant 2 : index
    %get3A_1809 = arith.constant 0 : index
    %get3A_1810 = memref.load %arg7[%get3A_1808, %get3A_1809] : memref<19x1xf32, #tpu.memory_space<smem>>
    %jit3A_1811 = arith.constant 0.000000e+00 : f32
    %broadcast_in_dim3A_1812 = vector.broadcast %get3A_1810 : f32 to vector<128x128xf32>
    %broadcast_in_dim3A_1813 = vector.broadcast %jit3A_1811 : f32 to vector<128x128xf32>
    %select_n3A_1814 = arith.select %eq3A_1807, %broadcast_in_dim3A_1812, %broadcast_in_dim3A_1813 : vector<128x128xi1>, vector<128x128xf32>
    %add3A_1815 = arith.addf %add3A_1804, %select_n3A_1814 : vector<128x128xf32>
    %eq3A_1816 = arith.constant 3 : i32
    %eq3A_1817 = vector.broadcast %eq3A_1816 : i32 to vector<128x128xi32>
    %eq3A_1818 = arith.cmpi eq, %get3A_1793, %eq3A_1817 : vector<128x128xi32>
    %get3A_1819 = arith.constant 3 : index
    %get3A_1820 = arith.constant 0 : index
    %get3A_1821 = memref.load %arg7[%get3A_1819, %get3A_1820] : memref<19x1xf32, #tpu.memory_space<smem>>
    %jit3A_1822 = arith.constant 0.000000e+00 : f32
    %broadcast_in_dim3A_1823 = vector.broadcast %get3A_1821 : f32 to vector<128x128xf32>
    %broadcast_in_dim3A_1824 = vector.broadcast %jit3A_1822 : f32 to vector<128x128xf32>
    %select_n3A_1825 = arith.select %eq3A_1818, %broadcast_in_dim3A_1823, %broadcast_in_dim3A_1824 : vector<128x128xi1>, vector<128x128xf32>
    %add3A_1826 = arith.addf %add3A_1815, %select_n3A_1825 : vector<128x128xf32>
    %eq3A_1827 = arith.constant 4 : i32
    %eq3A_1828 = vector.broadcast %eq3A_1827 : i32 to vector<128x128xi32>
    %eq3A_1829 = arith.cmpi eq, %get3A_1793, %eq3A_1828 : vector<128x128xi32>
    %get3A_1830 = arith.constant 4 : index
    %get3A_1831 = arith.constant 0 : index
    %get3A_1832 = memref.load %arg7[%get3A_1830, %get3A_1831] : memref<19x1xf32, #tpu.memory_space<smem>>
    %jit3A_1833 = arith.constant 0.000000e+00 : f32
    %broadcast_in_dim3A_1834 = vector.broadcast %get3A_1832 : f32 to vector<128x128xf32>
    %broadcast_in_dim3A_1835 = vector.broadcast %jit3A_1833 : f32 to vector<128x128xf32>
    %select_n3A_1836 = arith.select %eq3A_1829, %broadcast_in_dim3A_1834, %broadcast_in_dim3A_1835 : vector<128x128xi1>, vector<128x128xf32>
    %add3A_1837 = arith.addf %add3A_1826, %select_n3A_1836 : vector<128x128xf32>
    %eq3A_1838 = arith.constant 5 : i32
    %eq3A_1839 = vector.broadcast %eq3A_1838 : i32 to vector<128x128xi32>
    %eq3A_1840 = arith.cmpi eq, %get3A_1793, %eq3A_1839 : vector<128x128xi32>
    %get3A_1841 = arith.constant 5 : index
    %get3A_1842 = arith.constant 0 : index
    %get3A_1843 = memref.load %arg7[%get3A_1841, %get3A_1842] : memref<19x1xf32, #tpu.memory_space<smem>>
    %jit3A_1844 = arith.constant 0.000000e+00 : f32
    %broadcast_in_dim3A_1845 = vector.broadcast %get3A_1843 : f32 to vector<128x128xf32>
    %broadcast_in_dim3A_1846 = vector.broadcast %jit3A_1844 : f32 to vector<128x128xf32>
    %select_n3A_1847 = arith.select %eq3A_1840, %broadcast_in_dim3A_1845, %broadcast_in_dim3A_1846 : vector<128x128xi1>, vector<128x128xf32>
    %add3A_1848 = arith.addf %add3A_1837, %select_n3A_1847 : vector<128x128xf32>
    %eq3A_1849 = arith.constant 6 : i32
    %eq3A_1850 = vector.broadcast %eq3A_1849 : i32 to vector<128x128xi32>
    %eq3A_1851 = arith.cmpi eq, %get3A_1793, %eq3A_1850 : vector<128x128xi32>
    %get3A_1852 = arith.constant 6 : index
    %get3A_1853 = arith.constant 0 : index
    %get3A_1854 = memref.load %arg7[%get3A_1852, %get3A_1853] : memref<19x1xf32, #tpu.memory_space<smem>>
    %jit3A_1855 = arith.constant 0.000000e+00 : f32
    %broadcast_in_dim3A_1856 = vector.broadcast %get3A_1854 : f32 to vector<128x128xf32>
    %broadcast_in_dim3A_1857 = vector.broadcast %jit3A_1855 : f32 to vector<128x128xf32>
    %select_n3A_1858 = arith.select %eq3A_1851, %broadcast_in_dim3A_1856, %broadcast_in_dim3A_1857 : vector<128x128xi1>, vector<128x128xf32>
    %add3A_1859 = arith.addf %add3A_1848, %select_n3A_1858 : vector<128x128xf32>
    %eq3A_1860 = arith.constant 7 : i32
    %eq3A_1861 = vector.broadcast %eq3A_1860 : i32 to vector<128x128xi32>
    %eq3A_1862 = arith.cmpi eq, %get3A_1793, %eq3A_1861 : vector<128x128xi32>
    %get3A_1863 = arith.constant 7 : index
    %get3A_1864 = arith.constant 0 : index
    %get3A_1865 = memref.load %arg7[%get3A_1863, %get3A_1864] : memref<19x1xf32, #tpu.memory_space<smem>>
    %jit3A_1866 = arith.constant 0.000000e+00 : f32
    %broadcast_in_dim3A_1867 = vector.broadcast %get3A_1865 : f32 to vector<128x128xf32>
    %broadcast_in_dim3A_1868 = vector.broadcast %jit3A_1866 : f32 to vector<128x128xf32>
    %select_n3A_1869 = arith.select %eq3A_1862, %broadcast_in_dim3A_1867, %broadcast_in_dim3A_1868 : vector<128x128xi1>, vector<128x128xf32>
    %add3A_1870 = arith.addf %add3A_1859, %select_n3A_1869 : vector<128x128xf32>
    %eq3A_1871 = arith.constant 8 : i32
    %eq3A_1872 = vector.broadcast %eq3A_1871 : i32 to vector<128x128xi32>
    %eq3A_1873 = arith.cmpi eq, %get3A_1793, %eq3A_1872 : vector<128x128xi32>
    %get3A_1874 = arith.constant 8 : index
    %get3A_1875 = arith.constant 0 : index
    %get3A_1876 = memref.load %arg7[%get3A_1874, %get3A_1875] : memref<19x1xf32, #tpu.memory_space<smem>>
    %jit3A_1877 = arith.constant 0.000000e+00 : f32
    %broadcast_in_dim3A_1878 = vector.broadcast %get3A_1876 : f32 to vector<128x128xf32>
    %broadcast_in_dim3A_1879 = vector.broadcast %jit3A_1877 : f32 to vector<128x128xf32>
    %select_n3A_1880 = arith.select %eq3A_1873, %broadcast_in_dim3A_1878, %broadcast_in_dim3A_1879 : vector<128x128xi1>, vector<128x128xf32>
    %add3A_1881 = arith.addf %add3A_1870, %select_n3A_1880 : vector<128x128xf32>
    %eq3A_1882 = arith.constant 9 : i32
    %eq3A_1883 = vector.broadcast %eq3A_1882 : i32 to vector<128x128xi32>
    %eq3A_1884 = arith.cmpi eq, %get3A_1793, %eq3A_1883 : vector<128x128xi32>
    %get3A_1885 = arith.constant 9 : index
    %get3A_1886 = arith.constant 0 : index
    %get3A_1887 = memref.load %arg7[%get3A_1885, %get3A_1886] : memref<19x1xf32, #tpu.memory_space<smem>>
    %jit3A_1888 = arith.constant 0.000000e+00 : f32
    %broadcast_in_dim3A_1889 = vector.broadcast %get3A_1887 : f32 to vector<128x128xf32>
    %broadcast_in_dim3A_1890 = vector.broadcast %jit3A_1888 : f32 to vector<128x128xf32>
    %select_n3A_1891 = arith.select %eq3A_1884, %broadcast_in_dim3A_1889, %broadcast_in_dim3A_1890 : vector<128x128xi1>, vector<128x128xf32>
    %add3A_1892 = arith.addf %add3A_1881, %select_n3A_1891 : vector<128x128xf32>
    %eq3A_1893 = arith.constant 10 : i32
    %eq3A_1894 = vector.broadcast %eq3A_1893 : i32 to vector<128x128xi32>
    %eq3A_1895 = arith.cmpi eq, %get3A_1793, %eq3A_1894 : vector<128x128xi32>
    %get3A_1896 = arith.constant 10 : index
    %get3A_1897 = arith.constant 0 : index
    %get3A_1898 = memref.load %arg7[%get3A_1896, %get3A_1897] : memref<19x1xf32, #tpu.memory_space<smem>>
    %jit3A_1899 = arith.constant 0.000000e+00 : f32
    %broadcast_in_dim3A_1900 = vector.broadcast %get3A_1898 : f32 to vector<128x128xf32>
    %broadcast_in_dim3A_1901 = vector.broadcast %jit3A_1899 : f32 to vector<128x128xf32>
    %select_n3A_1902 = arith.select %eq3A_1895, %broadcast_in_dim3A_1900, %broadcast_in_dim3A_1901 : vector<128x128xi1>, vector<128x128xf32>
    %add3A_1903 = arith.addf %add3A_1892, %select_n3A_1902 : vector<128x128xf32>
    %eq3A_1904 = arith.constant 11 : i32
    %eq3A_1905 = vector.broadcast %eq3A_1904 : i32 to vector<128x128xi32>
    %eq3A_1906 = arith.cmpi eq, %get3A_1793, %eq3A_1905 : vector<128x128xi32>
    %get3A_1907 = arith.constant 11 : index
    %get3A_1908 = arith.constant 0 : index
    %get3A_1909 = memref.load %arg7[%get3A_1907, %get3A_1908] : memref<19x1xf32, #tpu.memory_space<smem>>
    %jit3A_1910 = arith.constant 0.000000e+00 : f32
    %broadcast_in_dim3A_1911 = vector.broadcast %get3A_1909 : f32 to vector<128x128xf32>
    %broadcast_in_dim3A_1912 = vector.broadcast %jit3A_1910 : f32 to vector<128x128xf32>
    %select_n3A_1913 = arith.select %eq3A_1906, %broadcast_in_dim3A_1911, %broadcast_in_dim3A_1912 : vector<128x128xi1>, vector<128x128xf32>
    %add3A_1914 = arith.addf %add3A_1903, %select_n3A_1913 : vector<128x128xf32>
    %eq3A_1915 = arith.constant 12 : i32
    %eq3A_1916 = vector.broadcast %eq3A_1915 : i32 to vector<128x128xi32>
    %eq3A_1917 = arith.cmpi eq, %get3A_1793, %eq3A_1916 : vector<128x128xi32>
    %get3A_1918 = arith.constant 12 : index
    %get3A_1919 = arith.constant 0 : index
    %get3A_1920 = memref.load %arg7[%get3A_1918, %get3A_1919] : memref<19x1xf32, #tpu.memory_space<smem>>
    %jit3A_1921 = arith.constant 0.000000e+00 : f32
    %broadcast_in_dim3A_1922 = vector.broadcast %get3A_1920 : f32 to vector<128x128xf32>
    %broadcast_in_dim3A_1923 = vector.broadcast %jit3A_1921 : f32 to vector<128x128xf32>
    %select_n3A_1924 = arith.select %eq3A_1917, %broadcast_in_dim3A_1922, %broadcast_in_dim3A_1923 : vector<128x128xi1>, vector<128x128xf32>
    %add3A_1925 = arith.addf %add3A_1914, %select_n3A_1924 : vector<128x128xf32>
    %eq3A_1926 = arith.constant 13 : i32
    %eq3A_1927 = vector.broadcast %eq3A_1926 : i32 to vector<128x128xi32>
    %eq3A_1928 = arith.cmpi eq, %get3A_1793, %eq3A_1927 : vector<128x128xi32>
    %get3A_1929 = arith.constant 13 : index
    %get3A_1930 = arith.constant 0 : index
    %get3A_1931 = memref.load %arg7[%get3A_1929, %get3A_1930] : memref<19x1xf32, #tpu.memory_space<smem>>
    %jit3A_1932 = arith.constant 0.000000e+00 : f32
    %broadcast_in_dim3A_1933 = vector.broadcast %get3A_1931 : f32 to vector<128x128xf32>
    %broadcast_in_dim3A_1934 = vector.broadcast %jit3A_1932 : f32 to vector<128x128xf32>
    %select_n3A_1935 = arith.select %eq3A_1928, %broadcast_in_dim3A_1933, %broadcast_in_dim3A_1934 : vector<128x128xi1>, vector<128x128xf32>
    %add3A_1936 = arith.addf %add3A_1925, %select_n3A_1935 : vector<128x128xf32>
    %eq3A_1937 = arith.constant 14 : i32
    %eq3A_1938 = vector.broadcast %eq3A_1937 : i32 to vector<128x128xi32>
    %eq3A_1939 = arith.cmpi eq, %get3A_1793, %eq3A_1938 : vector<128x128xi32>
    %get3A_1940 = arith.constant 14 : index
    %get3A_1941 = arith.constant 0 : index
    %get3A_1942 = memref.load %arg7[%get3A_1940, %get3A_1941] : memref<19x1xf32, #tpu.memory_space<smem>>
    %jit3A_1943 = arith.constant 0.000000e+00 : f32
    %broadcast_in_dim3A_1944 = vector.broadcast %get3A_1942 : f32 to vector<128x128xf32>
    %broadcast_in_dim3A_1945 = vector.broadcast %jit3A_1943 : f32 to vector<128x128xf32>
    %select_n3A_1946 = arith.select %eq3A_1939, %broadcast_in_dim3A_1944, %broadcast_in_dim3A_1945 : vector<128x128xi1>, vector<128x128xf32>
    %add3A_1947 = arith.addf %add3A_1936, %select_n3A_1946 : vector<128x128xf32>
    %eq3A_1948 = arith.constant 15 : i32
    %eq3A_1949 = vector.broadcast %eq3A_1948 : i32 to vector<128x128xi32>
    %eq3A_1950 = arith.cmpi eq, %get3A_1793, %eq3A_1949 : vector<128x128xi32>
    %get3A_1951 = arith.constant 15 : index
    %get3A_1952 = arith.constant 0 : index
    %get3A_1953 = memref.load %arg7[%get3A_1951, %get3A_1952] : memref<19x1xf32, #tpu.memory_space<smem>>
    %jit3A_1954 = arith.constant 0.000000e+00 : f32
    %broadcast_in_dim3A_1955 = vector.broadcast %get3A_1953 : f32 to vector<128x128xf32>
    %broadcast_in_dim3A_1956 = vector.broadcast %jit3A_1954 : f32 to vector<128x128xf32>
    %select_n3A_1957 = arith.select %eq3A_1950, %broadcast_in_dim3A_1955, %broadcast_in_dim3A_1956 : vector<128x128xi1>, vector<128x128xf32>
    %add3A_1958 = arith.addf %add3A_1947, %select_n3A_1957 : vector<128x128xf32>
    %eq3A_1959 = arith.constant 16 : i32
    %eq3A_1960 = vector.broadcast %eq3A_1959 : i32 to vector<128x128xi32>
    %eq3A_1961 = arith.cmpi eq, %get3A_1793, %eq3A_1960 : vector<128x128xi32>
    %get3A_1962 = arith.constant 16 : index
    %get3A_1963 = arith.constant 0 : index
    %get3A_1964 = memref.load %arg7[%get3A_1962, %get3A_1963] : memref<19x1xf32, #tpu.memory_space<smem>>
    %jit3A_1965 = arith.constant 0.000000e+00 : f32
    %broadcast_in_dim3A_1966 = vector.broadcast %get3A_1964 : f32 to vector<128x128xf32>
    %broadcast_in_dim3A_1967 = vector.broadcast %jit3A_1965 : f32 to vector<128x128xf32>
    %select_n3A_1968 = arith.select %eq3A_1961, %broadcast_in_dim3A_1966, %broadcast_in_dim3A_1967 : vector<128x128xi1>, vector<128x128xf32>
    %add3A_1969 = arith.addf %add3A_1958, %select_n3A_1968 : vector<128x128xf32>
    %eq3A_1970 = arith.constant 17 : i32
    %eq3A_1971 = vector.broadcast %eq3A_1970 : i32 to vector<128x128xi32>
    %eq3A_1972 = arith.cmpi eq, %get3A_1793, %eq3A_1971 : vector<128x128xi32>
    %get3A_1973 = arith.constant 17 : index
    %get3A_1974 = arith.constant 0 : index
    %get3A_1975 = memref.load %arg7[%get3A_1973, %get3A_1974] : memref<19x1xf32, #tpu.memory_space<smem>>
    %jit3A_1976 = arith.constant 0.000000e+00 : f32
    %broadcast_in_dim3A_1977 = vector.broadcast %get3A_1975 : f32 to vector<128x128xf32>
    %broadcast_in_dim3A_1978 = vector.broadcast %jit3A_1976 : f32 to vector<128x128xf32>
    %select_n3A_1979 = arith.select %eq3A_1972, %broadcast_in_dim3A_1977, %broadcast_in_dim3A_1978 : vector<128x128xi1>, vector<128x128xf32>
    %add3A_1980 = arith.addf %add3A_1969, %select_n3A_1979 : vector<128x128xf32>
    %eq3A_1981 = arith.constant 18 : i32
    %eq3A_1982 = vector.broadcast %eq3A_1981 : i32 to vector<128x128xi32>
    %eq3A_1983 = arith.cmpi eq, %get3A_1793, %eq3A_1982 : vector<128x128xi32>
    %get3A_1984 = arith.constant 18 : index
    %get3A_1985 = arith.constant 0 : index
    %get3A_1986 = memref.load %arg7[%get3A_1984, %get3A_1985] : memref<19x1xf32, #tpu.memory_space<smem>>
    %jit3A_1987 = arith.constant 0.000000e+00 : f32
    %broadcast_in_dim3A_1988 = vector.broadcast %get3A_1986 : f32 to vector<128x128xf32>
    %broadcast_in_dim3A_1989 = vector.broadcast %jit3A_1987 : f32 to vector<128x128xf32>
    %select_n3A_1990 = arith.select %eq3A_1983, %broadcast_in_dim3A_1988, %broadcast_in_dim3A_1989 : vector<128x128xi1>, vector<128x128xf32>
    %add3A_1991 = arith.addf %add3A_1980, %select_n3A_1990 : vector<128x128xf32>
    %get3A_1992 = arith.constant 8 : index
    %get3A_1993 = arith.constant 0 : index
    %get3A_1994 = arith.constant 0 : index
    %get3A_1995 = vector.load %arg3[%get3A_1992, %get3A_1993, %get3A_1994] : memref<20x128x128xi32, #tpu.memory_space<vmem>>, vector<1x128x128xi32>
    %get3A_1996 = vector.shape_cast %get3A_1995 : vector<1x128x128xi32> to vector<128x128xi32>
    %eq3A_1997 = arith.constant 1 : i32
    %eq3A_1998 = vector.broadcast %eq3A_1997 : i32 to vector<128x128xi32>
    %eq3A_1999 = arith.cmpi eq, %get3A_1996, %eq3A_1998 : vector<128x128xi32>
    %get3A_2000 = arith.constant 1 : index
    %get3A_2001 = arith.constant 0 : index
    %get3A_2002 = memref.load %arg7[%get3A_2000, %get3A_2001] : memref<19x1xf32, #tpu.memory_space<smem>>
    %jit3A_2003 = arith.constant 0.000000e+00 : f32
    %broadcast_in_dim3A_2004 = vector.broadcast %get3A_2002 : f32 to vector<128x128xf32>
    %broadcast_in_dim3A_2005 = vector.broadcast %jit3A_2003 : f32 to vector<128x128xf32>
    %select_n3A_2006 = arith.select %eq3A_1999, %broadcast_in_dim3A_2004, %broadcast_in_dim3A_2005 : vector<128x128xi1>, vector<128x128xf32>
    %add3A_2007 = arith.addf %add3A_1991, %select_n3A_2006 : vector<128x128xf32>
    %eq3A_2008 = arith.constant 2 : i32
    %eq3A_2009 = vector.broadcast %eq3A_2008 : i32 to vector<128x128xi32>
    %eq3A_2010 = arith.cmpi eq, %get3A_1996, %eq3A_2009 : vector<128x128xi32>
    %get3A_2011 = arith.constant 2 : index
    %get3A_2012 = arith.constant 0 : index
    %get3A_2013 = memref.load %arg7[%get3A_2011, %get3A_2012] : memref<19x1xf32, #tpu.memory_space<smem>>
    %jit3A_2014 = arith.constant 0.000000e+00 : f32
    %broadcast_in_dim3A_2015 = vector.broadcast %get3A_2013 : f32 to vector<128x128xf32>
    %broadcast_in_dim3A_2016 = vector.broadcast %jit3A_2014 : f32 to vector<128x128xf32>
    %select_n3A_2017 = arith.select %eq3A_2010, %broadcast_in_dim3A_2015, %broadcast_in_dim3A_2016 : vector<128x128xi1>, vector<128x128xf32>
    %add3A_2018 = arith.addf %add3A_2007, %select_n3A_2017 : vector<128x128xf32>
    %eq3A_2019 = arith.constant 3 : i32
    %eq3A_2020 = vector.broadcast %eq3A_2019 : i32 to vector<128x128xi32>
    %eq3A_2021 = arith.cmpi eq, %get3A_1996, %eq3A_2020 : vector<128x128xi32>
    %get3A_2022 = arith.constant 3 : index
    %get3A_2023 = arith.constant 0 : index
    %get3A_2024 = memref.load %arg7[%get3A_2022, %get3A_2023] : memref<19x1xf32, #tpu.memory_space<smem>>
    %jit3A_2025 = arith.constant 0.000000e+00 : f32
    %broadcast_in_dim3A_2026 = vector.broadcast %get3A_2024 : f32 to vector<128x128xf32>
    %broadcast_in_dim3A_2027 = vector.broadcast %jit3A_2025 : f32 to vector<128x128xf32>
    %select_n3A_2028 = arith.select %eq3A_2021, %broadcast_in_dim3A_2026, %broadcast_in_dim3A_2027 : vector<128x128xi1>, vector<128x128xf32>
    %add3A_2029 = arith.addf %add3A_2018, %select_n3A_2028 : vector<128x128xf32>
    %eq3A_2030 = arith.constant 4 : i32
    %eq3A_2031 = vector.broadcast %eq3A_2030 : i32 to vector<128x128xi32>
    %eq3A_2032 = arith.cmpi eq, %get3A_1996, %eq3A_2031 : vector<128x128xi32>
    %get3A_2033 = arith.constant 4 : index
    %get3A_2034 = arith.constant 0 : index
    %get3A_2035 = memref.load %arg7[%get3A_2033, %get3A_2034] : memref<19x1xf32, #tpu.memory_space<smem>>
    %jit3A_2036 = arith.constant 0.000000e+00 : f32
    %broadcast_in_dim3A_2037 = vector.broadcast %get3A_2035 : f32 to vector<128x128xf32>
    %broadcast_in_dim3A_2038 = vector.broadcast %jit3A_2036 : f32 to vector<128x128xf32>
    %select_n3A_2039 = arith.select %eq3A_2032, %broadcast_in_dim3A_2037, %broadcast_in_dim3A_2038 : vector<128x128xi1>, vector<128x128xf32>
    %add3A_2040 = arith.addf %add3A_2029, %select_n3A_2039 : vector<128x128xf32>
    %eq3A_2041 = arith.constant 5 : i32
    %eq3A_2042 = vector.broadcast %eq3A_2041 : i32 to vector<128x128xi32>
    %eq3A_2043 = arith.cmpi eq, %get3A_1996, %eq3A_2042 : vector<128x128xi32>
    %get3A_2044 = arith.constant 5 : index
    %get3A_2045 = arith.constant 0 : index
    %get3A_2046 = memref.load %arg7[%get3A_2044, %get3A_2045] : memref<19x1xf32, #tpu.memory_space<smem>>
    %jit3A_2047 = arith.constant 0.000000e+00 : f32
    %broadcast_in_dim3A_2048 = vector.broadcast %get3A_2046 : f32 to vector<128x128xf32>
    %broadcast_in_dim3A_2049 = vector.broadcast %jit3A_2047 : f32 to vector<128x128xf32>
    %select_n3A_2050 = arith.select %eq3A_2043, %broadcast_in_dim3A_2048, %broadcast_in_dim3A_2049 : vector<128x128xi1>, vector<128x128xf32>
    %add3A_2051 = arith.addf %add3A_2040, %select_n3A_2050 : vector<128x128xf32>
    %eq3A_2052 = arith.constant 6 : i32
    %eq3A_2053 = vector.broadcast %eq3A_2052 : i32 to vector<128x128xi32>
    %eq3A_2054 = arith.cmpi eq, %get3A_1996, %eq3A_2053 : vector<128x128xi32>
    %get3A_2055 = arith.constant 6 : index
    %get3A_2056 = arith.constant 0 : index
    %get3A_2057 = memref.load %arg7[%get3A_2055, %get3A_2056] : memref<19x1xf32, #tpu.memory_space<smem>>
    %jit3A_2058 = arith.constant 0.000000e+00 : f32
    %broadcast_in_dim3A_2059 = vector.broadcast %get3A_2057 : f32 to vector<128x128xf32>
    %broadcast_in_dim3A_2060 = vector.broadcast %jit3A_2058 : f32 to vector<128x128xf32>
    %select_n3A_2061 = arith.select %eq3A_2054, %broadcast_in_dim3A_2059, %broadcast_in_dim3A_2060 : vector<128x128xi1>, vector<128x128xf32>
    %add3A_2062 = arith.addf %add3A_2051, %select_n3A_2061 : vector<128x128xf32>
    %eq3A_2063 = arith.constant 7 : i32
    %eq3A_2064 = vector.broadcast %eq3A_2063 : i32 to vector<128x128xi32>
    %eq3A_2065 = arith.cmpi eq, %get3A_1996, %eq3A_2064 : vector<128x128xi32>
    %get3A_2066 = arith.constant 7 : index
    %get3A_2067 = arith.constant 0 : index
    %get3A_2068 = memref.load %arg7[%get3A_2066, %get3A_2067] : memref<19x1xf32, #tpu.memory_space<smem>>
    %jit3A_2069 = arith.constant 0.000000e+00 : f32
    %broadcast_in_dim3A_2070 = vector.broadcast %get3A_2068 : f32 to vector<128x128xf32>
    %broadcast_in_dim3A_2071 = vector.broadcast %jit3A_2069 : f32 to vector<128x128xf32>
    %select_n3A_2072 = arith.select %eq3A_2065, %broadcast_in_dim3A_2070, %broadcast_in_dim3A_2071 : vector<128x128xi1>, vector<128x128xf32>
    %add3A_2073 = arith.addf %add3A_2062, %select_n3A_2072 : vector<128x128xf32>
    %eq3A_2074 = arith.constant 8 : i32
    %eq3A_2075 = vector.broadcast %eq3A_2074 : i32 to vector<128x128xi32>
    %eq3A_2076 = arith.cmpi eq, %get3A_1996, %eq3A_2075 : vector<128x128xi32>
    %get3A_2077 = arith.constant 8 : index
    %get3A_2078 = arith.constant 0 : index
    %get3A_2079 = memref.load %arg7[%get3A_2077, %get3A_2078] : memref<19x1xf32, #tpu.memory_space<smem>>
    %jit3A_2080 = arith.constant 0.000000e+00 : f32
    %broadcast_in_dim3A_2081 = vector.broadcast %get3A_2079 : f32 to vector<128x128xf32>
    %broadcast_in_dim3A_2082 = vector.broadcast %jit3A_2080 : f32 to vector<128x128xf32>
    %select_n3A_2083 = arith.select %eq3A_2076, %broadcast_in_dim3A_2081, %broadcast_in_dim3A_2082 : vector<128x128xi1>, vector<128x128xf32>
    %add3A_2084 = arith.addf %add3A_2073, %select_n3A_2083 : vector<128x128xf32>
    %eq3A_2085 = arith.constant 9 : i32
    %eq3A_2086 = vector.broadcast %eq3A_2085 : i32 to vector<128x128xi32>
    %eq3A_2087 = arith.cmpi eq, %get3A_1996, %eq3A_2086 : vector<128x128xi32>
    %get3A_2088 = arith.constant 9 : index
    %get3A_2089 = arith.constant 0 : index
    %get3A_2090 = memref.load %arg7[%get3A_2088, %get3A_2089] : memref<19x1xf32, #tpu.memory_space<smem>>
    %jit3A_2091 = arith.constant 0.000000e+00 : f32
    %broadcast_in_dim3A_2092 = vector.broadcast %get3A_2090 : f32 to vector<128x128xf32>
    %broadcast_in_dim3A_2093 = vector.broadcast %jit3A_2091 : f32 to vector<128x128xf32>
    %select_n3A_2094 = arith.select %eq3A_2087, %broadcast_in_dim3A_2092, %broadcast_in_dim3A_2093 : vector<128x128xi1>, vector<128x128xf32>
    %add3A_2095 = arith.addf %add3A_2084, %select_n3A_2094 : vector<128x128xf32>
    %eq3A_2096 = arith.constant 10 : i32
    %eq3A_2097 = vector.broadcast %eq3A_2096 : i32 to vector<128x128xi32>
    %eq3A_2098 = arith.cmpi eq, %get3A_1996, %eq3A_2097 : vector<128x128xi32>
    %get3A_2099 = arith.constant 10 : index
    %get3A_2100 = arith.constant 0 : index
    %get3A_2101 = memref.load %arg7[%get3A_2099, %get3A_2100] : memref<19x1xf32, #tpu.memory_space<smem>>
    %jit3A_2102 = arith.constant 0.000000e+00 : f32
    %broadcast_in_dim3A_2103 = vector.broadcast %get3A_2101 : f32 to vector<128x128xf32>
    %broadcast_in_dim3A_2104 = vector.broadcast %jit3A_2102 : f32 to vector<128x128xf32>
    %select_n3A_2105 = arith.select %eq3A_2098, %broadcast_in_dim3A_2103, %broadcast_in_dim3A_2104 : vector<128x128xi1>, vector<128x128xf32>
    %add3A_2106 = arith.addf %add3A_2095, %select_n3A_2105 : vector<128x128xf32>
    %eq3A_2107 = arith.constant 11 : i32
    %eq3A_2108 = vector.broadcast %eq3A_2107 : i32 to vector<128x128xi32>
    %eq3A_2109 = arith.cmpi eq, %get3A_1996, %eq3A_2108 : vector<128x128xi32>
    %get3A_2110 = arith.constant 11 : index
    %get3A_2111 = arith.constant 0 : index
    %get3A_2112 = memref.load %arg7[%get3A_2110, %get3A_2111] : memref<19x1xf32, #tpu.memory_space<smem>>
    %jit3A_2113 = arith.constant 0.000000e+00 : f32
    %broadcast_in_dim3A_2114 = vector.broadcast %get3A_2112 : f32 to vector<128x128xf32>
    %broadcast_in_dim3A_2115 = vector.broadcast %jit3A_2113 : f32 to vector<128x128xf32>
    %select_n3A_2116 = arith.select %eq3A_2109, %broadcast_in_dim3A_2114, %broadcast_in_dim3A_2115 : vector<128x128xi1>, vector<128x128xf32>
    %add3A_2117 = arith.addf %add3A_2106, %select_n3A_2116 : vector<128x128xf32>
    %eq3A_2118 = arith.constant 12 : i32
    %eq3A_2119 = vector.broadcast %eq3A_2118 : i32 to vector<128x128xi32>
    %eq3A_2120 = arith.cmpi eq, %get3A_1996, %eq3A_2119 : vector<128x128xi32>
    %get3A_2121 = arith.constant 12 : index
    %get3A_2122 = arith.constant 0 : index
    %get3A_2123 = memref.load %arg7[%get3A_2121, %get3A_2122] : memref<19x1xf32, #tpu.memory_space<smem>>
    %jit3A_2124 = arith.constant 0.000000e+00 : f32
    %broadcast_in_dim3A_2125 = vector.broadcast %get3A_2123 : f32 to vector<128x128xf32>
    %broadcast_in_dim3A_2126 = vector.broadcast %jit3A_2124 : f32 to vector<128x128xf32>
    %select_n3A_2127 = arith.select %eq3A_2120, %broadcast_in_dim3A_2125, %broadcast_in_dim3A_2126 : vector<128x128xi1>, vector<128x128xf32>
    %add3A_2128 = arith.addf %add3A_2117, %select_n3A_2127 : vector<128x128xf32>
    %eq3A_2129 = arith.constant 13 : i32
    %eq3A_2130 = vector.broadcast %eq3A_2129 : i32 to vector<128x128xi32>
    %eq3A_2131 = arith.cmpi eq, %get3A_1996, %eq3A_2130 : vector<128x128xi32>
    %get3A_2132 = arith.constant 13 : index
    %get3A_2133 = arith.constant 0 : index
    %get3A_2134 = memref.load %arg7[%get3A_2132, %get3A_2133] : memref<19x1xf32, #tpu.memory_space<smem>>
    %jit3A_2135 = arith.constant 0.000000e+00 : f32
    %broadcast_in_dim3A_2136 = vector.broadcast %get3A_2134 : f32 to vector<128x128xf32>
    %broadcast_in_dim3A_2137 = vector.broadcast %jit3A_2135 : f32 to vector<128x128xf32>
    %select_n3A_2138 = arith.select %eq3A_2131, %broadcast_in_dim3A_2136, %broadcast_in_dim3A_2137 : vector<128x128xi1>, vector<128x128xf32>
    %add3A_2139 = arith.addf %add3A_2128, %select_n3A_2138 : vector<128x128xf32>
    %eq3A_2140 = arith.constant 14 : i32
    %eq3A_2141 = vector.broadcast %eq3A_2140 : i32 to vector<128x128xi32>
    %eq3A_2142 = arith.cmpi eq, %get3A_1996, %eq3A_2141 : vector<128x128xi32>
    %get3A_2143 = arith.constant 14 : index
    %get3A_2144 = arith.constant 0 : index
    %get3A_2145 = memref.load %arg7[%get3A_2143, %get3A_2144] : memref<19x1xf32, #tpu.memory_space<smem>>
    %jit3A_2146 = arith.constant 0.000000e+00 : f32
    %broadcast_in_dim3A_2147 = vector.broadcast %get3A_2145 : f32 to vector<128x128xf32>
    %broadcast_in_dim3A_2148 = vector.broadcast %jit3A_2146 : f32 to vector<128x128xf32>
    %select_n3A_2149 = arith.select %eq3A_2142, %broadcast_in_dim3A_2147, %broadcast_in_dim3A_2148 : vector<128x128xi1>, vector<128x128xf32>
    %add3A_2150 = arith.addf %add3A_2139, %select_n3A_2149 : vector<128x128xf32>
    %eq3A_2151 = arith.constant 15 : i32
    %eq3A_2152 = vector.broadcast %eq3A_2151 : i32 to vector<128x128xi32>
    %eq3A_2153 = arith.cmpi eq, %get3A_1996, %eq3A_2152 : vector<128x128xi32>
    %get3A_2154 = arith.constant 15 : index
    %get3A_2155 = arith.constant 0 : index
    %get3A_2156 = memref.load %arg7[%get3A_2154, %get3A_2155] : memref<19x1xf32, #tpu.memory_space<smem>>
    %jit3A_2157 = arith.constant 0.000000e+00 : f32
    %broadcast_in_dim3A_2158 = vector.broadcast %get3A_2156 : f32 to vector<128x128xf32>
    %broadcast_in_dim3A_2159 = vector.broadcast %jit3A_2157 : f32 to vector<128x128xf32>
    %select_n3A_2160 = arith.select %eq3A_2153, %broadcast_in_dim3A_2158, %broadcast_in_dim3A_2159 : vector<128x128xi1>, vector<128x128xf32>
    %add3A_2161 = arith.addf %add3A_2150, %select_n3A_2160 : vector<128x128xf32>
    %eq3A_2162 = arith.constant 16 : i32
    %eq3A_2163 = vector.broadcast %eq3A_2162 : i32 to vector<128x128xi32>
    %eq3A_2164 = arith.cmpi eq, %get3A_1996, %eq3A_2163 : vector<128x128xi32>
    %get3A_2165 = arith.constant 16 : index
    %get3A_2166 = arith.constant 0 : index
    %get3A_2167 = memref.load %arg7[%get3A_2165, %get3A_2166] : memref<19x1xf32, #tpu.memory_space<smem>>
    %jit3A_2168 = arith.constant 0.000000e+00 : f32
    %broadcast_in_dim3A_2169 = vector.broadcast %get3A_2167 : f32 to vector<128x128xf32>
    %broadcast_in_dim3A_2170 = vector.broadcast %jit3A_2168 : f32 to vector<128x128xf32>
    %select_n3A_2171 = arith.select %eq3A_2164, %broadcast_in_dim3A_2169, %broadcast_in_dim3A_2170 : vector<128x128xi1>, vector<128x128xf32>
    %add3A_2172 = arith.addf %add3A_2161, %select_n3A_2171 : vector<128x128xf32>
    %eq3A_2173 = arith.constant 17 : i32
    %eq3A_2174 = vector.broadcast %eq3A_2173 : i32 to vector<128x128xi32>
    %eq3A_2175 = arith.cmpi eq, %get3A_1996, %eq3A_2174 : vector<128x128xi32>
    %get3A_2176 = arith.constant 17 : index
    %get3A_2177 = arith.constant 0 : index
    %get3A_2178 = memref.load %arg7[%get3A_2176, %get3A_2177] : memref<19x1xf32, #tpu.memory_space<smem>>
    %jit3A_2179 = arith.constant 0.000000e+00 : f32
    %broadcast_in_dim3A_2180 = vector.broadcast %get3A_2178 : f32 to vector<128x128xf32>
    %broadcast_in_dim3A_2181 = vector.broadcast %jit3A_2179 : f32 to vector<128x128xf32>
    %select_n3A_2182 = arith.select %eq3A_2175, %broadcast_in_dim3A_2180, %broadcast_in_dim3A_2181 : vector<128x128xi1>, vector<128x128xf32>
    %add3A_2183 = arith.addf %add3A_2172, %select_n3A_2182 : vector<128x128xf32>
    %eq3A_2184 = arith.constant 18 : i32
    %eq3A_2185 = vector.broadcast %eq3A_2184 : i32 to vector<128x128xi32>
    %eq3A_2186 = arith.cmpi eq, %get3A_1996, %eq3A_2185 : vector<128x128xi32>
    %get3A_2187 = arith.constant 18 : index
    %get3A_2188 = arith.constant 0 : index
    %get3A_2189 = memref.load %arg7[%get3A_2187, %get3A_2188] : memref<19x1xf32, #tpu.memory_space<smem>>
    %jit3A_2190 = arith.constant 0.000000e+00 : f32
    %broadcast_in_dim3A_2191 = vector.broadcast %get3A_2189 : f32 to vector<128x128xf32>
    %broadcast_in_dim3A_2192 = vector.broadcast %jit3A_2190 : f32 to vector<128x128xf32>
    %select_n3A_2193 = arith.select %eq3A_2186, %broadcast_in_dim3A_2191, %broadcast_in_dim3A_2192 : vector<128x128xi1>, vector<128x128xf32>
    %add3A_2194 = arith.addf %add3A_2183, %select_n3A_2193 : vector<128x128xf32>
    %get3A_2195 = arith.constant 9 : index
    %get3A_2196 = arith.constant 0 : index
    %get3A_2197 = arith.constant 0 : index
    %get3A_2198 = vector.load %arg3[%get3A_2195, %get3A_2196, %get3A_2197] : memref<20x128x128xi32, #tpu.memory_space<vmem>>, vector<1x128x128xi32>
    %get3A_2199 = vector.shape_cast %get3A_2198 : vector<1x128x128xi32> to vector<128x128xi32>
    %eq3A_2200 = arith.constant 1 : i32
    %eq3A_2201 = vector.broadcast %eq3A_2200 : i32 to vector<128x128xi32>
    %eq3A_2202 = arith.cmpi eq, %get3A_2199, %eq3A_2201 : vector<128x128xi32>
    %get3A_2203 = arith.constant 1 : index
    %get3A_2204 = arith.constant 0 : index
    %get3A_2205 = memref.load %arg7[%get3A_2203, %get3A_2204] : memref<19x1xf32, #tpu.memory_space<smem>>
    %jit3A_2206 = arith.constant 0.000000e+00 : f32
    %broadcast_in_dim3A_2207 = vector.broadcast %get3A_2205 : f32 to vector<128x128xf32>
    %broadcast_in_dim3A_2208 = vector.broadcast %jit3A_2206 : f32 to vector<128x128xf32>
    %select_n3A_2209 = arith.select %eq3A_2202, %broadcast_in_dim3A_2207, %broadcast_in_dim3A_2208 : vector<128x128xi1>, vector<128x128xf32>
    %add3A_2210 = arith.addf %add3A_2194, %select_n3A_2209 : vector<128x128xf32>
    %eq3A_2211 = arith.constant 2 : i32
    %eq3A_2212 = vector.broadcast %eq3A_2211 : i32 to vector<128x128xi32>
    %eq3A_2213 = arith.cmpi eq, %get3A_2199, %eq3A_2212 : vector<128x128xi32>
    %get3A_2214 = arith.constant 2 : index
    %get3A_2215 = arith.constant 0 : index
    %get3A_2216 = memref.load %arg7[%get3A_2214, %get3A_2215] : memref<19x1xf32, #tpu.memory_space<smem>>
    %jit3A_2217 = arith.constant 0.000000e+00 : f32
    %broadcast_in_dim3A_2218 = vector.broadcast %get3A_2216 : f32 to vector<128x128xf32>
    %broadcast_in_dim3A_2219 = vector.broadcast %jit3A_2217 : f32 to vector<128x128xf32>
    %select_n3A_2220 = arith.select %eq3A_2213, %broadcast_in_dim3A_2218, %broadcast_in_dim3A_2219 : vector<128x128xi1>, vector<128x128xf32>
    %add3A_2221 = arith.addf %add3A_2210, %select_n3A_2220 : vector<128x128xf32>
    %eq3A_2222 = arith.constant 3 : i32
    %eq3A_2223 = vector.broadcast %eq3A_2222 : i32 to vector<128x128xi32>
    %eq3A_2224 = arith.cmpi eq, %get3A_2199, %eq3A_2223 : vector<128x128xi32>
    %get3A_2225 = arith.constant 3 : index
    %get3A_2226 = arith.constant 0 : index
    %get3A_2227 = memref.load %arg7[%get3A_2225, %get3A_2226] : memref<19x1xf32, #tpu.memory_space<smem>>
    %jit3A_2228 = arith.constant 0.000000e+00 : f32
    %broadcast_in_dim3A_2229 = vector.broadcast %get3A_2227 : f32 to vector<128x128xf32>
    %broadcast_in_dim3A_2230 = vector.broadcast %jit3A_2228 : f32 to vector<128x128xf32>
    %select_n3A_2231 = arith.select %eq3A_2224, %broadcast_in_dim3A_2229, %broadcast_in_dim3A_2230 : vector<128x128xi1>, vector<128x128xf32>
    %add3A_2232 = arith.addf %add3A_2221, %select_n3A_2231 : vector<128x128xf32>
    %eq3A_2233 = arith.constant 4 : i32
    %eq3A_2234 = vector.broadcast %eq3A_2233 : i32 to vector<128x128xi32>
    %eq3A_2235 = arith.cmpi eq, %get3A_2199, %eq3A_2234 : vector<128x128xi32>
    %get3A_2236 = arith.constant 4 : index
    %get3A_2237 = arith.constant 0 : index
    %get3A_2238 = memref.load %arg7[%get3A_2236, %get3A_2237] : memref<19x1xf32, #tpu.memory_space<smem>>
    %jit3A_2239 = arith.constant 0.000000e+00 : f32
    %broadcast_in_dim3A_2240 = vector.broadcast %get3A_2238 : f32 to vector<128x128xf32>
    %broadcast_in_dim3A_2241 = vector.broadcast %jit3A_2239 : f32 to vector<128x128xf32>
    %select_n3A_2242 = arith.select %eq3A_2235, %broadcast_in_dim3A_2240, %broadcast_in_dim3A_2241 : vector<128x128xi1>, vector<128x128xf32>
    %add3A_2243 = arith.addf %add3A_2232, %select_n3A_2242 : vector<128x128xf32>
    %eq3A_2244 = arith.constant 5 : i32
    %eq3A_2245 = vector.broadcast %eq3A_2244 : i32 to vector<128x128xi32>
    %eq3A_2246 = arith.cmpi eq, %get3A_2199, %eq3A_2245 : vector<128x128xi32>
    %get3A_2247 = arith.constant 5 : index
    %get3A_2248 = arith.constant 0 : index
    %get3A_2249 = memref.load %arg7[%get3A_2247, %get3A_2248] : memref<19x1xf32, #tpu.memory_space<smem>>
    %jit3A_2250 = arith.constant 0.000000e+00 : f32
    %broadcast_in_dim3A_2251 = vector.broadcast %get3A_2249 : f32 to vector<128x128xf32>
    %broadcast_in_dim3A_2252 = vector.broadcast %jit3A_2250 : f32 to vector<128x128xf32>
    %select_n3A_2253 = arith.select %eq3A_2246, %broadcast_in_dim3A_2251, %broadcast_in_dim3A_2252 : vector<128x128xi1>, vector<128x128xf32>
    %add3A_2254 = arith.addf %add3A_2243, %select_n3A_2253 : vector<128x128xf32>
    %eq3A_2255 = arith.constant 6 : i32
    %eq3A_2256 = vector.broadcast %eq3A_2255 : i32 to vector<128x128xi32>
    %eq3A_2257 = arith.cmpi eq, %get3A_2199, %eq3A_2256 : vector<128x128xi32>
    %get3A_2258 = arith.constant 6 : index
    %get3A_2259 = arith.constant 0 : index
    %get3A_2260 = memref.load %arg7[%get3A_2258, %get3A_2259] : memref<19x1xf32, #tpu.memory_space<smem>>
    %jit3A_2261 = arith.constant 0.000000e+00 : f32
    %broadcast_in_dim3A_2262 = vector.broadcast %get3A_2260 : f32 to vector<128x128xf32>
    %broadcast_in_dim3A_2263 = vector.broadcast %jit3A_2261 : f32 to vector<128x128xf32>
    %select_n3A_2264 = arith.select %eq3A_2257, %broadcast_in_dim3A_2262, %broadcast_in_dim3A_2263 : vector<128x128xi1>, vector<128x128xf32>
    %add3A_2265 = arith.addf %add3A_2254, %select_n3A_2264 : vector<128x128xf32>
    %eq3A_2266 = arith.constant 7 : i32
    %eq3A_2267 = vector.broadcast %eq3A_2266 : i32 to vector<128x128xi32>
    %eq3A_2268 = arith.cmpi eq, %get3A_2199, %eq3A_2267 : vector<128x128xi32>
    %get3A_2269 = arith.constant 7 : index
    %get3A_2270 = arith.constant 0 : index
    %get3A_2271 = memref.load %arg7[%get3A_2269, %get3A_2270] : memref<19x1xf32, #tpu.memory_space<smem>>
    %jit3A_2272 = arith.constant 0.000000e+00 : f32
    %broadcast_in_dim3A_2273 = vector.broadcast %get3A_2271 : f32 to vector<128x128xf32>
    %broadcast_in_dim3A_2274 = vector.broadcast %jit3A_2272 : f32 to vector<128x128xf32>
    %select_n3A_2275 = arith.select %eq3A_2268, %broadcast_in_dim3A_2273, %broadcast_in_dim3A_2274 : vector<128x128xi1>, vector<128x128xf32>
    %add3A_2276 = arith.addf %add3A_2265, %select_n3A_2275 : vector<128x128xf32>
    %eq3A_2277 = arith.constant 8 : i32
    %eq3A_2278 = vector.broadcast %eq3A_2277 : i32 to vector<128x128xi32>
    %eq3A_2279 = arith.cmpi eq, %get3A_2199, %eq3A_2278 : vector<128x128xi32>
    %get3A_2280 = arith.constant 8 : index
    %get3A_2281 = arith.constant 0 : index
    %get3A_2282 = memref.load %arg7[%get3A_2280, %get3A_2281] : memref<19x1xf32, #tpu.memory_space<smem>>
    %jit3A_2283 = arith.constant 0.000000e+00 : f32
    %broadcast_in_dim3A_2284 = vector.broadcast %get3A_2282 : f32 to vector<128x128xf32>
    %broadcast_in_dim3A_2285 = vector.broadcast %jit3A_2283 : f32 to vector<128x128xf32>
    %select_n3A_2286 = arith.select %eq3A_2279, %broadcast_in_dim3A_2284, %broadcast_in_dim3A_2285 : vector<128x128xi1>, vector<128x128xf32>
    %add3A_2287 = arith.addf %add3A_2276, %select_n3A_2286 : vector<128x128xf32>
    %eq3A_2288 = arith.constant 9 : i32
    %eq3A_2289 = vector.broadcast %eq3A_2288 : i32 to vector<128x128xi32>
    %eq3A_2290 = arith.cmpi eq, %get3A_2199, %eq3A_2289 : vector<128x128xi32>
    %get3A_2291 = arith.constant 9 : index
    %get3A_2292 = arith.constant 0 : index
    %get3A_2293 = memref.load %arg7[%get3A_2291, %get3A_2292] : memref<19x1xf32, #tpu.memory_space<smem>>
    %jit3A_2294 = arith.constant 0.000000e+00 : f32
    %broadcast_in_dim3A_2295 = vector.broadcast %get3A_2293 : f32 to vector<128x128xf32>
    %broadcast_in_dim3A_2296 = vector.broadcast %jit3A_2294 : f32 to vector<128x128xf32>
    %select_n3A_2297 = arith.select %eq3A_2290, %broadcast_in_dim3A_2295, %broadcast_in_dim3A_2296 : vector<128x128xi1>, vector<128x128xf32>
    %add3A_2298 = arith.addf %add3A_2287, %select_n3A_2297 : vector<128x128xf32>
    %eq3A_2299 = arith.constant 10 : i32
    %eq3A_2300 = vector.broadcast %eq3A_2299 : i32 to vector<128x128xi32>
    %eq3A_2301 = arith.cmpi eq, %get3A_2199, %eq3A_2300 : vector<128x128xi32>
    %get3A_2302 = arith.constant 10 : index
    %get3A_2303 = arith.constant 0 : index
    %get3A_2304 = memref.load %arg7[%get3A_2302, %get3A_2303] : memref<19x1xf32, #tpu.memory_space<smem>>
    %jit3A_2305 = arith.constant 0.000000e+00 : f32
    %broadcast_in_dim3A_2306 = vector.broadcast %get3A_2304 : f32 to vector<128x128xf32>
    %broadcast_in_dim3A_2307 = vector.broadcast %jit3A_2305 : f32 to vector<128x128xf32>
    %select_n3A_2308 = arith.select %eq3A_2301, %broadcast_in_dim3A_2306, %broadcast_in_dim3A_2307 : vector<128x128xi1>, vector<128x128xf32>
    %add3A_2309 = arith.addf %add3A_2298, %select_n3A_2308 : vector<128x128xf32>
    %eq3A_2310 = arith.constant 11 : i32
    %eq3A_2311 = vector.broadcast %eq3A_2310 : i32 to vector<128x128xi32>
    %eq3A_2312 = arith.cmpi eq, %get3A_2199, %eq3A_2311 : vector<128x128xi32>
    %get3A_2313 = arith.constant 11 : index
    %get3A_2314 = arith.constant 0 : index
    %get3A_2315 = memref.load %arg7[%get3A_2313, %get3A_2314] : memref<19x1xf32, #tpu.memory_space<smem>>
    %jit3A_2316 = arith.constant 0.000000e+00 : f32
    %broadcast_in_dim3A_2317 = vector.broadcast %get3A_2315 : f32 to vector<128x128xf32>
    %broadcast_in_dim3A_2318 = vector.broadcast %jit3A_2316 : f32 to vector<128x128xf32>
    %select_n3A_2319 = arith.select %eq3A_2312, %broadcast_in_dim3A_2317, %broadcast_in_dim3A_2318 : vector<128x128xi1>, vector<128x128xf32>
    %add3A_2320 = arith.addf %add3A_2309, %select_n3A_2319 : vector<128x128xf32>
    %eq3A_2321 = arith.constant 12 : i32
    %eq3A_2322 = vector.broadcast %eq3A_2321 : i32 to vector<128x128xi32>
    %eq3A_2323 = arith.cmpi eq, %get3A_2199, %eq3A_2322 : vector<128x128xi32>
    %get3A_2324 = arith.constant 12 : index
    %get3A_2325 = arith.constant 0 : index
    %get3A_2326 = memref.load %arg7[%get3A_2324, %get3A_2325] : memref<19x1xf32, #tpu.memory_space<smem>>
    %jit3A_2327 = arith.constant 0.000000e+00 : f32
    %broadcast_in_dim3A_2328 = vector.broadcast %get3A_2326 : f32 to vector<128x128xf32>
    %broadcast_in_dim3A_2329 = vector.broadcast %jit3A_2327 : f32 to vector<128x128xf32>
    %select_n3A_2330 = arith.select %eq3A_2323, %broadcast_in_dim3A_2328, %broadcast_in_dim3A_2329 : vector<128x128xi1>, vector<128x128xf32>
    %add3A_2331 = arith.addf %add3A_2320, %select_n3A_2330 : vector<128x128xf32>
    %eq3A_2332 = arith.constant 13 : i32
    %eq3A_2333 = vector.broadcast %eq3A_2332 : i32 to vector<128x128xi32>
    %eq3A_2334 = arith.cmpi eq, %get3A_2199, %eq3A_2333 : vector<128x128xi32>
    %get3A_2335 = arith.constant 13 : index
    %get3A_2336 = arith.constant 0 : index
    %get3A_2337 = memref.load %arg7[%get3A_2335, %get3A_2336] : memref<19x1xf32, #tpu.memory_space<smem>>
    %jit3A_2338 = arith.constant 0.000000e+00 : f32
    %broadcast_in_dim3A_2339 = vector.broadcast %get3A_2337 : f32 to vector<128x128xf32>
    %broadcast_in_dim3A_2340 = vector.broadcast %jit3A_2338 : f32 to vector<128x128xf32>
    %select_n3A_2341 = arith.select %eq3A_2334, %broadcast_in_dim3A_2339, %broadcast_in_dim3A_2340 : vector<128x128xi1>, vector<128x128xf32>
    %add3A_2342 = arith.addf %add3A_2331, %select_n3A_2341 : vector<128x128xf32>
    %eq3A_2343 = arith.constant 14 : i32
    %eq3A_2344 = vector.broadcast %eq3A_2343 : i32 to vector<128x128xi32>
    %eq3A_2345 = arith.cmpi eq, %get3A_2199, %eq3A_2344 : vector<128x128xi32>
    %get3A_2346 = arith.constant 14 : index
    %get3A_2347 = arith.constant 0 : index
    %get3A_2348 = memref.load %arg7[%get3A_2346, %get3A_2347] : memref<19x1xf32, #tpu.memory_space<smem>>
    %jit3A_2349 = arith.constant 0.000000e+00 : f32
    %broadcast_in_dim3A_2350 = vector.broadcast %get3A_2348 : f32 to vector<128x128xf32>
    %broadcast_in_dim3A_2351 = vector.broadcast %jit3A_2349 : f32 to vector<128x128xf32>
    %select_n3A_2352 = arith.select %eq3A_2345, %broadcast_in_dim3A_2350, %broadcast_in_dim3A_2351 : vector<128x128xi1>, vector<128x128xf32>
    %add3A_2353 = arith.addf %add3A_2342, %select_n3A_2352 : vector<128x128xf32>
    %eq3A_2354 = arith.constant 15 : i32
    %eq3A_2355 = vector.broadcast %eq3A_2354 : i32 to vector<128x128xi32>
    %eq3A_2356 = arith.cmpi eq, %get3A_2199, %eq3A_2355 : vector<128x128xi32>
    %get3A_2357 = arith.constant 15 : index
    %get3A_2358 = arith.constant 0 : index
    %get3A_2359 = memref.load %arg7[%get3A_2357, %get3A_2358] : memref<19x1xf32, #tpu.memory_space<smem>>
    %jit3A_2360 = arith.constant 0.000000e+00 : f32
    %broadcast_in_dim3A_2361 = vector.broadcast %get3A_2359 : f32 to vector<128x128xf32>
    %broadcast_in_dim3A_2362 = vector.broadcast %jit3A_2360 : f32 to vector<128x128xf32>
    %select_n3A_2363 = arith.select %eq3A_2356, %broadcast_in_dim3A_2361, %broadcast_in_dim3A_2362 : vector<128x128xi1>, vector<128x128xf32>
    %add3A_2364 = arith.addf %add3A_2353, %select_n3A_2363 : vector<128x128xf32>
    %eq3A_2365 = arith.constant 16 : i32
    %eq3A_2366 = vector.broadcast %eq3A_2365 : i32 to vector<128x128xi32>
    %eq3A_2367 = arith.cmpi eq, %get3A_2199, %eq3A_2366 : vector<128x128xi32>
    %get3A_2368 = arith.constant 16 : index
    %get3A_2369 = arith.constant 0 : index
    %get3A_2370 = memref.load %arg7[%get3A_2368, %get3A_2369] : memref<19x1xf32, #tpu.memory_space<smem>>
    %jit3A_2371 = arith.constant 0.000000e+00 : f32
    %broadcast_in_dim3A_2372 = vector.broadcast %get3A_2370 : f32 to vector<128x128xf32>
    %broadcast_in_dim3A_2373 = vector.broadcast %jit3A_2371 : f32 to vector<128x128xf32>
    %select_n3A_2374 = arith.select %eq3A_2367, %broadcast_in_dim3A_2372, %broadcast_in_dim3A_2373 : vector<128x128xi1>, vector<128x128xf32>
    %add3A_2375 = arith.addf %add3A_2364, %select_n3A_2374 : vector<128x128xf32>
    %eq3A_2376 = arith.constant 17 : i32
    %eq3A_2377 = vector.broadcast %eq3A_2376 : i32 to vector<128x128xi32>
    %eq3A_2378 = arith.cmpi eq, %get3A_2199, %eq3A_2377 : vector<128x128xi32>
    %get3A_2379 = arith.constant 17 : index
    %get3A_2380 = arith.constant 0 : index
    %get3A_2381 = memref.load %arg7[%get3A_2379, %get3A_2380] : memref<19x1xf32, #tpu.memory_space<smem>>
    %jit3A_2382 = arith.constant 0.000000e+00 : f32
    %broadcast_in_dim3A_2383 = vector.broadcast %get3A_2381 : f32 to vector<128x128xf32>
    %broadcast_in_dim3A_2384 = vector.broadcast %jit3A_2382 : f32 to vector<128x128xf32>
    %select_n3A_2385 = arith.select %eq3A_2378, %broadcast_in_dim3A_2383, %broadcast_in_dim3A_2384 : vector<128x128xi1>, vector<128x128xf32>
    %add3A_2386 = arith.addf %add3A_2375, %select_n3A_2385 : vector<128x128xf32>
    %eq3A_2387 = arith.constant 18 : i32
    %eq3A_2388 = vector.broadcast %eq3A_2387 : i32 to vector<128x128xi32>
    %eq3A_2389 = arith.cmpi eq, %get3A_2199, %eq3A_2388 : vector<128x128xi32>
    %get3A_2390 = arith.constant 18 : index
    %get3A_2391 = arith.constant 0 : index
    %get3A_2392 = memref.load %arg7[%get3A_2390, %get3A_2391] : memref<19x1xf32, #tpu.memory_space<smem>>
    %jit3A_2393 = arith.constant 0.000000e+00 : f32
    %broadcast_in_dim3A_2394 = vector.broadcast %get3A_2392 : f32 to vector<128x128xf32>
    %broadcast_in_dim3A_2395 = vector.broadcast %jit3A_2393 : f32 to vector<128x128xf32>
    %select_n3A_2396 = arith.select %eq3A_2389, %broadcast_in_dim3A_2394, %broadcast_in_dim3A_2395 : vector<128x128xi1>, vector<128x128xf32>
    %add3A_2397 = arith.addf %add3A_2386, %select_n3A_2396 : vector<128x128xf32>
    %get3A_2398 = arith.constant 10 : index
    %get3A_2399 = arith.constant 0 : index
    %get3A_2400 = arith.constant 0 : index
    %get3A_2401 = vector.load %arg3[%get3A_2398, %get3A_2399, %get3A_2400] : memref<20x128x128xi32, #tpu.memory_space<vmem>>, vector<1x128x128xi32>
    %get3A_2402 = vector.shape_cast %get3A_2401 : vector<1x128x128xi32> to vector<128x128xi32>
    %eq3A_2403 = arith.constant 1 : i32
    %eq3A_2404 = vector.broadcast %eq3A_2403 : i32 to vector<128x128xi32>
    %eq3A_2405 = arith.cmpi eq, %get3A_2402, %eq3A_2404 : vector<128x128xi32>
    %get3A_2406 = arith.constant 1 : index
    %get3A_2407 = arith.constant 0 : index
    %get3A_2408 = memref.load %arg7[%get3A_2406, %get3A_2407] : memref<19x1xf32, #tpu.memory_space<smem>>
    %jit3A_2409 = arith.constant 0.000000e+00 : f32
    %broadcast_in_dim3A_2410 = vector.broadcast %get3A_2408 : f32 to vector<128x128xf32>
    %broadcast_in_dim3A_2411 = vector.broadcast %jit3A_2409 : f32 to vector<128x128xf32>
    %select_n3A_2412 = arith.select %eq3A_2405, %broadcast_in_dim3A_2410, %broadcast_in_dim3A_2411 : vector<128x128xi1>, vector<128x128xf32>
    %add3A_2413 = arith.addf %add3A_2397, %select_n3A_2412 : vector<128x128xf32>
    %eq3A_2414 = arith.constant 2 : i32
    %eq3A_2415 = vector.broadcast %eq3A_2414 : i32 to vector<128x128xi32>
    %eq3A_2416 = arith.cmpi eq, %get3A_2402, %eq3A_2415 : vector<128x128xi32>
    %get3A_2417 = arith.constant 2 : index
    %get3A_2418 = arith.constant 0 : index
    %get3A_2419 = memref.load %arg7[%get3A_2417, %get3A_2418] : memref<19x1xf32, #tpu.memory_space<smem>>
    %jit3A_2420 = arith.constant 0.000000e+00 : f32
    %broadcast_in_dim3A_2421 = vector.broadcast %get3A_2419 : f32 to vector<128x128xf32>
    %broadcast_in_dim3A_2422 = vector.broadcast %jit3A_2420 : f32 to vector<128x128xf32>
    %select_n3A_2423 = arith.select %eq3A_2416, %broadcast_in_dim3A_2421, %broadcast_in_dim3A_2422 : vector<128x128xi1>, vector<128x128xf32>
    %add3A_2424 = arith.addf %add3A_2413, %select_n3A_2423 : vector<128x128xf32>
    %eq3A_2425 = arith.constant 3 : i32
    %eq3A_2426 = vector.broadcast %eq3A_2425 : i32 to vector<128x128xi32>
    %eq3A_2427 = arith.cmpi eq, %get3A_2402, %eq3A_2426 : vector<128x128xi32>
    %get3A_2428 = arith.constant 3 : index
    %get3A_2429 = arith.constant 0 : index
    %get3A_2430 = memref.load %arg7[%get3A_2428, %get3A_2429] : memref<19x1xf32, #tpu.memory_space<smem>>
    %jit3A_2431 = arith.constant 0.000000e+00 : f32
    %broadcast_in_dim3A_2432 = vector.broadcast %get3A_2430 : f32 to vector<128x128xf32>
    %broadcast_in_dim3A_2433 = vector.broadcast %jit3A_2431 : f32 to vector<128x128xf32>
    %select_n3A_2434 = arith.select %eq3A_2427, %broadcast_in_dim3A_2432, %broadcast_in_dim3A_2433 : vector<128x128xi1>, vector<128x128xf32>
    %add3A_2435 = arith.addf %add3A_2424, %select_n3A_2434 : vector<128x128xf32>
    %eq3A_2436 = arith.constant 4 : i32
    %eq3A_2437 = vector.broadcast %eq3A_2436 : i32 to vector<128x128xi32>
    %eq3A_2438 = arith.cmpi eq, %get3A_2402, %eq3A_2437 : vector<128x128xi32>
    %get3A_2439 = arith.constant 4 : index
    %get3A_2440 = arith.constant 0 : index
    %get3A_2441 = memref.load %arg7[%get3A_2439, %get3A_2440] : memref<19x1xf32, #tpu.memory_space<smem>>
    %jit3A_2442 = arith.constant 0.000000e+00 : f32
    %broadcast_in_dim3A_2443 = vector.broadcast %get3A_2441 : f32 to vector<128x128xf32>
    %broadcast_in_dim3A_2444 = vector.broadcast %jit3A_2442 : f32 to vector<128x128xf32>
    %select_n3A_2445 = arith.select %eq3A_2438, %broadcast_in_dim3A_2443, %broadcast_in_dim3A_2444 : vector<128x128xi1>, vector<128x128xf32>
    %add3A_2446 = arith.addf %add3A_2435, %select_n3A_2445 : vector<128x128xf32>
    %eq3A_2447 = arith.constant 5 : i32
    %eq3A_2448 = vector.broadcast %eq3A_2447 : i32 to vector<128x128xi32>
    %eq3A_2449 = arith.cmpi eq, %get3A_2402, %eq3A_2448 : vector<128x128xi32>
    %get3A_2450 = arith.constant 5 : index
    %get3A_2451 = arith.constant 0 : index
    %get3A_2452 = memref.load %arg7[%get3A_2450, %get3A_2451] : memref<19x1xf32, #tpu.memory_space<smem>>
    %jit3A_2453 = arith.constant 0.000000e+00 : f32
    %broadcast_in_dim3A_2454 = vector.broadcast %get3A_2452 : f32 to vector<128x128xf32>
    %broadcast_in_dim3A_2455 = vector.broadcast %jit3A_2453 : f32 to vector<128x128xf32>
    %select_n3A_2456 = arith.select %eq3A_2449, %broadcast_in_dim3A_2454, %broadcast_in_dim3A_2455 : vector<128x128xi1>, vector<128x128xf32>
    %add3A_2457 = arith.addf %add3A_2446, %select_n3A_2456 : vector<128x128xf32>
    %eq3A_2458 = arith.constant 6 : i32
    %eq3A_2459 = vector.broadcast %eq3A_2458 : i32 to vector<128x128xi32>
    %eq3A_2460 = arith.cmpi eq, %get3A_2402, %eq3A_2459 : vector<128x128xi32>
    %get3A_2461 = arith.constant 6 : index
    %get3A_2462 = arith.constant 0 : index
    %get3A_2463 = memref.load %arg7[%get3A_2461, %get3A_2462] : memref<19x1xf32, #tpu.memory_space<smem>>
    %jit3A_2464 = arith.constant 0.000000e+00 : f32
    %broadcast_in_dim3A_2465 = vector.broadcast %get3A_2463 : f32 to vector<128x128xf32>
    %broadcast_in_dim3A_2466 = vector.broadcast %jit3A_2464 : f32 to vector<128x128xf32>
    %select_n3A_2467 = arith.select %eq3A_2460, %broadcast_in_dim3A_2465, %broadcast_in_dim3A_2466 : vector<128x128xi1>, vector<128x128xf32>
    %add3A_2468 = arith.addf %add3A_2457, %select_n3A_2467 : vector<128x128xf32>
    %eq3A_2469 = arith.constant 7 : i32
    %eq3A_2470 = vector.broadcast %eq3A_2469 : i32 to vector<128x128xi32>
    %eq3A_2471 = arith.cmpi eq, %get3A_2402, %eq3A_2470 : vector<128x128xi32>
    %get3A_2472 = arith.constant 7 : index
    %get3A_2473 = arith.constant 0 : index
    %get3A_2474 = memref.load %arg7[%get3A_2472, %get3A_2473] : memref<19x1xf32, #tpu.memory_space<smem>>
    %jit3A_2475 = arith.constant 0.000000e+00 : f32
    %broadcast_in_dim3A_2476 = vector.broadcast %get3A_2474 : f32 to vector<128x128xf32>
    %broadcast_in_dim3A_2477 = vector.broadcast %jit3A_2475 : f32 to vector<128x128xf32>
    %select_n3A_2478 = arith.select %eq3A_2471, %broadcast_in_dim3A_2476, %broadcast_in_dim3A_2477 : vector<128x128xi1>, vector<128x128xf32>
    %add3A_2479 = arith.addf %add3A_2468, %select_n3A_2478 : vector<128x128xf32>
    %eq3A_2480 = arith.constant 8 : i32
    %eq3A_2481 = vector.broadcast %eq3A_2480 : i32 to vector<128x128xi32>
    %eq3A_2482 = arith.cmpi eq, %get3A_2402, %eq3A_2481 : vector<128x128xi32>
    %get3A_2483 = arith.constant 8 : index
    %get3A_2484 = arith.constant 0 : index
    %get3A_2485 = memref.load %arg7[%get3A_2483, %get3A_2484] : memref<19x1xf32, #tpu.memory_space<smem>>
    %jit3A_2486 = arith.constant 0.000000e+00 : f32
    %broadcast_in_dim3A_2487 = vector.broadcast %get3A_2485 : f32 to vector<128x128xf32>
    %broadcast_in_dim3A_2488 = vector.broadcast %jit3A_2486 : f32 to vector<128x128xf32>
    %select_n3A_2489 = arith.select %eq3A_2482, %broadcast_in_dim3A_2487, %broadcast_in_dim3A_2488 : vector<128x128xi1>, vector<128x128xf32>
    %add3A_2490 = arith.addf %add3A_2479, %select_n3A_2489 : vector<128x128xf32>
    %eq3A_2491 = arith.constant 9 : i32
    %eq3A_2492 = vector.broadcast %eq3A_2491 : i32 to vector<128x128xi32>
    %eq3A_2493 = arith.cmpi eq, %get3A_2402, %eq3A_2492 : vector<128x128xi32>
    %get3A_2494 = arith.constant 9 : index
    %get3A_2495 = arith.constant 0 : index
    %get3A_2496 = memref.load %arg7[%get3A_2494, %get3A_2495] : memref<19x1xf32, #tpu.memory_space<smem>>
    %jit3A_2497 = arith.constant 0.000000e+00 : f32
    %broadcast_in_dim3A_2498 = vector.broadcast %get3A_2496 : f32 to vector<128x128xf32>
    %broadcast_in_dim3A_2499 = vector.broadcast %jit3A_2497 : f32 to vector<128x128xf32>
    %select_n3A_2500 = arith.select %eq3A_2493, %broadcast_in_dim3A_2498, %broadcast_in_dim3A_2499 : vector<128x128xi1>, vector<128x128xf32>
    %add3A_2501 = arith.addf %add3A_2490, %select_n3A_2500 : vector<128x128xf32>
    %eq3A_2502 = arith.constant 10 : i32
    %eq3A_2503 = vector.broadcast %eq3A_2502 : i32 to vector<128x128xi32>
    %eq3A_2504 = arith.cmpi eq, %get3A_2402, %eq3A_2503 : vector<128x128xi32>
    %get3A_2505 = arith.constant 10 : index
    %get3A_2506 = arith.constant 0 : index
    %get3A_2507 = memref.load %arg7[%get3A_2505, %get3A_2506] : memref<19x1xf32, #tpu.memory_space<smem>>
    %jit3A_2508 = arith.constant 0.000000e+00 : f32
    %broadcast_in_dim3A_2509 = vector.broadcast %get3A_2507 : f32 to vector<128x128xf32>
    %broadcast_in_dim3A_2510 = vector.broadcast %jit3A_2508 : f32 to vector<128x128xf32>
    %select_n3A_2511 = arith.select %eq3A_2504, %broadcast_in_dim3A_2509, %broadcast_in_dim3A_2510 : vector<128x128xi1>, vector<128x128xf32>
    %add3A_2512 = arith.addf %add3A_2501, %select_n3A_2511 : vector<128x128xf32>
    %eq3A_2513 = arith.constant 11 : i32
    %eq3A_2514 = vector.broadcast %eq3A_2513 : i32 to vector<128x128xi32>
    %eq3A_2515 = arith.cmpi eq, %get3A_2402, %eq3A_2514 : vector<128x128xi32>
    %get3A_2516 = arith.constant 11 : index
    %get3A_2517 = arith.constant 0 : index
    %get3A_2518 = memref.load %arg7[%get3A_2516, %get3A_2517] : memref<19x1xf32, #tpu.memory_space<smem>>
    %jit3A_2519 = arith.constant 0.000000e+00 : f32
    %broadcast_in_dim3A_2520 = vector.broadcast %get3A_2518 : f32 to vector<128x128xf32>
    %broadcast_in_dim3A_2521 = vector.broadcast %jit3A_2519 : f32 to vector<128x128xf32>
    %select_n3A_2522 = arith.select %eq3A_2515, %broadcast_in_dim3A_2520, %broadcast_in_dim3A_2521 : vector<128x128xi1>, vector<128x128xf32>
    %add3A_2523 = arith.addf %add3A_2512, %select_n3A_2522 : vector<128x128xf32>
    %eq3A_2524 = arith.constant 12 : i32
    %eq3A_2525 = vector.broadcast %eq3A_2524 : i32 to vector<128x128xi32>
    %eq3A_2526 = arith.cmpi eq, %get3A_2402, %eq3A_2525 : vector<128x128xi32>
    %get3A_2527 = arith.constant 12 : index
    %get3A_2528 = arith.constant 0 : index
    %get3A_2529 = memref.load %arg7[%get3A_2527, %get3A_2528] : memref<19x1xf32, #tpu.memory_space<smem>>
    %jit3A_2530 = arith.constant 0.000000e+00 : f32
    %broadcast_in_dim3A_2531 = vector.broadcast %get3A_2529 : f32 to vector<128x128xf32>
    %broadcast_in_dim3A_2532 = vector.broadcast %jit3A_2530 : f32 to vector<128x128xf32>
    %select_n3A_2533 = arith.select %eq3A_2526, %broadcast_in_dim3A_2531, %broadcast_in_dim3A_2532 : vector<128x128xi1>, vector<128x128xf32>
    %add3A_2534 = arith.addf %add3A_2523, %select_n3A_2533 : vector<128x128xf32>
    %eq3A_2535 = arith.constant 13 : i32
    %eq3A_2536 = vector.broadcast %eq3A_2535 : i32 to vector<128x128xi32>
    %eq3A_2537 = arith.cmpi eq, %get3A_2402, %eq3A_2536 : vector<128x128xi32>
    %get3A_2538 = arith.constant 13 : index
    %get3A_2539 = arith.constant 0 : index
    %get3A_2540 = memref.load %arg7[%get3A_2538, %get3A_2539] : memref<19x1xf32, #tpu.memory_space<smem>>
    %jit3A_2541 = arith.constant 0.000000e+00 : f32
    %broadcast_in_dim3A_2542 = vector.broadcast %get3A_2540 : f32 to vector<128x128xf32>
    %broadcast_in_dim3A_2543 = vector.broadcast %jit3A_2541 : f32 to vector<128x128xf32>
    %select_n3A_2544 = arith.select %eq3A_2537, %broadcast_in_dim3A_2542, %broadcast_in_dim3A_2543 : vector<128x128xi1>, vector<128x128xf32>
    %add3A_2545 = arith.addf %add3A_2534, %select_n3A_2544 : vector<128x128xf32>
    %eq3A_2546 = arith.constant 14 : i32
    %eq3A_2547 = vector.broadcast %eq3A_2546 : i32 to vector<128x128xi32>
    %eq3A_2548 = arith.cmpi eq, %get3A_2402, %eq3A_2547 : vector<128x128xi32>
    %get3A_2549 = arith.constant 14 : index
    %get3A_2550 = arith.constant 0 : index
    %get3A_2551 = memref.load %arg7[%get3A_2549, %get3A_2550] : memref<19x1xf32, #tpu.memory_space<smem>>
    %jit3A_2552 = arith.constant 0.000000e+00 : f32
    %broadcast_in_dim3A_2553 = vector.broadcast %get3A_2551 : f32 to vector<128x128xf32>
    %broadcast_in_dim3A_2554 = vector.broadcast %jit3A_2552 : f32 to vector<128x128xf32>
    %select_n3A_2555 = arith.select %eq3A_2548, %broadcast_in_dim3A_2553, %broadcast_in_dim3A_2554 : vector<128x128xi1>, vector<128x128xf32>
    %add3A_2556 = arith.addf %add3A_2545, %select_n3A_2555 : vector<128x128xf32>
    %eq3A_2557 = arith.constant 15 : i32
    %eq3A_2558 = vector.broadcast %eq3A_2557 : i32 to vector<128x128xi32>
    %eq3A_2559 = arith.cmpi eq, %get3A_2402, %eq3A_2558 : vector<128x128xi32>
    %get3A_2560 = arith.constant 15 : index
    %get3A_2561 = arith.constant 0 : index
    %get3A_2562 = memref.load %arg7[%get3A_2560, %get3A_2561] : memref<19x1xf32, #tpu.memory_space<smem>>
    %jit3A_2563 = arith.constant 0.000000e+00 : f32
    %broadcast_in_dim3A_2564 = vector.broadcast %get3A_2562 : f32 to vector<128x128xf32>
    %broadcast_in_dim3A_2565 = vector.broadcast %jit3A_2563 : f32 to vector<128x128xf32>
    %select_n3A_2566 = arith.select %eq3A_2559, %broadcast_in_dim3A_2564, %broadcast_in_dim3A_2565 : vector<128x128xi1>, vector<128x128xf32>
    %add3A_2567 = arith.addf %add3A_2556, %select_n3A_2566 : vector<128x128xf32>
    %eq3A_2568 = arith.constant 16 : i32
    %eq3A_2569 = vector.broadcast %eq3A_2568 : i32 to vector<128x128xi32>
    %eq3A_2570 = arith.cmpi eq, %get3A_2402, %eq3A_2569 : vector<128x128xi32>
    %get3A_2571 = arith.constant 16 : index
    %get3A_2572 = arith.constant 0 : index
    %get3A_2573 = memref.load %arg7[%get3A_2571, %get3A_2572] : memref<19x1xf32, #tpu.memory_space<smem>>
    %jit3A_2574 = arith.constant 0.000000e+00 : f32
    %broadcast_in_dim3A_2575 = vector.broadcast %get3A_2573 : f32 to vector<128x128xf32>
    %broadcast_in_dim3A_2576 = vector.broadcast %jit3A_2574 : f32 to vector<128x128xf32>
    %select_n3A_2577 = arith.select %eq3A_2570, %broadcast_in_dim3A_2575, %broadcast_in_dim3A_2576 : vector<128x128xi1>, vector<128x128xf32>
    %add3A_2578 = arith.addf %add3A_2567, %select_n3A_2577 : vector<128x128xf32>
    %eq3A_2579 = arith.constant 17 : i32
    %eq3A_2580 = vector.broadcast %eq3A_2579 : i32 to vector<128x128xi32>
    %eq3A_2581 = arith.cmpi eq, %get3A_2402, %eq3A_2580 : vector<128x128xi32>
    %get3A_2582 = arith.constant 17 : index
    %get3A_2583 = arith.constant 0 : index
    %get3A_2584 = memref.load %arg7[%get3A_2582, %get3A_2583] : memref<19x1xf32, #tpu.memory_space<smem>>
    %jit3A_2585 = arith.constant 0.000000e+00 : f32
    %broadcast_in_dim3A_2586 = vector.broadcast %get3A_2584 : f32 to vector<128x128xf32>
    %broadcast_in_dim3A_2587 = vector.broadcast %jit3A_2585 : f32 to vector<128x128xf32>
    %select_n3A_2588 = arith.select %eq3A_2581, %broadcast_in_dim3A_2586, %broadcast_in_dim3A_2587 : vector<128x128xi1>, vector<128x128xf32>
    %add3A_2589 = arith.addf %add3A_2578, %select_n3A_2588 : vector<128x128xf32>
    %eq3A_2590 = arith.constant 18 : i32
    %eq3A_2591 = vector.broadcast %eq3A_2590 : i32 to vector<128x128xi32>
    %eq3A_2592 = arith.cmpi eq, %get3A_2402, %eq3A_2591 : vector<128x128xi32>
    %get3A_2593 = arith.constant 18 : index
    %get3A_2594 = arith.constant 0 : index
    %get3A_2595 = memref.load %arg7[%get3A_2593, %get3A_2594] : memref<19x1xf32, #tpu.memory_space<smem>>
    %jit3A_2596 = arith.constant 0.000000e+00 : f32
    %broadcast_in_dim3A_2597 = vector.broadcast %get3A_2595 : f32 to vector<128x128xf32>
    %broadcast_in_dim3A_2598 = vector.broadcast %jit3A_2596 : f32 to vector<128x128xf32>
    %select_n3A_2599 = arith.select %eq3A_2592, %broadcast_in_dim3A_2597, %broadcast_in_dim3A_2598 : vector<128x128xi1>, vector<128x128xf32>
    %add3A_2600 = arith.addf %add3A_2589, %select_n3A_2599 : vector<128x128xf32>
    %get3A_2601 = arith.constant 11 : index
    %get3A_2602 = arith.constant 0 : index
    %get3A_2603 = arith.constant 0 : index
    %get3A_2604 = vector.load %arg3[%get3A_2601, %get3A_2602, %get3A_2603] : memref<20x128x128xi32, #tpu.memory_space<vmem>>, vector<1x128x128xi32>
    %get3A_2605 = vector.shape_cast %get3A_2604 : vector<1x128x128xi32> to vector<128x128xi32>
    %eq3A_2606 = arith.constant 1 : i32
    %eq3A_2607 = vector.broadcast %eq3A_2606 : i32 to vector<128x128xi32>
    %eq3A_2608 = arith.cmpi eq, %get3A_2605, %eq3A_2607 : vector<128x128xi32>
    %get3A_2609 = arith.constant 1 : index
    %get3A_2610 = arith.constant 0 : index
    %get3A_2611 = memref.load %arg7[%get3A_2609, %get3A_2610] : memref<19x1xf32, #tpu.memory_space<smem>>
    %jit3A_2612 = arith.constant 0.000000e+00 : f32
    %broadcast_in_dim3A_2613 = vector.broadcast %get3A_2611 : f32 to vector<128x128xf32>
    %broadcast_in_dim3A_2614 = vector.broadcast %jit3A_2612 : f32 to vector<128x128xf32>
    %select_n3A_2615 = arith.select %eq3A_2608, %broadcast_in_dim3A_2613, %broadcast_in_dim3A_2614 : vector<128x128xi1>, vector<128x128xf32>
    %add3A_2616 = arith.addf %add3A_2600, %select_n3A_2615 : vector<128x128xf32>
    %eq3A_2617 = arith.constant 2 : i32
    %eq3A_2618 = vector.broadcast %eq3A_2617 : i32 to vector<128x128xi32>
    %eq3A_2619 = arith.cmpi eq, %get3A_2605, %eq3A_2618 : vector<128x128xi32>
    %get3A_2620 = arith.constant 2 : index
    %get3A_2621 = arith.constant 0 : index
    %get3A_2622 = memref.load %arg7[%get3A_2620, %get3A_2621] : memref<19x1xf32, #tpu.memory_space<smem>>
    %jit3A_2623 = arith.constant 0.000000e+00 : f32
    %broadcast_in_dim3A_2624 = vector.broadcast %get3A_2622 : f32 to vector<128x128xf32>
    %broadcast_in_dim3A_2625 = vector.broadcast %jit3A_2623 : f32 to vector<128x128xf32>
    %select_n3A_2626 = arith.select %eq3A_2619, %broadcast_in_dim3A_2624, %broadcast_in_dim3A_2625 : vector<128x128xi1>, vector<128x128xf32>
    %add3A_2627 = arith.addf %add3A_2616, %select_n3A_2626 : vector<128x128xf32>
    %eq3A_2628 = arith.constant 3 : i32
    %eq3A_2629 = vector.broadcast %eq3A_2628 : i32 to vector<128x128xi32>
    %eq3A_2630 = arith.cmpi eq, %get3A_2605, %eq3A_2629 : vector<128x128xi32>
    %get3A_2631 = arith.constant 3 : index
    %get3A_2632 = arith.constant 0 : index
    %get3A_2633 = memref.load %arg7[%get3A_2631, %get3A_2632] : memref<19x1xf32, #tpu.memory_space<smem>>
    %jit3A_2634 = arith.constant 0.000000e+00 : f32
    %broadcast_in_dim3A_2635 = vector.broadcast %get3A_2633 : f32 to vector<128x128xf32>
    %broadcast_in_dim3A_2636 = vector.broadcast %jit3A_2634 : f32 to vector<128x128xf32>
    %select_n3A_2637 = arith.select %eq3A_2630, %broadcast_in_dim3A_2635, %broadcast_in_dim3A_2636 : vector<128x128xi1>, vector<128x128xf32>
    %add3A_2638 = arith.addf %add3A_2627, %select_n3A_2637 : vector<128x128xf32>
    %eq3A_2639 = arith.constant 4 : i32
    %eq3A_2640 = vector.broadcast %eq3A_2639 : i32 to vector<128x128xi32>
    %eq3A_2641 = arith.cmpi eq, %get3A_2605, %eq3A_2640 : vector<128x128xi32>
    %get3A_2642 = arith.constant 4 : index
    %get3A_2643 = arith.constant 0 : index
    %get3A_2644 = memref.load %arg7[%get3A_2642, %get3A_2643] : memref<19x1xf32, #tpu.memory_space<smem>>
    %jit3A_2645 = arith.constant 0.000000e+00 : f32
    %broadcast_in_dim3A_2646 = vector.broadcast %get3A_2644 : f32 to vector<128x128xf32>
    %broadcast_in_dim3A_2647 = vector.broadcast %jit3A_2645 : f32 to vector<128x128xf32>
    %select_n3A_2648 = arith.select %eq3A_2641, %broadcast_in_dim3A_2646, %broadcast_in_dim3A_2647 : vector<128x128xi1>, vector<128x128xf32>
    %add3A_2649 = arith.addf %add3A_2638, %select_n3A_2648 : vector<128x128xf32>
    %eq3A_2650 = arith.constant 5 : i32
    %eq3A_2651 = vector.broadcast %eq3A_2650 : i32 to vector<128x128xi32>
    %eq3A_2652 = arith.cmpi eq, %get3A_2605, %eq3A_2651 : vector<128x128xi32>
    %get3A_2653 = arith.constant 5 : index
    %get3A_2654 = arith.constant 0 : index
    %get3A_2655 = memref.load %arg7[%get3A_2653, %get3A_2654] : memref<19x1xf32, #tpu.memory_space<smem>>
    %jit3A_2656 = arith.constant 0.000000e+00 : f32
    %broadcast_in_dim3A_2657 = vector.broadcast %get3A_2655 : f32 to vector<128x128xf32>
    %broadcast_in_dim3A_2658 = vector.broadcast %jit3A_2656 : f32 to vector<128x128xf32>
    %select_n3A_2659 = arith.select %eq3A_2652, %broadcast_in_dim3A_2657, %broadcast_in_dim3A_2658 : vector<128x128xi1>, vector<128x128xf32>
    %add3A_2660 = arith.addf %add3A_2649, %select_n3A_2659 : vector<128x128xf32>
    %eq3A_2661 = arith.constant 6 : i32
    %eq3A_2662 = vector.broadcast %eq3A_2661 : i32 to vector<128x128xi32>
    %eq3A_2663 = arith.cmpi eq, %get3A_2605, %eq3A_2662 : vector<128x128xi32>
    %get3A_2664 = arith.constant 6 : index
    %get3A_2665 = arith.constant 0 : index
    %get3A_2666 = memref.load %arg7[%get3A_2664, %get3A_2665] : memref<19x1xf32, #tpu.memory_space<smem>>
    %jit3A_2667 = arith.constant 0.000000e+00 : f32
    %broadcast_in_dim3A_2668 = vector.broadcast %get3A_2666 : f32 to vector<128x128xf32>
    %broadcast_in_dim3A_2669 = vector.broadcast %jit3A_2667 : f32 to vector<128x128xf32>
    %select_n3A_2670 = arith.select %eq3A_2663, %broadcast_in_dim3A_2668, %broadcast_in_dim3A_2669 : vector<128x128xi1>, vector<128x128xf32>
    %add3A_2671 = arith.addf %add3A_2660, %select_n3A_2670 : vector<128x128xf32>
    %eq3A_2672 = arith.constant 7 : i32
    %eq3A_2673 = vector.broadcast %eq3A_2672 : i32 to vector<128x128xi32>
    %eq3A_2674 = arith.cmpi eq, %get3A_2605, %eq3A_2673 : vector<128x128xi32>
    %get3A_2675 = arith.constant 7 : index
    %get3A_2676 = arith.constant 0 : index
    %get3A_2677 = memref.load %arg7[%get3A_2675, %get3A_2676] : memref<19x1xf32, #tpu.memory_space<smem>>
    %jit3A_2678 = arith.constant 0.000000e+00 : f32
    %broadcast_in_dim3A_2679 = vector.broadcast %get3A_2677 : f32 to vector<128x128xf32>
    %broadcast_in_dim3A_2680 = vector.broadcast %jit3A_2678 : f32 to vector<128x128xf32>
    %select_n3A_2681 = arith.select %eq3A_2674, %broadcast_in_dim3A_2679, %broadcast_in_dim3A_2680 : vector<128x128xi1>, vector<128x128xf32>
    %add3A_2682 = arith.addf %add3A_2671, %select_n3A_2681 : vector<128x128xf32>
    %eq3A_2683 = arith.constant 8 : i32
    %eq3A_2684 = vector.broadcast %eq3A_2683 : i32 to vector<128x128xi32>
    %eq3A_2685 = arith.cmpi eq, %get3A_2605, %eq3A_2684 : vector<128x128xi32>
    %get3A_2686 = arith.constant 8 : index
    %get3A_2687 = arith.constant 0 : index
    %get3A_2688 = memref.load %arg7[%get3A_2686, %get3A_2687] : memref<19x1xf32, #tpu.memory_space<smem>>
    %jit3A_2689 = arith.constant 0.000000e+00 : f32
    %broadcast_in_dim3A_2690 = vector.broadcast %get3A_2688 : f32 to vector<128x128xf32>
    %broadcast_in_dim3A_2691 = vector.broadcast %jit3A_2689 : f32 to vector<128x128xf32>
    %select_n3A_2692 = arith.select %eq3A_2685, %broadcast_in_dim3A_2690, %broadcast_in_dim3A_2691 : vector<128x128xi1>, vector<128x128xf32>
    %add3A_2693 = arith.addf %add3A_2682, %select_n3A_2692 : vector<128x128xf32>
    %eq3A_2694 = arith.constant 9 : i32
    %eq3A_2695 = vector.broadcast %eq3A_2694 : i32 to vector<128x128xi32>
    %eq3A_2696 = arith.cmpi eq, %get3A_2605, %eq3A_2695 : vector<128x128xi32>
    %get3A_2697 = arith.constant 9 : index
    %get3A_2698 = arith.constant 0 : index
    %get3A_2699 = memref.load %arg7[%get3A_2697, %get3A_2698] : memref<19x1xf32, #tpu.memory_space<smem>>
    %jit3A_2700 = arith.constant 0.000000e+00 : f32
    %broadcast_in_dim3A_2701 = vector.broadcast %get3A_2699 : f32 to vector<128x128xf32>
    %broadcast_in_dim3A_2702 = vector.broadcast %jit3A_2700 : f32 to vector<128x128xf32>
    %select_n3A_2703 = arith.select %eq3A_2696, %broadcast_in_dim3A_2701, %broadcast_in_dim3A_2702 : vector<128x128xi1>, vector<128x128xf32>
    %add3A_2704 = arith.addf %add3A_2693, %select_n3A_2703 : vector<128x128xf32>
    %eq3A_2705 = arith.constant 10 : i32
    %eq3A_2706 = vector.broadcast %eq3A_2705 : i32 to vector<128x128xi32>
    %eq3A_2707 = arith.cmpi eq, %get3A_2605, %eq3A_2706 : vector<128x128xi32>
    %get3A_2708 = arith.constant 10 : index
    %get3A_2709 = arith.constant 0 : index
    %get3A_2710 = memref.load %arg7[%get3A_2708, %get3A_2709] : memref<19x1xf32, #tpu.memory_space<smem>>
    %jit3A_2711 = arith.constant 0.000000e+00 : f32
    %broadcast_in_dim3A_2712 = vector.broadcast %get3A_2710 : f32 to vector<128x128xf32>
    %broadcast_in_dim3A_2713 = vector.broadcast %jit3A_2711 : f32 to vector<128x128xf32>
    %select_n3A_2714 = arith.select %eq3A_2707, %broadcast_in_dim3A_2712, %broadcast_in_dim3A_2713 : vector<128x128xi1>, vector<128x128xf32>
    %add3A_2715 = arith.addf %add3A_2704, %select_n3A_2714 : vector<128x128xf32>
    %eq3A_2716 = arith.constant 11 : i32
    %eq3A_2717 = vector.broadcast %eq3A_2716 : i32 to vector<128x128xi32>
    %eq3A_2718 = arith.cmpi eq, %get3A_2605, %eq3A_2717 : vector<128x128xi32>
    %get3A_2719 = arith.constant 11 : index
    %get3A_2720 = arith.constant 0 : index
    %get3A_2721 = memref.load %arg7[%get3A_2719, %get3A_2720] : memref<19x1xf32, #tpu.memory_space<smem>>
    %jit3A_2722 = arith.constant 0.000000e+00 : f32
    %broadcast_in_dim3A_2723 = vector.broadcast %get3A_2721 : f32 to vector<128x128xf32>
    %broadcast_in_dim3A_2724 = vector.broadcast %jit3A_2722 : f32 to vector<128x128xf32>
    %select_n3A_2725 = arith.select %eq3A_2718, %broadcast_in_dim3A_2723, %broadcast_in_dim3A_2724 : vector<128x128xi1>, vector<128x128xf32>
    %add3A_2726 = arith.addf %add3A_2715, %select_n3A_2725 : vector<128x128xf32>
    %eq3A_2727 = arith.constant 12 : i32
    %eq3A_2728 = vector.broadcast %eq3A_2727 : i32 to vector<128x128xi32>
    %eq3A_2729 = arith.cmpi eq, %get3A_2605, %eq3A_2728 : vector<128x128xi32>
    %get3A_2730 = arith.constant 12 : index
    %get3A_2731 = arith.constant 0 : index
    %get3A_2732 = memref.load %arg7[%get3A_2730, %get3A_2731] : memref<19x1xf32, #tpu.memory_space<smem>>
    %jit3A_2733 = arith.constant 0.000000e+00 : f32
    %broadcast_in_dim3A_2734 = vector.broadcast %get3A_2732 : f32 to vector<128x128xf32>
    %broadcast_in_dim3A_2735 = vector.broadcast %jit3A_2733 : f32 to vector<128x128xf32>
    %select_n3A_2736 = arith.select %eq3A_2729, %broadcast_in_dim3A_2734, %broadcast_in_dim3A_2735 : vector<128x128xi1>, vector<128x128xf32>
    %add3A_2737 = arith.addf %add3A_2726, %select_n3A_2736 : vector<128x128xf32>
    %eq3A_2738 = arith.constant 13 : i32
    %eq3A_2739 = vector.broadcast %eq3A_2738 : i32 to vector<128x128xi32>
    %eq3A_2740 = arith.cmpi eq, %get3A_2605, %eq3A_2739 : vector<128x128xi32>
    %get3A_2741 = arith.constant 13 : index
    %get3A_2742 = arith.constant 0 : index
    %get3A_2743 = memref.load %arg7[%get3A_2741, %get3A_2742] : memref<19x1xf32, #tpu.memory_space<smem>>
    %jit3A_2744 = arith.constant 0.000000e+00 : f32
    %broadcast_in_dim3A_2745 = vector.broadcast %get3A_2743 : f32 to vector<128x128xf32>
    %broadcast_in_dim3A_2746 = vector.broadcast %jit3A_2744 : f32 to vector<128x128xf32>
    %select_n3A_2747 = arith.select %eq3A_2740, %broadcast_in_dim3A_2745, %broadcast_in_dim3A_2746 : vector<128x128xi1>, vector<128x128xf32>
    %add3A_2748 = arith.addf %add3A_2737, %select_n3A_2747 : vector<128x128xf32>
    %eq3A_2749 = arith.constant 14 : i32
    %eq3A_2750 = vector.broadcast %eq3A_2749 : i32 to vector<128x128xi32>
    %eq3A_2751 = arith.cmpi eq, %get3A_2605, %eq3A_2750 : vector<128x128xi32>
    %get3A_2752 = arith.constant 14 : index
    %get3A_2753 = arith.constant 0 : index
    %get3A_2754 = memref.load %arg7[%get3A_2752, %get3A_2753] : memref<19x1xf32, #tpu.memory_space<smem>>
    %jit3A_2755 = arith.constant 0.000000e+00 : f32
    %broadcast_in_dim3A_2756 = vector.broadcast %get3A_2754 : f32 to vector<128x128xf32>
    %broadcast_in_dim3A_2757 = vector.broadcast %jit3A_2755 : f32 to vector<128x128xf32>
    %select_n3A_2758 = arith.select %eq3A_2751, %broadcast_in_dim3A_2756, %broadcast_in_dim3A_2757 : vector<128x128xi1>, vector<128x128xf32>
    %add3A_2759 = arith.addf %add3A_2748, %select_n3A_2758 : vector<128x128xf32>
    %eq3A_2760 = arith.constant 15 : i32
    %eq3A_2761 = vector.broadcast %eq3A_2760 : i32 to vector<128x128xi32>
    %eq3A_2762 = arith.cmpi eq, %get3A_2605, %eq3A_2761 : vector<128x128xi32>
    %get3A_2763 = arith.constant 15 : index
    %get3A_2764 = arith.constant 0 : index
    %get3A_2765 = memref.load %arg7[%get3A_2763, %get3A_2764] : memref<19x1xf32, #tpu.memory_space<smem>>
    %jit3A_2766 = arith.constant 0.000000e+00 : f32
    %broadcast_in_dim3A_2767 = vector.broadcast %get3A_2765 : f32 to vector<128x128xf32>
    %broadcast_in_dim3A_2768 = vector.broadcast %jit3A_2766 : f32 to vector<128x128xf32>
    %select_n3A_2769 = arith.select %eq3A_2762, %broadcast_in_dim3A_2767, %broadcast_in_dim3A_2768 : vector<128x128xi1>, vector<128x128xf32>
    %add3A_2770 = arith.addf %add3A_2759, %select_n3A_2769 : vector<128x128xf32>
    %eq3A_2771 = arith.constant 16 : i32
    %eq3A_2772 = vector.broadcast %eq3A_2771 : i32 to vector<128x128xi32>
    %eq3A_2773 = arith.cmpi eq, %get3A_2605, %eq3A_2772 : vector<128x128xi32>
    %get3A_2774 = arith.constant 16 : index
    %get3A_2775 = arith.constant 0 : index
    %get3A_2776 = memref.load %arg7[%get3A_2774, %get3A_2775] : memref<19x1xf32, #tpu.memory_space<smem>>
    %jit3A_2777 = arith.constant 0.000000e+00 : f32
    %broadcast_in_dim3A_2778 = vector.broadcast %get3A_2776 : f32 to vector<128x128xf32>
    %broadcast_in_dim3A_2779 = vector.broadcast %jit3A_2777 : f32 to vector<128x128xf32>
    %select_n3A_2780 = arith.select %eq3A_2773, %broadcast_in_dim3A_2778, %broadcast_in_dim3A_2779 : vector<128x128xi1>, vector<128x128xf32>
    %add3A_2781 = arith.addf %add3A_2770, %select_n3A_2780 : vector<128x128xf32>
    %eq3A_2782 = arith.constant 17 : i32
    %eq3A_2783 = vector.broadcast %eq3A_2782 : i32 to vector<128x128xi32>
    %eq3A_2784 = arith.cmpi eq, %get3A_2605, %eq3A_2783 : vector<128x128xi32>
    %get3A_2785 = arith.constant 17 : index
    %get3A_2786 = arith.constant 0 : index
    %get3A_2787 = memref.load %arg7[%get3A_2785, %get3A_2786] : memref<19x1xf32, #tpu.memory_space<smem>>
    %jit3A_2788 = arith.constant 0.000000e+00 : f32
    %broadcast_in_dim3A_2789 = vector.broadcast %get3A_2787 : f32 to vector<128x128xf32>
    %broadcast_in_dim3A_2790 = vector.broadcast %jit3A_2788 : f32 to vector<128x128xf32>
    %select_n3A_2791 = arith.select %eq3A_2784, %broadcast_in_dim3A_2789, %broadcast_in_dim3A_2790 : vector<128x128xi1>, vector<128x128xf32>
    %add3A_2792 = arith.addf %add3A_2781, %select_n3A_2791 : vector<128x128xf32>
    %eq3A_2793 = arith.constant 18 : i32
    %eq3A_2794 = vector.broadcast %eq3A_2793 : i32 to vector<128x128xi32>
    %eq3A_2795 = arith.cmpi eq, %get3A_2605, %eq3A_2794 : vector<128x128xi32>
    %get3A_2796 = arith.constant 18 : index
    %get3A_2797 = arith.constant 0 : index
    %get3A_2798 = memref.load %arg7[%get3A_2796, %get3A_2797] : memref<19x1xf32, #tpu.memory_space<smem>>
    %jit3A_2799 = arith.constant 0.000000e+00 : f32
    %broadcast_in_dim3A_2800 = vector.broadcast %get3A_2798 : f32 to vector<128x128xf32>
    %broadcast_in_dim3A_2801 = vector.broadcast %jit3A_2799 : f32 to vector<128x128xf32>
    %select_n3A_2802 = arith.select %eq3A_2795, %broadcast_in_dim3A_2800, %broadcast_in_dim3A_2801 : vector<128x128xi1>, vector<128x128xf32>
    %add3A_2803 = arith.addf %add3A_2792, %select_n3A_2802 : vector<128x128xf32>
    %get3A_2804 = arith.constant 12 : index
    %get3A_2805 = arith.constant 0 : index
    %get3A_2806 = arith.constant 0 : index
    %get3A_2807 = vector.load %arg3[%get3A_2804, %get3A_2805, %get3A_2806] : memref<20x128x128xi32, #tpu.memory_space<vmem>>, vector<1x128x128xi32>
    %get3A_2808 = vector.shape_cast %get3A_2807 : vector<1x128x128xi32> to vector<128x128xi32>
    %eq3A_2809 = arith.constant 1 : i32
    %eq3A_2810 = vector.broadcast %eq3A_2809 : i32 to vector<128x128xi32>
    %eq3A_2811 = arith.cmpi eq, %get3A_2808, %eq3A_2810 : vector<128x128xi32>
    %get3A_2812 = arith.constant 1 : index
    %get3A_2813 = arith.constant 0 : index
    %get3A_2814 = memref.load %arg7[%get3A_2812, %get3A_2813] : memref<19x1xf32, #tpu.memory_space<smem>>
    %jit3A_2815 = arith.constant 0.000000e+00 : f32
    %broadcast_in_dim3A_2816 = vector.broadcast %get3A_2814 : f32 to vector<128x128xf32>
    %broadcast_in_dim3A_2817 = vector.broadcast %jit3A_2815 : f32 to vector<128x128xf32>
    %select_n3A_2818 = arith.select %eq3A_2811, %broadcast_in_dim3A_2816, %broadcast_in_dim3A_2817 : vector<128x128xi1>, vector<128x128xf32>
    %add3A_2819 = arith.addf %add3A_2803, %select_n3A_2818 : vector<128x128xf32>
    %eq3A_2820 = arith.constant 2 : i32
    %eq3A_2821 = vector.broadcast %eq3A_2820 : i32 to vector<128x128xi32>
    %eq3A_2822 = arith.cmpi eq, %get3A_2808, %eq3A_2821 : vector<128x128xi32>
    %get3A_2823 = arith.constant 2 : index
    %get3A_2824 = arith.constant 0 : index
    %get3A_2825 = memref.load %arg7[%get3A_2823, %get3A_2824] : memref<19x1xf32, #tpu.memory_space<smem>>
    %jit3A_2826 = arith.constant 0.000000e+00 : f32
    %broadcast_in_dim3A_2827 = vector.broadcast %get3A_2825 : f32 to vector<128x128xf32>
    %broadcast_in_dim3A_2828 = vector.broadcast %jit3A_2826 : f32 to vector<128x128xf32>
    %select_n3A_2829 = arith.select %eq3A_2822, %broadcast_in_dim3A_2827, %broadcast_in_dim3A_2828 : vector<128x128xi1>, vector<128x128xf32>
    %add3A_2830 = arith.addf %add3A_2819, %select_n3A_2829 : vector<128x128xf32>
    %eq3A_2831 = arith.constant 3 : i32
    %eq3A_2832 = vector.broadcast %eq3A_2831 : i32 to vector<128x128xi32>
    %eq3A_2833 = arith.cmpi eq, %get3A_2808, %eq3A_2832 : vector<128x128xi32>
    %get3A_2834 = arith.constant 3 : index
    %get3A_2835 = arith.constant 0 : index
    %get3A_2836 = memref.load %arg7[%get3A_2834, %get3A_2835] : memref<19x1xf32, #tpu.memory_space<smem>>
    %jit3A_2837 = arith.constant 0.000000e+00 : f32
    %broadcast_in_dim3A_2838 = vector.broadcast %get3A_2836 : f32 to vector<128x128xf32>
    %broadcast_in_dim3A_2839 = vector.broadcast %jit3A_2837 : f32 to vector<128x128xf32>
    %select_n3A_2840 = arith.select %eq3A_2833, %broadcast_in_dim3A_2838, %broadcast_in_dim3A_2839 : vector<128x128xi1>, vector<128x128xf32>
    %add3A_2841 = arith.addf %add3A_2830, %select_n3A_2840 : vector<128x128xf32>
    %eq3A_2842 = arith.constant 4 : i32
    %eq3A_2843 = vector.broadcast %eq3A_2842 : i32 to vector<128x128xi32>
    %eq3A_2844 = arith.cmpi eq, %get3A_2808, %eq3A_2843 : vector<128x128xi32>
    %get3A_2845 = arith.constant 4 : index
    %get3A_2846 = arith.constant 0 : index
    %get3A_2847 = memref.load %arg7[%get3A_2845, %get3A_2846] : memref<19x1xf32, #tpu.memory_space<smem>>
    %jit3A_2848 = arith.constant 0.000000e+00 : f32
    %broadcast_in_dim3A_2849 = vector.broadcast %get3A_2847 : f32 to vector<128x128xf32>
    %broadcast_in_dim3A_2850 = vector.broadcast %jit3A_2848 : f32 to vector<128x128xf32>
    %select_n3A_2851 = arith.select %eq3A_2844, %broadcast_in_dim3A_2849, %broadcast_in_dim3A_2850 : vector<128x128xi1>, vector<128x128xf32>
    %add3A_2852 = arith.addf %add3A_2841, %select_n3A_2851 : vector<128x128xf32>
    %eq3A_2853 = arith.constant 5 : i32
    %eq3A_2854 = vector.broadcast %eq3A_2853 : i32 to vector<128x128xi32>
    %eq3A_2855 = arith.cmpi eq, %get3A_2808, %eq3A_2854 : vector<128x128xi32>
    %get3A_2856 = arith.constant 5 : index
    %get3A_2857 = arith.constant 0 : index
    %get3A_2858 = memref.load %arg7[%get3A_2856, %get3A_2857] : memref<19x1xf32, #tpu.memory_space<smem>>
    %jit3A_2859 = arith.constant 0.000000e+00 : f32
    %broadcast_in_dim3A_2860 = vector.broadcast %get3A_2858 : f32 to vector<128x128xf32>
    %broadcast_in_dim3A_2861 = vector.broadcast %jit3A_2859 : f32 to vector<128x128xf32>
    %select_n3A_2862 = arith.select %eq3A_2855, %broadcast_in_dim3A_2860, %broadcast_in_dim3A_2861 : vector<128x128xi1>, vector<128x128xf32>
    %add3A_2863 = arith.addf %add3A_2852, %select_n3A_2862 : vector<128x128xf32>
    %eq3A_2864 = arith.constant 6 : i32
    %eq3A_2865 = vector.broadcast %eq3A_2864 : i32 to vector<128x128xi32>
    %eq3A_2866 = arith.cmpi eq, %get3A_2808, %eq3A_2865 : vector<128x128xi32>
    %get3A_2867 = arith.constant 6 : index
    %get3A_2868 = arith.constant 0 : index
    %get3A_2869 = memref.load %arg7[%get3A_2867, %get3A_2868] : memref<19x1xf32, #tpu.memory_space<smem>>
    %jit3A_2870 = arith.constant 0.000000e+00 : f32
    %broadcast_in_dim3A_2871 = vector.broadcast %get3A_2869 : f32 to vector<128x128xf32>
    %broadcast_in_dim3A_2872 = vector.broadcast %jit3A_2870 : f32 to vector<128x128xf32>
    %select_n3A_2873 = arith.select %eq3A_2866, %broadcast_in_dim3A_2871, %broadcast_in_dim3A_2872 : vector<128x128xi1>, vector<128x128xf32>
    %add3A_2874 = arith.addf %add3A_2863, %select_n3A_2873 : vector<128x128xf32>
    %eq3A_2875 = arith.constant 7 : i32
    %eq3A_2876 = vector.broadcast %eq3A_2875 : i32 to vector<128x128xi32>
    %eq3A_2877 = arith.cmpi eq, %get3A_2808, %eq3A_2876 : vector<128x128xi32>
    %get3A_2878 = arith.constant 7 : index
    %get3A_2879 = arith.constant 0 : index
    %get3A_2880 = memref.load %arg7[%get3A_2878, %get3A_2879] : memref<19x1xf32, #tpu.memory_space<smem>>
    %jit3A_2881 = arith.constant 0.000000e+00 : f32
    %broadcast_in_dim3A_2882 = vector.broadcast %get3A_2880 : f32 to vector<128x128xf32>
    %broadcast_in_dim3A_2883 = vector.broadcast %jit3A_2881 : f32 to vector<128x128xf32>
    %select_n3A_2884 = arith.select %eq3A_2877, %broadcast_in_dim3A_2882, %broadcast_in_dim3A_2883 : vector<128x128xi1>, vector<128x128xf32>
    %add3A_2885 = arith.addf %add3A_2874, %select_n3A_2884 : vector<128x128xf32>
    %eq3A_2886 = arith.constant 8 : i32
    %eq3A_2887 = vector.broadcast %eq3A_2886 : i32 to vector<128x128xi32>
    %eq3A_2888 = arith.cmpi eq, %get3A_2808, %eq3A_2887 : vector<128x128xi32>
    %get3A_2889 = arith.constant 8 : index
    %get3A_2890 = arith.constant 0 : index
    %get3A_2891 = memref.load %arg7[%get3A_2889, %get3A_2890] : memref<19x1xf32, #tpu.memory_space<smem>>
    %jit3A_2892 = arith.constant 0.000000e+00 : f32
    %broadcast_in_dim3A_2893 = vector.broadcast %get3A_2891 : f32 to vector<128x128xf32>
    %broadcast_in_dim3A_2894 = vector.broadcast %jit3A_2892 : f32 to vector<128x128xf32>
    %select_n3A_2895 = arith.select %eq3A_2888, %broadcast_in_dim3A_2893, %broadcast_in_dim3A_2894 : vector<128x128xi1>, vector<128x128xf32>
    %add3A_2896 = arith.addf %add3A_2885, %select_n3A_2895 : vector<128x128xf32>
    %eq3A_2897 = arith.constant 9 : i32
    %eq3A_2898 = vector.broadcast %eq3A_2897 : i32 to vector<128x128xi32>
    %eq3A_2899 = arith.cmpi eq, %get3A_2808, %eq3A_2898 : vector<128x128xi32>
    %get3A_2900 = arith.constant 9 : index
    %get3A_2901 = arith.constant 0 : index
    %get3A_2902 = memref.load %arg7[%get3A_2900, %get3A_2901] : memref<19x1xf32, #tpu.memory_space<smem>>
    %jit3A_2903 = arith.constant 0.000000e+00 : f32
    %broadcast_in_dim3A_2904 = vector.broadcast %get3A_2902 : f32 to vector<128x128xf32>
    %broadcast_in_dim3A_2905 = vector.broadcast %jit3A_2903 : f32 to vector<128x128xf32>
    %select_n3A_2906 = arith.select %eq3A_2899, %broadcast_in_dim3A_2904, %broadcast_in_dim3A_2905 : vector<128x128xi1>, vector<128x128xf32>
    %add3A_2907 = arith.addf %add3A_2896, %select_n3A_2906 : vector<128x128xf32>
    %eq3A_2908 = arith.constant 10 : i32
    %eq3A_2909 = vector.broadcast %eq3A_2908 : i32 to vector<128x128xi32>
    %eq3A_2910 = arith.cmpi eq, %get3A_2808, %eq3A_2909 : vector<128x128xi32>
    %get3A_2911 = arith.constant 10 : index
    %get3A_2912 = arith.constant 0 : index
    %get3A_2913 = memref.load %arg7[%get3A_2911, %get3A_2912] : memref<19x1xf32, #tpu.memory_space<smem>>
    %jit3A_2914 = arith.constant 0.000000e+00 : f32
    %broadcast_in_dim3A_2915 = vector.broadcast %get3A_2913 : f32 to vector<128x128xf32>
    %broadcast_in_dim3A_2916 = vector.broadcast %jit3A_2914 : f32 to vector<128x128xf32>
    %select_n3A_2917 = arith.select %eq3A_2910, %broadcast_in_dim3A_2915, %broadcast_in_dim3A_2916 : vector<128x128xi1>, vector<128x128xf32>
    %add3A_2918 = arith.addf %add3A_2907, %select_n3A_2917 : vector<128x128xf32>
    %eq3A_2919 = arith.constant 11 : i32
    %eq3A_2920 = vector.broadcast %eq3A_2919 : i32 to vector<128x128xi32>
    %eq3A_2921 = arith.cmpi eq, %get3A_2808, %eq3A_2920 : vector<128x128xi32>
    %get3A_2922 = arith.constant 11 : index
    %get3A_2923 = arith.constant 0 : index
    %get3A_2924 = memref.load %arg7[%get3A_2922, %get3A_2923] : memref<19x1xf32, #tpu.memory_space<smem>>
    %jit3A_2925 = arith.constant 0.000000e+00 : f32
    %broadcast_in_dim3A_2926 = vector.broadcast %get3A_2924 : f32 to vector<128x128xf32>
    %broadcast_in_dim3A_2927 = vector.broadcast %jit3A_2925 : f32 to vector<128x128xf32>
    %select_n3A_2928 = arith.select %eq3A_2921, %broadcast_in_dim3A_2926, %broadcast_in_dim3A_2927 : vector<128x128xi1>, vector<128x128xf32>
    %add3A_2929 = arith.addf %add3A_2918, %select_n3A_2928 : vector<128x128xf32>
    %eq3A_2930 = arith.constant 12 : i32
    %eq3A_2931 = vector.broadcast %eq3A_2930 : i32 to vector<128x128xi32>
    %eq3A_2932 = arith.cmpi eq, %get3A_2808, %eq3A_2931 : vector<128x128xi32>
    %get3A_2933 = arith.constant 12 : index
    %get3A_2934 = arith.constant 0 : index
    %get3A_2935 = memref.load %arg7[%get3A_2933, %get3A_2934] : memref<19x1xf32, #tpu.memory_space<smem>>
    %jit3A_2936 = arith.constant 0.000000e+00 : f32
    %broadcast_in_dim3A_2937 = vector.broadcast %get3A_2935 : f32 to vector<128x128xf32>
    %broadcast_in_dim3A_2938 = vector.broadcast %jit3A_2936 : f32 to vector<128x128xf32>
    %select_n3A_2939 = arith.select %eq3A_2932, %broadcast_in_dim3A_2937, %broadcast_in_dim3A_2938 : vector<128x128xi1>, vector<128x128xf32>
    %add3A_2940 = arith.addf %add3A_2929, %select_n3A_2939 : vector<128x128xf32>
    %eq3A_2941 = arith.constant 13 : i32
    %eq3A_2942 = vector.broadcast %eq3A_2941 : i32 to vector<128x128xi32>
    %eq3A_2943 = arith.cmpi eq, %get3A_2808, %eq3A_2942 : vector<128x128xi32>
    %get3A_2944 = arith.constant 13 : index
    %get3A_2945 = arith.constant 0 : index
    %get3A_2946 = memref.load %arg7[%get3A_2944, %get3A_2945] : memref<19x1xf32, #tpu.memory_space<smem>>
    %jit3A_2947 = arith.constant 0.000000e+00 : f32
    %broadcast_in_dim3A_2948 = vector.broadcast %get3A_2946 : f32 to vector<128x128xf32>
    %broadcast_in_dim3A_2949 = vector.broadcast %jit3A_2947 : f32 to vector<128x128xf32>
    %select_n3A_2950 = arith.select %eq3A_2943, %broadcast_in_dim3A_2948, %broadcast_in_dim3A_2949 : vector<128x128xi1>, vector<128x128xf32>
    %add3A_2951 = arith.addf %add3A_2940, %select_n3A_2950 : vector<128x128xf32>
    %eq3A_2952 = arith.constant 14 : i32
    %eq3A_2953 = vector.broadcast %eq3A_2952 : i32 to vector<128x128xi32>
    %eq3A_2954 = arith.cmpi eq, %get3A_2808, %eq3A_2953 : vector<128x128xi32>
    %get3A_2955 = arith.constant 14 : index
    %get3A_2956 = arith.constant 0 : index
    %get3A_2957 = memref.load %arg7[%get3A_2955, %get3A_2956] : memref<19x1xf32, #tpu.memory_space<smem>>
    %jit3A_2958 = arith.constant 0.000000e+00 : f32
    %broadcast_in_dim3A_2959 = vector.broadcast %get3A_2957 : f32 to vector<128x128xf32>
    %broadcast_in_dim3A_2960 = vector.broadcast %jit3A_2958 : f32 to vector<128x128xf32>
    %select_n3A_2961 = arith.select %eq3A_2954, %broadcast_in_dim3A_2959, %broadcast_in_dim3A_2960 : vector<128x128xi1>, vector<128x128xf32>
    %add3A_2962 = arith.addf %add3A_2951, %select_n3A_2961 : vector<128x128xf32>
    %eq3A_2963 = arith.constant 15 : i32
    %eq3A_2964 = vector.broadcast %eq3A_2963 : i32 to vector<128x128xi32>
    %eq3A_2965 = arith.cmpi eq, %get3A_2808, %eq3A_2964 : vector<128x128xi32>
    %get3A_2966 = arith.constant 15 : index
    %get3A_2967 = arith.constant 0 : index
    %get3A_2968 = memref.load %arg7[%get3A_2966, %get3A_2967] : memref<19x1xf32, #tpu.memory_space<smem>>
    %jit3A_2969 = arith.constant 0.000000e+00 : f32
    %broadcast_in_dim3A_2970 = vector.broadcast %get3A_2968 : f32 to vector<128x128xf32>
    %broadcast_in_dim3A_2971 = vector.broadcast %jit3A_2969 : f32 to vector<128x128xf32>
    %select_n3A_2972 = arith.select %eq3A_2965, %broadcast_in_dim3A_2970, %broadcast_in_dim3A_2971 : vector<128x128xi1>, vector<128x128xf32>
    %add3A_2973 = arith.addf %add3A_2962, %select_n3A_2972 : vector<128x128xf32>
    %eq3A_2974 = arith.constant 16 : i32
    %eq3A_2975 = vector.broadcast %eq3A_2974 : i32 to vector<128x128xi32>
    %eq3A_2976 = arith.cmpi eq, %get3A_2808, %eq3A_2975 : vector<128x128xi32>
    %get3A_2977 = arith.constant 16 : index
    %get3A_2978 = arith.constant 0 : index
    %get3A_2979 = memref.load %arg7[%get3A_2977, %get3A_2978] : memref<19x1xf32, #tpu.memory_space<smem>>
    %jit3A_2980 = arith.constant 0.000000e+00 : f32
    %broadcast_in_dim3A_2981 = vector.broadcast %get3A_2979 : f32 to vector<128x128xf32>
    %broadcast_in_dim3A_2982 = vector.broadcast %jit3A_2980 : f32 to vector<128x128xf32>
    %select_n3A_2983 = arith.select %eq3A_2976, %broadcast_in_dim3A_2981, %broadcast_in_dim3A_2982 : vector<128x128xi1>, vector<128x128xf32>
    %add3A_2984 = arith.addf %add3A_2973, %select_n3A_2983 : vector<128x128xf32>
    %eq3A_2985 = arith.constant 17 : i32
    %eq3A_2986 = vector.broadcast %eq3A_2985 : i32 to vector<128x128xi32>
    %eq3A_2987 = arith.cmpi eq, %get3A_2808, %eq3A_2986 : vector<128x128xi32>
    %get3A_2988 = arith.constant 17 : index
    %get3A_2989 = arith.constant 0 : index
    %get3A_2990 = memref.load %arg7[%get3A_2988, %get3A_2989] : memref<19x1xf32, #tpu.memory_space<smem>>
    %jit3A_2991 = arith.constant 0.000000e+00 : f32
    %broadcast_in_dim3A_2992 = vector.broadcast %get3A_2990 : f32 to vector<128x128xf32>
    %broadcast_in_dim3A_2993 = vector.broadcast %jit3A_2991 : f32 to vector<128x128xf32>
    %select_n3A_2994 = arith.select %eq3A_2987, %broadcast_in_dim3A_2992, %broadcast_in_dim3A_2993 : vector<128x128xi1>, vector<128x128xf32>
    %add3A_2995 = arith.addf %add3A_2984, %select_n3A_2994 : vector<128x128xf32>
    %eq3A_2996 = arith.constant 18 : i32
    %eq3A_2997 = vector.broadcast %eq3A_2996 : i32 to vector<128x128xi32>
    %eq3A_2998 = arith.cmpi eq, %get3A_2808, %eq3A_2997 : vector<128x128xi32>
    %get3A_2999 = arith.constant 18 : index
    %get3A_3000 = arith.constant 0 : index
    %get3A_3001 = memref.load %arg7[%get3A_2999, %get3A_3000] : memref<19x1xf32, #tpu.memory_space<smem>>
    %jit3A_3002 = arith.constant 0.000000e+00 : f32
    %broadcast_in_dim3A_3003 = vector.broadcast %get3A_3001 : f32 to vector<128x128xf32>
    %broadcast_in_dim3A_3004 = vector.broadcast %jit3A_3002 : f32 to vector<128x128xf32>
    %select_n3A_3005 = arith.select %eq3A_2998, %broadcast_in_dim3A_3003, %broadcast_in_dim3A_3004 : vector<128x128xi1>, vector<128x128xf32>
    %add3A_3006 = arith.addf %add3A_2995, %select_n3A_3005 : vector<128x128xf32>
    %get3A_3007 = arith.constant 13 : index
    %get3A_3008 = arith.constant 0 : index
    %get3A_3009 = arith.constant 0 : index
    %get3A_3010 = vector.load %arg3[%get3A_3007, %get3A_3008, %get3A_3009] : memref<20x128x128xi32, #tpu.memory_space<vmem>>, vector<1x128x128xi32>
    %get3A_3011 = vector.shape_cast %get3A_3010 : vector<1x128x128xi32> to vector<128x128xi32>
    %eq3A_3012 = arith.constant 1 : i32
    %eq3A_3013 = vector.broadcast %eq3A_3012 : i32 to vector<128x128xi32>
    %eq3A_3014 = arith.cmpi eq, %get3A_3011, %eq3A_3013 : vector<128x128xi32>
    %get3A_3015 = arith.constant 1 : index
    %get3A_3016 = arith.constant 0 : index
    %get3A_3017 = memref.load %arg7[%get3A_3015, %get3A_3016] : memref<19x1xf32, #tpu.memory_space<smem>>
    %jit3A_3018 = arith.constant 0.000000e+00 : f32
    %broadcast_in_dim3A_3019 = vector.broadcast %get3A_3017 : f32 to vector<128x128xf32>
    %broadcast_in_dim3A_3020 = vector.broadcast %jit3A_3018 : f32 to vector<128x128xf32>
    %select_n3A_3021 = arith.select %eq3A_3014, %broadcast_in_dim3A_3019, %broadcast_in_dim3A_3020 : vector<128x128xi1>, vector<128x128xf32>
    %add3A_3022 = arith.addf %add3A_3006, %select_n3A_3021 : vector<128x128xf32>
    %eq3A_3023 = arith.constant 2 : i32
    %eq3A_3024 = vector.broadcast %eq3A_3023 : i32 to vector<128x128xi32>
    %eq3A_3025 = arith.cmpi eq, %get3A_3011, %eq3A_3024 : vector<128x128xi32>
    %get3A_3026 = arith.constant 2 : index
    %get3A_3027 = arith.constant 0 : index
    %get3A_3028 = memref.load %arg7[%get3A_3026, %get3A_3027] : memref<19x1xf32, #tpu.memory_space<smem>>
    %jit3A_3029 = arith.constant 0.000000e+00 : f32
    %broadcast_in_dim3A_3030 = vector.broadcast %get3A_3028 : f32 to vector<128x128xf32>
    %broadcast_in_dim3A_3031 = vector.broadcast %jit3A_3029 : f32 to vector<128x128xf32>
    %select_n3A_3032 = arith.select %eq3A_3025, %broadcast_in_dim3A_3030, %broadcast_in_dim3A_3031 : vector<128x128xi1>, vector<128x128xf32>
    %add3A_3033 = arith.addf %add3A_3022, %select_n3A_3032 : vector<128x128xf32>
    %eq3A_3034 = arith.constant 3 : i32
    %eq3A_3035 = vector.broadcast %eq3A_3034 : i32 to vector<128x128xi32>
    %eq3A_3036 = arith.cmpi eq, %get3A_3011, %eq3A_3035 : vector<128x128xi32>
    %get3A_3037 = arith.constant 3 : index
    %get3A_3038 = arith.constant 0 : index
    %get3A_3039 = memref.load %arg7[%get3A_3037, %get3A_3038] : memref<19x1xf32, #tpu.memory_space<smem>>
    %jit3A_3040 = arith.constant 0.000000e+00 : f32
    %broadcast_in_dim3A_3041 = vector.broadcast %get3A_3039 : f32 to vector<128x128xf32>
    %broadcast_in_dim3A_3042 = vector.broadcast %jit3A_3040 : f32 to vector<128x128xf32>
    %select_n3A_3043 = arith.select %eq3A_3036, %broadcast_in_dim3A_3041, %broadcast_in_dim3A_3042 : vector<128x128xi1>, vector<128x128xf32>
    %add3A_3044 = arith.addf %add3A_3033, %select_n3A_3043 : vector<128x128xf32>
    %eq3A_3045 = arith.constant 4 : i32
    %eq3A_3046 = vector.broadcast %eq3A_3045 : i32 to vector<128x128xi32>
    %eq3A_3047 = arith.cmpi eq, %get3A_3011, %eq3A_3046 : vector<128x128xi32>
    %get3A_3048 = arith.constant 4 : index
    %get3A_3049 = arith.constant 0 : index
    %get3A_3050 = memref.load %arg7[%get3A_3048, %get3A_3049] : memref<19x1xf32, #tpu.memory_space<smem>>
    %jit3A_3051 = arith.constant 0.000000e+00 : f32
    %broadcast_in_dim3A_3052 = vector.broadcast %get3A_3050 : f32 to vector<128x128xf32>
    %broadcast_in_dim3A_3053 = vector.broadcast %jit3A_3051 : f32 to vector<128x128xf32>
    %select_n3A_3054 = arith.select %eq3A_3047, %broadcast_in_dim3A_3052, %broadcast_in_dim3A_3053 : vector<128x128xi1>, vector<128x128xf32>
    %add3A_3055 = arith.addf %add3A_3044, %select_n3A_3054 : vector<128x128xf32>
    %eq3A_3056 = arith.constant 5 : i32
    %eq3A_3057 = vector.broadcast %eq3A_3056 : i32 to vector<128x128xi32>
    %eq3A_3058 = arith.cmpi eq, %get3A_3011, %eq3A_3057 : vector<128x128xi32>
    %get3A_3059 = arith.constant 5 : index
    %get3A_3060 = arith.constant 0 : index
    %get3A_3061 = memref.load %arg7[%get3A_3059, %get3A_3060] : memref<19x1xf32, #tpu.memory_space<smem>>
    %jit3A_3062 = arith.constant 0.000000e+00 : f32
    %broadcast_in_dim3A_3063 = vector.broadcast %get3A_3061 : f32 to vector<128x128xf32>
    %broadcast_in_dim3A_3064 = vector.broadcast %jit3A_3062 : f32 to vector<128x128xf32>
    %select_n3A_3065 = arith.select %eq3A_3058, %broadcast_in_dim3A_3063, %broadcast_in_dim3A_3064 : vector<128x128xi1>, vector<128x128xf32>
    %add3A_3066 = arith.addf %add3A_3055, %select_n3A_3065 : vector<128x128xf32>
    %eq3A_3067 = arith.constant 6 : i32
    %eq3A_3068 = vector.broadcast %eq3A_3067 : i32 to vector<128x128xi32>
    %eq3A_3069 = arith.cmpi eq, %get3A_3011, %eq3A_3068 : vector<128x128xi32>
    %get3A_3070 = arith.constant 6 : index
    %get3A_3071 = arith.constant 0 : index
    %get3A_3072 = memref.load %arg7[%get3A_3070, %get3A_3071] : memref<19x1xf32, #tpu.memory_space<smem>>
    %jit3A_3073 = arith.constant 0.000000e+00 : f32
    %broadcast_in_dim3A_3074 = vector.broadcast %get3A_3072 : f32 to vector<128x128xf32>
    %broadcast_in_dim3A_3075 = vector.broadcast %jit3A_3073 : f32 to vector<128x128xf32>
    %select_n3A_3076 = arith.select %eq3A_3069, %broadcast_in_dim3A_3074, %broadcast_in_dim3A_3075 : vector<128x128xi1>, vector<128x128xf32>
    %add3A_3077 = arith.addf %add3A_3066, %select_n3A_3076 : vector<128x128xf32>
    %eq3A_3078 = arith.constant 7 : i32
    %eq3A_3079 = vector.broadcast %eq3A_3078 : i32 to vector<128x128xi32>
    %eq3A_3080 = arith.cmpi eq, %get3A_3011, %eq3A_3079 : vector<128x128xi32>
    %get3A_3081 = arith.constant 7 : index
    %get3A_3082 = arith.constant 0 : index
    %get3A_3083 = memref.load %arg7[%get3A_3081, %get3A_3082] : memref<19x1xf32, #tpu.memory_space<smem>>
    %jit3A_3084 = arith.constant 0.000000e+00 : f32
    %broadcast_in_dim3A_3085 = vector.broadcast %get3A_3083 : f32 to vector<128x128xf32>
    %broadcast_in_dim3A_3086 = vector.broadcast %jit3A_3084 : f32 to vector<128x128xf32>
    %select_n3A_3087 = arith.select %eq3A_3080, %broadcast_in_dim3A_3085, %broadcast_in_dim3A_3086 : vector<128x128xi1>, vector<128x128xf32>
    %add3A_3088 = arith.addf %add3A_3077, %select_n3A_3087 : vector<128x128xf32>
    %eq3A_3089 = arith.constant 8 : i32
    %eq3A_3090 = vector.broadcast %eq3A_3089 : i32 to vector<128x128xi32>
    %eq3A_3091 = arith.cmpi eq, %get3A_3011, %eq3A_3090 : vector<128x128xi32>
    %get3A_3092 = arith.constant 8 : index
    %get3A_3093 = arith.constant 0 : index
    %get3A_3094 = memref.load %arg7[%get3A_3092, %get3A_3093] : memref<19x1xf32, #tpu.memory_space<smem>>
    %jit3A_3095 = arith.constant 0.000000e+00 : f32
    %broadcast_in_dim3A_3096 = vector.broadcast %get3A_3094 : f32 to vector<128x128xf32>
    %broadcast_in_dim3A_3097 = vector.broadcast %jit3A_3095 : f32 to vector<128x128xf32>
    %select_n3A_3098 = arith.select %eq3A_3091, %broadcast_in_dim3A_3096, %broadcast_in_dim3A_3097 : vector<128x128xi1>, vector<128x128xf32>
    %add3A_3099 = arith.addf %add3A_3088, %select_n3A_3098 : vector<128x128xf32>
    %eq3A_3100 = arith.constant 9 : i32
    %eq3A_3101 = vector.broadcast %eq3A_3100 : i32 to vector<128x128xi32>
    %eq3A_3102 = arith.cmpi eq, %get3A_3011, %eq3A_3101 : vector<128x128xi32>
    %get3A_3103 = arith.constant 9 : index
    %get3A_3104 = arith.constant 0 : index
    %get3A_3105 = memref.load %arg7[%get3A_3103, %get3A_3104] : memref<19x1xf32, #tpu.memory_space<smem>>
    %jit3A_3106 = arith.constant 0.000000e+00 : f32
    %broadcast_in_dim3A_3107 = vector.broadcast %get3A_3105 : f32 to vector<128x128xf32>
    %broadcast_in_dim3A_3108 = vector.broadcast %jit3A_3106 : f32 to vector<128x128xf32>
    %select_n3A_3109 = arith.select %eq3A_3102, %broadcast_in_dim3A_3107, %broadcast_in_dim3A_3108 : vector<128x128xi1>, vector<128x128xf32>
    %add3A_3110 = arith.addf %add3A_3099, %select_n3A_3109 : vector<128x128xf32>
    %eq3A_3111 = arith.constant 10 : i32
    %eq3A_3112 = vector.broadcast %eq3A_3111 : i32 to vector<128x128xi32>
    %eq3A_3113 = arith.cmpi eq, %get3A_3011, %eq3A_3112 : vector<128x128xi32>
    %get3A_3114 = arith.constant 10 : index
    %get3A_3115 = arith.constant 0 : index
    %get3A_3116 = memref.load %arg7[%get3A_3114, %get3A_3115] : memref<19x1xf32, #tpu.memory_space<smem>>
    %jit3A_3117 = arith.constant 0.000000e+00 : f32
    %broadcast_in_dim3A_3118 = vector.broadcast %get3A_3116 : f32 to vector<128x128xf32>
    %broadcast_in_dim3A_3119 = vector.broadcast %jit3A_3117 : f32 to vector<128x128xf32>
    %select_n3A_3120 = arith.select %eq3A_3113, %broadcast_in_dim3A_3118, %broadcast_in_dim3A_3119 : vector<128x128xi1>, vector<128x128xf32>
    %add3A_3121 = arith.addf %add3A_3110, %select_n3A_3120 : vector<128x128xf32>
    %eq3A_3122 = arith.constant 11 : i32
    %eq3A_3123 = vector.broadcast %eq3A_3122 : i32 to vector<128x128xi32>
    %eq3A_3124 = arith.cmpi eq, %get3A_3011, %eq3A_3123 : vector<128x128xi32>
    %get3A_3125 = arith.constant 11 : index
    %get3A_3126 = arith.constant 0 : index
    %get3A_3127 = memref.load %arg7[%get3A_3125, %get3A_3126] : memref<19x1xf32, #tpu.memory_space<smem>>
    %jit3A_3128 = arith.constant 0.000000e+00 : f32
    %broadcast_in_dim3A_3129 = vector.broadcast %get3A_3127 : f32 to vector<128x128xf32>
    %broadcast_in_dim3A_3130 = vector.broadcast %jit3A_3128 : f32 to vector<128x128xf32>
    %select_n3A_3131 = arith.select %eq3A_3124, %broadcast_in_dim3A_3129, %broadcast_in_dim3A_3130 : vector<128x128xi1>, vector<128x128xf32>
    %add3A_3132 = arith.addf %add3A_3121, %select_n3A_3131 : vector<128x128xf32>
    %eq3A_3133 = arith.constant 12 : i32
    %eq3A_3134 = vector.broadcast %eq3A_3133 : i32 to vector<128x128xi32>
    %eq3A_3135 = arith.cmpi eq, %get3A_3011, %eq3A_3134 : vector<128x128xi32>
    %get3A_3136 = arith.constant 12 : index
    %get3A_3137 = arith.constant 0 : index
    %get3A_3138 = memref.load %arg7[%get3A_3136, %get3A_3137] : memref<19x1xf32, #tpu.memory_space<smem>>
    %jit3A_3139 = arith.constant 0.000000e+00 : f32
    %broadcast_in_dim3A_3140 = vector.broadcast %get3A_3138 : f32 to vector<128x128xf32>
    %broadcast_in_dim3A_3141 = vector.broadcast %jit3A_3139 : f32 to vector<128x128xf32>
    %select_n3A_3142 = arith.select %eq3A_3135, %broadcast_in_dim3A_3140, %broadcast_in_dim3A_3141 : vector<128x128xi1>, vector<128x128xf32>
    %add3A_3143 = arith.addf %add3A_3132, %select_n3A_3142 : vector<128x128xf32>
    %eq3A_3144 = arith.constant 13 : i32
    %eq3A_3145 = vector.broadcast %eq3A_3144 : i32 to vector<128x128xi32>
    %eq3A_3146 = arith.cmpi eq, %get3A_3011, %eq3A_3145 : vector<128x128xi32>
    %get3A_3147 = arith.constant 13 : index
    %get3A_3148 = arith.constant 0 : index
    %get3A_3149 = memref.load %arg7[%get3A_3147, %get3A_3148] : memref<19x1xf32, #tpu.memory_space<smem>>
    %jit3A_3150 = arith.constant 0.000000e+00 : f32
    %broadcast_in_dim3A_3151 = vector.broadcast %get3A_3149 : f32 to vector<128x128xf32>
    %broadcast_in_dim3A_3152 = vector.broadcast %jit3A_3150 : f32 to vector<128x128xf32>
    %select_n3A_3153 = arith.select %eq3A_3146, %broadcast_in_dim3A_3151, %broadcast_in_dim3A_3152 : vector<128x128xi1>, vector<128x128xf32>
    %add3A_3154 = arith.addf %add3A_3143, %select_n3A_3153 : vector<128x128xf32>
    %eq3A_3155 = arith.constant 14 : i32
    %eq3A_3156 = vector.broadcast %eq3A_3155 : i32 to vector<128x128xi32>
    %eq3A_3157 = arith.cmpi eq, %get3A_3011, %eq3A_3156 : vector<128x128xi32>
    %get3A_3158 = arith.constant 14 : index
    %get3A_3159 = arith.constant 0 : index
    %get3A_3160 = memref.load %arg7[%get3A_3158, %get3A_3159] : memref<19x1xf32, #tpu.memory_space<smem>>
    %jit3A_3161 = arith.constant 0.000000e+00 : f32
    %broadcast_in_dim3A_3162 = vector.broadcast %get3A_3160 : f32 to vector<128x128xf32>
    %broadcast_in_dim3A_3163 = vector.broadcast %jit3A_3161 : f32 to vector<128x128xf32>
    %select_n3A_3164 = arith.select %eq3A_3157, %broadcast_in_dim3A_3162, %broadcast_in_dim3A_3163 : vector<128x128xi1>, vector<128x128xf32>
    %add3A_3165 = arith.addf %add3A_3154, %select_n3A_3164 : vector<128x128xf32>
    %eq3A_3166 = arith.constant 15 : i32
    %eq3A_3167 = vector.broadcast %eq3A_3166 : i32 to vector<128x128xi32>
    %eq3A_3168 = arith.cmpi eq, %get3A_3011, %eq3A_3167 : vector<128x128xi32>
    %get3A_3169 = arith.constant 15 : index
    %get3A_3170 = arith.constant 0 : index
    %get3A_3171 = memref.load %arg7[%get3A_3169, %get3A_3170] : memref<19x1xf32, #tpu.memory_space<smem>>
    %jit3A_3172 = arith.constant 0.000000e+00 : f32
    %broadcast_in_dim3A_3173 = vector.broadcast %get3A_3171 : f32 to vector<128x128xf32>
    %broadcast_in_dim3A_3174 = vector.broadcast %jit3A_3172 : f32 to vector<128x128xf32>
    %select_n3A_3175 = arith.select %eq3A_3168, %broadcast_in_dim3A_3173, %broadcast_in_dim3A_3174 : vector<128x128xi1>, vector<128x128xf32>
    %add3A_3176 = arith.addf %add3A_3165, %select_n3A_3175 : vector<128x128xf32>
    %eq3A_3177 = arith.constant 16 : i32
    %eq3A_3178 = vector.broadcast %eq3A_3177 : i32 to vector<128x128xi32>
    %eq3A_3179 = arith.cmpi eq, %get3A_3011, %eq3A_3178 : vector<128x128xi32>
    %get3A_3180 = arith.constant 16 : index
    %get3A_3181 = arith.constant 0 : index
    %get3A_3182 = memref.load %arg7[%get3A_3180, %get3A_3181] : memref<19x1xf32, #tpu.memory_space<smem>>
    %jit3A_3183 = arith.constant 0.000000e+00 : f32
    %broadcast_in_dim3A_3184 = vector.broadcast %get3A_3182 : f32 to vector<128x128xf32>
    %broadcast_in_dim3A_3185 = vector.broadcast %jit3A_3183 : f32 to vector<128x128xf32>
    %select_n3A_3186 = arith.select %eq3A_3179, %broadcast_in_dim3A_3184, %broadcast_in_dim3A_3185 : vector<128x128xi1>, vector<128x128xf32>
    %add3A_3187 = arith.addf %add3A_3176, %select_n3A_3186 : vector<128x128xf32>
    %eq3A_3188 = arith.constant 17 : i32
    %eq3A_3189 = vector.broadcast %eq3A_3188 : i32 to vector<128x128xi32>
    %eq3A_3190 = arith.cmpi eq, %get3A_3011, %eq3A_3189 : vector<128x128xi32>
    %get3A_3191 = arith.constant 17 : index
    %get3A_3192 = arith.constant 0 : index
    %get3A_3193 = memref.load %arg7[%get3A_3191, %get3A_3192] : memref<19x1xf32, #tpu.memory_space<smem>>
    %jit3A_3194 = arith.constant 0.000000e+00 : f32
    %broadcast_in_dim3A_3195 = vector.broadcast %get3A_3193 : f32 to vector<128x128xf32>
    %broadcast_in_dim3A_3196 = vector.broadcast %jit3A_3194 : f32 to vector<128x128xf32>
    %select_n3A_3197 = arith.select %eq3A_3190, %broadcast_in_dim3A_3195, %broadcast_in_dim3A_3196 : vector<128x128xi1>, vector<128x128xf32>
    %add3A_3198 = arith.addf %add3A_3187, %select_n3A_3197 : vector<128x128xf32>
    %eq3A_3199 = arith.constant 18 : i32
    %eq3A_3200 = vector.broadcast %eq3A_3199 : i32 to vector<128x128xi32>
    %eq3A_3201 = arith.cmpi eq, %get3A_3011, %eq3A_3200 : vector<128x128xi32>
    %get3A_3202 = arith.constant 18 : index
    %get3A_3203 = arith.constant 0 : index
    %get3A_3204 = memref.load %arg7[%get3A_3202, %get3A_3203] : memref<19x1xf32, #tpu.memory_space<smem>>
    %jit3A_3205 = arith.constant 0.000000e+00 : f32
    %broadcast_in_dim3A_3206 = vector.broadcast %get3A_3204 : f32 to vector<128x128xf32>
    %broadcast_in_dim3A_3207 = vector.broadcast %jit3A_3205 : f32 to vector<128x128xf32>
    %select_n3A_3208 = arith.select %eq3A_3201, %broadcast_in_dim3A_3206, %broadcast_in_dim3A_3207 : vector<128x128xi1>, vector<128x128xf32>
    %add3A_3209 = arith.addf %add3A_3198, %select_n3A_3208 : vector<128x128xf32>
    %get3A_3210 = arith.constant 14 : index
    %get3A_3211 = arith.constant 0 : index
    %get3A_3212 = arith.constant 0 : index
    %get3A_3213 = vector.load %arg3[%get3A_3210, %get3A_3211, %get3A_3212] : memref<20x128x128xi32, #tpu.memory_space<vmem>>, vector<1x128x128xi32>
    %get3A_3214 = vector.shape_cast %get3A_3213 : vector<1x128x128xi32> to vector<128x128xi32>
    %eq3A_3215 = arith.constant 1 : i32
    %eq3A_3216 = vector.broadcast %eq3A_3215 : i32 to vector<128x128xi32>
    %eq3A_3217 = arith.cmpi eq, %get3A_3214, %eq3A_3216 : vector<128x128xi32>
    %get3A_3218 = arith.constant 1 : index
    %get3A_3219 = arith.constant 0 : index
    %get3A_3220 = memref.load %arg7[%get3A_3218, %get3A_3219] : memref<19x1xf32, #tpu.memory_space<smem>>
    %jit3A_3221 = arith.constant 0.000000e+00 : f32
    %broadcast_in_dim3A_3222 = vector.broadcast %get3A_3220 : f32 to vector<128x128xf32>
    %broadcast_in_dim3A_3223 = vector.broadcast %jit3A_3221 : f32 to vector<128x128xf32>
    %select_n3A_3224 = arith.select %eq3A_3217, %broadcast_in_dim3A_3222, %broadcast_in_dim3A_3223 : vector<128x128xi1>, vector<128x128xf32>
    %add3A_3225 = arith.addf %add3A_3209, %select_n3A_3224 : vector<128x128xf32>
    %eq3A_3226 = arith.constant 2 : i32
    %eq3A_3227 = vector.broadcast %eq3A_3226 : i32 to vector<128x128xi32>
    %eq3A_3228 = arith.cmpi eq, %get3A_3214, %eq3A_3227 : vector<128x128xi32>
    %get3A_3229 = arith.constant 2 : index
    %get3A_3230 = arith.constant 0 : index
    %get3A_3231 = memref.load %arg7[%get3A_3229, %get3A_3230] : memref<19x1xf32, #tpu.memory_space<smem>>
    %jit3A_3232 = arith.constant 0.000000e+00 : f32
    %broadcast_in_dim3A_3233 = vector.broadcast %get3A_3231 : f32 to vector<128x128xf32>
    %broadcast_in_dim3A_3234 = vector.broadcast %jit3A_3232 : f32 to vector<128x128xf32>
    %select_n3A_3235 = arith.select %eq3A_3228, %broadcast_in_dim3A_3233, %broadcast_in_dim3A_3234 : vector<128x128xi1>, vector<128x128xf32>
    %add3A_3236 = arith.addf %add3A_3225, %select_n3A_3235 : vector<128x128xf32>
    %eq3A_3237 = arith.constant 3 : i32
    %eq3A_3238 = vector.broadcast %eq3A_3237 : i32 to vector<128x128xi32>
    %eq3A_3239 = arith.cmpi eq, %get3A_3214, %eq3A_3238 : vector<128x128xi32>
    %get3A_3240 = arith.constant 3 : index
    %get3A_3241 = arith.constant 0 : index
    %get3A_3242 = memref.load %arg7[%get3A_3240, %get3A_3241] : memref<19x1xf32, #tpu.memory_space<smem>>
    %jit3A_3243 = arith.constant 0.000000e+00 : f32
    %broadcast_in_dim3A_3244 = vector.broadcast %get3A_3242 : f32 to vector<128x128xf32>
    %broadcast_in_dim3A_3245 = vector.broadcast %jit3A_3243 : f32 to vector<128x128xf32>
    %select_n3A_3246 = arith.select %eq3A_3239, %broadcast_in_dim3A_3244, %broadcast_in_dim3A_3245 : vector<128x128xi1>, vector<128x128xf32>
    %add3A_3247 = arith.addf %add3A_3236, %select_n3A_3246 : vector<128x128xf32>
    %eq3A_3248 = arith.constant 4 : i32
    %eq3A_3249 = vector.broadcast %eq3A_3248 : i32 to vector<128x128xi32>
    %eq3A_3250 = arith.cmpi eq, %get3A_3214, %eq3A_3249 : vector<128x128xi32>
    %get3A_3251 = arith.constant 4 : index
    %get3A_3252 = arith.constant 0 : index
    %get3A_3253 = memref.load %arg7[%get3A_3251, %get3A_3252] : memref<19x1xf32, #tpu.memory_space<smem>>
    %jit3A_3254 = arith.constant 0.000000e+00 : f32
    %broadcast_in_dim3A_3255 = vector.broadcast %get3A_3253 : f32 to vector<128x128xf32>
    %broadcast_in_dim3A_3256 = vector.broadcast %jit3A_3254 : f32 to vector<128x128xf32>
    %select_n3A_3257 = arith.select %eq3A_3250, %broadcast_in_dim3A_3255, %broadcast_in_dim3A_3256 : vector<128x128xi1>, vector<128x128xf32>
    %add3A_3258 = arith.addf %add3A_3247, %select_n3A_3257 : vector<128x128xf32>
    %eq3A_3259 = arith.constant 5 : i32
    %eq3A_3260 = vector.broadcast %eq3A_3259 : i32 to vector<128x128xi32>
    %eq3A_3261 = arith.cmpi eq, %get3A_3214, %eq3A_3260 : vector<128x128xi32>
    %get3A_3262 = arith.constant 5 : index
    %get3A_3263 = arith.constant 0 : index
    %get3A_3264 = memref.load %arg7[%get3A_3262, %get3A_3263] : memref<19x1xf32, #tpu.memory_space<smem>>
    %jit3A_3265 = arith.constant 0.000000e+00 : f32
    %broadcast_in_dim3A_3266 = vector.broadcast %get3A_3264 : f32 to vector<128x128xf32>
    %broadcast_in_dim3A_3267 = vector.broadcast %jit3A_3265 : f32 to vector<128x128xf32>
    %select_n3A_3268 = arith.select %eq3A_3261, %broadcast_in_dim3A_3266, %broadcast_in_dim3A_3267 : vector<128x128xi1>, vector<128x128xf32>
    %add3A_3269 = arith.addf %add3A_3258, %select_n3A_3268 : vector<128x128xf32>
    %eq3A_3270 = arith.constant 6 : i32
    %eq3A_3271 = vector.broadcast %eq3A_3270 : i32 to vector<128x128xi32>
    %eq3A_3272 = arith.cmpi eq, %get3A_3214, %eq3A_3271 : vector<128x128xi32>
    %get3A_3273 = arith.constant 6 : index
    %get3A_3274 = arith.constant 0 : index
    %get3A_3275 = memref.load %arg7[%get3A_3273, %get3A_3274] : memref<19x1xf32, #tpu.memory_space<smem>>
    %jit3A_3276 = arith.constant 0.000000e+00 : f32
    %broadcast_in_dim3A_3277 = vector.broadcast %get3A_3275 : f32 to vector<128x128xf32>
    %broadcast_in_dim3A_3278 = vector.broadcast %jit3A_3276 : f32 to vector<128x128xf32>
    %select_n3A_3279 = arith.select %eq3A_3272, %broadcast_in_dim3A_3277, %broadcast_in_dim3A_3278 : vector<128x128xi1>, vector<128x128xf32>
    %add3A_3280 = arith.addf %add3A_3269, %select_n3A_3279 : vector<128x128xf32>
    %eq3A_3281 = arith.constant 7 : i32
    %eq3A_3282 = vector.broadcast %eq3A_3281 : i32 to vector<128x128xi32>
    %eq3A_3283 = arith.cmpi eq, %get3A_3214, %eq3A_3282 : vector<128x128xi32>
    %get3A_3284 = arith.constant 7 : index
    %get3A_3285 = arith.constant 0 : index
    %get3A_3286 = memref.load %arg7[%get3A_3284, %get3A_3285] : memref<19x1xf32, #tpu.memory_space<smem>>
    %jit3A_3287 = arith.constant 0.000000e+00 : f32
    %broadcast_in_dim3A_3288 = vector.broadcast %get3A_3286 : f32 to vector<128x128xf32>
    %broadcast_in_dim3A_3289 = vector.broadcast %jit3A_3287 : f32 to vector<128x128xf32>
    %select_n3A_3290 = arith.select %eq3A_3283, %broadcast_in_dim3A_3288, %broadcast_in_dim3A_3289 : vector<128x128xi1>, vector<128x128xf32>
    %add3A_3291 = arith.addf %add3A_3280, %select_n3A_3290 : vector<128x128xf32>
    %eq3A_3292 = arith.constant 8 : i32
    %eq3A_3293 = vector.broadcast %eq3A_3292 : i32 to vector<128x128xi32>
    %eq3A_3294 = arith.cmpi eq, %get3A_3214, %eq3A_3293 : vector<128x128xi32>
    %get3A_3295 = arith.constant 8 : index
    %get3A_3296 = arith.constant 0 : index
    %get3A_3297 = memref.load %arg7[%get3A_3295, %get3A_3296] : memref<19x1xf32, #tpu.memory_space<smem>>
    %jit3A_3298 = arith.constant 0.000000e+00 : f32
    %broadcast_in_dim3A_3299 = vector.broadcast %get3A_3297 : f32 to vector<128x128xf32>
    %broadcast_in_dim3A_3300 = vector.broadcast %jit3A_3298 : f32 to vector<128x128xf32>
    %select_n3A_3301 = arith.select %eq3A_3294, %broadcast_in_dim3A_3299, %broadcast_in_dim3A_3300 : vector<128x128xi1>, vector<128x128xf32>
    %add3A_3302 = arith.addf %add3A_3291, %select_n3A_3301 : vector<128x128xf32>
    %eq3A_3303 = arith.constant 9 : i32
    %eq3A_3304 = vector.broadcast %eq3A_3303 : i32 to vector<128x128xi32>
    %eq3A_3305 = arith.cmpi eq, %get3A_3214, %eq3A_3304 : vector<128x128xi32>
    %get3A_3306 = arith.constant 9 : index
    %get3A_3307 = arith.constant 0 : index
    %get3A_3308 = memref.load %arg7[%get3A_3306, %get3A_3307] : memref<19x1xf32, #tpu.memory_space<smem>>
    %jit3A_3309 = arith.constant 0.000000e+00 : f32
    %broadcast_in_dim3A_3310 = vector.broadcast %get3A_3308 : f32 to vector<128x128xf32>
    %broadcast_in_dim3A_3311 = vector.broadcast %jit3A_3309 : f32 to vector<128x128xf32>
    %select_n3A_3312 = arith.select %eq3A_3305, %broadcast_in_dim3A_3310, %broadcast_in_dim3A_3311 : vector<128x128xi1>, vector<128x128xf32>
    %add3A_3313 = arith.addf %add3A_3302, %select_n3A_3312 : vector<128x128xf32>
    %eq3A_3314 = arith.constant 10 : i32
    %eq3A_3315 = vector.broadcast %eq3A_3314 : i32 to vector<128x128xi32>
    %eq3A_3316 = arith.cmpi eq, %get3A_3214, %eq3A_3315 : vector<128x128xi32>
    %get3A_3317 = arith.constant 10 : index
    %get3A_3318 = arith.constant 0 : index
    %get3A_3319 = memref.load %arg7[%get3A_3317, %get3A_3318] : memref<19x1xf32, #tpu.memory_space<smem>>
    %jit3A_3320 = arith.constant 0.000000e+00 : f32
    %broadcast_in_dim3A_3321 = vector.broadcast %get3A_3319 : f32 to vector<128x128xf32>
    %broadcast_in_dim3A_3322 = vector.broadcast %jit3A_3320 : f32 to vector<128x128xf32>
    %select_n3A_3323 = arith.select %eq3A_3316, %broadcast_in_dim3A_3321, %broadcast_in_dim3A_3322 : vector<128x128xi1>, vector<128x128xf32>
    %add3A_3324 = arith.addf %add3A_3313, %select_n3A_3323 : vector<128x128xf32>
    %eq3A_3325 = arith.constant 11 : i32
    %eq3A_3326 = vector.broadcast %eq3A_3325 : i32 to vector<128x128xi32>
    %eq3A_3327 = arith.cmpi eq, %get3A_3214, %eq3A_3326 : vector<128x128xi32>
    %get3A_3328 = arith.constant 11 : index
    %get3A_3329 = arith.constant 0 : index
    %get3A_3330 = memref.load %arg7[%get3A_3328, %get3A_3329] : memref<19x1xf32, #tpu.memory_space<smem>>
    %jit3A_3331 = arith.constant 0.000000e+00 : f32
    %broadcast_in_dim3A_3332 = vector.broadcast %get3A_3330 : f32 to vector<128x128xf32>
    %broadcast_in_dim3A_3333 = vector.broadcast %jit3A_3331 : f32 to vector<128x128xf32>
    %select_n3A_3334 = arith.select %eq3A_3327, %broadcast_in_dim3A_3332, %broadcast_in_dim3A_3333 : vector<128x128xi1>, vector<128x128xf32>
    %add3A_3335 = arith.addf %add3A_3324, %select_n3A_3334 : vector<128x128xf32>
    %eq3A_3336 = arith.constant 12 : i32
    %eq3A_3337 = vector.broadcast %eq3A_3336 : i32 to vector<128x128xi32>
    %eq3A_3338 = arith.cmpi eq, %get3A_3214, %eq3A_3337 : vector<128x128xi32>
    %get3A_3339 = arith.constant 12 : index
    %get3A_3340 = arith.constant 0 : index
    %get3A_3341 = memref.load %arg7[%get3A_3339, %get3A_3340] : memref<19x1xf32, #tpu.memory_space<smem>>
    %jit3A_3342 = arith.constant 0.000000e+00 : f32
    %broadcast_in_dim3A_3343 = vector.broadcast %get3A_3341 : f32 to vector<128x128xf32>
    %broadcast_in_dim3A_3344 = vector.broadcast %jit3A_3342 : f32 to vector<128x128xf32>
    %select_n3A_3345 = arith.select %eq3A_3338, %broadcast_in_dim3A_3343, %broadcast_in_dim3A_3344 : vector<128x128xi1>, vector<128x128xf32>
    %add3A_3346 = arith.addf %add3A_3335, %select_n3A_3345 : vector<128x128xf32>
    %eq3A_3347 = arith.constant 13 : i32
    %eq3A_3348 = vector.broadcast %eq3A_3347 : i32 to vector<128x128xi32>
    %eq3A_3349 = arith.cmpi eq, %get3A_3214, %eq3A_3348 : vector<128x128xi32>
    %get3A_3350 = arith.constant 13 : index
    %get3A_3351 = arith.constant 0 : index
    %get3A_3352 = memref.load %arg7[%get3A_3350, %get3A_3351] : memref<19x1xf32, #tpu.memory_space<smem>>
    %jit3A_3353 = arith.constant 0.000000e+00 : f32
    %broadcast_in_dim3A_3354 = vector.broadcast %get3A_3352 : f32 to vector<128x128xf32>
    %broadcast_in_dim3A_3355 = vector.broadcast %jit3A_3353 : f32 to vector<128x128xf32>
    %select_n3A_3356 = arith.select %eq3A_3349, %broadcast_in_dim3A_3354, %broadcast_in_dim3A_3355 : vector<128x128xi1>, vector<128x128xf32>
    %add3A_3357 = arith.addf %add3A_3346, %select_n3A_3356 : vector<128x128xf32>
    %eq3A_3358 = arith.constant 14 : i32
    %eq3A_3359 = vector.broadcast %eq3A_3358 : i32 to vector<128x128xi32>
    %eq3A_3360 = arith.cmpi eq, %get3A_3214, %eq3A_3359 : vector<128x128xi32>
    %get3A_3361 = arith.constant 14 : index
    %get3A_3362 = arith.constant 0 : index
    %get3A_3363 = memref.load %arg7[%get3A_3361, %get3A_3362] : memref<19x1xf32, #tpu.memory_space<smem>>
    %jit3A_3364 = arith.constant 0.000000e+00 : f32
    %broadcast_in_dim3A_3365 = vector.broadcast %get3A_3363 : f32 to vector<128x128xf32>
    %broadcast_in_dim3A_3366 = vector.broadcast %jit3A_3364 : f32 to vector<128x128xf32>
    %select_n3A_3367 = arith.select %eq3A_3360, %broadcast_in_dim3A_3365, %broadcast_in_dim3A_3366 : vector<128x128xi1>, vector<128x128xf32>
    %add3A_3368 = arith.addf %add3A_3357, %select_n3A_3367 : vector<128x128xf32>
    %eq3A_3369 = arith.constant 15 : i32
    %eq3A_3370 = vector.broadcast %eq3A_3369 : i32 to vector<128x128xi32>
    %eq3A_3371 = arith.cmpi eq, %get3A_3214, %eq3A_3370 : vector<128x128xi32>
    %get3A_3372 = arith.constant 15 : index
    %get3A_3373 = arith.constant 0 : index
    %get3A_3374 = memref.load %arg7[%get3A_3372, %get3A_3373] : memref<19x1xf32, #tpu.memory_space<smem>>
    %jit3A_3375 = arith.constant 0.000000e+00 : f32
    %broadcast_in_dim3A_3376 = vector.broadcast %get3A_3374 : f32 to vector<128x128xf32>
    %broadcast_in_dim3A_3377 = vector.broadcast %jit3A_3375 : f32 to vector<128x128xf32>
    %select_n3A_3378 = arith.select %eq3A_3371, %broadcast_in_dim3A_3376, %broadcast_in_dim3A_3377 : vector<128x128xi1>, vector<128x128xf32>
    %add3A_3379 = arith.addf %add3A_3368, %select_n3A_3378 : vector<128x128xf32>
    %eq3A_3380 = arith.constant 16 : i32
    %eq3A_3381 = vector.broadcast %eq3A_3380 : i32 to vector<128x128xi32>
    %eq3A_3382 = arith.cmpi eq, %get3A_3214, %eq3A_3381 : vector<128x128xi32>
    %get3A_3383 = arith.constant 16 : index
    %get3A_3384 = arith.constant 0 : index
    %get3A_3385 = memref.load %arg7[%get3A_3383, %get3A_3384] : memref<19x1xf32, #tpu.memory_space<smem>>
    %jit3A_3386 = arith.constant 0.000000e+00 : f32
    %broadcast_in_dim3A_3387 = vector.broadcast %get3A_3385 : f32 to vector<128x128xf32>
    %broadcast_in_dim3A_3388 = vector.broadcast %jit3A_3386 : f32 to vector<128x128xf32>
    %select_n3A_3389 = arith.select %eq3A_3382, %broadcast_in_dim3A_3387, %broadcast_in_dim3A_3388 : vector<128x128xi1>, vector<128x128xf32>
    %add3A_3390 = arith.addf %add3A_3379, %select_n3A_3389 : vector<128x128xf32>
    %eq3A_3391 = arith.constant 17 : i32
    %eq3A_3392 = vector.broadcast %eq3A_3391 : i32 to vector<128x128xi32>
    %eq3A_3393 = arith.cmpi eq, %get3A_3214, %eq3A_3392 : vector<128x128xi32>
    %get3A_3394 = arith.constant 17 : index
    %get3A_3395 = arith.constant 0 : index
    %get3A_3396 = memref.load %arg7[%get3A_3394, %get3A_3395] : memref<19x1xf32, #tpu.memory_space<smem>>
    %jit3A_3397 = arith.constant 0.000000e+00 : f32
    %broadcast_in_dim3A_3398 = vector.broadcast %get3A_3396 : f32 to vector<128x128xf32>
    %broadcast_in_dim3A_3399 = vector.broadcast %jit3A_3397 : f32 to vector<128x128xf32>
    %select_n3A_3400 = arith.select %eq3A_3393, %broadcast_in_dim3A_3398, %broadcast_in_dim3A_3399 : vector<128x128xi1>, vector<128x128xf32>
    %add3A_3401 = arith.addf %add3A_3390, %select_n3A_3400 : vector<128x128xf32>
    %eq3A_3402 = arith.constant 18 : i32
    %eq3A_3403 = vector.broadcast %eq3A_3402 : i32 to vector<128x128xi32>
    %eq3A_3404 = arith.cmpi eq, %get3A_3214, %eq3A_3403 : vector<128x128xi32>
    %get3A_3405 = arith.constant 18 : index
    %get3A_3406 = arith.constant 0 : index
    %get3A_3407 = memref.load %arg7[%get3A_3405, %get3A_3406] : memref<19x1xf32, #tpu.memory_space<smem>>
    %jit3A_3408 = arith.constant 0.000000e+00 : f32
    %broadcast_in_dim3A_3409 = vector.broadcast %get3A_3407 : f32 to vector<128x128xf32>
    %broadcast_in_dim3A_3410 = vector.broadcast %jit3A_3408 : f32 to vector<128x128xf32>
    %select_n3A_3411 = arith.select %eq3A_3404, %broadcast_in_dim3A_3409, %broadcast_in_dim3A_3410 : vector<128x128xi1>, vector<128x128xf32>
    %add3A_3412 = arith.addf %add3A_3401, %select_n3A_3411 : vector<128x128xf32>
    %get3A_3413 = arith.constant 15 : index
    %get3A_3414 = arith.constant 0 : index
    %get3A_3415 = arith.constant 0 : index
    %get3A_3416 = vector.load %arg3[%get3A_3413, %get3A_3414, %get3A_3415] : memref<20x128x128xi32, #tpu.memory_space<vmem>>, vector<1x128x128xi32>
    %get3A_3417 = vector.shape_cast %get3A_3416 : vector<1x128x128xi32> to vector<128x128xi32>
    %eq3A_3418 = arith.constant 1 : i32
    %eq3A_3419 = vector.broadcast %eq3A_3418 : i32 to vector<128x128xi32>
    %eq3A_3420 = arith.cmpi eq, %get3A_3417, %eq3A_3419 : vector<128x128xi32>
    %get3A_3421 = arith.constant 1 : index
    %get3A_3422 = arith.constant 0 : index
    %get3A_3423 = memref.load %arg7[%get3A_3421, %get3A_3422] : memref<19x1xf32, #tpu.memory_space<smem>>
    %jit3A_3424 = arith.constant 0.000000e+00 : f32
    %broadcast_in_dim3A_3425 = vector.broadcast %get3A_3423 : f32 to vector<128x128xf32>
    %broadcast_in_dim3A_3426 = vector.broadcast %jit3A_3424 : f32 to vector<128x128xf32>
    %select_n3A_3427 = arith.select %eq3A_3420, %broadcast_in_dim3A_3425, %broadcast_in_dim3A_3426 : vector<128x128xi1>, vector<128x128xf32>
    %add3A_3428 = arith.addf %add3A_3412, %select_n3A_3427 : vector<128x128xf32>
    %eq3A_3429 = arith.constant 2 : i32
    %eq3A_3430 = vector.broadcast %eq3A_3429 : i32 to vector<128x128xi32>
    %eq3A_3431 = arith.cmpi eq, %get3A_3417, %eq3A_3430 : vector<128x128xi32>
    %get3A_3432 = arith.constant 2 : index
    %get3A_3433 = arith.constant 0 : index
    %get3A_3434 = memref.load %arg7[%get3A_3432, %get3A_3433] : memref<19x1xf32, #tpu.memory_space<smem>>
    %jit3A_3435 = arith.constant 0.000000e+00 : f32
    %broadcast_in_dim3A_3436 = vector.broadcast %get3A_3434 : f32 to vector<128x128xf32>
    %broadcast_in_dim3A_3437 = vector.broadcast %jit3A_3435 : f32 to vector<128x128xf32>
    %select_n3A_3438 = arith.select %eq3A_3431, %broadcast_in_dim3A_3436, %broadcast_in_dim3A_3437 : vector<128x128xi1>, vector<128x128xf32>
    %add3A_3439 = arith.addf %add3A_3428, %select_n3A_3438 : vector<128x128xf32>
    %eq3A_3440 = arith.constant 3 : i32
    %eq3A_3441 = vector.broadcast %eq3A_3440 : i32 to vector<128x128xi32>
    %eq3A_3442 = arith.cmpi eq, %get3A_3417, %eq3A_3441 : vector<128x128xi32>
    %get3A_3443 = arith.constant 3 : index
    %get3A_3444 = arith.constant 0 : index
    %get3A_3445 = memref.load %arg7[%get3A_3443, %get3A_3444] : memref<19x1xf32, #tpu.memory_space<smem>>
    %jit3A_3446 = arith.constant 0.000000e+00 : f32
    %broadcast_in_dim3A_3447 = vector.broadcast %get3A_3445 : f32 to vector<128x128xf32>
    %broadcast_in_dim3A_3448 = vector.broadcast %jit3A_3446 : f32 to vector<128x128xf32>
    %select_n3A_3449 = arith.select %eq3A_3442, %broadcast_in_dim3A_3447, %broadcast_in_dim3A_3448 : vector<128x128xi1>, vector<128x128xf32>
    %add3A_3450 = arith.addf %add3A_3439, %select_n3A_3449 : vector<128x128xf32>
    %eq3A_3451 = arith.constant 4 : i32
    %eq3A_3452 = vector.broadcast %eq3A_3451 : i32 to vector<128x128xi32>
    %eq3A_3453 = arith.cmpi eq, %get3A_3417, %eq3A_3452 : vector<128x128xi32>
    %get3A_3454 = arith.constant 4 : index
    %get3A_3455 = arith.constant 0 : index
    %get3A_3456 = memref.load %arg7[%get3A_3454, %get3A_3455] : memref<19x1xf32, #tpu.memory_space<smem>>
    %jit3A_3457 = arith.constant 0.000000e+00 : f32
    %broadcast_in_dim3A_3458 = vector.broadcast %get3A_3456 : f32 to vector<128x128xf32>
    %broadcast_in_dim3A_3459 = vector.broadcast %jit3A_3457 : f32 to vector<128x128xf32>
    %select_n3A_3460 = arith.select %eq3A_3453, %broadcast_in_dim3A_3458, %broadcast_in_dim3A_3459 : vector<128x128xi1>, vector<128x128xf32>
    %add3A_3461 = arith.addf %add3A_3450, %select_n3A_3460 : vector<128x128xf32>
    %eq3A_3462 = arith.constant 5 : i32
    %eq3A_3463 = vector.broadcast %eq3A_3462 : i32 to vector<128x128xi32>
    %eq3A_3464 = arith.cmpi eq, %get3A_3417, %eq3A_3463 : vector<128x128xi32>
    %get3A_3465 = arith.constant 5 : index
    %get3A_3466 = arith.constant 0 : index
    %get3A_3467 = memref.load %arg7[%get3A_3465, %get3A_3466] : memref<19x1xf32, #tpu.memory_space<smem>>
    %jit3A_3468 = arith.constant 0.000000e+00 : f32
    %broadcast_in_dim3A_3469 = vector.broadcast %get3A_3467 : f32 to vector<128x128xf32>
    %broadcast_in_dim3A_3470 = vector.broadcast %jit3A_3468 : f32 to vector<128x128xf32>
    %select_n3A_3471 = arith.select %eq3A_3464, %broadcast_in_dim3A_3469, %broadcast_in_dim3A_3470 : vector<128x128xi1>, vector<128x128xf32>
    %add3A_3472 = arith.addf %add3A_3461, %select_n3A_3471 : vector<128x128xf32>
    %eq3A_3473 = arith.constant 6 : i32
    %eq3A_3474 = vector.broadcast %eq3A_3473 : i32 to vector<128x128xi32>
    %eq3A_3475 = arith.cmpi eq, %get3A_3417, %eq3A_3474 : vector<128x128xi32>
    %get3A_3476 = arith.constant 6 : index
    %get3A_3477 = arith.constant 0 : index
    %get3A_3478 = memref.load %arg7[%get3A_3476, %get3A_3477] : memref<19x1xf32, #tpu.memory_space<smem>>
    %jit3A_3479 = arith.constant 0.000000e+00 : f32
    %broadcast_in_dim3A_3480 = vector.broadcast %get3A_3478 : f32 to vector<128x128xf32>
    %broadcast_in_dim3A_3481 = vector.broadcast %jit3A_3479 : f32 to vector<128x128xf32>
    %select_n3A_3482 = arith.select %eq3A_3475, %broadcast_in_dim3A_3480, %broadcast_in_dim3A_3481 : vector<128x128xi1>, vector<128x128xf32>
    %add3A_3483 = arith.addf %add3A_3472, %select_n3A_3482 : vector<128x128xf32>
    %eq3A_3484 = arith.constant 7 : i32
    %eq3A_3485 = vector.broadcast %eq3A_3484 : i32 to vector<128x128xi32>
    %eq3A_3486 = arith.cmpi eq, %get3A_3417, %eq3A_3485 : vector<128x128xi32>
    %get3A_3487 = arith.constant 7 : index
    %get3A_3488 = arith.constant 0 : index
    %get3A_3489 = memref.load %arg7[%get3A_3487, %get3A_3488] : memref<19x1xf32, #tpu.memory_space<smem>>
    %jit3A_3490 = arith.constant 0.000000e+00 : f32
    %broadcast_in_dim3A_3491 = vector.broadcast %get3A_3489 : f32 to vector<128x128xf32>
    %broadcast_in_dim3A_3492 = vector.broadcast %jit3A_3490 : f32 to vector<128x128xf32>
    %select_n3A_3493 = arith.select %eq3A_3486, %broadcast_in_dim3A_3491, %broadcast_in_dim3A_3492 : vector<128x128xi1>, vector<128x128xf32>
    %add3A_3494 = arith.addf %add3A_3483, %select_n3A_3493 : vector<128x128xf32>
    %eq3A_3495 = arith.constant 8 : i32
    %eq3A_3496 = vector.broadcast %eq3A_3495 : i32 to vector<128x128xi32>
    %eq3A_3497 = arith.cmpi eq, %get3A_3417, %eq3A_3496 : vector<128x128xi32>
    %get3A_3498 = arith.constant 8 : index
    %get3A_3499 = arith.constant 0 : index
    %get3A_3500 = memref.load %arg7[%get3A_3498, %get3A_3499] : memref<19x1xf32, #tpu.memory_space<smem>>
    %jit3A_3501 = arith.constant 0.000000e+00 : f32
    %broadcast_in_dim3A_3502 = vector.broadcast %get3A_3500 : f32 to vector<128x128xf32>
    %broadcast_in_dim3A_3503 = vector.broadcast %jit3A_3501 : f32 to vector<128x128xf32>
    %select_n3A_3504 = arith.select %eq3A_3497, %broadcast_in_dim3A_3502, %broadcast_in_dim3A_3503 : vector<128x128xi1>, vector<128x128xf32>
    %add3A_3505 = arith.addf %add3A_3494, %select_n3A_3504 : vector<128x128xf32>
    %eq3A_3506 = arith.constant 9 : i32
    %eq3A_3507 = vector.broadcast %eq3A_3506 : i32 to vector<128x128xi32>
    %eq3A_3508 = arith.cmpi eq, %get3A_3417, %eq3A_3507 : vector<128x128xi32>
    %get3A_3509 = arith.constant 9 : index
    %get3A_3510 = arith.constant 0 : index
    %get3A_3511 = memref.load %arg7[%get3A_3509, %get3A_3510] : memref<19x1xf32, #tpu.memory_space<smem>>
    %jit3A_3512 = arith.constant 0.000000e+00 : f32
    %broadcast_in_dim3A_3513 = vector.broadcast %get3A_3511 : f32 to vector<128x128xf32>
    %broadcast_in_dim3A_3514 = vector.broadcast %jit3A_3512 : f32 to vector<128x128xf32>
    %select_n3A_3515 = arith.select %eq3A_3508, %broadcast_in_dim3A_3513, %broadcast_in_dim3A_3514 : vector<128x128xi1>, vector<128x128xf32>
    %add3A_3516 = arith.addf %add3A_3505, %select_n3A_3515 : vector<128x128xf32>
    %eq3A_3517 = arith.constant 10 : i32
    %eq3A_3518 = vector.broadcast %eq3A_3517 : i32 to vector<128x128xi32>
    %eq3A_3519 = arith.cmpi eq, %get3A_3417, %eq3A_3518 : vector<128x128xi32>
    %get3A_3520 = arith.constant 10 : index
    %get3A_3521 = arith.constant 0 : index
    %get3A_3522 = memref.load %arg7[%get3A_3520, %get3A_3521] : memref<19x1xf32, #tpu.memory_space<smem>>
    %jit3A_3523 = arith.constant 0.000000e+00 : f32
    %broadcast_in_dim3A_3524 = vector.broadcast %get3A_3522 : f32 to vector<128x128xf32>
    %broadcast_in_dim3A_3525 = vector.broadcast %jit3A_3523 : f32 to vector<128x128xf32>
    %select_n3A_3526 = arith.select %eq3A_3519, %broadcast_in_dim3A_3524, %broadcast_in_dim3A_3525 : vector<128x128xi1>, vector<128x128xf32>
    %add3A_3527 = arith.addf %add3A_3516, %select_n3A_3526 : vector<128x128xf32>
    %eq3A_3528 = arith.constant 11 : i32
    %eq3A_3529 = vector.broadcast %eq3A_3528 : i32 to vector<128x128xi32>
    %eq3A_3530 = arith.cmpi eq, %get3A_3417, %eq3A_3529 : vector<128x128xi32>
    %get3A_3531 = arith.constant 11 : index
    %get3A_3532 = arith.constant 0 : index
    %get3A_3533 = memref.load %arg7[%get3A_3531, %get3A_3532] : memref<19x1xf32, #tpu.memory_space<smem>>
    %jit3A_3534 = arith.constant 0.000000e+00 : f32
    %broadcast_in_dim3A_3535 = vector.broadcast %get3A_3533 : f32 to vector<128x128xf32>
    %broadcast_in_dim3A_3536 = vector.broadcast %jit3A_3534 : f32 to vector<128x128xf32>
    %select_n3A_3537 = arith.select %eq3A_3530, %broadcast_in_dim3A_3535, %broadcast_in_dim3A_3536 : vector<128x128xi1>, vector<128x128xf32>
    %add3A_3538 = arith.addf %add3A_3527, %select_n3A_3537 : vector<128x128xf32>
    %eq3A_3539 = arith.constant 12 : i32
    %eq3A_3540 = vector.broadcast %eq3A_3539 : i32 to vector<128x128xi32>
    %eq3A_3541 = arith.cmpi eq, %get3A_3417, %eq3A_3540 : vector<128x128xi32>
    %get3A_3542 = arith.constant 12 : index
    %get3A_3543 = arith.constant 0 : index
    %get3A_3544 = memref.load %arg7[%get3A_3542, %get3A_3543] : memref<19x1xf32, #tpu.memory_space<smem>>
    %jit3A_3545 = arith.constant 0.000000e+00 : f32
    %broadcast_in_dim3A_3546 = vector.broadcast %get3A_3544 : f32 to vector<128x128xf32>
    %broadcast_in_dim3A_3547 = vector.broadcast %jit3A_3545 : f32 to vector<128x128xf32>
    %select_n3A_3548 = arith.select %eq3A_3541, %broadcast_in_dim3A_3546, %broadcast_in_dim3A_3547 : vector<128x128xi1>, vector<128x128xf32>
    %add3A_3549 = arith.addf %add3A_3538, %select_n3A_3548 : vector<128x128xf32>
    %eq3A_3550 = arith.constant 13 : i32
    %eq3A_3551 = vector.broadcast %eq3A_3550 : i32 to vector<128x128xi32>
    %eq3A_3552 = arith.cmpi eq, %get3A_3417, %eq3A_3551 : vector<128x128xi32>
    %get3A_3553 = arith.constant 13 : index
    %get3A_3554 = arith.constant 0 : index
    %get3A_3555 = memref.load %arg7[%get3A_3553, %get3A_3554] : memref<19x1xf32, #tpu.memory_space<smem>>
    %jit3A_3556 = arith.constant 0.000000e+00 : f32
    %broadcast_in_dim3A_3557 = vector.broadcast %get3A_3555 : f32 to vector<128x128xf32>
    %broadcast_in_dim3A_3558 = vector.broadcast %jit3A_3556 : f32 to vector<128x128xf32>
    %select_n3A_3559 = arith.select %eq3A_3552, %broadcast_in_dim3A_3557, %broadcast_in_dim3A_3558 : vector<128x128xi1>, vector<128x128xf32>
    %add3A_3560 = arith.addf %add3A_3549, %select_n3A_3559 : vector<128x128xf32>
    %eq3A_3561 = arith.constant 14 : i32
    %eq3A_3562 = vector.broadcast %eq3A_3561 : i32 to vector<128x128xi32>
    %eq3A_3563 = arith.cmpi eq, %get3A_3417, %eq3A_3562 : vector<128x128xi32>
    %get3A_3564 = arith.constant 14 : index
    %get3A_3565 = arith.constant 0 : index
    %get3A_3566 = memref.load %arg7[%get3A_3564, %get3A_3565] : memref<19x1xf32, #tpu.memory_space<smem>>
    %jit3A_3567 = arith.constant 0.000000e+00 : f32
    %broadcast_in_dim3A_3568 = vector.broadcast %get3A_3566 : f32 to vector<128x128xf32>
    %broadcast_in_dim3A_3569 = vector.broadcast %jit3A_3567 : f32 to vector<128x128xf32>
    %select_n3A_3570 = arith.select %eq3A_3563, %broadcast_in_dim3A_3568, %broadcast_in_dim3A_3569 : vector<128x128xi1>, vector<128x128xf32>
    %add3A_3571 = arith.addf %add3A_3560, %select_n3A_3570 : vector<128x128xf32>
    %eq3A_3572 = arith.constant 15 : i32
    %eq3A_3573 = vector.broadcast %eq3A_3572 : i32 to vector<128x128xi32>
    %eq3A_3574 = arith.cmpi eq, %get3A_3417, %eq3A_3573 : vector<128x128xi32>
    %get3A_3575 = arith.constant 15 : index
    %get3A_3576 = arith.constant 0 : index
    %get3A_3577 = memref.load %arg7[%get3A_3575, %get3A_3576] : memref<19x1xf32, #tpu.memory_space<smem>>
    %jit3A_3578 = arith.constant 0.000000e+00 : f32
    %broadcast_in_dim3A_3579 = vector.broadcast %get3A_3577 : f32 to vector<128x128xf32>
    %broadcast_in_dim3A_3580 = vector.broadcast %jit3A_3578 : f32 to vector<128x128xf32>
    %select_n3A_3581 = arith.select %eq3A_3574, %broadcast_in_dim3A_3579, %broadcast_in_dim3A_3580 : vector<128x128xi1>, vector<128x128xf32>
    %add3A_3582 = arith.addf %add3A_3571, %select_n3A_3581 : vector<128x128xf32>
    %eq3A_3583 = arith.constant 16 : i32
    %eq3A_3584 = vector.broadcast %eq3A_3583 : i32 to vector<128x128xi32>
    %eq3A_3585 = arith.cmpi eq, %get3A_3417, %eq3A_3584 : vector<128x128xi32>
    %get3A_3586 = arith.constant 16 : index
    %get3A_3587 = arith.constant 0 : index
    %get3A_3588 = memref.load %arg7[%get3A_3586, %get3A_3587] : memref<19x1xf32, #tpu.memory_space<smem>>
    %jit3A_3589 = arith.constant 0.000000e+00 : f32
    %broadcast_in_dim3A_3590 = vector.broadcast %get3A_3588 : f32 to vector<128x128xf32>
    %broadcast_in_dim3A_3591 = vector.broadcast %jit3A_3589 : f32 to vector<128x128xf32>
    %select_n3A_3592 = arith.select %eq3A_3585, %broadcast_in_dim3A_3590, %broadcast_in_dim3A_3591 : vector<128x128xi1>, vector<128x128xf32>
    %add3A_3593 = arith.addf %add3A_3582, %select_n3A_3592 : vector<128x128xf32>
    %eq3A_3594 = arith.constant 17 : i32
    %eq3A_3595 = vector.broadcast %eq3A_3594 : i32 to vector<128x128xi32>
    %eq3A_3596 = arith.cmpi eq, %get3A_3417, %eq3A_3595 : vector<128x128xi32>
    %get3A_3597 = arith.constant 17 : index
    %get3A_3598 = arith.constant 0 : index
    %get3A_3599 = memref.load %arg7[%get3A_3597, %get3A_3598] : memref<19x1xf32, #tpu.memory_space<smem>>
    %jit3A_3600 = arith.constant 0.000000e+00 : f32
    %broadcast_in_dim3A_3601 = vector.broadcast %get3A_3599 : f32 to vector<128x128xf32>
    %broadcast_in_dim3A_3602 = vector.broadcast %jit3A_3600 : f32 to vector<128x128xf32>
    %select_n3A_3603 = arith.select %eq3A_3596, %broadcast_in_dim3A_3601, %broadcast_in_dim3A_3602 : vector<128x128xi1>, vector<128x128xf32>
    %add3A_3604 = arith.addf %add3A_3593, %select_n3A_3603 : vector<128x128xf32>
    %eq3A_3605 = arith.constant 18 : i32
    %eq3A_3606 = vector.broadcast %eq3A_3605 : i32 to vector<128x128xi32>
    %eq3A_3607 = arith.cmpi eq, %get3A_3417, %eq3A_3606 : vector<128x128xi32>
    %get3A_3608 = arith.constant 18 : index
    %get3A_3609 = arith.constant 0 : index
    %get3A_3610 = memref.load %arg7[%get3A_3608, %get3A_3609] : memref<19x1xf32, #tpu.memory_space<smem>>
    %jit3A_3611 = arith.constant 0.000000e+00 : f32
    %broadcast_in_dim3A_3612 = vector.broadcast %get3A_3610 : f32 to vector<128x128xf32>
    %broadcast_in_dim3A_3613 = vector.broadcast %jit3A_3611 : f32 to vector<128x128xf32>
    %select_n3A_3614 = arith.select %eq3A_3607, %broadcast_in_dim3A_3612, %broadcast_in_dim3A_3613 : vector<128x128xi1>, vector<128x128xf32>
    %add3A_3615 = arith.addf %add3A_3604, %select_n3A_3614 : vector<128x128xf32>
    %get3A_3616 = arith.constant 16 : index
    %get3A_3617 = arith.constant 0 : index
    %get3A_3618 = arith.constant 0 : index
    %get3A_3619 = vector.load %arg3[%get3A_3616, %get3A_3617, %get3A_3618] : memref<20x128x128xi32, #tpu.memory_space<vmem>>, vector<1x128x128xi32>
    %get3A_3620 = vector.shape_cast %get3A_3619 : vector<1x128x128xi32> to vector<128x128xi32>
    %eq3A_3621 = arith.constant 1 : i32
    %eq3A_3622 = vector.broadcast %eq3A_3621 : i32 to vector<128x128xi32>
    %eq3A_3623 = arith.cmpi eq, %get3A_3620, %eq3A_3622 : vector<128x128xi32>
    %get3A_3624 = arith.constant 1 : index
    %get3A_3625 = arith.constant 0 : index
    %get3A_3626 = memref.load %arg7[%get3A_3624, %get3A_3625] : memref<19x1xf32, #tpu.memory_space<smem>>
    %jit3A_3627 = arith.constant 0.000000e+00 : f32
    %broadcast_in_dim3A_3628 = vector.broadcast %get3A_3626 : f32 to vector<128x128xf32>
    %broadcast_in_dim3A_3629 = vector.broadcast %jit3A_3627 : f32 to vector<128x128xf32>
    %select_n3A_3630 = arith.select %eq3A_3623, %broadcast_in_dim3A_3628, %broadcast_in_dim3A_3629 : vector<128x128xi1>, vector<128x128xf32>
    %add3A_3631 = arith.addf %add3A_3615, %select_n3A_3630 : vector<128x128xf32>
    %eq3A_3632 = arith.constant 2 : i32
    %eq3A_3633 = vector.broadcast %eq3A_3632 : i32 to vector<128x128xi32>
    %eq3A_3634 = arith.cmpi eq, %get3A_3620, %eq3A_3633 : vector<128x128xi32>
    %get3A_3635 = arith.constant 2 : index
    %get3A_3636 = arith.constant 0 : index
    %get3A_3637 = memref.load %arg7[%get3A_3635, %get3A_3636] : memref<19x1xf32, #tpu.memory_space<smem>>
    %jit3A_3638 = arith.constant 0.000000e+00 : f32
    %broadcast_in_dim3A_3639 = vector.broadcast %get3A_3637 : f32 to vector<128x128xf32>
    %broadcast_in_dim3A_3640 = vector.broadcast %jit3A_3638 : f32 to vector<128x128xf32>
    %select_n3A_3641 = arith.select %eq3A_3634, %broadcast_in_dim3A_3639, %broadcast_in_dim3A_3640 : vector<128x128xi1>, vector<128x128xf32>
    %add3A_3642 = arith.addf %add3A_3631, %select_n3A_3641 : vector<128x128xf32>
    %eq3A_3643 = arith.constant 3 : i32
    %eq3A_3644 = vector.broadcast %eq3A_3643 : i32 to vector<128x128xi32>
    %eq3A_3645 = arith.cmpi eq, %get3A_3620, %eq3A_3644 : vector<128x128xi32>
    %get3A_3646 = arith.constant 3 : index
    %get3A_3647 = arith.constant 0 : index
    %get3A_3648 = memref.load %arg7[%get3A_3646, %get3A_3647] : memref<19x1xf32, #tpu.memory_space<smem>>
    %jit3A_3649 = arith.constant 0.000000e+00 : f32
    %broadcast_in_dim3A_3650 = vector.broadcast %get3A_3648 : f32 to vector<128x128xf32>
    %broadcast_in_dim3A_3651 = vector.broadcast %jit3A_3649 : f32 to vector<128x128xf32>
    %select_n3A_3652 = arith.select %eq3A_3645, %broadcast_in_dim3A_3650, %broadcast_in_dim3A_3651 : vector<128x128xi1>, vector<128x128xf32>
    %add3A_3653 = arith.addf %add3A_3642, %select_n3A_3652 : vector<128x128xf32>
    %eq3A_3654 = arith.constant 4 : i32
    %eq3A_3655 = vector.broadcast %eq3A_3654 : i32 to vector<128x128xi32>
    %eq3A_3656 = arith.cmpi eq, %get3A_3620, %eq3A_3655 : vector<128x128xi32>
    %get3A_3657 = arith.constant 4 : index
    %get3A_3658 = arith.constant 0 : index
    %get3A_3659 = memref.load %arg7[%get3A_3657, %get3A_3658] : memref<19x1xf32, #tpu.memory_space<smem>>
    %jit3A_3660 = arith.constant 0.000000e+00 : f32
    %broadcast_in_dim3A_3661 = vector.broadcast %get3A_3659 : f32 to vector<128x128xf32>
    %broadcast_in_dim3A_3662 = vector.broadcast %jit3A_3660 : f32 to vector<128x128xf32>
    %select_n3A_3663 = arith.select %eq3A_3656, %broadcast_in_dim3A_3661, %broadcast_in_dim3A_3662 : vector<128x128xi1>, vector<128x128xf32>
    %add3A_3664 = arith.addf %add3A_3653, %select_n3A_3663 : vector<128x128xf32>
    %eq3A_3665 = arith.constant 5 : i32
    %eq3A_3666 = vector.broadcast %eq3A_3665 : i32 to vector<128x128xi32>
    %eq3A_3667 = arith.cmpi eq, %get3A_3620, %eq3A_3666 : vector<128x128xi32>
    %get3A_3668 = arith.constant 5 : index
    %get3A_3669 = arith.constant 0 : index
    %get3A_3670 = memref.load %arg7[%get3A_3668, %get3A_3669] : memref<19x1xf32, #tpu.memory_space<smem>>
    %jit3A_3671 = arith.constant 0.000000e+00 : f32
    %broadcast_in_dim3A_3672 = vector.broadcast %get3A_3670 : f32 to vector<128x128xf32>
    %broadcast_in_dim3A_3673 = vector.broadcast %jit3A_3671 : f32 to vector<128x128xf32>
    %select_n3A_3674 = arith.select %eq3A_3667, %broadcast_in_dim3A_3672, %broadcast_in_dim3A_3673 : vector<128x128xi1>, vector<128x128xf32>
    %add3A_3675 = arith.addf %add3A_3664, %select_n3A_3674 : vector<128x128xf32>
    %eq3A_3676 = arith.constant 6 : i32
    %eq3A_3677 = vector.broadcast %eq3A_3676 : i32 to vector<128x128xi32>
    %eq3A_3678 = arith.cmpi eq, %get3A_3620, %eq3A_3677 : vector<128x128xi32>
    %get3A_3679 = arith.constant 6 : index
    %get3A_3680 = arith.constant 0 : index
    %get3A_3681 = memref.load %arg7[%get3A_3679, %get3A_3680] : memref<19x1xf32, #tpu.memory_space<smem>>
    %jit3A_3682 = arith.constant 0.000000e+00 : f32
    %broadcast_in_dim3A_3683 = vector.broadcast %get3A_3681 : f32 to vector<128x128xf32>
    %broadcast_in_dim3A_3684 = vector.broadcast %jit3A_3682 : f32 to vector<128x128xf32>
    %select_n3A_3685 = arith.select %eq3A_3678, %broadcast_in_dim3A_3683, %broadcast_in_dim3A_3684 : vector<128x128xi1>, vector<128x128xf32>
    %add3A_3686 = arith.addf %add3A_3675, %select_n3A_3685 : vector<128x128xf32>
    %eq3A_3687 = arith.constant 7 : i32
    %eq3A_3688 = vector.broadcast %eq3A_3687 : i32 to vector<128x128xi32>
    %eq3A_3689 = arith.cmpi eq, %get3A_3620, %eq3A_3688 : vector<128x128xi32>
    %get3A_3690 = arith.constant 7 : index
    %get3A_3691 = arith.constant 0 : index
    %get3A_3692 = memref.load %arg7[%get3A_3690, %get3A_3691] : memref<19x1xf32, #tpu.memory_space<smem>>
    %jit3A_3693 = arith.constant 0.000000e+00 : f32
    %broadcast_in_dim3A_3694 = vector.broadcast %get3A_3692 : f32 to vector<128x128xf32>
    %broadcast_in_dim3A_3695 = vector.broadcast %jit3A_3693 : f32 to vector<128x128xf32>
    %select_n3A_3696 = arith.select %eq3A_3689, %broadcast_in_dim3A_3694, %broadcast_in_dim3A_3695 : vector<128x128xi1>, vector<128x128xf32>
    %add3A_3697 = arith.addf %add3A_3686, %select_n3A_3696 : vector<128x128xf32>
    %eq3A_3698 = arith.constant 8 : i32
    %eq3A_3699 = vector.broadcast %eq3A_3698 : i32 to vector<128x128xi32>
    %eq3A_3700 = arith.cmpi eq, %get3A_3620, %eq3A_3699 : vector<128x128xi32>
    %get3A_3701 = arith.constant 8 : index
    %get3A_3702 = arith.constant 0 : index
    %get3A_3703 = memref.load %arg7[%get3A_3701, %get3A_3702] : memref<19x1xf32, #tpu.memory_space<smem>>
    %jit3A_3704 = arith.constant 0.000000e+00 : f32
    %broadcast_in_dim3A_3705 = vector.broadcast %get3A_3703 : f32 to vector<128x128xf32>
    %broadcast_in_dim3A_3706 = vector.broadcast %jit3A_3704 : f32 to vector<128x128xf32>
    %select_n3A_3707 = arith.select %eq3A_3700, %broadcast_in_dim3A_3705, %broadcast_in_dim3A_3706 : vector<128x128xi1>, vector<128x128xf32>
    %add3A_3708 = arith.addf %add3A_3697, %select_n3A_3707 : vector<128x128xf32>
    %eq3A_3709 = arith.constant 9 : i32
    %eq3A_3710 = vector.broadcast %eq3A_3709 : i32 to vector<128x128xi32>
    %eq3A_3711 = arith.cmpi eq, %get3A_3620, %eq3A_3710 : vector<128x128xi32>
    %get3A_3712 = arith.constant 9 : index
    %get3A_3713 = arith.constant 0 : index
    %get3A_3714 = memref.load %arg7[%get3A_3712, %get3A_3713] : memref<19x1xf32, #tpu.memory_space<smem>>
    %jit3A_3715 = arith.constant 0.000000e+00 : f32
    %broadcast_in_dim3A_3716 = vector.broadcast %get3A_3714 : f32 to vector<128x128xf32>
    %broadcast_in_dim3A_3717 = vector.broadcast %jit3A_3715 : f32 to vector<128x128xf32>
    %select_n3A_3718 = arith.select %eq3A_3711, %broadcast_in_dim3A_3716, %broadcast_in_dim3A_3717 : vector<128x128xi1>, vector<128x128xf32>
    %add3A_3719 = arith.addf %add3A_3708, %select_n3A_3718 : vector<128x128xf32>
    %eq3A_3720 = arith.constant 10 : i32
    %eq3A_3721 = vector.broadcast %eq3A_3720 : i32 to vector<128x128xi32>
    %eq3A_3722 = arith.cmpi eq, %get3A_3620, %eq3A_3721 : vector<128x128xi32>
    %get3A_3723 = arith.constant 10 : index
    %get3A_3724 = arith.constant 0 : index
    %get3A_3725 = memref.load %arg7[%get3A_3723, %get3A_3724] : memref<19x1xf32, #tpu.memory_space<smem>>
    %jit3A_3726 = arith.constant 0.000000e+00 : f32
    %broadcast_in_dim3A_3727 = vector.broadcast %get3A_3725 : f32 to vector<128x128xf32>
    %broadcast_in_dim3A_3728 = vector.broadcast %jit3A_3726 : f32 to vector<128x128xf32>
    %select_n3A_3729 = arith.select %eq3A_3722, %broadcast_in_dim3A_3727, %broadcast_in_dim3A_3728 : vector<128x128xi1>, vector<128x128xf32>
    %add3A_3730 = arith.addf %add3A_3719, %select_n3A_3729 : vector<128x128xf32>
    %eq3A_3731 = arith.constant 11 : i32
    %eq3A_3732 = vector.broadcast %eq3A_3731 : i32 to vector<128x128xi32>
    %eq3A_3733 = arith.cmpi eq, %get3A_3620, %eq3A_3732 : vector<128x128xi32>
    %get3A_3734 = arith.constant 11 : index
    %get3A_3735 = arith.constant 0 : index
    %get3A_3736 = memref.load %arg7[%get3A_3734, %get3A_3735] : memref<19x1xf32, #tpu.memory_space<smem>>
    %jit3A_3737 = arith.constant 0.000000e+00 : f32
    %broadcast_in_dim3A_3738 = vector.broadcast %get3A_3736 : f32 to vector<128x128xf32>
    %broadcast_in_dim3A_3739 = vector.broadcast %jit3A_3737 : f32 to vector<128x128xf32>
    %select_n3A_3740 = arith.select %eq3A_3733, %broadcast_in_dim3A_3738, %broadcast_in_dim3A_3739 : vector<128x128xi1>, vector<128x128xf32>
    %add3A_3741 = arith.addf %add3A_3730, %select_n3A_3740 : vector<128x128xf32>
    %eq3A_3742 = arith.constant 12 : i32
    %eq3A_3743 = vector.broadcast %eq3A_3742 : i32 to vector<128x128xi32>
    %eq3A_3744 = arith.cmpi eq, %get3A_3620, %eq3A_3743 : vector<128x128xi32>
    %get3A_3745 = arith.constant 12 : index
    %get3A_3746 = arith.constant 0 : index
    %get3A_3747 = memref.load %arg7[%get3A_3745, %get3A_3746] : memref<19x1xf32, #tpu.memory_space<smem>>
    %jit3A_3748 = arith.constant 0.000000e+00 : f32
    %broadcast_in_dim3A_3749 = vector.broadcast %get3A_3747 : f32 to vector<128x128xf32>
    %broadcast_in_dim3A_3750 = vector.broadcast %jit3A_3748 : f32 to vector<128x128xf32>
    %select_n3A_3751 = arith.select %eq3A_3744, %broadcast_in_dim3A_3749, %broadcast_in_dim3A_3750 : vector<128x128xi1>, vector<128x128xf32>
    %add3A_3752 = arith.addf %add3A_3741, %select_n3A_3751 : vector<128x128xf32>
    %eq3A_3753 = arith.constant 13 : i32
    %eq3A_3754 = vector.broadcast %eq3A_3753 : i32 to vector<128x128xi32>
    %eq3A_3755 = arith.cmpi eq, %get3A_3620, %eq3A_3754 : vector<128x128xi32>
    %get3A_3756 = arith.constant 13 : index
    %get3A_3757 = arith.constant 0 : index
    %get3A_3758 = memref.load %arg7[%get3A_3756, %get3A_3757] : memref<19x1xf32, #tpu.memory_space<smem>>
    %jit3A_3759 = arith.constant 0.000000e+00 : f32
    %broadcast_in_dim3A_3760 = vector.broadcast %get3A_3758 : f32 to vector<128x128xf32>
    %broadcast_in_dim3A_3761 = vector.broadcast %jit3A_3759 : f32 to vector<128x128xf32>
    %select_n3A_3762 = arith.select %eq3A_3755, %broadcast_in_dim3A_3760, %broadcast_in_dim3A_3761 : vector<128x128xi1>, vector<128x128xf32>
    %add3A_3763 = arith.addf %add3A_3752, %select_n3A_3762 : vector<128x128xf32>
    %eq3A_3764 = arith.constant 14 : i32
    %eq3A_3765 = vector.broadcast %eq3A_3764 : i32 to vector<128x128xi32>
    %eq3A_3766 = arith.cmpi eq, %get3A_3620, %eq3A_3765 : vector<128x128xi32>
    %get3A_3767 = arith.constant 14 : index
    %get3A_3768 = arith.constant 0 : index
    %get3A_3769 = memref.load %arg7[%get3A_3767, %get3A_3768] : memref<19x1xf32, #tpu.memory_space<smem>>
    %jit3A_3770 = arith.constant 0.000000e+00 : f32
    %broadcast_in_dim3A_3771 = vector.broadcast %get3A_3769 : f32 to vector<128x128xf32>
    %broadcast_in_dim3A_3772 = vector.broadcast %jit3A_3770 : f32 to vector<128x128xf32>
    %select_n3A_3773 = arith.select %eq3A_3766, %broadcast_in_dim3A_3771, %broadcast_in_dim3A_3772 : vector<128x128xi1>, vector<128x128xf32>
    %add3A_3774 = arith.addf %add3A_3763, %select_n3A_3773 : vector<128x128xf32>
    %eq3A_3775 = arith.constant 15 : i32
    %eq3A_3776 = vector.broadcast %eq3A_3775 : i32 to vector<128x128xi32>
    %eq3A_3777 = arith.cmpi eq, %get3A_3620, %eq3A_3776 : vector<128x128xi32>
    %get3A_3778 = arith.constant 15 : index
    %get3A_3779 = arith.constant 0 : index
    %get3A_3780 = memref.load %arg7[%get3A_3778, %get3A_3779] : memref<19x1xf32, #tpu.memory_space<smem>>
    %jit3A_3781 = arith.constant 0.000000e+00 : f32
    %broadcast_in_dim3A_3782 = vector.broadcast %get3A_3780 : f32 to vector<128x128xf32>
    %broadcast_in_dim3A_3783 = vector.broadcast %jit3A_3781 : f32 to vector<128x128xf32>
    %select_n3A_3784 = arith.select %eq3A_3777, %broadcast_in_dim3A_3782, %broadcast_in_dim3A_3783 : vector<128x128xi1>, vector<128x128xf32>
    %add3A_3785 = arith.addf %add3A_3774, %select_n3A_3784 : vector<128x128xf32>
    %eq3A_3786 = arith.constant 16 : i32
    %eq3A_3787 = vector.broadcast %eq3A_3786 : i32 to vector<128x128xi32>
    %eq3A_3788 = arith.cmpi eq, %get3A_3620, %eq3A_3787 : vector<128x128xi32>
    %get3A_3789 = arith.constant 16 : index
    %get3A_3790 = arith.constant 0 : index
    %get3A_3791 = memref.load %arg7[%get3A_3789, %get3A_3790] : memref<19x1xf32, #tpu.memory_space<smem>>
    %jit3A_3792 = arith.constant 0.000000e+00 : f32
    %broadcast_in_dim3A_3793 = vector.broadcast %get3A_3791 : f32 to vector<128x128xf32>
    %broadcast_in_dim3A_3794 = vector.broadcast %jit3A_3792 : f32 to vector<128x128xf32>
    %select_n3A_3795 = arith.select %eq3A_3788, %broadcast_in_dim3A_3793, %broadcast_in_dim3A_3794 : vector<128x128xi1>, vector<128x128xf32>
    %add3A_3796 = arith.addf %add3A_3785, %select_n3A_3795 : vector<128x128xf32>
    %eq3A_3797 = arith.constant 17 : i32
    %eq3A_3798 = vector.broadcast %eq3A_3797 : i32 to vector<128x128xi32>
    %eq3A_3799 = arith.cmpi eq, %get3A_3620, %eq3A_3798 : vector<128x128xi32>
    %get3A_3800 = arith.constant 17 : index
    %get3A_3801 = arith.constant 0 : index
    %get3A_3802 = memref.load %arg7[%get3A_3800, %get3A_3801] : memref<19x1xf32, #tpu.memory_space<smem>>
    %jit3A_3803 = arith.constant 0.000000e+00 : f32
    %broadcast_in_dim3A_3804 = vector.broadcast %get3A_3802 : f32 to vector<128x128xf32>
    %broadcast_in_dim3A_3805 = vector.broadcast %jit3A_3803 : f32 to vector<128x128xf32>
    %select_n3A_3806 = arith.select %eq3A_3799, %broadcast_in_dim3A_3804, %broadcast_in_dim3A_3805 : vector<128x128xi1>, vector<128x128xf32>
    %add3A_3807 = arith.addf %add3A_3796, %select_n3A_3806 : vector<128x128xf32>
    %eq3A_3808 = arith.constant 18 : i32
    %eq3A_3809 = vector.broadcast %eq3A_3808 : i32 to vector<128x128xi32>
    %eq3A_3810 = arith.cmpi eq, %get3A_3620, %eq3A_3809 : vector<128x128xi32>
    %get3A_3811 = arith.constant 18 : index
    %get3A_3812 = arith.constant 0 : index
    %get3A_3813 = memref.load %arg7[%get3A_3811, %get3A_3812] : memref<19x1xf32, #tpu.memory_space<smem>>
    %jit3A_3814 = arith.constant 0.000000e+00 : f32
    %broadcast_in_dim3A_3815 = vector.broadcast %get3A_3813 : f32 to vector<128x128xf32>
    %broadcast_in_dim3A_3816 = vector.broadcast %jit3A_3814 : f32 to vector<128x128xf32>
    %select_n3A_3817 = arith.select %eq3A_3810, %broadcast_in_dim3A_3815, %broadcast_in_dim3A_3816 : vector<128x128xi1>, vector<128x128xf32>
    %add3A_3818 = arith.addf %add3A_3807, %select_n3A_3817 : vector<128x128xf32>
    %get3A_3819 = arith.constant 17 : index
    %get3A_3820 = arith.constant 0 : index
    %get3A_3821 = arith.constant 0 : index
    %get3A_3822 = vector.load %arg3[%get3A_3819, %get3A_3820, %get3A_3821] : memref<20x128x128xi32, #tpu.memory_space<vmem>>, vector<1x128x128xi32>
    %get3A_3823 = vector.shape_cast %get3A_3822 : vector<1x128x128xi32> to vector<128x128xi32>
    %eq3A_3824 = arith.constant 1 : i32
    %eq3A_3825 = vector.broadcast %eq3A_3824 : i32 to vector<128x128xi32>
    %eq3A_3826 = arith.cmpi eq, %get3A_3823, %eq3A_3825 : vector<128x128xi32>
    %get3A_3827 = arith.constant 1 : index
    %get3A_3828 = arith.constant 0 : index
    %get3A_3829 = memref.load %arg7[%get3A_3827, %get3A_3828] : memref<19x1xf32, #tpu.memory_space<smem>>
    %jit3A_3830 = arith.constant 0.000000e+00 : f32
    %broadcast_in_dim3A_3831 = vector.broadcast %get3A_3829 : f32 to vector<128x128xf32>
    %broadcast_in_dim3A_3832 = vector.broadcast %jit3A_3830 : f32 to vector<128x128xf32>
    %select_n3A_3833 = arith.select %eq3A_3826, %broadcast_in_dim3A_3831, %broadcast_in_dim3A_3832 : vector<128x128xi1>, vector<128x128xf32>
    %add3A_3834 = arith.addf %add3A_3818, %select_n3A_3833 : vector<128x128xf32>
    %eq3A_3835 = arith.constant 2 : i32
    %eq3A_3836 = vector.broadcast %eq3A_3835 : i32 to vector<128x128xi32>
    %eq3A_3837 = arith.cmpi eq, %get3A_3823, %eq3A_3836 : vector<128x128xi32>
    %get3A_3838 = arith.constant 2 : index
    %get3A_3839 = arith.constant 0 : index
    %get3A_3840 = memref.load %arg7[%get3A_3838, %get3A_3839] : memref<19x1xf32, #tpu.memory_space<smem>>
    %jit3A_3841 = arith.constant 0.000000e+00 : f32
    %broadcast_in_dim3A_3842 = vector.broadcast %get3A_3840 : f32 to vector<128x128xf32>
    %broadcast_in_dim3A_3843 = vector.broadcast %jit3A_3841 : f32 to vector<128x128xf32>
    %select_n3A_3844 = arith.select %eq3A_3837, %broadcast_in_dim3A_3842, %broadcast_in_dim3A_3843 : vector<128x128xi1>, vector<128x128xf32>
    %add3A_3845 = arith.addf %add3A_3834, %select_n3A_3844 : vector<128x128xf32>
    %eq3A_3846 = arith.constant 3 : i32
    %eq3A_3847 = vector.broadcast %eq3A_3846 : i32 to vector<128x128xi32>
    %eq3A_3848 = arith.cmpi eq, %get3A_3823, %eq3A_3847 : vector<128x128xi32>
    %get3A_3849 = arith.constant 3 : index
    %get3A_3850 = arith.constant 0 : index
    %get3A_3851 = memref.load %arg7[%get3A_3849, %get3A_3850] : memref<19x1xf32, #tpu.memory_space<smem>>
    %jit3A_3852 = arith.constant 0.000000e+00 : f32
    %broadcast_in_dim3A_3853 = vector.broadcast %get3A_3851 : f32 to vector<128x128xf32>
    %broadcast_in_dim3A_3854 = vector.broadcast %jit3A_3852 : f32 to vector<128x128xf32>
    %select_n3A_3855 = arith.select %eq3A_3848, %broadcast_in_dim3A_3853, %broadcast_in_dim3A_3854 : vector<128x128xi1>, vector<128x128xf32>
    %add3A_3856 = arith.addf %add3A_3845, %select_n3A_3855 : vector<128x128xf32>
    %eq3A_3857 = arith.constant 4 : i32
    %eq3A_3858 = vector.broadcast %eq3A_3857 : i32 to vector<128x128xi32>
    %eq3A_3859 = arith.cmpi eq, %get3A_3823, %eq3A_3858 : vector<128x128xi32>
    %get3A_3860 = arith.constant 4 : index
    %get3A_3861 = arith.constant 0 : index
    %get3A_3862 = memref.load %arg7[%get3A_3860, %get3A_3861] : memref<19x1xf32, #tpu.memory_space<smem>>
    %jit3A_3863 = arith.constant 0.000000e+00 : f32
    %broadcast_in_dim3A_3864 = vector.broadcast %get3A_3862 : f32 to vector<128x128xf32>
    %broadcast_in_dim3A_3865 = vector.broadcast %jit3A_3863 : f32 to vector<128x128xf32>
    %select_n3A_3866 = arith.select %eq3A_3859, %broadcast_in_dim3A_3864, %broadcast_in_dim3A_3865 : vector<128x128xi1>, vector<128x128xf32>
    %add3A_3867 = arith.addf %add3A_3856, %select_n3A_3866 : vector<128x128xf32>
    %eq3A_3868 = arith.constant 5 : i32
    %eq3A_3869 = vector.broadcast %eq3A_3868 : i32 to vector<128x128xi32>
    %eq3A_3870 = arith.cmpi eq, %get3A_3823, %eq3A_3869 : vector<128x128xi32>
    %get3A_3871 = arith.constant 5 : index
    %get3A_3872 = arith.constant 0 : index
    %get3A_3873 = memref.load %arg7[%get3A_3871, %get3A_3872] : memref<19x1xf32, #tpu.memory_space<smem>>
    %jit3A_3874 = arith.constant 0.000000e+00 : f32
    %broadcast_in_dim3A_3875 = vector.broadcast %get3A_3873 : f32 to vector<128x128xf32>
    %broadcast_in_dim3A_3876 = vector.broadcast %jit3A_3874 : f32 to vector<128x128xf32>
    %select_n3A_3877 = arith.select %eq3A_3870, %broadcast_in_dim3A_3875, %broadcast_in_dim3A_3876 : vector<128x128xi1>, vector<128x128xf32>
    %add3A_3878 = arith.addf %add3A_3867, %select_n3A_3877 : vector<128x128xf32>
    %eq3A_3879 = arith.constant 6 : i32
    %eq3A_3880 = vector.broadcast %eq3A_3879 : i32 to vector<128x128xi32>
    %eq3A_3881 = arith.cmpi eq, %get3A_3823, %eq3A_3880 : vector<128x128xi32>
    %get3A_3882 = arith.constant 6 : index
    %get3A_3883 = arith.constant 0 : index
    %get3A_3884 = memref.load %arg7[%get3A_3882, %get3A_3883] : memref<19x1xf32, #tpu.memory_space<smem>>
    %jit3A_3885 = arith.constant 0.000000e+00 : f32
    %broadcast_in_dim3A_3886 = vector.broadcast %get3A_3884 : f32 to vector<128x128xf32>
    %broadcast_in_dim3A_3887 = vector.broadcast %jit3A_3885 : f32 to vector<128x128xf32>
    %select_n3A_3888 = arith.select %eq3A_3881, %broadcast_in_dim3A_3886, %broadcast_in_dim3A_3887 : vector<128x128xi1>, vector<128x128xf32>
    %add3A_3889 = arith.addf %add3A_3878, %select_n3A_3888 : vector<128x128xf32>
    %eq3A_3890 = arith.constant 7 : i32
    %eq3A_3891 = vector.broadcast %eq3A_3890 : i32 to vector<128x128xi32>
    %eq3A_3892 = arith.cmpi eq, %get3A_3823, %eq3A_3891 : vector<128x128xi32>
    %get3A_3893 = arith.constant 7 : index
    %get3A_3894 = arith.constant 0 : index
    %get3A_3895 = memref.load %arg7[%get3A_3893, %get3A_3894] : memref<19x1xf32, #tpu.memory_space<smem>>
    %jit3A_3896 = arith.constant 0.000000e+00 : f32
    %broadcast_in_dim3A_3897 = vector.broadcast %get3A_3895 : f32 to vector<128x128xf32>
    %broadcast_in_dim3A_3898 = vector.broadcast %jit3A_3896 : f32 to vector<128x128xf32>
    %select_n3A_3899 = arith.select %eq3A_3892, %broadcast_in_dim3A_3897, %broadcast_in_dim3A_3898 : vector<128x128xi1>, vector<128x128xf32>
    %add3A_3900 = arith.addf %add3A_3889, %select_n3A_3899 : vector<128x128xf32>
    %eq3A_3901 = arith.constant 8 : i32
    %eq3A_3902 = vector.broadcast %eq3A_3901 : i32 to vector<128x128xi32>
    %eq3A_3903 = arith.cmpi eq, %get3A_3823, %eq3A_3902 : vector<128x128xi32>
    %get3A_3904 = arith.constant 8 : index
    %get3A_3905 = arith.constant 0 : index
    %get3A_3906 = memref.load %arg7[%get3A_3904, %get3A_3905] : memref<19x1xf32, #tpu.memory_space<smem>>
    %jit3A_3907 = arith.constant 0.000000e+00 : f32
    %broadcast_in_dim3A_3908 = vector.broadcast %get3A_3906 : f32 to vector<128x128xf32>
    %broadcast_in_dim3A_3909 = vector.broadcast %jit3A_3907 : f32 to vector<128x128xf32>
    %select_n3A_3910 = arith.select %eq3A_3903, %broadcast_in_dim3A_3908, %broadcast_in_dim3A_3909 : vector<128x128xi1>, vector<128x128xf32>
    %add3A_3911 = arith.addf %add3A_3900, %select_n3A_3910 : vector<128x128xf32>
    %eq3A_3912 = arith.constant 9 : i32
    %eq3A_3913 = vector.broadcast %eq3A_3912 : i32 to vector<128x128xi32>
    %eq3A_3914 = arith.cmpi eq, %get3A_3823, %eq3A_3913 : vector<128x128xi32>
    %get3A_3915 = arith.constant 9 : index
    %get3A_3916 = arith.constant 0 : index
    %get3A_3917 = memref.load %arg7[%get3A_3915, %get3A_3916] : memref<19x1xf32, #tpu.memory_space<smem>>
    %jit3A_3918 = arith.constant 0.000000e+00 : f32
    %broadcast_in_dim3A_3919 = vector.broadcast %get3A_3917 : f32 to vector<128x128xf32>
    %broadcast_in_dim3A_3920 = vector.broadcast %jit3A_3918 : f32 to vector<128x128xf32>
    %select_n3A_3921 = arith.select %eq3A_3914, %broadcast_in_dim3A_3919, %broadcast_in_dim3A_3920 : vector<128x128xi1>, vector<128x128xf32>
    %add3A_3922 = arith.addf %add3A_3911, %select_n3A_3921 : vector<128x128xf32>
    %eq3A_3923 = arith.constant 10 : i32
    %eq3A_3924 = vector.broadcast %eq3A_3923 : i32 to vector<128x128xi32>
    %eq3A_3925 = arith.cmpi eq, %get3A_3823, %eq3A_3924 : vector<128x128xi32>
    %get3A_3926 = arith.constant 10 : index
    %get3A_3927 = arith.constant 0 : index
    %get3A_3928 = memref.load %arg7[%get3A_3926, %get3A_3927] : memref<19x1xf32, #tpu.memory_space<smem>>
    %jit3A_3929 = arith.constant 0.000000e+00 : f32
    %broadcast_in_dim3A_3930 = vector.broadcast %get3A_3928 : f32 to vector<128x128xf32>
    %broadcast_in_dim3A_3931 = vector.broadcast %jit3A_3929 : f32 to vector<128x128xf32>
    %select_n3A_3932 = arith.select %eq3A_3925, %broadcast_in_dim3A_3930, %broadcast_in_dim3A_3931 : vector<128x128xi1>, vector<128x128xf32>
    %add3A_3933 = arith.addf %add3A_3922, %select_n3A_3932 : vector<128x128xf32>
    %eq3A_3934 = arith.constant 11 : i32
    %eq3A_3935 = vector.broadcast %eq3A_3934 : i32 to vector<128x128xi32>
    %eq3A_3936 = arith.cmpi eq, %get3A_3823, %eq3A_3935 : vector<128x128xi32>
    %get3A_3937 = arith.constant 11 : index
    %get3A_3938 = arith.constant 0 : index
    %get3A_3939 = memref.load %arg7[%get3A_3937, %get3A_3938] : memref<19x1xf32, #tpu.memory_space<smem>>
    %jit3A_3940 = arith.constant 0.000000e+00 : f32
    %broadcast_in_dim3A_3941 = vector.broadcast %get3A_3939 : f32 to vector<128x128xf32>
    %broadcast_in_dim3A_3942 = vector.broadcast %jit3A_3940 : f32 to vector<128x128xf32>
    %select_n3A_3943 = arith.select %eq3A_3936, %broadcast_in_dim3A_3941, %broadcast_in_dim3A_3942 : vector<128x128xi1>, vector<128x128xf32>
    %add3A_3944 = arith.addf %add3A_3933, %select_n3A_3943 : vector<128x128xf32>
    %eq3A_3945 = arith.constant 12 : i32
    %eq3A_3946 = vector.broadcast %eq3A_3945 : i32 to vector<128x128xi32>
    %eq3A_3947 = arith.cmpi eq, %get3A_3823, %eq3A_3946 : vector<128x128xi32>
    %get3A_3948 = arith.constant 12 : index
    %get3A_3949 = arith.constant 0 : index
    %get3A_3950 = memref.load %arg7[%get3A_3948, %get3A_3949] : memref<19x1xf32, #tpu.memory_space<smem>>
    %jit3A_3951 = arith.constant 0.000000e+00 : f32
    %broadcast_in_dim3A_3952 = vector.broadcast %get3A_3950 : f32 to vector<128x128xf32>
    %broadcast_in_dim3A_3953 = vector.broadcast %jit3A_3951 : f32 to vector<128x128xf32>
    %select_n3A_3954 = arith.select %eq3A_3947, %broadcast_in_dim3A_3952, %broadcast_in_dim3A_3953 : vector<128x128xi1>, vector<128x128xf32>
    %add3A_3955 = arith.addf %add3A_3944, %select_n3A_3954 : vector<128x128xf32>
    %eq3A_3956 = arith.constant 13 : i32
    %eq3A_3957 = vector.broadcast %eq3A_3956 : i32 to vector<128x128xi32>
    %eq3A_3958 = arith.cmpi eq, %get3A_3823, %eq3A_3957 : vector<128x128xi32>
    %get3A_3959 = arith.constant 13 : index
    %get3A_3960 = arith.constant 0 : index
    %get3A_3961 = memref.load %arg7[%get3A_3959, %get3A_3960] : memref<19x1xf32, #tpu.memory_space<smem>>
    %jit3A_3962 = arith.constant 0.000000e+00 : f32
    %broadcast_in_dim3A_3963 = vector.broadcast %get3A_3961 : f32 to vector<128x128xf32>
    %broadcast_in_dim3A_3964 = vector.broadcast %jit3A_3962 : f32 to vector<128x128xf32>
    %select_n3A_3965 = arith.select %eq3A_3958, %broadcast_in_dim3A_3963, %broadcast_in_dim3A_3964 : vector<128x128xi1>, vector<128x128xf32>
    %add3A_3966 = arith.addf %add3A_3955, %select_n3A_3965 : vector<128x128xf32>
    %eq3A_3967 = arith.constant 14 : i32
    %eq3A_3968 = vector.broadcast %eq3A_3967 : i32 to vector<128x128xi32>
    %eq3A_3969 = arith.cmpi eq, %get3A_3823, %eq3A_3968 : vector<128x128xi32>
    %get3A_3970 = arith.constant 14 : index
    %get3A_3971 = arith.constant 0 : index
    %get3A_3972 = memref.load %arg7[%get3A_3970, %get3A_3971] : memref<19x1xf32, #tpu.memory_space<smem>>
    %jit3A_3973 = arith.constant 0.000000e+00 : f32
    %broadcast_in_dim3A_3974 = vector.broadcast %get3A_3972 : f32 to vector<128x128xf32>
    %broadcast_in_dim3A_3975 = vector.broadcast %jit3A_3973 : f32 to vector<128x128xf32>
    %select_n3A_3976 = arith.select %eq3A_3969, %broadcast_in_dim3A_3974, %broadcast_in_dim3A_3975 : vector<128x128xi1>, vector<128x128xf32>
    %add3A_3977 = arith.addf %add3A_3966, %select_n3A_3976 : vector<128x128xf32>
    %eq3A_3978 = arith.constant 15 : i32
    %eq3A_3979 = vector.broadcast %eq3A_3978 : i32 to vector<128x128xi32>
    %eq3A_3980 = arith.cmpi eq, %get3A_3823, %eq3A_3979 : vector<128x128xi32>
    %get3A_3981 = arith.constant 15 : index
    %get3A_3982 = arith.constant 0 : index
    %get3A_3983 = memref.load %arg7[%get3A_3981, %get3A_3982] : memref<19x1xf32, #tpu.memory_space<smem>>
    %jit3A_3984 = arith.constant 0.000000e+00 : f32
    %broadcast_in_dim3A_3985 = vector.broadcast %get3A_3983 : f32 to vector<128x128xf32>
    %broadcast_in_dim3A_3986 = vector.broadcast %jit3A_3984 : f32 to vector<128x128xf32>
    %select_n3A_3987 = arith.select %eq3A_3980, %broadcast_in_dim3A_3985, %broadcast_in_dim3A_3986 : vector<128x128xi1>, vector<128x128xf32>
    %add3A_3988 = arith.addf %add3A_3977, %select_n3A_3987 : vector<128x128xf32>
    %eq3A_3989 = arith.constant 16 : i32
    %eq3A_3990 = vector.broadcast %eq3A_3989 : i32 to vector<128x128xi32>
    %eq3A_3991 = arith.cmpi eq, %get3A_3823, %eq3A_3990 : vector<128x128xi32>
    %get3A_3992 = arith.constant 16 : index
    %get3A_3993 = arith.constant 0 : index
    %get3A_3994 = memref.load %arg7[%get3A_3992, %get3A_3993] : memref<19x1xf32, #tpu.memory_space<smem>>
    %jit3A_3995 = arith.constant 0.000000e+00 : f32
    %broadcast_in_dim3A_3996 = vector.broadcast %get3A_3994 : f32 to vector<128x128xf32>
    %broadcast_in_dim3A_3997 = vector.broadcast %jit3A_3995 : f32 to vector<128x128xf32>
    %select_n3A_3998 = arith.select %eq3A_3991, %broadcast_in_dim3A_3996, %broadcast_in_dim3A_3997 : vector<128x128xi1>, vector<128x128xf32>
    %add3A_3999 = arith.addf %add3A_3988, %select_n3A_3998 : vector<128x128xf32>
    %eq3A_4000 = arith.constant 17 : i32
    %eq3A_4001 = vector.broadcast %eq3A_4000 : i32 to vector<128x128xi32>
    %eq3A_4002 = arith.cmpi eq, %get3A_3823, %eq3A_4001 : vector<128x128xi32>
    %get3A_4003 = arith.constant 17 : index
    %get3A_4004 = arith.constant 0 : index
    %get3A_4005 = memref.load %arg7[%get3A_4003, %get3A_4004] : memref<19x1xf32, #tpu.memory_space<smem>>
    %jit3A_4006 = arith.constant 0.000000e+00 : f32
    %broadcast_in_dim3A_4007 = vector.broadcast %get3A_4005 : f32 to vector<128x128xf32>
    %broadcast_in_dim3A_4008 = vector.broadcast %jit3A_4006 : f32 to vector<128x128xf32>
    %select_n3A_4009 = arith.select %eq3A_4002, %broadcast_in_dim3A_4007, %broadcast_in_dim3A_4008 : vector<128x128xi1>, vector<128x128xf32>
    %add3A_4010 = arith.addf %add3A_3999, %select_n3A_4009 : vector<128x128xf32>
    %eq3A_4011 = arith.constant 18 : i32
    %eq3A_4012 = vector.broadcast %eq3A_4011 : i32 to vector<128x128xi32>
    %eq3A_4013 = arith.cmpi eq, %get3A_3823, %eq3A_4012 : vector<128x128xi32>
    %get3A_4014 = arith.constant 18 : index
    %get3A_4015 = arith.constant 0 : index
    %get3A_4016 = memref.load %arg7[%get3A_4014, %get3A_4015] : memref<19x1xf32, #tpu.memory_space<smem>>
    %jit3A_4017 = arith.constant 0.000000e+00 : f32
    %broadcast_in_dim3A_4018 = vector.broadcast %get3A_4016 : f32 to vector<128x128xf32>
    %broadcast_in_dim3A_4019 = vector.broadcast %jit3A_4017 : f32 to vector<128x128xf32>
    %select_n3A_4020 = arith.select %eq3A_4013, %broadcast_in_dim3A_4018, %broadcast_in_dim3A_4019 : vector<128x128xi1>, vector<128x128xf32>
    %add3A_4021 = arith.addf %add3A_4010, %select_n3A_4020 : vector<128x128xf32>
    %get3A_4022 = arith.constant 18 : index
    %get3A_4023 = arith.constant 0 : index
    %get3A_4024 = arith.constant 0 : index
    %get3A_4025 = vector.load %arg3[%get3A_4022, %get3A_4023, %get3A_4024] : memref<20x128x128xi32, #tpu.memory_space<vmem>>, vector<1x128x128xi32>
    %get3A_4026 = vector.shape_cast %get3A_4025 : vector<1x128x128xi32> to vector<128x128xi32>
    %eq3A_4027 = arith.constant 1 : i32
    %eq3A_4028 = vector.broadcast %eq3A_4027 : i32 to vector<128x128xi32>
    %eq3A_4029 = arith.cmpi eq, %get3A_4026, %eq3A_4028 : vector<128x128xi32>
    %get3A_4030 = arith.constant 1 : index
    %get3A_4031 = arith.constant 0 : index
    %get3A_4032 = memref.load %arg7[%get3A_4030, %get3A_4031] : memref<19x1xf32, #tpu.memory_space<smem>>
    %jit3A_4033 = arith.constant 0.000000e+00 : f32
    %broadcast_in_dim3A_4034 = vector.broadcast %get3A_4032 : f32 to vector<128x128xf32>
    %broadcast_in_dim3A_4035 = vector.broadcast %jit3A_4033 : f32 to vector<128x128xf32>
    %select_n3A_4036 = arith.select %eq3A_4029, %broadcast_in_dim3A_4034, %broadcast_in_dim3A_4035 : vector<128x128xi1>, vector<128x128xf32>
    %add3A_4037 = arith.addf %add3A_4021, %select_n3A_4036 : vector<128x128xf32>
    %eq3A_4038 = arith.constant 2 : i32
    %eq3A_4039 = vector.broadcast %eq3A_4038 : i32 to vector<128x128xi32>
    %eq3A_4040 = arith.cmpi eq, %get3A_4026, %eq3A_4039 : vector<128x128xi32>
    %get3A_4041 = arith.constant 2 : index
    %get3A_4042 = arith.constant 0 : index
    %get3A_4043 = memref.load %arg7[%get3A_4041, %get3A_4042] : memref<19x1xf32, #tpu.memory_space<smem>>
    %jit3A_4044 = arith.constant 0.000000e+00 : f32
    %broadcast_in_dim3A_4045 = vector.broadcast %get3A_4043 : f32 to vector<128x128xf32>
    %broadcast_in_dim3A_4046 = vector.broadcast %jit3A_4044 : f32 to vector<128x128xf32>
    %select_n3A_4047 = arith.select %eq3A_4040, %broadcast_in_dim3A_4045, %broadcast_in_dim3A_4046 : vector<128x128xi1>, vector<128x128xf32>
    %add3A_4048 = arith.addf %add3A_4037, %select_n3A_4047 : vector<128x128xf32>
    %eq3A_4049 = arith.constant 3 : i32
    %eq3A_4050 = vector.broadcast %eq3A_4049 : i32 to vector<128x128xi32>
    %eq3A_4051 = arith.cmpi eq, %get3A_4026, %eq3A_4050 : vector<128x128xi32>
    %get3A_4052 = arith.constant 3 : index
    %get3A_4053 = arith.constant 0 : index
    %get3A_4054 = memref.load %arg7[%get3A_4052, %get3A_4053] : memref<19x1xf32, #tpu.memory_space<smem>>
    %jit3A_4055 = arith.constant 0.000000e+00 : f32
    %broadcast_in_dim3A_4056 = vector.broadcast %get3A_4054 : f32 to vector<128x128xf32>
    %broadcast_in_dim3A_4057 = vector.broadcast %jit3A_4055 : f32 to vector<128x128xf32>
    %select_n3A_4058 = arith.select %eq3A_4051, %broadcast_in_dim3A_4056, %broadcast_in_dim3A_4057 : vector<128x128xi1>, vector<128x128xf32>
    %add3A_4059 = arith.addf %add3A_4048, %select_n3A_4058 : vector<128x128xf32>
    %eq3A_4060 = arith.constant 4 : i32
    %eq3A_4061 = vector.broadcast %eq3A_4060 : i32 to vector<128x128xi32>
    %eq3A_4062 = arith.cmpi eq, %get3A_4026, %eq3A_4061 : vector<128x128xi32>
    %get3A_4063 = arith.constant 4 : index
    %get3A_4064 = arith.constant 0 : index
    %get3A_4065 = memref.load %arg7[%get3A_4063, %get3A_4064] : memref<19x1xf32, #tpu.memory_space<smem>>
    %jit3A_4066 = arith.constant 0.000000e+00 : f32
    %broadcast_in_dim3A_4067 = vector.broadcast %get3A_4065 : f32 to vector<128x128xf32>
    %broadcast_in_dim3A_4068 = vector.broadcast %jit3A_4066 : f32 to vector<128x128xf32>
    %select_n3A_4069 = arith.select %eq3A_4062, %broadcast_in_dim3A_4067, %broadcast_in_dim3A_4068 : vector<128x128xi1>, vector<128x128xf32>
    %add3A_4070 = arith.addf %add3A_4059, %select_n3A_4069 : vector<128x128xf32>
    %eq3A_4071 = arith.constant 5 : i32
    %eq3A_4072 = vector.broadcast %eq3A_4071 : i32 to vector<128x128xi32>
    %eq3A_4073 = arith.cmpi eq, %get3A_4026, %eq3A_4072 : vector<128x128xi32>
    %get3A_4074 = arith.constant 5 : index
    %get3A_4075 = arith.constant 0 : index
    %get3A_4076 = memref.load %arg7[%get3A_4074, %get3A_4075] : memref<19x1xf32, #tpu.memory_space<smem>>
    %jit3A_4077 = arith.constant 0.000000e+00 : f32
    %broadcast_in_dim3A_4078 = vector.broadcast %get3A_4076 : f32 to vector<128x128xf32>
    %broadcast_in_dim3A_4079 = vector.broadcast %jit3A_4077 : f32 to vector<128x128xf32>
    %select_n3A_4080 = arith.select %eq3A_4073, %broadcast_in_dim3A_4078, %broadcast_in_dim3A_4079 : vector<128x128xi1>, vector<128x128xf32>
    %add3A_4081 = arith.addf %add3A_4070, %select_n3A_4080 : vector<128x128xf32>
    %eq3A_4082 = arith.constant 6 : i32
    %eq3A_4083 = vector.broadcast %eq3A_4082 : i32 to vector<128x128xi32>
    %eq3A_4084 = arith.cmpi eq, %get3A_4026, %eq3A_4083 : vector<128x128xi32>
    %get3A_4085 = arith.constant 6 : index
    %get3A_4086 = arith.constant 0 : index
    %get3A_4087 = memref.load %arg7[%get3A_4085, %get3A_4086] : memref<19x1xf32, #tpu.memory_space<smem>>
    %jit3A_4088 = arith.constant 0.000000e+00 : f32
    %broadcast_in_dim3A_4089 = vector.broadcast %get3A_4087 : f32 to vector<128x128xf32>
    %broadcast_in_dim3A_4090 = vector.broadcast %jit3A_4088 : f32 to vector<128x128xf32>
    %select_n3A_4091 = arith.select %eq3A_4084, %broadcast_in_dim3A_4089, %broadcast_in_dim3A_4090 : vector<128x128xi1>, vector<128x128xf32>
    %add3A_4092 = arith.addf %add3A_4081, %select_n3A_4091 : vector<128x128xf32>
    %eq3A_4093 = arith.constant 7 : i32
    %eq3A_4094 = vector.broadcast %eq3A_4093 : i32 to vector<128x128xi32>
    %eq3A_4095 = arith.cmpi eq, %get3A_4026, %eq3A_4094 : vector<128x128xi32>
    %get3A_4096 = arith.constant 7 : index
    %get3A_4097 = arith.constant 0 : index
    %get3A_4098 = memref.load %arg7[%get3A_4096, %get3A_4097] : memref<19x1xf32, #tpu.memory_space<smem>>
    %jit3A_4099 = arith.constant 0.000000e+00 : f32
    %broadcast_in_dim3A_4100 = vector.broadcast %get3A_4098 : f32 to vector<128x128xf32>
    %broadcast_in_dim3A_4101 = vector.broadcast %jit3A_4099 : f32 to vector<128x128xf32>
    %select_n3A_4102 = arith.select %eq3A_4095, %broadcast_in_dim3A_4100, %broadcast_in_dim3A_4101 : vector<128x128xi1>, vector<128x128xf32>
    %add3A_4103 = arith.addf %add3A_4092, %select_n3A_4102 : vector<128x128xf32>
    %eq3A_4104 = arith.constant 8 : i32
    %eq3A_4105 = vector.broadcast %eq3A_4104 : i32 to vector<128x128xi32>
    %eq3A_4106 = arith.cmpi eq, %get3A_4026, %eq3A_4105 : vector<128x128xi32>
    %get3A_4107 = arith.constant 8 : index
    %get3A_4108 = arith.constant 0 : index
    %get3A_4109 = memref.load %arg7[%get3A_4107, %get3A_4108] : memref<19x1xf32, #tpu.memory_space<smem>>
    %jit3A_4110 = arith.constant 0.000000e+00 : f32
    %broadcast_in_dim3A_4111 = vector.broadcast %get3A_4109 : f32 to vector<128x128xf32>
    %broadcast_in_dim3A_4112 = vector.broadcast %jit3A_4110 : f32 to vector<128x128xf32>
    %select_n3A_4113 = arith.select %eq3A_4106, %broadcast_in_dim3A_4111, %broadcast_in_dim3A_4112 : vector<128x128xi1>, vector<128x128xf32>
    %add3A_4114 = arith.addf %add3A_4103, %select_n3A_4113 : vector<128x128xf32>
    %eq3A_4115 = arith.constant 9 : i32
    %eq3A_4116 = vector.broadcast %eq3A_4115 : i32 to vector<128x128xi32>
    %eq3A_4117 = arith.cmpi eq, %get3A_4026, %eq3A_4116 : vector<128x128xi32>
    %get3A_4118 = arith.constant 9 : index
    %get3A_4119 = arith.constant 0 : index
    %get3A_4120 = memref.load %arg7[%get3A_4118, %get3A_4119] : memref<19x1xf32, #tpu.memory_space<smem>>
    %jit3A_4121 = arith.constant 0.000000e+00 : f32
    %broadcast_in_dim3A_4122 = vector.broadcast %get3A_4120 : f32 to vector<128x128xf32>
    %broadcast_in_dim3A_4123 = vector.broadcast %jit3A_4121 : f32 to vector<128x128xf32>
    %select_n3A_4124 = arith.select %eq3A_4117, %broadcast_in_dim3A_4122, %broadcast_in_dim3A_4123 : vector<128x128xi1>, vector<128x128xf32>
    %add3A_4125 = arith.addf %add3A_4114, %select_n3A_4124 : vector<128x128xf32>
    %eq3A_4126 = arith.constant 10 : i32
    %eq3A_4127 = vector.broadcast %eq3A_4126 : i32 to vector<128x128xi32>
    %eq3A_4128 = arith.cmpi eq, %get3A_4026, %eq3A_4127 : vector<128x128xi32>
    %get3A_4129 = arith.constant 10 : index
    %get3A_4130 = arith.constant 0 : index
    %get3A_4131 = memref.load %arg7[%get3A_4129, %get3A_4130] : memref<19x1xf32, #tpu.memory_space<smem>>
    %jit3A_4132 = arith.constant 0.000000e+00 : f32
    %broadcast_in_dim3A_4133 = vector.broadcast %get3A_4131 : f32 to vector<128x128xf32>
    %broadcast_in_dim3A_4134 = vector.broadcast %jit3A_4132 : f32 to vector<128x128xf32>
    %select_n3A_4135 = arith.select %eq3A_4128, %broadcast_in_dim3A_4133, %broadcast_in_dim3A_4134 : vector<128x128xi1>, vector<128x128xf32>
    %add3A_4136 = arith.addf %add3A_4125, %select_n3A_4135 : vector<128x128xf32>
    %eq3A_4137 = arith.constant 11 : i32
    %eq3A_4138 = vector.broadcast %eq3A_4137 : i32 to vector<128x128xi32>
    %eq3A_4139 = arith.cmpi eq, %get3A_4026, %eq3A_4138 : vector<128x128xi32>
    %get3A_4140 = arith.constant 11 : index
    %get3A_4141 = arith.constant 0 : index
    %get3A_4142 = memref.load %arg7[%get3A_4140, %get3A_4141] : memref<19x1xf32, #tpu.memory_space<smem>>
    %jit3A_4143 = arith.constant 0.000000e+00 : f32
    %broadcast_in_dim3A_4144 = vector.broadcast %get3A_4142 : f32 to vector<128x128xf32>
    %broadcast_in_dim3A_4145 = vector.broadcast %jit3A_4143 : f32 to vector<128x128xf32>
    %select_n3A_4146 = arith.select %eq3A_4139, %broadcast_in_dim3A_4144, %broadcast_in_dim3A_4145 : vector<128x128xi1>, vector<128x128xf32>
    %add3A_4147 = arith.addf %add3A_4136, %select_n3A_4146 : vector<128x128xf32>
    %eq3A_4148 = arith.constant 12 : i32
    %eq3A_4149 = vector.broadcast %eq3A_4148 : i32 to vector<128x128xi32>
    %eq3A_4150 = arith.cmpi eq, %get3A_4026, %eq3A_4149 : vector<128x128xi32>
    %get3A_4151 = arith.constant 12 : index
    %get3A_4152 = arith.constant 0 : index
    %get3A_4153 = memref.load %arg7[%get3A_4151, %get3A_4152] : memref<19x1xf32, #tpu.memory_space<smem>>
    %jit3A_4154 = arith.constant 0.000000e+00 : f32
    %broadcast_in_dim3A_4155 = vector.broadcast %get3A_4153 : f32 to vector<128x128xf32>
    %broadcast_in_dim3A_4156 = vector.broadcast %jit3A_4154 : f32 to vector<128x128xf32>
    %select_n3A_4157 = arith.select %eq3A_4150, %broadcast_in_dim3A_4155, %broadcast_in_dim3A_4156 : vector<128x128xi1>, vector<128x128xf32>
    %add3A_4158 = arith.addf %add3A_4147, %select_n3A_4157 : vector<128x128xf32>
    %eq3A_4159 = arith.constant 13 : i32
    %eq3A_4160 = vector.broadcast %eq3A_4159 : i32 to vector<128x128xi32>
    %eq3A_4161 = arith.cmpi eq, %get3A_4026, %eq3A_4160 : vector<128x128xi32>
    %get3A_4162 = arith.constant 13 : index
    %get3A_4163 = arith.constant 0 : index
    %get3A_4164 = memref.load %arg7[%get3A_4162, %get3A_4163] : memref<19x1xf32, #tpu.memory_space<smem>>
    %jit3A_4165 = arith.constant 0.000000e+00 : f32
    %broadcast_in_dim3A_4166 = vector.broadcast %get3A_4164 : f32 to vector<128x128xf32>
    %broadcast_in_dim3A_4167 = vector.broadcast %jit3A_4165 : f32 to vector<128x128xf32>
    %select_n3A_4168 = arith.select %eq3A_4161, %broadcast_in_dim3A_4166, %broadcast_in_dim3A_4167 : vector<128x128xi1>, vector<128x128xf32>
    %add3A_4169 = arith.addf %add3A_4158, %select_n3A_4168 : vector<128x128xf32>
    %eq3A_4170 = arith.constant 14 : i32
    %eq3A_4171 = vector.broadcast %eq3A_4170 : i32 to vector<128x128xi32>
    %eq3A_4172 = arith.cmpi eq, %get3A_4026, %eq3A_4171 : vector<128x128xi32>
    %get3A_4173 = arith.constant 14 : index
    %get3A_4174 = arith.constant 0 : index
    %get3A_4175 = memref.load %arg7[%get3A_4173, %get3A_4174] : memref<19x1xf32, #tpu.memory_space<smem>>
    %jit3A_4176 = arith.constant 0.000000e+00 : f32
    %broadcast_in_dim3A_4177 = vector.broadcast %get3A_4175 : f32 to vector<128x128xf32>
    %broadcast_in_dim3A_4178 = vector.broadcast %jit3A_4176 : f32 to vector<128x128xf32>
    %select_n3A_4179 = arith.select %eq3A_4172, %broadcast_in_dim3A_4177, %broadcast_in_dim3A_4178 : vector<128x128xi1>, vector<128x128xf32>
    %add3A_4180 = arith.addf %add3A_4169, %select_n3A_4179 : vector<128x128xf32>
    %eq3A_4181 = arith.constant 15 : i32
    %eq3A_4182 = vector.broadcast %eq3A_4181 : i32 to vector<128x128xi32>
    %eq3A_4183 = arith.cmpi eq, %get3A_4026, %eq3A_4182 : vector<128x128xi32>
    %get3A_4184 = arith.constant 15 : index
    %get3A_4185 = arith.constant 0 : index
    %get3A_4186 = memref.load %arg7[%get3A_4184, %get3A_4185] : memref<19x1xf32, #tpu.memory_space<smem>>
    %jit3A_4187 = arith.constant 0.000000e+00 : f32
    %broadcast_in_dim3A_4188 = vector.broadcast %get3A_4186 : f32 to vector<128x128xf32>
    %broadcast_in_dim3A_4189 = vector.broadcast %jit3A_4187 : f32 to vector<128x128xf32>
    %select_n3A_4190 = arith.select %eq3A_4183, %broadcast_in_dim3A_4188, %broadcast_in_dim3A_4189 : vector<128x128xi1>, vector<128x128xf32>
    %add3A_4191 = arith.addf %add3A_4180, %select_n3A_4190 : vector<128x128xf32>
    %eq3A_4192 = arith.constant 16 : i32
    %eq3A_4193 = vector.broadcast %eq3A_4192 : i32 to vector<128x128xi32>
    %eq3A_4194 = arith.cmpi eq, %get3A_4026, %eq3A_4193 : vector<128x128xi32>
    %get3A_4195 = arith.constant 16 : index
    %get3A_4196 = arith.constant 0 : index
    %get3A_4197 = memref.load %arg7[%get3A_4195, %get3A_4196] : memref<19x1xf32, #tpu.memory_space<smem>>
    %jit3A_4198 = arith.constant 0.000000e+00 : f32
    %broadcast_in_dim3A_4199 = vector.broadcast %get3A_4197 : f32 to vector<128x128xf32>
    %broadcast_in_dim3A_4200 = vector.broadcast %jit3A_4198 : f32 to vector<128x128xf32>
    %select_n3A_4201 = arith.select %eq3A_4194, %broadcast_in_dim3A_4199, %broadcast_in_dim3A_4200 : vector<128x128xi1>, vector<128x128xf32>
    %add3A_4202 = arith.addf %add3A_4191, %select_n3A_4201 : vector<128x128xf32>
    %eq3A_4203 = arith.constant 17 : i32
    %eq3A_4204 = vector.broadcast %eq3A_4203 : i32 to vector<128x128xi32>
    %eq3A_4205 = arith.cmpi eq, %get3A_4026, %eq3A_4204 : vector<128x128xi32>
    %get3A_4206 = arith.constant 17 : index
    %get3A_4207 = arith.constant 0 : index
    %get3A_4208 = memref.load %arg7[%get3A_4206, %get3A_4207] : memref<19x1xf32, #tpu.memory_space<smem>>
    %jit3A_4209 = arith.constant 0.000000e+00 : f32
    %broadcast_in_dim3A_4210 = vector.broadcast %get3A_4208 : f32 to vector<128x128xf32>
    %broadcast_in_dim3A_4211 = vector.broadcast %jit3A_4209 : f32 to vector<128x128xf32>
    %select_n3A_4212 = arith.select %eq3A_4205, %broadcast_in_dim3A_4210, %broadcast_in_dim3A_4211 : vector<128x128xi1>, vector<128x128xf32>
    %add3A_4213 = arith.addf %add3A_4202, %select_n3A_4212 : vector<128x128xf32>
    %eq3A_4214 = arith.constant 18 : i32
    %eq3A_4215 = vector.broadcast %eq3A_4214 : i32 to vector<128x128xi32>
    %eq3A_4216 = arith.cmpi eq, %get3A_4026, %eq3A_4215 : vector<128x128xi32>
    %get3A_4217 = arith.constant 18 : index
    %get3A_4218 = arith.constant 0 : index
    %get3A_4219 = memref.load %arg7[%get3A_4217, %get3A_4218] : memref<19x1xf32, #tpu.memory_space<smem>>
    %jit3A_4220 = arith.constant 0.000000e+00 : f32
    %broadcast_in_dim3A_4221 = vector.broadcast %get3A_4219 : f32 to vector<128x128xf32>
    %broadcast_in_dim3A_4222 = vector.broadcast %jit3A_4220 : f32 to vector<128x128xf32>
    %select_n3A_4223 = arith.select %eq3A_4216, %broadcast_in_dim3A_4221, %broadcast_in_dim3A_4222 : vector<128x128xi1>, vector<128x128xf32>
    %add3A_4224 = arith.addf %add3A_4213, %select_n3A_4223 : vector<128x128xf32>
    %get3A_4225 = arith.constant 19 : index
    %get3A_4226 = arith.constant 0 : index
    %get3A_4227 = arith.constant 0 : index
    %get3A_4228 = vector.load %arg3[%get3A_4225, %get3A_4226, %get3A_4227] : memref<20x128x128xi32, #tpu.memory_space<vmem>>, vector<1x128x128xi32>
    %get3A_4229 = vector.shape_cast %get3A_4228 : vector<1x128x128xi32> to vector<128x128xi32>
    %eq3A_4230 = arith.constant 1 : i32
    %eq3A_4231 = vector.broadcast %eq3A_4230 : i32 to vector<128x128xi32>
    %eq3A_4232 = arith.cmpi eq, %get3A_4229, %eq3A_4231 : vector<128x128xi32>
    %get3A_4233 = arith.constant 1 : index
    %get3A_4234 = arith.constant 0 : index
    %get3A_4235 = memref.load %arg7[%get3A_4233, %get3A_4234] : memref<19x1xf32, #tpu.memory_space<smem>>
    %jit3A_4236 = arith.constant 0.000000e+00 : f32
    %broadcast_in_dim3A_4237 = vector.broadcast %get3A_4235 : f32 to vector<128x128xf32>
    %broadcast_in_dim3A_4238 = vector.broadcast %jit3A_4236 : f32 to vector<128x128xf32>
    %select_n3A_4239 = arith.select %eq3A_4232, %broadcast_in_dim3A_4237, %broadcast_in_dim3A_4238 : vector<128x128xi1>, vector<128x128xf32>
    %add3A_4240 = arith.addf %add3A_4224, %select_n3A_4239 : vector<128x128xf32>
    %eq3A_4241 = arith.constant 2 : i32
    %eq3A_4242 = vector.broadcast %eq3A_4241 : i32 to vector<128x128xi32>
    %eq3A_4243 = arith.cmpi eq, %get3A_4229, %eq3A_4242 : vector<128x128xi32>
    %get3A_4244 = arith.constant 2 : index
    %get3A_4245 = arith.constant 0 : index
    %get3A_4246 = memref.load %arg7[%get3A_4244, %get3A_4245] : memref<19x1xf32, #tpu.memory_space<smem>>
    %jit3A_4247 = arith.constant 0.000000e+00 : f32
    %broadcast_in_dim3A_4248 = vector.broadcast %get3A_4246 : f32 to vector<128x128xf32>
    %broadcast_in_dim3A_4249 = vector.broadcast %jit3A_4247 : f32 to vector<128x128xf32>
    %select_n3A_4250 = arith.select %eq3A_4243, %broadcast_in_dim3A_4248, %broadcast_in_dim3A_4249 : vector<128x128xi1>, vector<128x128xf32>
    %add3A_4251 = arith.addf %add3A_4240, %select_n3A_4250 : vector<128x128xf32>
    %eq3A_4252 = arith.constant 3 : i32
    %eq3A_4253 = vector.broadcast %eq3A_4252 : i32 to vector<128x128xi32>
    %eq3A_4254 = arith.cmpi eq, %get3A_4229, %eq3A_4253 : vector<128x128xi32>
    %get3A_4255 = arith.constant 3 : index
    %get3A_4256 = arith.constant 0 : index
    %get3A_4257 = memref.load %arg7[%get3A_4255, %get3A_4256] : memref<19x1xf32, #tpu.memory_space<smem>>
    %jit3A_4258 = arith.constant 0.000000e+00 : f32
    %broadcast_in_dim3A_4259 = vector.broadcast %get3A_4257 : f32 to vector<128x128xf32>
    %broadcast_in_dim3A_4260 = vector.broadcast %jit3A_4258 : f32 to vector<128x128xf32>
    %select_n3A_4261 = arith.select %eq3A_4254, %broadcast_in_dim3A_4259, %broadcast_in_dim3A_4260 : vector<128x128xi1>, vector<128x128xf32>
    %add3A_4262 = arith.addf %add3A_4251, %select_n3A_4261 : vector<128x128xf32>
    %eq3A_4263 = arith.constant 4 : i32
    %eq3A_4264 = vector.broadcast %eq3A_4263 : i32 to vector<128x128xi32>
    %eq3A_4265 = arith.cmpi eq, %get3A_4229, %eq3A_4264 : vector<128x128xi32>
    %get3A_4266 = arith.constant 4 : index
    %get3A_4267 = arith.constant 0 : index
    %get3A_4268 = memref.load %arg7[%get3A_4266, %get3A_4267] : memref<19x1xf32, #tpu.memory_space<smem>>
    %jit3A_4269 = arith.constant 0.000000e+00 : f32
    %broadcast_in_dim3A_4270 = vector.broadcast %get3A_4268 : f32 to vector<128x128xf32>
    %broadcast_in_dim3A_4271 = vector.broadcast %jit3A_4269 : f32 to vector<128x128xf32>
    %select_n3A_4272 = arith.select %eq3A_4265, %broadcast_in_dim3A_4270, %broadcast_in_dim3A_4271 : vector<128x128xi1>, vector<128x128xf32>
    %add3A_4273 = arith.addf %add3A_4262, %select_n3A_4272 : vector<128x128xf32>
    %eq3A_4274 = arith.constant 5 : i32
    %eq3A_4275 = vector.broadcast %eq3A_4274 : i32 to vector<128x128xi32>
    %eq3A_4276 = arith.cmpi eq, %get3A_4229, %eq3A_4275 : vector<128x128xi32>
    %get3A_4277 = arith.constant 5 : index
    %get3A_4278 = arith.constant 0 : index
    %get3A_4279 = memref.load %arg7[%get3A_4277, %get3A_4278] : memref<19x1xf32, #tpu.memory_space<smem>>
    %jit3A_4280 = arith.constant 0.000000e+00 : f32
    %broadcast_in_dim3A_4281 = vector.broadcast %get3A_4279 : f32 to vector<128x128xf32>
    %broadcast_in_dim3A_4282 = vector.broadcast %jit3A_4280 : f32 to vector<128x128xf32>
    %select_n3A_4283 = arith.select %eq3A_4276, %broadcast_in_dim3A_4281, %broadcast_in_dim3A_4282 : vector<128x128xi1>, vector<128x128xf32>
    %add3A_4284 = arith.addf %add3A_4273, %select_n3A_4283 : vector<128x128xf32>
    %eq3A_4285 = arith.constant 6 : i32
    %eq3A_4286 = vector.broadcast %eq3A_4285 : i32 to vector<128x128xi32>
    %eq3A_4287 = arith.cmpi eq, %get3A_4229, %eq3A_4286 : vector<128x128xi32>
    %get3A_4288 = arith.constant 6 : index
    %get3A_4289 = arith.constant 0 : index
    %get3A_4290 = memref.load %arg7[%get3A_4288, %get3A_4289] : memref<19x1xf32, #tpu.memory_space<smem>>
    %jit3A_4291 = arith.constant 0.000000e+00 : f32
    %broadcast_in_dim3A_4292 = vector.broadcast %get3A_4290 : f32 to vector<128x128xf32>
    %broadcast_in_dim3A_4293 = vector.broadcast %jit3A_4291 : f32 to vector<128x128xf32>
    %select_n3A_4294 = arith.select %eq3A_4287, %broadcast_in_dim3A_4292, %broadcast_in_dim3A_4293 : vector<128x128xi1>, vector<128x128xf32>
    %add3A_4295 = arith.addf %add3A_4284, %select_n3A_4294 : vector<128x128xf32>
    %eq3A_4296 = arith.constant 7 : i32
    %eq3A_4297 = vector.broadcast %eq3A_4296 : i32 to vector<128x128xi32>
    %eq3A_4298 = arith.cmpi eq, %get3A_4229, %eq3A_4297 : vector<128x128xi32>
    %get3A_4299 = arith.constant 7 : index
    %get3A_4300 = arith.constant 0 : index
    %get3A_4301 = memref.load %arg7[%get3A_4299, %get3A_4300] : memref<19x1xf32, #tpu.memory_space<smem>>
    %jit3A_4302 = arith.constant 0.000000e+00 : f32
    %broadcast_in_dim3A_4303 = vector.broadcast %get3A_4301 : f32 to vector<128x128xf32>
    %broadcast_in_dim3A_4304 = vector.broadcast %jit3A_4302 : f32 to vector<128x128xf32>
    %select_n3A_4305 = arith.select %eq3A_4298, %broadcast_in_dim3A_4303, %broadcast_in_dim3A_4304 : vector<128x128xi1>, vector<128x128xf32>
    %add3A_4306 = arith.addf %add3A_4295, %select_n3A_4305 : vector<128x128xf32>
    %eq3A_4307 = arith.constant 8 : i32
    %eq3A_4308 = vector.broadcast %eq3A_4307 : i32 to vector<128x128xi32>
    %eq3A_4309 = arith.cmpi eq, %get3A_4229, %eq3A_4308 : vector<128x128xi32>
    %get3A_4310 = arith.constant 8 : index
    %get3A_4311 = arith.constant 0 : index
    %get3A_4312 = memref.load %arg7[%get3A_4310, %get3A_4311] : memref<19x1xf32, #tpu.memory_space<smem>>
    %jit3A_4313 = arith.constant 0.000000e+00 : f32
    %broadcast_in_dim3A_4314 = vector.broadcast %get3A_4312 : f32 to vector<128x128xf32>
    %broadcast_in_dim3A_4315 = vector.broadcast %jit3A_4313 : f32 to vector<128x128xf32>
    %select_n3A_4316 = arith.select %eq3A_4309, %broadcast_in_dim3A_4314, %broadcast_in_dim3A_4315 : vector<128x128xi1>, vector<128x128xf32>
    %add3A_4317 = arith.addf %add3A_4306, %select_n3A_4316 : vector<128x128xf32>
    %eq3A_4318 = arith.constant 9 : i32
    %eq3A_4319 = vector.broadcast %eq3A_4318 : i32 to vector<128x128xi32>
    %eq3A_4320 = arith.cmpi eq, %get3A_4229, %eq3A_4319 : vector<128x128xi32>
    %get3A_4321 = arith.constant 9 : index
    %get3A_4322 = arith.constant 0 : index
    %get3A_4323 = memref.load %arg7[%get3A_4321, %get3A_4322] : memref<19x1xf32, #tpu.memory_space<smem>>
    %jit3A_4324 = arith.constant 0.000000e+00 : f32
    %broadcast_in_dim3A_4325 = vector.broadcast %get3A_4323 : f32 to vector<128x128xf32>
    %broadcast_in_dim3A_4326 = vector.broadcast %jit3A_4324 : f32 to vector<128x128xf32>
    %select_n3A_4327 = arith.select %eq3A_4320, %broadcast_in_dim3A_4325, %broadcast_in_dim3A_4326 : vector<128x128xi1>, vector<128x128xf32>
    %add3A_4328 = arith.addf %add3A_4317, %select_n3A_4327 : vector<128x128xf32>
    %eq3A_4329 = arith.constant 10 : i32
    %eq3A_4330 = vector.broadcast %eq3A_4329 : i32 to vector<128x128xi32>
    %eq3A_4331 = arith.cmpi eq, %get3A_4229, %eq3A_4330 : vector<128x128xi32>
    %get3A_4332 = arith.constant 10 : index
    %get3A_4333 = arith.constant 0 : index
    %get3A_4334 = memref.load %arg7[%get3A_4332, %get3A_4333] : memref<19x1xf32, #tpu.memory_space<smem>>
    %jit3A_4335 = arith.constant 0.000000e+00 : f32
    %broadcast_in_dim3A_4336 = vector.broadcast %get3A_4334 : f32 to vector<128x128xf32>
    %broadcast_in_dim3A_4337 = vector.broadcast %jit3A_4335 : f32 to vector<128x128xf32>
    %select_n3A_4338 = arith.select %eq3A_4331, %broadcast_in_dim3A_4336, %broadcast_in_dim3A_4337 : vector<128x128xi1>, vector<128x128xf32>
    %add3A_4339 = arith.addf %add3A_4328, %select_n3A_4338 : vector<128x128xf32>
    %eq3A_4340 = arith.constant 11 : i32
    %eq3A_4341 = vector.broadcast %eq3A_4340 : i32 to vector<128x128xi32>
    %eq3A_4342 = arith.cmpi eq, %get3A_4229, %eq3A_4341 : vector<128x128xi32>
    %get3A_4343 = arith.constant 11 : index
    %get3A_4344 = arith.constant 0 : index
    %get3A_4345 = memref.load %arg7[%get3A_4343, %get3A_4344] : memref<19x1xf32, #tpu.memory_space<smem>>
    %jit3A_4346 = arith.constant 0.000000e+00 : f32
    %broadcast_in_dim3A_4347 = vector.broadcast %get3A_4345 : f32 to vector<128x128xf32>
    %broadcast_in_dim3A_4348 = vector.broadcast %jit3A_4346 : f32 to vector<128x128xf32>
    %select_n3A_4349 = arith.select %eq3A_4342, %broadcast_in_dim3A_4347, %broadcast_in_dim3A_4348 : vector<128x128xi1>, vector<128x128xf32>
    %add3A_4350 = arith.addf %add3A_4339, %select_n3A_4349 : vector<128x128xf32>
    %eq3A_4351 = arith.constant 12 : i32
    %eq3A_4352 = vector.broadcast %eq3A_4351 : i32 to vector<128x128xi32>
    %eq3A_4353 = arith.cmpi eq, %get3A_4229, %eq3A_4352 : vector<128x128xi32>
    %get3A_4354 = arith.constant 12 : index
    %get3A_4355 = arith.constant 0 : index
    %get3A_4356 = memref.load %arg7[%get3A_4354, %get3A_4355] : memref<19x1xf32, #tpu.memory_space<smem>>
    %jit3A_4357 = arith.constant 0.000000e+00 : f32
    %broadcast_in_dim3A_4358 = vector.broadcast %get3A_4356 : f32 to vector<128x128xf32>
    %broadcast_in_dim3A_4359 = vector.broadcast %jit3A_4357 : f32 to vector<128x128xf32>
    %select_n3A_4360 = arith.select %eq3A_4353, %broadcast_in_dim3A_4358, %broadcast_in_dim3A_4359 : vector<128x128xi1>, vector<128x128xf32>
    %add3A_4361 = arith.addf %add3A_4350, %select_n3A_4360 : vector<128x128xf32>
    %eq3A_4362 = arith.constant 13 : i32
    %eq3A_4363 = vector.broadcast %eq3A_4362 : i32 to vector<128x128xi32>
    %eq3A_4364 = arith.cmpi eq, %get3A_4229, %eq3A_4363 : vector<128x128xi32>
    %get3A_4365 = arith.constant 13 : index
    %get3A_4366 = arith.constant 0 : index
    %get3A_4367 = memref.load %arg7[%get3A_4365, %get3A_4366] : memref<19x1xf32, #tpu.memory_space<smem>>
    %jit3A_4368 = arith.constant 0.000000e+00 : f32
    %broadcast_in_dim3A_4369 = vector.broadcast %get3A_4367 : f32 to vector<128x128xf32>
    %broadcast_in_dim3A_4370 = vector.broadcast %jit3A_4368 : f32 to vector<128x128xf32>
    %select_n3A_4371 = arith.select %eq3A_4364, %broadcast_in_dim3A_4369, %broadcast_in_dim3A_4370 : vector<128x128xi1>, vector<128x128xf32>
    %add3A_4372 = arith.addf %add3A_4361, %select_n3A_4371 : vector<128x128xf32>
    %eq3A_4373 = arith.constant 14 : i32
    %eq3A_4374 = vector.broadcast %eq3A_4373 : i32 to vector<128x128xi32>
    %eq3A_4375 = arith.cmpi eq, %get3A_4229, %eq3A_4374 : vector<128x128xi32>
    %get3A_4376 = arith.constant 14 : index
    %get3A_4377 = arith.constant 0 : index
    %get3A_4378 = memref.load %arg7[%get3A_4376, %get3A_4377] : memref<19x1xf32, #tpu.memory_space<smem>>
    %jit3A_4379 = arith.constant 0.000000e+00 : f32
    %broadcast_in_dim3A_4380 = vector.broadcast %get3A_4378 : f32 to vector<128x128xf32>
    %broadcast_in_dim3A_4381 = vector.broadcast %jit3A_4379 : f32 to vector<128x128xf32>
    %select_n3A_4382 = arith.select %eq3A_4375, %broadcast_in_dim3A_4380, %broadcast_in_dim3A_4381 : vector<128x128xi1>, vector<128x128xf32>
    %add3A_4383 = arith.addf %add3A_4372, %select_n3A_4382 : vector<128x128xf32>
    %eq3A_4384 = arith.constant 15 : i32
    %eq3A_4385 = vector.broadcast %eq3A_4384 : i32 to vector<128x128xi32>
    %eq3A_4386 = arith.cmpi eq, %get3A_4229, %eq3A_4385 : vector<128x128xi32>
    %get3A_4387 = arith.constant 15 : index
    %get3A_4388 = arith.constant 0 : index
    %get3A_4389 = memref.load %arg7[%get3A_4387, %get3A_4388] : memref<19x1xf32, #tpu.memory_space<smem>>
    %jit3A_4390 = arith.constant 0.000000e+00 : f32
    %broadcast_in_dim3A_4391 = vector.broadcast %get3A_4389 : f32 to vector<128x128xf32>
    %broadcast_in_dim3A_4392 = vector.broadcast %jit3A_4390 : f32 to vector<128x128xf32>
    %select_n3A_4393 = arith.select %eq3A_4386, %broadcast_in_dim3A_4391, %broadcast_in_dim3A_4392 : vector<128x128xi1>, vector<128x128xf32>
    %add3A_4394 = arith.addf %add3A_4383, %select_n3A_4393 : vector<128x128xf32>
    %eq3A_4395 = arith.constant 16 : i32
    %eq3A_4396 = vector.broadcast %eq3A_4395 : i32 to vector<128x128xi32>
    %eq3A_4397 = arith.cmpi eq, %get3A_4229, %eq3A_4396 : vector<128x128xi32>
    %get3A_4398 = arith.constant 16 : index
    %get3A_4399 = arith.constant 0 : index
    %get3A_4400 = memref.load %arg7[%get3A_4398, %get3A_4399] : memref<19x1xf32, #tpu.memory_space<smem>>
    %jit3A_4401 = arith.constant 0.000000e+00 : f32
    %broadcast_in_dim3A_4402 = vector.broadcast %get3A_4400 : f32 to vector<128x128xf32>
    %broadcast_in_dim3A_4403 = vector.broadcast %jit3A_4401 : f32 to vector<128x128xf32>
    %select_n3A_4404 = arith.select %eq3A_4397, %broadcast_in_dim3A_4402, %broadcast_in_dim3A_4403 : vector<128x128xi1>, vector<128x128xf32>
    %add3A_4405 = arith.addf %add3A_4394, %select_n3A_4404 : vector<128x128xf32>
    %eq3A_4406 = arith.constant 17 : i32
    %eq3A_4407 = vector.broadcast %eq3A_4406 : i32 to vector<128x128xi32>
    %eq3A_4408 = arith.cmpi eq, %get3A_4229, %eq3A_4407 : vector<128x128xi32>
    %get3A_4409 = arith.constant 17 : index
    %get3A_4410 = arith.constant 0 : index
    %get3A_4411 = memref.load %arg7[%get3A_4409, %get3A_4410] : memref<19x1xf32, #tpu.memory_space<smem>>
    %jit3A_4412 = arith.constant 0.000000e+00 : f32
    %broadcast_in_dim3A_4413 = vector.broadcast %get3A_4411 : f32 to vector<128x128xf32>
    %broadcast_in_dim3A_4414 = vector.broadcast %jit3A_4412 : f32 to vector<128x128xf32>
    %select_n3A_4415 = arith.select %eq3A_4408, %broadcast_in_dim3A_4413, %broadcast_in_dim3A_4414 : vector<128x128xi1>, vector<128x128xf32>
    %add3A_4416 = arith.addf %add3A_4405, %select_n3A_4415 : vector<128x128xf32>
    %eq3A_4417 = arith.constant 18 : i32
    %eq3A_4418 = vector.broadcast %eq3A_4417 : i32 to vector<128x128xi32>
    %eq3A_4419 = arith.cmpi eq, %get3A_4229, %eq3A_4418 : vector<128x128xi32>
    %get3A_4420 = arith.constant 18 : index
    %get3A_4421 = arith.constant 0 : index
    %get3A_4422 = memref.load %arg7[%get3A_4420, %get3A_4421] : memref<19x1xf32, #tpu.memory_space<smem>>
    %jit3A_4423 = arith.constant 0.000000e+00 : f32
    %broadcast_in_dim3A_4424 = vector.broadcast %get3A_4422 : f32 to vector<128x128xf32>
    %broadcast_in_dim3A_4425 = vector.broadcast %jit3A_4423 : f32 to vector<128x128xf32>
    %select_n3A_4426 = arith.select %eq3A_4419, %broadcast_in_dim3A_4424, %broadcast_in_dim3A_4425 : vector<128x128xi1>, vector<128x128xf32>
    %add3A_4427 = arith.addf %add3A_4416, %select_n3A_4426 : vector<128x128xf32>
    %swap3A = arith.constant 0 : index
    %swap3A_4428 = arith.constant 0 : index
    %swap3A_4429 = vector.load %arg8[%swap3A, %swap3A_4428] : memref<128x128xf32, #tpu.memory_space<vmem>>, vector<128x128xf32>
    tpu.vector_store %arg8[%swap3A, %swap3A_4428], %add3A_4427 {strides = array<i32>} : memref<128x128xf32, #tpu.memory_space<vmem>>, vector<128x128xf32>,
    return
  }
}

</mosaic_0001>

<sc_bundles>
// kernel: kernel.5.cloned.1.call-start
scs
__scs_entry_jumppad:
0x0: {  	(pc) =	sbr.rel $0x88, $3  }
0x1: {  	(tag) =	ssettag $0x0;
	lr =	simm.s32 $0x1  }
0x2: {  	[smem:$0x3F94] =	sst lr;
	_ =	strace $0xD0000000  }
0x3: {  	_ = 	snop  }
0x4: {  	_ = 	snop  }
0x5: {  	_ = 	snop  }
0x6: {  	_ = 	snop  }
0x7: {  	_ = 	snop  }
__scs_overlays_trampoline_lowered:
0x8: {  	[smem:$0x3FA3] =	sst s0  }
0x9: {  	[smem:$0x3FA4] =	sst s1  }
0xa: {  	[smem:$0x3FA5] =	sst s2  }
0xb: {  	[smem:$0x3FA6] =	sst s3  }
0xc: {  	[smem:$0x3FA7] =	sst s4  }
0xd: {  	[smem:$0x3FA8] =	sst s5  }
0xe: {  	[smem:$0x3FA9] =	sst s6  }
0xf: {  	[smem:$0x3FAA] =	sst s7  }
0x10: {  	[smem:$0x3FAB] =	sst s8  }
0x11: {  	[smem:$0x3FAC] =	sst s9;
	s0 =	simm.s32 @!p0 $0x0  }
0x12: {  	s1 =	sld [smem:$0x3F92];
	s0 =	simm.s32 @p0 $0x1  }
0x13: {  	[smem:$0x3FAD] =	sst s0;
	s0 =	simm.s32 @!p1 $0x0  }
0x14: {  	s2 =	sld [smem:$0x3F91];
	s0 =	simm.s32 @p1 $0x1  }
0x15: {  	[smem:$0x3FAE] =	sst s0;
	s0 =	simm.s32 @!p2 $0x0  }
0x16: {  	s3 =	sld [smem:$0x3FDB];
	s0 =	simm.s32 @p2 $0x1  }
0x17: {  	s4 =	simm.s32 $0x1BF5;
	[smem:$0x3FB0] =	sst s0  }
0x18: {  	s0 =	sld [smem:$0x3F93];
	_ =	swait.ge [sflag:s4], $0x0  }
0x19: {  	s7 =	sld [smem:$0x3F94]  }
0x1a: {  	s8 =	sadd.s32 $0xFFFFE003, lr  }
0x1b: {  	s9 =	sadd.s32 $0xFFFFFEF7, lr;
	s5 =	simm.s32 $0xFFFFFFFF;
	p2 =	slt.u32 s8, $0xFFFFF086  }
0x1c: {  	p1 =	slt.u32 s9, $0xF7A;
	s5 =	simm.s32 @!p2 $0x0  }
0x1d: {  	s5 =	simm.s32 @p1 $0x1;
	p0 =	seq.s32 s7, s2  }
0x1e: {  	s7 =	smul.u32 @!p0 $0xF7A, s2;
	p2 =	seq.s32 @!p0 s5, $0x0  }
0x1f: {  	s9 =	smul.u32 $0xF7A, s1;
	s8 =	simm.s32 @!p0 $0x1BF5;
	p2 =	por !p2, p0  }
0x20: {  	[sflag:s8] =	ssyncset.s32 @!p0 $0xFFFFF086;
	s6 =	sadd.s32 @!p0 s3, s7;
	s7 =	simm.s32 @!p0 $0x108  }
0x21: {  	s3 =	sadd.s32 s3, s9;
	s6 =	sadd.s32 @!p0 $0x88, s6;
	s7 =	simm.s32 @p2 $0x1082  }
0x22: {  	[simem:s7], [sflag:s8] =	dma.local @!p0 [hbm:s6], $0xF7A  }
0x23: {  	s9 =	sor.u32 $0xD0000000, s2;
	s6 =	simm.s32 $0x108;
	_ =	swait.ge @!p0 [sflag:s8], $0x0  }
0x24: {  	s3 =	sadd.s32 $0x88, s3;
	s6 =	simm.s32 @!p1 $0x1082;
	[sflag:s4] =	ssyncset.s32 $0xFFFFF086  }
0x25: {  	[simem:s6], [sflag:s4] =	dma.local [hbm:s3], $0xF7A  }
0x26: {  	[smem:$0x3F94] =	sst s1;
	(tag) =	ssettag s2;
	_ =	strace s9  }
0x27: {  	s1 =	sld [smem:$0x3FA4]  }
0x28: {  	s2 =	sld [smem:$0x3FA5]  }
0x29: {  	s4 =	sld [smem:$0x3FA7]  }
0x2a: {  	p0 =	seq.s32 s5, $0x0;
	s5 =	sld [smem:$0x3FA8]  }
0x2b: {  	s6 =	sld [smem:$0x3FA9]  }
0x2c: {  	s7 =	sld [smem:$0x3FAA]  }
0x2d: {  	s3 =	simm.s32 $0x108;
	s8 =	sld [smem:$0x3FAB]  }
0x2e: {  	s3 =	simm.s32 @!p0 $0x1082;
	s9 =	sld [smem:$0x3FAC]  }
0x2f: {  	lr =	sadd.s32 s0, s3;
	s0 =	sld [smem:$0x3FA3]  }
0x30: {  	s3 =	sld [smem:$0x3FA6]  }
0x31: {  	[smem:$0x3FAF] =	sst s10  }
0x32: {  	s10 =	sld [smem:$0x3FAD];
	_ =	sdelay $0x3  }
0x33: {  	p0 =	seq.s32 s10, $0x1;
	s10 =	sld [smem:$0x3FAF];
	_ =	sdelay $0x3  }
0x34: {  	[smem:$0x3FAF] =	sst s10  }
0x35: {  	s10 =	sld [smem:$0x3FAE];
	_ =	sdelay $0x3  }
0x36: {  	p1 =	seq.s32 s10, $0x1;
	s10 =	sld [smem:$0x3FAF];
	_ =	sdelay $0x3  }
0x37: {  	[smem:$0x3FAF] =	sst s10  }
0x38: {  	s10 =	sld [smem:$0x3FB0]  }
0x39: {  	_ = 	snop;
	(pc) =	sbr.ind lr, $3  }
0x3a: {  	_ = 	snop  }
0x3b: {  	_ = 	snop  }
0x3c: {  	p2 =	seq.s32 s10, $0x1;
	s10 =	sld [smem:$0x3FAF]  }
0x3d: {  	_ =	shalt  }
0x3e: {  	_ =	shalt  }
0x3f: {  	_ =	shalt  }
0x40: {  	_ =	shalt  }
0x41: {  	_ =	shalt  }
0x42: {  	_ =	shalt  }
0x43: {  	_ =	shalt  }
0x44: {  	_ =	shalt  }
0x45: {  	_ =	shalt  }
0x46: {  	_ =	shalt  }
0x47: {  	_ =	shalt  }
0x48: {  	_ =	shalt  }
0x49: {  	_ =	shalt  }
0x4a: {  	_ =	shalt  }
0x4b: {  	_ =	shalt  }
0x4c: {  	_ =	shalt  }
0x4d: {  	_ =	shalt  }
0x4e: {  	_ =	shalt  }
0x4f: {  	_ =	shalt  }
0x50: {  	_ =	shalt  }
0x51: {  	_ =	shalt  }
0x52: {  	_ =	shalt  }
0x53: {  	_ =	shalt  }
0x54: {  	_ =	shalt  }
0x55: {  	_ =	shalt  }
0x56: {  	_ =	shalt  }
0x57: {  	_ =	shalt  }
0x58: {  	_ =	shalt  }
0x59: {  	_ =	shalt  }
0x5a: {  	_ =	shalt  }
0x5b: {  	_ =	shalt  }
0x5c: {  	_ =	shalt  }
0x5d: {  	_ =	shalt  }
0x5e: {  	_ =	shalt  }
0x5f: {  	_ =	shalt  }
0x60: {  	_ =	shalt  }
0x61: {  	_ =	shalt  }
0x62: {  	_ =	shalt  }
0x63: {  	_ =	shalt  }
0x64: {  	_ =	shalt  }
0x65: {  	_ =	shalt  }
0x66: {  	_ =	shalt  }
0x67: {  	_ =	shalt  }
0x68: {  	_ =	shalt  }
0x69: {  	_ =	shalt  }
0x6a: {  	_ =	shalt  }
0x6b: {  	_ =	shalt  }
0x6c: {  	_ =	shalt  }
0x6d: {  	_ =	shalt  }
0x6e: {  	_ =	shalt  }
0x6f: {  	_ =	shalt  }
0x70: {  	_ =	shalt  }
0x71: {  	_ =	shalt  }
0x72: {  	_ =	shalt  }
0x73: {  	_ =	shalt  }
0x74: {  	_ =	shalt  }
0x75: {  	_ =	shalt  }
0x76: {  	_ =	shalt  }
0x77: {  	_ =	shalt  }
0x78: {  	_ =	shalt  }
0x79: {  	_ =	shalt  }
0x7a: {  	_ =	shalt  }
0x7b: {  	_ =	shalt  }
0x7c: {  	_ =	shalt  }
0x7d: {  	_ =	shalt  }
0x7e: {  	_ =	shalt  }
0x7f: {  	_ =	shalt  }
0x80: {  	_ =	shalt  }
0x81: {  	_ =	shalt  }
0x82: {  	_ =	shalt  }
0x83: {  	_ =	shalt  }
0x84: {  	_ =	shalt  }
0x85: {  	_ =	shalt  }
0x86: {  	_ =	shalt  }
0x87: {  	_ =	shalt  }
.Lfunc_end0:
.L_simem_size_0:
called_computation_lowered:
.L_overlay_start_0:
0x88: {  	s0 =	sld [smem:$0x3FD9]  }
0x89: {  	s1 =	sld [smem:$0x3FFE];
	_ =	sdelay $0x3  }
0x8a: {  	s0 =	sadd.s32 s1, s0  }
0x8b: {  	[smem:$0x3FBB] =	sst s0  }
0x8c: {  	_ = 	snop  }
0x8d: {  	s0 =	sld [smem:$0x3FC9]  }
0x8e: {  	s16 =	sld [smem:$0x3FC8];
	(tm) =	ssettm $0x1  }
0x8f: {  	s2 =	sld [smem:$0x3FFB];
	_ =	sdelay $0x3  }
0x90: {  	_ =	strace s2  }
0x91: {  	s2 =	sld [smem:$0x3FFC];
	_ =	sdelay $0x3  }
0x92: {  	_ =	strace s2  }
0x93: {  	s2 =	sld [smem:$0x3FFD];
	_ =	sdelay $0x3  }
0x94: {  	_ =	strace s2  }
0x95: {  	_ =	strace $0x8FFFFFFF  }
0x96: {  	s17 =	sld [smem:$0x3FDB];
	_ =	sdelay $0x1  }
0x97: {  	s3 =	simm.s32 $_scs_section_size  }
0x98: {  	s4 =	simm.s32 $_size__tile_overlayer_lowered;
	s5 =	simm.s32 $_tile_overlayer_lowered  }
0x99: {  	s20 =	simm.s32 $0x1BFF;
	s19 =	sshll.u32 s5, $0x1;
	s2 =	sadd.s32 s3, s17  }
0x9a: {  	s6 =	simm.s32 $0x0;
	s18 =	sshll.u32 s4, $0x1;
	s4 =	sadd.s32 s19, s2  }
0x9b: {  	[timem:s6], [sflag:s20] =	dma.local [hbm:s4], s18  }
0x9c: {  	_ =	swait.ge [sflag:s20], s18  }
0x9d: {  	s3 =	ssub.s32 $0x0, s18;
	[sflag:s20] =	ssyncset.done $0x0  }
0x9e: {  	[sflag:s20] =	ssyncadd.s32 s3;
	_ =	sdelay $0x1  }
0x9f: {  	s21 =	simm.s32 $0x1B8B  }
0xa0: {  	_ =	swait.ge [sflag:s21], $0x1  }
0xa1: {  	[sflag:s21] =	ssyncset.done $0x0  }
0xa2: {  	s23 =	simm.s32 $0x1B8E;
	s22 =	sld [smem:$0x3FFE];
	[sflag:s21] =	ssyncadd.s32 $0xFFFFFFFF  }
0xa3: {  	s24 =	simm.s32 $execute0_lowered;
	[smem:$0x3FD2] =	sst s23  }
0xa4: {  	s4 =	sshll.u32 s24, $0x1;
	_ =	strace $0x80000046;
	[dreg:$0x1] =	wrdreg $0xFFFFFFFF  }
0xa5: {  	s25 =	simm.s32 $_size_execute0_lowered;
	s2 =	sadd.s32 s2, s4;
	[dreg:$0x0] =	wrdreg $0x0  }
0xa6: {  	s4 =	sshll.u32 s25, $0x1;
	[dreg:$0x2] =	wrdreg s2  }
0xa7: {  	[dreg:$0x3] =	wrdreg s4  }
0xa8: {  	[dreg:$0x4] =	wrdreg $0xC0  }
0xa9: {  	_ =	task [dreg:s6], $0x5FFFF  }
0xaa: {  	[dreg:$0x1] =	wrdreg $0xFFFFFFFF  }
0xab: {  	[dreg:$0x0] =	wrdreg $0x60  }
0xac: {  	[dreg:$0x2] =	wrdreg s22  }
0xad: {  	[dreg:$0x3] =	wrdreg s0  }
0xae: {  	[dreg:$0x4] =	wrdreg s16  }
0xaf: {  	[dreg:$0x5] =	wrdreg $0x9  }
0xb0: {  	_ =	task.clear_ibuf [dreg:s6], $0x6FFFF;
	_ =	strace $0x90000046  }
0xb1: {  	s26 =	simm.s32 $0x9;
	_ =	strace $0x80000048  }
0xb2: {  	_ =	swait.ge [sflag:s26], $0x1  }
0xb3: {  	[sflag:s26] =	ssyncadd.s32 $0xFFFFFFFF  }
0xb4: {  	_ =	strace $0x90000048  }
0xb5: {  	_ =	sfence  }
0xb6: {  	s28 =	sld [smem:$0x0];
	_ =	sdelay $0x1  }
0xb7: {  	s29 =	srdreg.scid  }
0xb8: {  	s30 =	sshll.u32 s29, $0xD;
	s31 =	sshrl.u32 s29, $0x2  }
0xb9: {  	s1 =	sand.u32 $0x1, s29;
	s2 =	sand.u32 $0x4000, s30;
	s0 =	sadd.s32 s31, s28  }
0xba: {  	s1 =	sor.u32 s2, s1;
	s0 =	sshll.u32 s0, $0x11  }
0xbb: {  	s0 =	sor.u32 s0, s1  }
0xbc: {  	s0 =	sadd.s32 $0x8F2B, s0  }
0xbd: {  	[sflag:s0] =	ssyncadd.remote.s32 $0x1  }
0xbe: {  	_ =	sfence.sel $0xFFFF  }
0xbf: {  	[dreg:$0x0] =	wrdreg $0xFFFFFFFF;
	(pc) =	sbr.abs _section_cstart, $3  }
0xc0: {  	[dreg:$0x1] =	wrdreg $0xFFFFFFFF  }
0xc1: {  	_ =	task.clear_ibuf [dreg:s6], $0x2FFFF;
	_ =	strace $0x9FFFFFFF  }
0xc2: {  	(tm) =	ssettm $0x7FFFFFFF  }
0xc3: {  	_ =	shalt  }
tec
execute0_lowered:
.L_overlay_start_1:
0x0: {  	(tag) =	ssettag $0x1  }
0x1: {  	s3 =	rddreg [dreg:$0x0]  }
0x2: {  	s4 =	rddreg [dreg:$0x1]  }
0x3: {  	s6 =	rddreg [dreg:$0x2];
	s2 =	simm.s32 $0x0;
	s1 =	stileid.u32  }
0x4: {  	[smem:$0x7FF] =	sst s2;
	s5 =	sshll.u32 s1, $0x7  }
0x5: {  	s0 =	rddreg [dreg:$0x3];
	_ =	strace $0x80000047;
	s4 =	sadd.s32 s4, s5  }
0x6: {  	[tilespmem:s2], [sflag:$0x2] =	stream.linear.gather [hbm4b:s4+s2], $0x400, $0x38;
	[tilespmem:$0x1400] =	vst v63  }
0x7: {  	s4 =	simm.s32 $0x2  }
0x8: {  	_ =	swait.ge [sflag:s4], $0x400  }
0x9: {  	[sflag:s4] =	ssyncset.done $0x0  }
0xa: {  	s7 =	simm.s32 $0x400;
	s6 =	sadd.s32 s6, s5;
	[sflag:s4] =	ssyncadd.s32 $0xFFFFFC00  }
0xb: {  	[tilespmem:s7], [sflag:$0x2] =	stream.linear.gather [hbm4b:s6+s2], $0x400, $0x38;
	[tilespmem:$0x1400] =	vst v63  }
0xc: {  	_ =	swait.ge [sflag:s4], $0x400  }
0xd: {  	s8 =	simm.s32 $0x80;
	[sflag:s4] =	ssyncset.done $0x0  }
0xe: {  	s9 =	simm.s32 $0x800;
	s6 =	sadd.s32 $0x1200, s3;
	[sflag:s4] =	ssyncadd.s32 $0xFFFFFC00  }
0xf: {  	[tilespmem:s9], [sflag:$0x1] =	stream.indirect.gather [hbm4b:s6+s8], $0x1, s2, s8, $0xb8;
	[tilespmem:$0x1400] =	vst v63  }
0x10: {  	s10 =	simm.s32 $0xC00;
	s9 =	sadd.s32 $0x1FC00, s3  }
0x11: {  	[tilespmem:s10], [sflag:$0x1] =	stream.indirect.gather [hbm4b:s9+s8], $0x1, s7, s8, $0xb8;
	[tilespmem:$0x1400] =	vst v63  }
0x12: {  	s22 =	simm.s32 $0x880  }
0x13: {  	[tilespmem:s22], [sflag:$0x1] =	stream.indirect.gather [hbm4b:s6+s8], $0x1, s8, s8, $0xb8;
	[tilespmem:$0x1400] =	vst v63  }
0x14: {  	s23 =	simm.s32 $0x480;
	s24 =	simm.s32 $0xC80  }
0x15: {  	[tilespmem:s24], [sflag:$0x1] =	stream.indirect.gather [hbm4b:s9+s8], $0x1, s23, s8, $0xb8;
	[tilespmem:$0x1400] =	vst v63  }
0x16: {  	s25 =	simm.s32 $0x100;
	s26 =	simm.s32 $0x900  }
0x17: {  	[tilespmem:s26], [sflag:$0x1] =	stream.indirect.gather [hbm4b:s6+s8], $0x1, s25, s8, $0xb8;
	[tilespmem:$0x1400] =	vst v63  }
0x18: {  	s28 =	simm.s32 $0x500;
	s29 =	simm.s32 $0xD00  }
0x19: {  	[tilespmem:s29], [sflag:$0x1] =	stream.indirect.gather [hbm4b:s9+s8], $0x1, s28, s8, $0xb8;
	[tilespmem:$0x1400] =	vst v63  }
0x1a: {  	s30 =	simm.s32 $0x180;
	s31 =	simm.s32 $0x980  }
0x1b: {  	[tilespmem:s31], [sflag:$0x1] =	stream.indirect.gather [hbm4b:s6+s8], $0x1, s30, s8, $0xb8;
	[tilespmem:$0x1400] =	vst v63  }
0x1c: {  	s11 =	simm.s32 $0x580;
	s12 =	simm.s32 $0xD80  }
0x1d: {  	[tilespmem:s12], [sflag:$0x1] =	stream.indirect.gather [hbm4b:s9+s8], $0x1, s11, s8, $0xb8;
	[tilespmem:$0x1400] =	vst v63  }
0x1e: {  	s13 =	simm.s32 $0x200;
	s14 =	simm.s32 $0xA00  }
0x1f: {  	[tilespmem:s14], [sflag:$0x1] =	stream.indirect.gather [hbm4b:s6+s8], $0x1, s13, s8, $0xb8;
	[tilespmem:$0x1400] =	vst v63  }
0x20: {  	s15 =	simm.s32 $0x600;
	s16 =	simm.s32 $0xE00  }
0x21: {  	[tilespmem:s16], [sflag:$0x1] =	stream.indirect.gather [hbm4b:s9+s8], $0x1, s15, s8, $0xb8;
	[tilespmem:$0x1400] =	vst v63  }
0x22: {  	s17 =	simm.s32 $0x280;
	s18 =	simm.s32 $0xA80  }
0x23: {  	[tilespmem:s18], [sflag:$0x1] =	stream.indirect.gather [hbm4b:s6+s8], $0x1, s17, s8, $0xb8;
	[tilespmem:$0x1400] =	vst v63  }
0x24: {  	s19 =	simm.s32 $0x680;
	s20 =	simm.s32 $0xE80  }
0x25: {  	[tilespmem:s20], [sflag:$0x1] =	stream.indirect.gather [hbm4b:s9+s8], $0x1, s19, s8, $0xb8;
	[tilespmem:$0x1400] =	vst v63  }
0x26: {  	s21 =	simm.s32 $0x300;
	s22 =	simm.s32 $0xB00  }
0x27: {  	[tilespmem:s22], [sflag:$0x1] =	stream.indirect.gather [hbm4b:s6+s8], $0x1, s21, s8, $0xb8;
	[tilespmem:$0x1400] =	vst v63  }
0x28: {  	s23 =	simm.s32 $0x700;
	s24 =	simm.s32 $0xF00  }
0x29: {  	[tilespmem:s24], [sflag:$0x1] =	stream.indirect.gather [hbm4b:s9+s8], $0x1, s23, s8, $0xb8;
	[tilespmem:$0x1400] =	vst v63  }
0x2a: {  	s25 =	simm.s32 $0x380;
	s26 =	simm.s32 $0xB80  }
0x2b: {  	[tilespmem:s26], [sflag:$0x1] =	stream.indirect.gather [hbm4b:s6+s8], $0x1, s25, s8, $0xb8;
	[tilespmem:$0x1400] =	vst v63  }
0x2c: {  	s28 =	simm.s32 $0x780;
	s29 =	simm.s32 $0xF80;
	s30 =	simm.s32 $0x1  }
0x2d: {  	[tilespmem:s29], [sflag:$0x1] =	stream.indirect.gather [hbm4b:s9+s8], $0x1, s28, s8, $0xb8;
	[tilespmem:$0x1400] =	vst v63  }
0x2e: {  	_ =	swait.ge [sflag:s30], $0x80  }
0x2f: {  	[sflag:s30] =	ssyncset.done $0x0  }
0x30: {  	[sflag:s30] =	ssyncadd.s32 $0xFFFFFF80  }
0x31: {  	_ =	swait.ge [sflag:s30], $0x80  }
0x32: {  	[sflag:s30] =	ssyncset.done $0x0  }
0x33: {  	[sflag:s30] =	ssyncadd.s32 $0xFFFFFF80  }
0x34: {  	_ =	swait.ge [sflag:s30], $0x80  }
0x35: {  	[sflag:s30] =	ssyncset.done $0x0  }
0x36: {  	[sflag:s30] =	ssyncadd.s32 $0xFFFFFF80  }
0x37: {  	_ =	swait.ge [sflag:s30], $0x80  }
0x38: {  	[sflag:s30] =	ssyncset.done $0x0  }
0x39: {  	[sflag:s30] =	ssyncadd.s32 $0xFFFFFF80  }
0x3a: {  	_ =	swait.ge [sflag:s30], $0x80  }
0x3b: {  	[sflag:s30] =	ssyncset.done $0x0  }
0x3c: {  	[sflag:s30] =	ssyncadd.s32 $0xFFFFFF80  }
0x3d: {  	_ =	swait.ge [sflag:s30], $0x80  }
0x3e: {  	[sflag:s30] =	ssyncset.done $0x0  }
0x3f: {  	[sflag:s30] =	ssyncadd.s32 $0xFFFFFF80  }
0x40: {  	_ =	swait.ge [sflag:s30], $0x80  }
0x41: {  	[sflag:s30] =	ssyncset.done $0x0  }
0x42: {  	[sflag:s30] =	ssyncadd.s32 $0xFFFFFF80  }
0x43: {  	_ =	swait.ge [sflag:s30], $0x80  }
0x44: {  	[sflag:s30] =	ssyncset.done $0x0  }
0x45: {  	[sflag:s30] =	ssyncadd.s32 $0xFFFFFF80  }
0x46: {  	_ =	swait.ge [sflag:s30], $0x80  }
0x47: {  	[sflag:s30] =	ssyncset.done $0x0  }
0x48: {  	[sflag:s30] =	ssyncadd.s32 $0xFFFFFF80  }
0x49: {  	_ =	swait.ge [sflag:s30], $0x80  }
0x4a: {  	[sflag:s30] =	ssyncset.done $0x0  }
0x4b: {  	[sflag:s30] =	ssyncadd.s32 $0xFFFFFF80  }
0x4c: {  	_ =	swait.ge [sflag:s30], $0x80  }
0x4d: {  	[sflag:s30] =	ssyncset.done $0x0  }
0x4e: {  	[sflag:s30] =	ssyncadd.s32 $0xFFFFFF80  }
0x4f: {  	_ =	swait.ge [sflag:s30], $0x80  }
0x50: {  	[sflag:s30] =	ssyncset.done $0x0  }
0x51: {  	[sflag:s30] =	ssyncadd.s32 $0xFFFFFF80  }
0x52: {  	_ =	swait.ge [sflag:s30], $0x80  }
0x53: {  	[sflag:s30] =	ssyncset.done $0x0  }
0x54: {  	[sflag:s30] =	ssyncadd.s32 $0xFFFFFF80  }
0x55: {  	_ =	swait.ge [sflag:s30], $0x80  }
0x56: {  	[sflag:s30] =	ssyncset.done $0x0  }
0x57: {  	[sflag:s30] =	ssyncadd.s32 $0xFFFFFF80  }
0x58: {  	_ =	swait.ge [sflag:s30], $0x80  }
0x59: {  	[sflag:s30] =	ssyncset.done $0x0  }
0x5a: {  	[sflag:s30] =	ssyncadd.s32 $0xFFFFFF80  }
0x5b: {  	_ =	swait.ge [sflag:s30], $0x80  }
0x5c: {  	[sflag:s30] =	ssyncset.done $0x0  }
0x5d: {  	[sflag:s30] =	ssyncadd.s32 $0xFFFFFF80  }
0x5e: {  	v0 =	vld [tilespmem:$0x800]  }
0x5f: {  	v1 =	vld [tilespmem:$0xC00]  }
0x60: {  	v2 =	vld [tilespmem:$0x810]  }
0x61: {  	v3 =	vld [tilespmem:$0xC10]  }
0x62: {  	v4 =	vld [tilespmem:$0x820]  }
0x63: {  	v5 =	vld [tilespmem:$0xC20]  }
0x64: {  	v6 =	vld [tilespmem:$0x830]  }
0x65: {  	v7 =	vld [tilespmem:$0xC30]  }
0x66: {  	v8 =	vld [tilespmem:$0x840]  }
0x67: {  	v9 =	vld [tilespmem:$0xC40]  }
0x68: {  	v10 =	vld [tilespmem:$0x850]  }
0x69: {  	v11 =	vld [tilespmem:$0xC50]  }
0x6a: {  	v12 =	vld [tilespmem:$0x860]  }
0x6b: {  	v13 =	vld [tilespmem:$0xC60]  }
0x6c: {  	v14 =	vld [tilespmem:$0x870]  }
0x6d: {  	v15 =	vld [tilespmem:$0xC70]  }
0x6e: {  	v16 =	vld [tilespmem:$0x880]  }
0x6f: {  	v17 =	vld [tilespmem:$0xC80]  }
0x70: {  	v18 =	vld [tilespmem:$0x890]  }
0x71: {  	v19 =	vld [tilespmem:$0xC90]  }
0x72: {  	v20 =	vld [tilespmem:$0x8A0]  }
0x73: {  	v21 =	vld [tilespmem:$0xCA0]  }
0x74: {  	v22 =	vld [tilespmem:$0x8B0]  }
0x75: {  	v23 =	vld [tilespmem:$0xCB0]  }
0x76: {  	v24 =	vld [tilespmem:$0x8C0]  }
0x77: {  	v25 =	vld [tilespmem:$0xCC0]  }
0x78: {  	v26 =	vld [tilespmem:$0x8D0]  }
0x79: {  	v27 =	vld [tilespmem:$0xCD0]  }
0x7a: {  	v28 =	vld [tilespmem:$0x8E0]  }
0x7b: {  	v29 =	vld [tilespmem:$0xCE0]  }
0x7c: {  	v30 =	vld [tilespmem:$0x8F0]  }
0x7d: {  	v31 =	vld [tilespmem:$0xCF0]  }
0x7e: {  	v32 =	vld [tilespmem:$0x900]  }
0x7f: {  	v33 =	vld [tilespmem:$0xD00]  }
0x80: {  	v34 =	vld [tilespmem:$0x910]  }
0x81: {  	v35 =	vld [tilespmem:$0xD10]  }
0x82: {  	v36 =	vld [tilespmem:$0x920]  }
0x83: {  	v37 =	vld [tilespmem:$0xD20]  }
0x84: {  	v38 =	vld [tilespmem:$0x930]  }
0x85: {  	v39 =	vld [tilespmem:$0xD30]  }
0x86: {  	v40 =	vld [tilespmem:$0x940]  }
0x87: {  	v41 =	vld [tilespmem:$0xD40]  }
0x88: {  	v42 =	vld [tilespmem:$0x950]  }
0x89: {  	v43 =	vld [tilespmem:$0xD50]  }
0x8a: {  	v44 =	vld [tilespmem:$0x960]  }
0x8b: {  	v45 =	vld [tilespmem:$0xD60]  }
0x8c: {  	v46 =	vld [tilespmem:$0x970]  }
0x8d: {  	v47 =	vld [tilespmem:$0xD70]  }
0x8e: {  	v48 =	vld [tilespmem:$0x980]  }
0x8f: {  	v49 =	vld [tilespmem:$0xD80]  }
0x90: {  	v50 =	vld [tilespmem:$0x990]  }
0x91: {  	v51 =	vld [tilespmem:$0xD90]  }
0x92: {  	v52 =	vld [tilespmem:$0x9A0]  }
0x93: {  	v53 =	vld [tilespmem:$0xDA0]  }
0x94: {  	v54 =	vld [tilespmem:$0x9B0]  }
0x95: {  	v55 =	vld [tilespmem:$0xDB0]  }
0x96: {  	v56 =	vld [tilespmem:$0x9C0]  }
0x97: {  	v57 =	vld [tilespmem:$0xDC0]  }
0x98: {  	v58 =	vld [tilespmem:$0x9D0]  }
0x99: {  	v62 =	vld [tilespmem:$0x9F0]  }
0x9a: {  	v59 =	vld [tilespmem:$0xDD0]  }
0x9b: {  	v60 =	vld [tilespmem:$0x9E0]  }
0x9c: {  	v61 =	vld [tilespmem:$0xDE0]  }
0x9d: {  	v63 =	vld [tilespmem:$0xDF0]  }
0x9e: {  	[tilespmem:$0x1FFA0] =	vst v62;
	v62 =	vld [tilespmem:$0xA00]  }
0x9f: {  	v0 =	vadd.f32 v1, v0;
	v1 =	vld [tilespmem:$0xE20]  }
0xa0: {  	v2 =	vadd.f32 v3, v2;
	v3 =	vld [tilespmem:$0xA30]  }
0xa1: {  	v9 =	vadd.f32 v9, v8;
	v8 =	vld [tilespmem:$0xE50]  }
0xa2: {  	v13 =	vadd.f32 v13, v12;
	v12 =	vld [tilespmem:$0xE70]  }
0xa3: {  	v15 =	vadd.f32 v15, v14;
	v14 =	vld [tilespmem:$0xE80]  }
0xa4: {  	v17 =	vadd.f32 v17, v16;
	v16 =	vld [tilespmem:$0xE90]  }
0xa5: {  	v19 =	vadd.f32 v19, v18;
	v18 =	vld [tilespmem:$0xEA0]  }
0xa6: {  	v23 =	vadd.f32 v23, v22;
	v22 =	vld [tilespmem:$0xEC0];
	[tilespmem:$0x1000] =	vst v0  }
0xa7: {  	v25 =	vadd.f32 v25, v24;
	v24 =	vld [tilespmem:$0xED0];
	[tilespmem:$0x1010] =	vst v2  }
0xa8: {  	v21 =	vadd.f32 v21, v20;
	v27 =	vadd.f32 v27, v26;
	v26 =	vld [tilespmem:$0xEE0];
	[tilespmem:$0x1040] =	vst v9  }
0xa9: {  	v31 =	vadd.f32 v31, v30;
	v30 =	vadd.f32 v45, v44;
	v45 =	vld [tilespmem:$0xF30];
	[tilespmem:$0x1060] =	vst v13  }
0xaa: {  	v33 =	vadd.f32 v33, v32;
	v32 =	vadd.f32 v49, v48;
	v49 =	vld [tilespmem:$0xF40];
	[tilespmem:$0x1070] =	vst v15  }
0xab: {  	v35 =	vadd.f32 v35, v34;
	v34 =	vadd.f32 v53, v52;
	v53 =	vld [tilespmem:$0xF50];
	[tilespmem:$0x1080] =	vst v17  }
0xac: {  	v37 =	vadd.f32 v37, v36;
	v36 =	vadd.f32 v57, v56;
	v57 =	vld [tilespmem:$0xF60];
	[tilespmem:$0x1090] =	vst v19  }
0xad: {  	v0 =	vadd.f32 v5, v4;
	v4 =	vld [tilespmem:$0xE30];
	[tilespmem:$0x10A0] =	vst v21  }
0xae: {  	v5 =	vld [tilespmem:$0xA40];
	[tilespmem:$0x10B0] =	vst v23  }
0xaf: {  	v29 =	vadd.f32 v29, v28;
	v9 =	vld [tilespmem:$0xA60];
	[tilespmem:$0x10C0] =	vst v25  }
0xb0: {  	v13 =	vld [tilespmem:$0xA80];
	[tilespmem:$0x10D0] =	vst v27  }
0xb1: {  	v15 =	vld [tilespmem:$0xA90];
	[tilespmem:$0x10E0] =	vst v29  }
0xb2: {  	v17 =	vld [tilespmem:$0xAA0];
	[tilespmem:$0x10F0] =	vst v31  }
0xb3: {  	v19 =	vld [tilespmem:$0xAB0];
	[tilespmem:$0x1100] =	vst v33  }
0xb4: {  	v28 =	vadd.f32 v41, v40;
	[tilespmem:$0x1110] =	vst v35;
	v21 =	vld [tilespmem:$0xAC0]  }
0xb5: {  	[tilespmem:$0x1120] =	vst v37;
	v23 =	vld [tilespmem:$0xAD0]  }
0xb6: {  	[tilespmem:$0x1140] =	vst v28;
	v25 =	vld [tilespmem:$0xAE0]  }
0xb7: {  	[tilespmem:$0x1160] =	vst v30;
	v28 =	vld [tilespmem:$0xEF0]  }
0xb8: {  	[tilespmem:$0x1180] =	vst v32;
	v30 =	vld [tilespmem:$0xF00]  }
0xb9: {  	[tilespmem:$0x11A0] =	vst v34;
	v32 =	vld [tilespmem:$0xF10]  }
0xba: {  	v27 =	vadd.f32 v39, v38;
	[tilespmem:$0x11C0] =	vst v36;
	v39 =	vld [tilespmem:$0x1FFA0]  }
0xbb: {  	v34 =	vld [tilespmem:$0xF20];
	[tilespmem:$0x1020] =	vst v0  }
0xbc: {  	v29 =	vadd.f32 v43, v42;
	v31 =	vadd.f32 v47, v46;
	v47 =	vld [tilespmem:$0xB40];
	[tilespmem:$0x1130] =	vst v27  }
0xbd: {  	[tilespmem:$0x1FFB0] =	vst v62;
	v62 =	vld [tilespmem:$0xE00]  }
0xbe: {  	v33 =	vadd.f32 v51, v50;
	v51 =	vld [tilespmem:$0xB50];
	[tilespmem:$0x1150] =	vst v29  }
0xbf: {  	v35 =	vadd.f32 v55, v54;
	v55 =	vld [tilespmem:$0xB60];
	[tilespmem:$0x1170] =	vst v31  }
0xc0: {  	v37 =	vadd.f32 v59, v58;
	v59 =	vld [tilespmem:$0xB70];
	[tilespmem:$0x1190] =	vst v33  }
0xc1: {  	v38 =	vadd.f32 v61, v60;
	v61 =	vld [tilespmem:$0xF70];
	[tilespmem:$0x11B0] =	vst v35  }
0xc2: {  	[tilespmem:$0x1FFC0] =	vst v62;
	v62 =	vld [tilespmem:$0xA10]  }
0xc3: {  	v27 =	vld [tilespmem:$0xAF0];
	[tilespmem:$0x11D0] =	vst v37;
	v2 =	vadd.f32 v63, v39  }
0xc4: {  	v29 =	vld [tilespmem:$0xB00];
	[tilespmem:$0x11E0] =	vst v38;
	v46 =	vadd.f32 v4, v3  }
0xc5: {  	v31 =	vld [tilespmem:$0xB10];
	[tilespmem:$0x11F0] =	vst v2  }
0xc6: {  	v33 =	vld [tilespmem:$0xB20];
	v56 =	vadd.f32 v14, v13;
	[tilespmem:$0x1230] =	vst v46  }
0xc7: {  	v58 =	vadd.f32 v16, v15;
	[tilespmem:$0x1FFD0] =	vst v62;
	v62 =	vld [tilespmem:$0xE10]  }
0xc8: {  	v35 =	vld [tilespmem:$0xB30];
	v60 =	vadd.f32 v18, v17;
	[tilespmem:$0x1280] =	vst v56  }
0xc9: {  	v37 =	vld [tilespmem:$0xBA0];
	v21 =	vadd.f32 v22, v21;
	[tilespmem:$0x1290] =	vst v58  }
0xca: {  	v40 =	vld [tilespmem:$0x1FFB0];
	[tilespmem:$0x12A0] =	vst v60  }
0xcb: {  	v23 =	vadd.f32 v24, v23;
	[tilespmem:$0x12C0] =	vst v21;
	v41 =	vld [tilespmem:$0x1FFC0]  }
0xcc: {  	v25 =	vadd.f32 v26, v25;
	[tilespmem:$0x1FFE0] =	vst v62;
	v62 =	vld [tilespmem:$0xA20]  }
0xcd: {  	[tilespmem:$0x12D0] =	vst v23;
	v36 =	vadd.f32 v28, v27;
	v42 =	vld [tilespmem:$0x1FFD0]  }
0xce: {  	[tilespmem:$0x12E0] =	vst v25;
	v38 =	vadd.f32 v30, v29;
	v43 =	vld [tilespmem:$0x1FFE0]  }
0xcf: {  	v63 =	vld [tilespmem:$0xB80];
	[tilespmem:$0x12F0] =	vst v36  }
0xd0: {  	v22 =	vld [tilespmem:$0xF80];
	[tilespmem:$0x1300] =	vst v38;
	v0 =	vadd.f32 v41, v40  }
0xd1: {  	v40 =	vadd.f32 v32, v31;
	[tilespmem:$0x1FFF0] =	vst v62;
	v62 =	vadd.f32 v7, v6;
	v6 =	vld [tilespmem:$0xE40]  }
0xd2: {  	[tilespmem:$0x1200] =	vst v0;
	v7 =	vld [tilespmem:$0xA50]  }
0xd3: {  	[tilespmem:$0x1310] =	vst v40;
	v2 =	vadd.f32 v43, v42;
	v44 =	vld [tilespmem:$0x1FFF0]  }
0xd4: {  	v24 =	vld [tilespmem:$0xB90];
	v42 =	vadd.f32 v34, v33;
	[tilespmem:$0x1030] =	vst v62  }
0xd5: {  	v26 =	vld [tilespmem:$0xF90];
	v62 =	vadd.f32 v11, v10;
	[tilespmem:$0x1210] =	vst v2  }
0xd6: {  	v39 =	vld [tilespmem:$0xFA0];
	[tilespmem:$0x1320] =	vst v42;
	v48 =	vadd.f32 v6, v5  }
0xd7: {  	v46 =	vld [tilespmem:$0xFC0];
	[tilespmem:$0x1050] =	vst v62;
	v50 =	vadd.f32 v8, v7  }
0xd8: {  	v56 =	vld [tilespmem:$0xBF0];
	v0 =	vadd.f32 v1, v44;
	[tilespmem:$0x1240] =	vst v48  }
0xd9: {  	v58 =	vld [tilespmem:$0xFF0];
	v1 =	vadd.f32 v45, v35;
	[tilespmem:$0x1250] =	vst v50  }
0xda: {  	v41 =	vld [tilespmem:$0xBB0];
	v45 =	vadd.f32 v49, v47;
	[tilespmem:$0x1220] =	vst v0  }
0xdb: {  	v10 =	vld [tilespmem:$0xE60];
	v47 =	vadd.f32 v53, v51;
	[tilespmem:$0x1330] =	vst v1  }
0xdc: {  	v11 =	vld [tilespmem:$0xA70];
	v49 =	vadd.f32 v57, v55;
	[tilespmem:$0x1340] =	vst v45  }
0xdd: {  	v43 =	vld [tilespmem:$0xFB0];
	v51 =	vadd.f32 v61, v59;
	[tilespmem:$0x1350] =	vst v47  }
0xde: {  	v62 =	vld [tilespmem:$0xEB0];
	v53 =	vadd.f32 v22, v63;
	[tilespmem:$0x1360] =	vst v49  }
0xdf: {  	v44 =	vld [tilespmem:$0xBC0];
	v55 =	vadd.f32 v26, v24;
	[tilespmem:$0x1370] =	vst v51  }
0xe0: {  	v52 =	vadd.f32 v10, v9;
	v48 =	vld [tilespmem:$0xBD0];
	[tilespmem:$0x1380] =	vst v53  }
0xe1: {  	v54 =	vadd.f32 v12, v11;
	v50 =	vld [tilespmem:$0xFD0];
	[tilespmem:$0x1390] =	vst v55  }
0xe2: {  	v57 =	vadd.f32 v39, v37;
	[tilespmem:$0x1260] =	vst v52;
	v52 =	vld [tilespmem:$0xBE0]  }
0xe3: {  	v59 =	vadd.f32 v43, v41;
	[tilespmem:$0x1270] =	vst v54;
	v54 =	vld [tilespmem:$0xFE0]  }
0xe4: {  	v63 =	vadd.f32 v58, v56;
	[tilespmem:$0x13A0] =	vst v57  }
0xe5: {  	[tilespmem:$0x13B0] =	vst v59;
	v62 =	vadd.f32 v62, v19  }
0xe6: {  	[tilespmem:$0x13F0] =	vst v63;
	v60 =	vadd.f32 v46, v44  }
0xe7: {  	[tilespmem:$0x12B0] =	vst v62;
	v61 =	vadd.f32 v50, v48  }
0xe8: {  	[tilespmem:$0x13C0] =	vst v60;
	v62 =	vadd.f32 v54, v52  }
0xe9: {  	s3 =	sadd.s32 s5, s3;
	[tilespmem:$0x13D0] =	vst v61  }
0xea: {  	s3 =	sadd.s32 $0x22E00, s3;
	s31 =	simm.s32 $0x1000;
	[tilespmem:$0x13E0] =	vst v62  }
0xeb: {  	[hbm4b:s3+s2] =	stream.linear.scatter [tilespmem:s31], [sflag:$0x2], $0x400, $0x38;
	[tilespmem:$0x1400] =	vst v63  }
0xec: {  	_ =	swait.ge [sflag:s4], $0x400  }
0xed: {  	[sflag:s4] =	ssyncset.done $0x0  }
0xee: {  	[sflag:s4] =	ssyncadd.s32 $0xFFFFFC00  }
0xef: {  	_ =	sfence.sel $0x180000  }
0xf0: {  	[bflag:$0x0] =	sbarrier.arrive $0xFFFF  }
0xf1: {  	p0 =	sne.s32 s1, $0x0;
	_ =	strace $0x90000047  }
0xf2: {  	s0 =	sadd.s32 @!p0 $0x100000, s0;
	[bflag:$0x2] =	sbarrier.arrive $0xFFFF  }
0xf3: {  	[sflag:s0] =	ssyncadd.tile.s32 @!p0 $0x1;
	_ =	shalt  }
.Lfunc_end2:
_tile_overlayer_lowered:
.L_overlay_start_2:
0xf4: {  	(tag) =	ssettag $0x2  }
0xf5: {  	s0 =	rddreg [dreg:$0x0];
	s2 =	stileid.u32  }
0xf6: {  	s1 =	rddreg [dreg:$0x1];
	p0 =	sne.s32 s2, $0x0  }
0xf7: {  	s3 =	rddreg [dreg:$0x2];
	[bflag:$0x3] =	sbarrier.arrive $0xFFFF;
	s2 =	simm.s32 @!p0 $0x1C02  }
0xf8: {  	[timem:s3], [sflag:s2] =	dma.local @!p0 [hbm:s0], s1  }
0xf9: {  	s0 =	simm.s32 @!p0 $0x2  }
0xfa: {  	_ =	swait.ge @!p0 [sflag:s0], s1  }
0xfb: {  	s1 =	ssub.s32 @!p0 $0x0, s1;
	[sflag:s0] =	ssyncset.done @!p0 $0x0  }
0xfc: {  	[sflag:s0] =	ssyncadd.s32 @!p0 s1  }
0xfd: {  	[bflag:$0x3] =	sbarrier.arrive $0xFFFF  }
0xfe: {  	_ =	shalt  }

</sc_bundles>
